<compile_context>
chip_gen: v7x
topology: tpu7x:2x2x1
jax: 0.10.2.dev20260603
libtpu: 0.0.44.dev20260713+nightly
codegen_flags: <defaults>
</compile_context>

<pallas_src>
import functools
import jax
import jax.numpy as jnp
from jax import lax
from jax.experimental import pallas as pl
from jax.experimental.pallas import tpu as pltpu
from jax.experimental.pallas import tpu_sc as plsc

N = 10000
DIN = 128
DHID = 128
DOUT = 64
NG = 4
E = 320000

NC = 2
NS = 16
CHUNK = 128
CHUNKS = 160
SGRP = 32
GROUPS = CHUNKS // SGRP
EPAD = NS * CHUNKS * CHUNK
ACC_ROWS = 10112
ZSTRIPE = 632
OSTRIPE = 624
OTAIL = N - NS * OSTRIPE
TRASH = N

RB = 1000
GRID_R = N // RB

_mesh = plsc.VectorSubcoreMesh(core_axis_name="c", subcore_axis_name="s")



@functools.partial(
    pl.kernel, mesh=_mesh,
    out_type=jax.ShapeDtypeStruct((2 * N, DHID), jnp.float32),
    scratch_types=[
        pltpu.VMEM((SGRP, CHUNK), jnp.int32),
        pltpu.VMEM((CHUNK, DHID), jnp.float32),
        pltpu.VMEM_SHARED((ACC_ROWS, DHID), jnp.float32),
        pltpu.SemaphoreType.DMA,
    ],
)
def _sc_degree(dst_hbm, zeros_hbm, ones_hbm, deg_hbm, dst_v, ones_v, hist,
               ssem):
    c = lax.axis_index("c")
    s = lax.axis_index("s")
    pltpu.sync_copy(ones_hbm, ones_v)
    pltpu.sync_copy(zeros_hbm, hist.at[pl.ds(s * ZSTRIPE, ZSTRIPE)])
    plsc.subcore_barrier()
    slab = c * NS + s

    def group(gi, carry):
        pltpu.sync_copy(dst_hbm.at[slab, pl.ds(gi * SGRP, SGRP)], dst_v)

        def fire(j, carry2):
            pltpu.async_copy(ones_v, hist.at[dst_v.at[j]], ssem, add=True)
            return carry2

        lax.fori_loop(0, SGRP, fire, carry)

        def drain(j, carry2):
            pltpu.make_async_copy(ones_v, hist.at[dst_v.at[0]], ssem).wait()
            return carry2

        return lax.fori_loop(0, SGRP, drain, carry)

    lax.fori_loop(0, GROUPS, group, 0)
    plsc.subcore_barrier()
    pltpu.sync_copy(
        hist.at[pl.ds(s * OSTRIPE, OSTRIPE)],
        deg_hbm.at[pl.ds(c * N + s * OSTRIPE, OSTRIPE)])

    @pl.when(s == NS - 1)
    def _():
        pltpu.sync_copy(
            hist.at[pl.ds(NS * OSTRIPE, OTAIL)],
            deg_hbm.at[pl.ds(c * N + NS * OSTRIPE, OTAIL)])


@functools.partial(
    pl.kernel, mesh=_mesh,
    out_type=jax.ShapeDtypeStruct((2 * N, DHID), jnp.float32),
    scratch_types=[
        pltpu.VMEM((2, SGRP, CHUNK), jnp.int32),
        pltpu.VMEM((2, SGRP, CHUNK), jnp.int32),
        pltpu.VMEM((CHUNK, DHID), jnp.float32),
        pltpu.VMEM((CHUNK, DHID), jnp.float32),
        pltpu.VMEM_SHARED((ACC_ROWS, DHID), jnp.float32),
        pltpu.SemaphoreType.DMA,
        pltpu.SemaphoreType.DMA,
        pltpu.SemaphoreType.DMA,
        pltpu.SemaphoreType.DMA,
        pltpu.SemaphoreType.DMA,
        pltpu.SemaphoreType.DMA,
    ],
)
def _sc_propagate(table_hbm, src_hbm, dst_hbm, zeros_hbm, out_hbm,
                  src_v, dst_v, g0, g1, acc,
                  sem0, sem1, ssem0, ssem1, isem, zsem):
    c = lax.axis_index("c")
    s = lax.axis_index("s")
    slab = c * NS + s

    def idx_slice(j):
        return ((j // SGRP) % 2, j % SGRP)

    def gather(cn, buf, gsem):
        pltpu.async_copy(table_hbm.at[src_v.at[idx_slice(cn)]], buf, gsem)

    def gwait(buf, gsem):
        pltpu.make_async_copy(table_hbm.at[src_v.at[0, 0]], buf, gsem).wait()

    def scatter(cn, buf, ssem):
        pltpu.async_copy(buf, acc.at[dst_v.at[idx_slice(cn)]], ssem, add=True)

    def swait(buf, ssem):
        pltpu.make_async_copy(buf, acc.at[dst_v.at[0, 0]], ssem).wait()

    def stage(gi, sem):
        slot = gi % 2
        pltpu.async_copy(src_hbm.at[slab, pl.ds(gi * SGRP, SGRP)],
                         src_v.at[slot], sem)
        pltpu.async_copy(dst_hbm.at[slab, pl.ds(gi * SGRP, SGRP)],
                         dst_v.at[slot], sem)

    def stage_wait(sem):
        pltpu.make_async_copy(src_hbm.at[0, pl.ds(0, SGRP)],
                              src_v.at[0], sem).wait()
        pltpu.make_async_copy(dst_hbm.at[0, pl.ds(0, SGRP)],
                              dst_v.at[0], sem).wait()

    pltpu.async_copy(zeros_hbm, acc.at[pl.ds(s * ZSTRIPE, ZSTRIPE)], zsem)
    stage(0, isem)
    stage_wait(isem)
    gather(0, g0, sem0)
    gather(1, g1, sem1)
    pltpu.make_async_copy(zeros_hbm,
                          acc.at[pl.ds(s * ZSTRIPE, ZSTRIPE)], zsem).wait()
    plsc.subcore_barrier()

    def body(i, carry):
        j = i * 2
        jg = j % SGRP

        @pl.when(jnp.logical_and(jg == 0, j > 0))
        def _():
            stage_wait(isem)

        @pl.when(jnp.logical_and(jg == 6, j // SGRP < GROUPS - 1))
        def _():
            stage(j // SGRP + 1, isem)

        gwait(g0, sem0)
        scatter(j, g0, ssem0)
        gwait(g1, sem1)
        scatter(j + 1, g1, ssem1)
        swait(g0, ssem0)

        @pl.when(j + 2 < CHUNKS)
        def _():
            gather(j + 2, g0, sem0)

        swait(g1, ssem1)

        @pl.when(j + 3 < CHUNKS)
        def _():
            gather(j + 3, g1, sem1)

        return carry

    lax.fori_loop(0, CHUNKS // 2, body, 0)
    plsc.subcore_barrier()
    pltpu.sync_copy(
        acc.at[pl.ds(s * OSTRIPE, OSTRIPE)],
        out_hbm.at[pl.ds(c * N + s * OSTRIPE, OSTRIPE)])

    @pl.when(s == NS - 1)
    def _():
        pltpu.sync_copy(
            acc.at[pl.ds(NS * OSTRIPE, OTAIL)],
            out_hbm.at[pl.ds(c * N + NS * OSTRIPE, OTAIL)])



def _dinv(hist_ref):
    return lax.rsqrt(1.0 + hist_ref[0, :, 0:1])


def _stage_b_body(x_ref, w_ref, hist_ref, out_ref):
    out_ref[0] = jnp.dot(x_ref[0], w_ref[0],
                         preferred_element_type=jnp.float32) * _dinv(hist_ref)


def _stage_d_body(acc_ref, hp_ref, hist_ref, b_ref, w_ref, out_ref):
    dinv = _dinv(hist_ref)
    h = (acc_ref[0] + hp_ref[0]) * dinv + b_ref[0]
    out_ref[0] = jnp.dot(h, w_ref[0],
                         preferred_element_type=jnp.float32) * dinv


def _stage_f_body(acc_ref, hp_ref, hist_ref, b_ref, mu_ref, ls_ref):
    o = (acc_ref[0] + hp_ref[0]) * _dinv(hist_ref) + b_ref[0]
    mu_ref[0] = o[:, :DOUT]
    ls_ref[0] = o[:, DOUT:]


def _rows(shape):
    return pl.BlockSpec((1,) + shape, lambda g, i: (g, i, 0))


def _rows4(shape, first):
    return pl.BlockSpec((1,) + shape, lambda g, i: (2 * g + first, i, 0))


def _pg4(shape, first):
    return pl.BlockSpec((1,) + shape, lambda g, i: (2 * g + first, 0, 0))


def _make_stage_b(first):
    return pl.pallas_call(
        _stage_b_body,
        grid=(2, GRID_R),
        in_specs=[_rows4((RB, DIN), first), _pg4((DIN, DHID), first),
                  _rows((RB, DHID))],
        out_specs=_rows((RB, DHID)),
        out_shape=jax.ShapeDtypeStruct((2, N, DHID), jnp.float32),
    )


def _make_stage_d(first):
    return pl.pallas_call(
        _stage_d_body,
        grid=(2, GRID_R),
        in_specs=[_rows((RB, DHID)), _rows((RB, DHID)), _rows((RB, DHID)),
                  _pg4((1, DHID), first), _pg4((DHID, DHID), first)],
        out_specs=_rows((RB, DHID)),
        out_shape=jax.ShapeDtypeStruct((2, N, DHID), jnp.float32),
    )


def _make_stage_f(first):
    return pl.pallas_call(
        _stage_f_body,
        grid=(2, GRID_R),
        in_specs=[_rows((RB, DHID)), _rows((RB, DHID)), _rows((RB, DHID)),
                  _pg4((1, DHID), first)],
        out_specs=[_rows((RB, DOUT)), _rows((RB, DOUT))],
        out_shape=[jax.ShapeDtypeStruct((2, N, DOUT), jnp.float32),
                   jax.ShapeDtypeStruct((2, N, DOUT), jnp.float32)],
    )


_stage_b = [_make_stage_b(0), _make_stage_b(1)]
_stage_d = [_make_stage_d(0), _make_stage_d(1)]
_stage_f = [_make_stage_f(0), _make_stage_f(1)]



@jax.jit
def kernel(x1, edge_index1, W1_0, b1_0, Wmu_0, bmu_0, Wls_0, bls_0,
           x2, edge_index2, W1_1, b1_1, Wmu_1, bmu_1, Wls_1, bls_1,
           x3, edge_index3, W1_2, b1_2, Wmu_2, bmu_2, Wls_2, bls_2,
           x4, edge_index4, W1_3, b1_3, Wmu_3, bmu_3, Wls_3, bls_3):
    xs = jnp.stack([x1, x2, x3, x4])
    w1s = jnp.stack([W1_0, W1_1, W1_2, W1_3])
    b1s = jnp.stack([b1_0, b1_1, b1_2, b1_3])[:, None, :]
    wcats = jnp.stack([
        jnp.concatenate([wm, wl], axis=1)
        for wm, wl in ((Wmu_0, Wls_0), (Wmu_1, Wls_1),
                       (Wmu_2, Wls_2), (Wmu_3, Wls_3))])
    bcats = jnp.stack([
        jnp.concatenate([bm, bl])
        for bm, bl in ((bmu_0, bls_0), (bmu_1, bls_1),
                       (bmu_2, bls_2), (bmu_3, bls_3))])[:, None, :]

    eis = jnp.stack([edge_index1, edge_index2, edge_index3, edge_index4])
    eis = eis.astype(jnp.int32)
    pad = EPAD - E
    src4 = jnp.concatenate(
        [eis[:, 0, :], jnp.zeros((NG, pad), jnp.int32)], axis=1)
    dst4 = jnp.concatenate(
        [eis[:, 1, :], jnp.full((NG, pad), TRASH, jnp.int32)], axis=1)
    off = (jnp.arange(2, dtype=jnp.int32) * N)[:, None]
    srcs = [(src4[p::2] + off).reshape(2 * NS, CHUNKS, CHUNK)
            for p in range(2)]
    dsts = [dst4[p::2].reshape(2 * NS, CHUNKS, CHUNK) for p in range(2)]

    zeros_w = jnp.zeros((ZSTRIPE, DHID), jnp.float32)
    ones_w = jnp.ones((CHUNK, DHID), jnp.float32)

    hists = [_sc_degree(dsts[p], zeros_w, ones_w).reshape(2, N, DHID)
             for p in range(2)]
    h1ps = [_stage_b[p](xs, w1s, hists[p]) for p in range(2)]
    acc1s = [_sc_propagate(h1ps[p].reshape(2 * N, DHID), srcs[p], dsts[p],
                           zeros_w).reshape(2, N, DHID) for p in range(2)]
    h2ps = [_stage_d[p](acc1s[p], h1ps[p], hists[p], b1s, wcats)
            for p in range(2)]
    acc2s = [_sc_propagate(h2ps[p].reshape(2 * N, DHID), srcs[p], dsts[p],
                           zeros_w).reshape(2, N, DHID) for p in range(2)]
    outs = [_stage_f[p](acc2s[p], h2ps[p], hists[p], bcats)
            for p in range(2)]
    mu = jnp.stack([outs[0][0][0], outs[1][0][0], outs[0][0][1], outs[1][0][1]])
    ls = jnp.stack([outs[0][1][0], outs[1][1][0], outs[0][1][1], outs[1][1][1]])
    return mu, ls

# --- scband reference (transcript-rebuilt; emitter-appended) ---
"""Pipeline reference for scband-vgaemodel-32856499814660 (READ-ONLY COPY).

The authoritative reference and input builder live on the scoring server;
editing this copy changes nothing except your own understanding.
"""

import jax, jax.numpy as jnp
import numpy as np

N = 10000
E = 320000
DIN = 128
DHID = 128
DOUT = 64
NUM_GRAPHS = 4


def _gcn(x, ei, W, b):
    # PyG GCNConv: add self-loops, symmetric normalization, linear, scatter-add, bias
    src = jnp.concatenate([ei[0], jnp.arange(N)])
    dst = jnp.concatenate([ei[1], jnp.arange(N)])
    deg = jax.ops.segment_sum(jnp.ones(src.shape[0], jnp.float32), dst, num_segments=N)
    dinv = jnp.where(deg > 0, jax.lax.rsqrt(deg), 0.0)
    norm = dinv[src] * dinv[dst]
    h = x @ W
    out = jax.ops.segment_sum(h[src] * norm[:, None], dst, num_segments=N)
    return out + b


def setup_inputs() -> dict:
    base = jax.random.key(0)
    inp = {}
    for i in range(NUM_GRAPHS):
        ks = jax.random.split(jax.random.fold_in(base, i), 8)
        inp['x%d' % (i + 1)] = jax.random.normal(ks[0], (N, DIN), jnp.float32)
        inp['edge_index%d' % (i + 1)] = jax.random.randint(ks[1], (2, E), 0, N)
        inp['W1_%d' % i] = jax.random.normal(ks[2], (DIN, DHID), jnp.float32) * 0.05
        inp['b1_%d' % i] = jnp.zeros((DHID,), jnp.float32)
        inp['Wmu_%d' % i] = jax.random.normal(ks[3], (DHID, DOUT), jnp.float32) * 0.05
        inp['bmu_%d' % i] = jnp.zeros((DOUT,), jnp.float32)
        inp['Wls_%d' % i] = jax.random.normal(ks[4], (DHID, DOUT), jnp.float32) * 0.05
        inp['bls_%d' % i] = jnp.zeros((DOUT,), jnp.float32)
    return inp


def reference(x1, edge_index1, W1_0, b1_0, Wmu_0, bmu_0, Wls_0, bls_0,
              x2, edge_index2, W1_1, b1_1, Wmu_1, bmu_1, Wls_1, bls_1,
              x3, edge_index3, W1_2, b1_2, Wmu_2, bmu_2, Wls_2, bls_2,
              x4, edge_index4, W1_3, b1_3, Wmu_3, bmu_3, Wls_3, bls_3):
    kw = dict(locals())
    mu = []
    logstd = []
    for i in range(NUM_GRAPHS):
        x = kw['x%d' % (i + 1)]
        ei = kw['edge_index%d' % (i + 1)]
        h = _gcn(x, ei, kw['W1_%d' % i], kw['b1_%d' % i])
        mu.append(_gcn(h, ei, kw['Wmu_%d' % i], kw['bmu_%d' % i]))
        logstd.append(_gcn(h, ei, kw['Wls_%d' % i], kw['bls_%d' % i]))
    return (jnp.stack(mu), jnp.stack(logstd))

if __name__ == "__main__":
    import jax
    _d = setup_inputs()
    print(jax.jit(kernel)(*tuple(_d.values())))

</pallas_src>

<mosaic_0001>
#map = affine_map<(d0, d1) -> (0, 0, 0)>
#map1 = affine_map<(d0, d1) -> (0, 0)>
module attributes {stable_mosaic.version = 14 : i64} {
  func.func @_sc_degree(%arg0: i32, %arg1: i32, %arg2: memref<32x160x128xi32, #tpu.memory_space<hbm>>, %arg3: memref<632x128xf32, #tpu.memory_space<hbm>>, %arg4: memref<128x128xf32, #tpu.memory_space<hbm>>, %arg5: memref<20000x128xf32, #tpu.memory_space<hbm>>, %arg6: memref<32x128xi32, #tpu.memory_space<vmem>>, %arg7: memref<128x128xf32, #tpu.memory_space<vmem>>, %arg8: memref<10112x128xf32, #tpu.memory_space<vmem_shared>>, %arg9: memref<!tpu.dma_semaphore, #tpu.memory_space<semaphore_mem>>) attributes {dimension_semantics = [#tpu.dimension_semantics<core_parallel>, #tpu.dimension_semantics<subcore_parallel>], iteration_bounds = array<i64: 2, 16>, scalar_prefetch = 0 : i64, scratch_operands = 4 : i64, tpu.core_type = #tpu.core_type<sc_vector_subcore>, window_params = [{transform_indices = #map}, {transform_indices = #map1}, {transform_indices = #map1}, {transform_indices = #map1}]} {
    "tpu.region"() ({
      %run_scoped3A = tpu.sem_alloc : memref<!tpu.dma_semaphore, #tpu.memory_space<semaphore_mem>>
      tpu.enqueue_dma source(%arg4 : memref<128x128xf32, #tpu.memory_space<hbm>>) target(%arg7 : memref<128x128xf32, #tpu.memory_space<vmem>>) target_semaphore(%run_scoped3A : memref<!tpu.dma_semaphore, #tpu.memory_space<semaphore_mem>>)
      tpu.wait_dma2 semaphore(%run_scoped3A : memref<!tpu.dma_semaphore, #tpu.memory_space<semaphore_mem>>) src(%arg4 : memref<128x128xf32, #tpu.memory_space<hbm>>) dst(%arg7 : memref<128x128xf32, #tpu.memory_space<vmem>>)
      tpu.yield
    }) : () -> ()
    %mul3A = arith.constant 632 : i32
    %mul3A_0 = arith.muli %arg1, %mul3A : i32
    "tpu.region"() ({
      %run_scoped3A = tpu.sem_alloc : memref<!tpu.dma_semaphore, #tpu.memory_space<semaphore_mem>>
      %dma_start3A = arith.constant 0 : i32
      %dma_start3A_18 = tpu.memref_slice %arg8[%mul3A_0, %dma_start3A] : memref<10112x128xf32, #tpu.memory_space<vmem_shared>> -> memref<632x128xf32, #tpu.memory_space<vmem_shared>>
      tpu.enqueue_dma source(%arg3 : memref<632x128xf32, #tpu.memory_space<hbm>>) target(%dma_start3A_18 : memref<632x128xf32, #tpu.memory_space<vmem_shared>>) target_semaphore(%run_scoped3A : memref<!tpu.dma_semaphore, #tpu.memory_space<semaphore_mem>>)
      %dma_wait3A = arith.constant 0 : i32
      %dma_wait3A_19 = tpu.memref_slice %arg8[%mul3A_0, %dma_wait3A] : memref<10112x128xf32, #tpu.memory_space<vmem_shared>> -> memref<632x128xf32, #tpu.memory_space<vmem_shared>>
      tpu.wait_dma2 semaphore(%run_scoped3A : memref<!tpu.dma_semaphore, #tpu.memory_space<semaphore_mem>>) src(%arg3 : memref<632x128xf32, #tpu.memory_space<hbm>>) dst(%dma_wait3A_19 : memref<632x128xf32, #tpu.memory_space<vmem_shared>>)
      tpu.yield
    }) : () -> ()
    %barrier3A = arith.constant 0 : index
    tpu.barrier barrier_id(%barrier3A)
    %mul3A_1 = arith.constant 16 : i32
    %mul3A_2 = arith.muli %arg0, %mul3A_1 : i32
    %add3A = arith.addi %mul3A_2, %arg1 : i32
    %scan3A = arith.constant 0 : i32
    %scan3A_3 = arith.constant 0 : i32
    %scan3A_4 = arith.constant 5 : i32
    %scan3A_5 = arith.addi %scan3A_3, %scan3A_4 : i32
    %scan3A_6 = arith.constant 1 : i32
    scf.for %scan3A_18 = %scan3A_3 to %scan3A_5 step %scan3A_6  : i32 {
      %mul3A_19 = arith.constant 32 : i32
      %mul3A_20 = arith.muli %scan3A_18, %mul3A_19 : i32
      "tpu.region"() ({
        %run_scoped3A = tpu.sem_alloc : memref<!tpu.dma_semaphore, #tpu.memory_space<semaphore_mem>>
        %dma_start3A = arith.constant 0 : i32
        %dma_start3A_31 = tpu.memref_slice %arg2[%add3A, %mul3A_20, %dma_start3A] : memref<32x160x128xi32, #tpu.memory_space<hbm>> -> memref<1x32x128xi32, #tpu.memory_space<hbm>>
        %dma_start3A_32 = tpu.memref_squeeze %dma_start3A_31 : memref<1x32x128xi32, #tpu.memory_space<hbm>> -> memref<32x128xi32, #tpu.memory_space<hbm>>
        %dma_start3A_33 = arith.constant 0 : i32
        %dma_start3A_34 = tpu.memref_slice %arg2[%add3A, %mul3A_20, %dma_start3A_33] : memref<32x160x128xi32, #tpu.memory_space<hbm>> -> memref<1x32x128xi32, #tpu.memory_space<hbm>>
        %dma_start3A_35 = tpu.memref_squeeze %dma_start3A_34 : memref<1x32x128xi32, #tpu.memory_space<hbm>> -> memref<32x128xi32, #tpu.memory_space<hbm>>
        tpu.enqueue_dma source(%dma_start3A_35 : memref<32x128xi32, #tpu.memory_space<hbm>>) target(%arg6 : memref<32x128xi32, #tpu.memory_space<vmem>>) target_semaphore(%run_scoped3A : memref<!tpu.dma_semaphore, #tpu.memory_space<semaphore_mem>>)
        %dma_wait3A = arith.constant 0 : i32
        %dma_wait3A_36 = tpu.memref_slice %arg2[%add3A, %mul3A_20, %dma_wait3A] : memref<32x160x128xi32, #tpu.memory_space<hbm>> -> memref<1x32x128xi32, #tpu.memory_space<hbm>>
        %dma_wait3A_37 = tpu.memref_squeeze %dma_wait3A_36 : memref<1x32x128xi32, #tpu.memory_space<hbm>> -> memref<32x128xi32, #tpu.memory_space<hbm>>
        %dma_wait3A_38 = arith.constant 0 : i32
        %dma_wait3A_39 = tpu.memref_slice %arg2[%add3A, %mul3A_20, %dma_wait3A_38] : memref<32x160x128xi32, #tpu.memory_space<hbm>> -> memref<1x32x128xi32, #tpu.memory_space<hbm>>
        %dma_wait3A_40 = tpu.memref_squeeze %dma_wait3A_39 : memref<1x32x128xi32, #tpu.memory_space<hbm>> -> memref<32x128xi32, #tpu.memory_space<hbm>>
        tpu.wait_dma2 semaphore(%run_scoped3A : memref<!tpu.dma_semaphore, #tpu.memory_space<semaphore_mem>>) src(%dma_wait3A_40 : memref<32x128xi32, #tpu.memory_space<hbm>>) dst(%arg6 : memref<32x128xi32, #tpu.memory_space<vmem>>)
        tpu.yield
      }) : () -> ()
      %scan3A_21 = arith.constant 0 : i32
      %scan3A_22 = arith.constant 32 : i32
      %scan3A_23 = arith.addi %scan3A_21, %scan3A_22 : i32
      %scan3A_24 = arith.constant 1 : i32
      scf.for %scan3A_31 = %scan3A_21 to %scan3A_23 step %scan3A_24  : i32 {
        %dma_start3A = arith.constant 0 : i32
        %dma_start3A_32 = tpu.memref_slice %arg6[%scan3A_31, %dma_start3A] : memref<32x128xi32, #tpu.memory_space<vmem>> -> memref<1x128xi32, #tpu.memory_space<vmem>>
        %dma_start3A_33 = tpu.memref_squeeze %dma_start3A_32 : memref<1x128xi32, #tpu.memory_space<vmem>> -> memref<128xi32, #tpu.memory_space<vmem>>
        %dma_start3A_34 = arith.constant 0 : i32
        %dma_start3A_35 = arith.constant 0 : i32
        %dma_start3A_36 = tpu.memref_slice %arg8[%dma_start3A_34, %dma_start3A_35] : memref<10112x128xf32, #tpu.memory_space<vmem_shared>> -> memref<10112x128xf32, #tpu.memory_space<vmem_shared>>
        tpu.enqueue_indirect_dma source(%arg7 : memref<128x128xf32, #tpu.memory_space<vmem>>) target(%dma_start3A_36 : memref<10112x128xf32, #tpu.memory_space<vmem_shared>>) offsets(%dma_start3A_33 : memref<128xi32, #tpu.memory_space<vmem>>) semaphore(%arg9 : memref<!tpu.dma_semaphore, #tpu.memory_space<semaphore_mem>>) {add = true}
      }
      %scan3A_25 = arith.constant 32 : i32
      %scan3A_26 = arith.constant 0 : i32
      %scan3A_27 = arith.constant 32 : i32
      %scan3A_28 = arith.addi %scan3A_26, %scan3A_27 : i32
      %scan3A_29 = arith.constant 1 : i32
      scf.for %scan3A_31 = %scan3A_26 to %scan3A_28 step %scan3A_29  : i32 {
        %dma_wait3A = arith.constant 0 : i32
        %dma_wait3A_32 = arith.constant 0 : i32
        %dma_wait3A_33 = tpu.memref_slice %arg6[%dma_wait3A, %dma_wait3A_32] : memref<32x128xi32, #tpu.memory_space<vmem>> -> memref<1x128xi32, #tpu.memory_space<vmem>>
        %dma_wait3A_34 = tpu.memref_squeeze %dma_wait3A_33 : memref<1x128xi32, #tpu.memory_space<vmem>> -> memref<128xi32, #tpu.memory_space<vmem>>
        %dma_wait3A_35 = arith.constant 0 : i32
        %dma_wait3A_36 = arith.constant 0 : i32
        %dma_wait3A_37 = tpu.memref_slice %arg8[%dma_wait3A_35, %dma_wait3A_36] : memref<10112x128xf32, #tpu.memory_space<vmem_shared>> -> memref<10112x128xf32, #tpu.memory_space<vmem_shared>>
        tpu.wait_indirect_dma semaphore(%arg9 : memref<!tpu.dma_semaphore, #tpu.memory_space<semaphore_mem>>) src(%arg7 : memref<128x128xf32, #tpu.memory_space<vmem>>) dst(%dma_wait3A_37 : memref<10112x128xf32, #tpu.memory_space<vmem_shared>>)
      }
      %scan3A_30 = arith.constant 32 : i32
    }
    %scan3A_7 = arith.constant 5 : i32
    %barrier3A_8 = arith.constant 0 : index
    tpu.barrier barrier_id(%barrier3A_8)
    %mul3A_9 = arith.constant 624 : i32
    %mul3A_10 = arith.muli %arg1, %mul3A_9 : i32
    %mul3A_11 = arith.constant 10000 : i32
    %mul3A_12 = arith.muli %arg0, %mul3A_11 : i32
    %mul3A_13 = arith.constant 624 : i32
    %mul3A_14 = arith.muli %arg1, %mul3A_13 : i32
    %add3A_15 = arith.addi %mul3A_12, %mul3A_14 : i32
    "tpu.region"() ({
      %run_scoped3A = tpu.sem_alloc : memref<!tpu.dma_semaphore, #tpu.memory_space<semaphore_mem>>
      %dma_start3A = arith.constant 0 : i32
      %dma_start3A_18 = tpu.memref_slice %arg5[%add3A_15, %dma_start3A] : memref<20000x128xf32, #tpu.memory_space<hbm>> -> memref<624x128xf32, #tpu.memory_space<hbm>>
      %dma_start3A_19 = arith.constant 0 : i32
      %dma_start3A_20 = tpu.memref_slice %arg8[%mul3A_10, %dma_start3A_19] : memref<10112x128xf32, #tpu.memory_space<vmem_shared>> -> memref<624x128xf32, #tpu.memory_space<vmem_shared>>
      tpu.enqueue_dma source(%dma_start3A_20 : memref<624x128xf32, #tpu.memory_space<vmem_shared>>) target(%dma_start3A_18 : memref<624x128xf32, #tpu.memory_space<hbm>>) target_semaphore(%run_scoped3A : memref<!tpu.dma_semaphore, #tpu.memory_space<semaphore_mem>>)
      %dma_wait3A = arith.constant 0 : i32
      %dma_wait3A_21 = tpu.memref_slice %arg5[%add3A_15, %dma_wait3A] : memref<20000x128xf32, #tpu.memory_space<hbm>> -> memref<624x128xf32, #tpu.memory_space<hbm>>
      %dma_wait3A_22 = arith.constant 0 : i32
      %dma_wait3A_23 = tpu.memref_slice %arg8[%mul3A_10, %dma_wait3A_22] : memref<10112x128xf32, #tpu.memory_space<vmem_shared>> -> memref<624x128xf32, #tpu.memory_space<vmem_shared>>
      tpu.wait_dma2 semaphore(%run_scoped3A : memref<!tpu.dma_semaphore, #tpu.memory_space<semaphore_mem>>) src(%dma_wait3A_23 : memref<624x128xf32, #tpu.memory_space<vmem_shared>>) dst(%dma_wait3A_21 : memref<624x128xf32, #tpu.memory_space<hbm>>)
      tpu.yield
    }) : () -> ()
    %eq3A = arith.constant 15 : i32
    %eq3A_16 = arith.cmpi eq, %arg1, %eq3A : i32
    %convert_element_type3A = arith.extui %eq3A_16 : i1 to i32
    %cond3A = arith.constant 0 : i32
    %cond3A_17 = arith.cmpi ne, %convert_element_type3A, %cond3A : i32
    scf.if %cond3A_17 {
      %mul3A_18 = arith.constant 10000 : i32
      %mul3A_19 = arith.muli %arg0, %mul3A_18 : i32
      %add3A_20 = arith.constant 9984 : i32
      %add3A_21 = arith.addi %mul3A_19, %add3A_20 : i32
      "tpu.region"() ({
        %run_scoped3A = tpu.sem_alloc : memref<!tpu.dma_semaphore, #tpu.memory_space<semaphore_mem>>
        %dma_start3A = arith.constant 0 : i32
        %dma_start3A_22 = tpu.memref_slice %arg5[%add3A_21, %dma_start3A] : memref<20000x128xf32, #tpu.memory_space<hbm>> -> memref<16x128xf32, #tpu.memory_space<hbm>>
        %dma_start3A_23 = arith.constant 9984 : i32
        %dma_start3A_24 = arith.constant 0 : i32
        %dma_start3A_25 = tpu.memref_slice %arg8[%dma_start3A_23, %dma_start3A_24] : memref<10112x128xf32, #tpu.memory_space<vmem_shared>> -> memref<16x128xf32, #tpu.memory_space<vmem_shared>>
        tpu.enqueue_dma source(%dma_start3A_25 : memref<16x128xf32, #tpu.memory_space<vmem_shared>>) target(%dma_start3A_22 : memref<16x128xf32, #tpu.memory_space<hbm>>) target_semaphore(%run_scoped3A : memref<!tpu.dma_semaphore, #tpu.memory_space<semaphore_mem>>)
        %dma_wait3A = arith.constant 0 : i32
        %dma_wait3A_26 = tpu.memref_slice %arg5[%add3A_21, %dma_wait3A] : memref<20000x128xf32, #tpu.memory_space<hbm>> -> memref<16x128xf32, #tpu.memory_space<hbm>>
        %dma_wait3A_27 = arith.constant 9984 : i32
        %dma_wait3A_28 = arith.constant 0 : i32
        %dma_wait3A_29 = tpu.memref_slice %arg8[%dma_wait3A_27, %dma_wait3A_28] : memref<10112x128xf32, #tpu.memory_space<vmem_shared>> -> memref<16x128xf32, #tpu.memory_space<vmem_shared>>
        tpu.wait_dma2 semaphore(%run_scoped3A : memref<!tpu.dma_semaphore, #tpu.memory_space<semaphore_mem>>) src(%dma_wait3A_29 : memref<16x128xf32, #tpu.memory_space<vmem_shared>>) dst(%dma_wait3A_26 : memref<16x128xf32, #tpu.memory_space<hbm>>)
        tpu.yield
      }) : () -> ()
    } else {
    }
    return
  }
}

#map = affine_map<(d0, d1) -> (0, 0, 0)>
#map1 = affine_map<(d0, d1) -> (0, 0)>
module attributes {stable_mosaic.version = 14 : i64} {
  func.func @_sc_degree(%arg0: i32, %arg1: i32, %arg2: memref<32x160x128xi32, #tpu.memory_space<hbm>>, %arg3: memref<632x128xf32, #tpu.memory_space<hbm>>, %arg4: memref<128x128xf32, #tpu.memory_space<hbm>>, %arg5: memref<20000x128xf32, #tpu.memory_space<hbm>>, %arg6: memref<32x128xi32, #tpu.memory_space<vmem>>, %arg7: memref<128x128xf32, #tpu.memory_space<vmem>>, %arg8: memref<10112x128xf32, #tpu.memory_space<vmem_shared>>, %arg9: memref<!tpu.dma_semaphore, #tpu.memory_space<semaphore_mem>>) attributes {dimension_semantics = [#tpu.dimension_semantics<core_parallel>, #tpu.dimension_semantics<subcore_parallel>], iteration_bounds = array<i64: 2, 16>, scalar_prefetch = 0 : i64, scratch_operands = 4 : i64, tpu.core_type = #tpu.core_type<sc_vector_subcore>, window_params = [{transform_indices = #map}, {transform_indices = #map1}, {transform_indices = #map1}, {transform_indices = #map1}]} {
    "tpu.region"() ({
      %run_scoped3A = tpu.sem_alloc : memref<!tpu.dma_semaphore, #tpu.memory_space<semaphore_mem>>
      tpu.enqueue_dma source(%arg4 : memref<128x128xf32, #tpu.memory_space<hbm>>) target(%arg7 : memref<128x128xf32, #tpu.memory_space<vmem>>) target_semaphore(%run_scoped3A : memref<!tpu.dma_semaphore, #tpu.memory_space<semaphore_mem>>)
      tpu.wait_dma2 semaphore(%run_scoped3A : memref<!tpu.dma_semaphore, #tpu.memory_space<semaphore_mem>>) src(%arg4 : memref<128x128xf32, #tpu.memory_space<hbm>>) dst(%arg7 : memref<128x128xf32, #tpu.memory_space<vmem>>)
      tpu.yield
    }) : () -> ()
    %mul3A = arith.constant 632 : i32
    %mul3A_0 = arith.muli %arg1, %mul3A : i32
    "tpu.region"() ({
      %run_scoped3A = tpu.sem_alloc : memref<!tpu.dma_semaphore, #tpu.memory_space<semaphore_mem>>
      %dma_start3A = arith.constant 0 : i32
      %dma_start3A_18 = tpu.memref_slice %arg8[%mul3A_0, %dma_start3A] : memref<10112x128xf32, #tpu.memory_space<vmem_shared>> -> memref<632x128xf32, #tpu.memory_space<vmem_shared>>
      tpu.enqueue_dma source(%arg3 : memref<632x128xf32, #tpu.memory_space<hbm>>) target(%dma_start3A_18 : memref<632x128xf32, #tpu.memory_space<vmem_shared>>) target_semaphore(%run_scoped3A : memref<!tpu.dma_semaphore, #tpu.memory_space<semaphore_mem>>)
      %dma_wait3A = arith.constant 0 : i32
      %dma_wait3A_19 = tpu.memref_slice %arg8[%mul3A_0, %dma_wait3A] : memref<10112x128xf32, #tpu.memory_space<vmem_shared>> -> memref<632x128xf32, #tpu.memory_space<vmem_shared>>
      tpu.wait_dma2 semaphore(%run_scoped3A : memref<!tpu.dma_semaphore, #tpu.memory_space<semaphore_mem>>) src(%arg3 : memref<632x128xf32, #tpu.memory_space<hbm>>) dst(%dma_wait3A_19 : memref<632x128xf32, #tpu.memory_space<vmem_shared>>)
      tpu.yield
    }) : () -> ()
    %barrier3A = arith.constant 0 : index
    tpu.barrier barrier_id(%barrier3A)
    %mul3A_1 = arith.constant 16 : i32
    %mul3A_2 = arith.muli %arg0, %mul3A_1 : i32
    %add3A = arith.addi %mul3A_2, %arg1 : i32
    %scan3A = arith.constant 0 : i32
    %scan3A_3 = arith.constant 0 : i32
    %scan3A_4 = arith.constant 5 : i32
    %scan3A_5 = arith.addi %scan3A_3, %scan3A_4 : i32
    %scan3A_6 = arith.constant 1 : i32
    scf.for %scan3A_18 = %scan3A_3 to %scan3A_5 step %scan3A_6  : i32 {
      %mul3A_19 = arith.constant 32 : i32
      %mul3A_20 = arith.muli %scan3A_18, %mul3A_19 : i32
      "tpu.region"() ({
        %run_scoped3A = tpu.sem_alloc : memref<!tpu.dma_semaphore, #tpu.memory_space<semaphore_mem>>
        %dma_start3A = arith.constant 0 : i32
        %dma_start3A_31 = tpu.memref_slice %arg2[%add3A, %mul3A_20, %dma_start3A] : memref<32x160x128xi32, #tpu.memory_space<hbm>> -> memref<1x32x128xi32, #tpu.memory_space<hbm>>
        %dma_start3A_32 = tpu.memref_squeeze %dma_start3A_31 : memref<1x32x128xi32, #tpu.memory_space<hbm>> -> memref<32x128xi32, #tpu.memory_space<hbm>>
        %dma_start3A_33 = arith.constant 0 : i32
        %dma_start3A_34 = tpu.memref_slice %arg2[%add3A, %mul3A_20, %dma_start3A_33] : memref<32x160x128xi32, #tpu.memory_space<hbm>> -> memref<1x32x128xi32, #tpu.memory_space<hbm>>
        %dma_start3A_35 = tpu.memref_squeeze %dma_start3A_34 : memref<1x32x128xi32, #tpu.memory_space<hbm>> -> memref<32x128xi32, #tpu.memory_space<hbm>>
        tpu.enqueue_dma source(%dma_start3A_35 : memref<32x128xi32, #tpu.memory_space<hbm>>) target(%arg6 : memref<32x128xi32, #tpu.memory_space<vmem>>) target_semaphore(%run_scoped3A : memref<!tpu.dma_semaphore, #tpu.memory_space<semaphore_mem>>)
        %dma_wait3A = arith.constant 0 : i32
        %dma_wait3A_36 = tpu.memref_slice %arg2[%add3A, %mul3A_20, %dma_wait3A] : memref<32x160x128xi32, #tpu.memory_space<hbm>> -> memref<1x32x128xi32, #tpu.memory_space<hbm>>
        %dma_wait3A_37 = tpu.memref_squeeze %dma_wait3A_36 : memref<1x32x128xi32, #tpu.memory_space<hbm>> -> memref<32x128xi32, #tpu.memory_space<hbm>>
        %dma_wait3A_38 = arith.constant 0 : i32
        %dma_wait3A_39 = tpu.memref_slice %arg2[%add3A, %mul3A_20, %dma_wait3A_38] : memref<32x160x128xi32, #tpu.memory_space<hbm>> -> memref<1x32x128xi32, #tpu.memory_space<hbm>>
        %dma_wait3A_40 = tpu.memref_squeeze %dma_wait3A_39 : memref<1x32x128xi32, #tpu.memory_space<hbm>> -> memref<32x128xi32, #tpu.memory_space<hbm>>
        tpu.wait_dma2 semaphore(%run_scoped3A : memref<!tpu.dma_semaphore, #tpu.memory_space<semaphore_mem>>) src(%dma_wait3A_40 : memref<32x128xi32, #tpu.memory_space<hbm>>) dst(%arg6 : memref<32x128xi32, #tpu.memory_space<vmem>>)
        tpu.yield
      }) : () -> ()
      %scan3A_21 = arith.constant 0 : i32
      %scan3A_22 = arith.constant 32 : i32
      %scan3A_23 = arith.addi %scan3A_21, %scan3A_22 : i32
      %scan3A_24 = arith.constant 1 : i32
      scf.for %scan3A_31 = %scan3A_21 to %scan3A_23 step %scan3A_24  : i32 {
        %dma_start3A = arith.constant 0 : i32
        %dma_start3A_32 = tpu.memref_slice %arg6[%scan3A_31, %dma_start3A] : memref<32x128xi32, #tpu.memory_space<vmem>> -> memref<1x128xi32, #tpu.memory_space<vmem>>
        %dma_start3A_33 = tpu.memref_squeeze %dma_start3A_32 : memref<1x128xi32, #tpu.memory_space<vmem>> -> memref<128xi32, #tpu.memory_space<vmem>>
        %dma_start3A_34 = arith.constant 0 : i32
        %dma_start3A_35 = arith.constant 0 : i32
        %dma_start3A_36 = tpu.memref_slice %arg8[%dma_start3A_34, %dma_start3A_35] : memref<10112x128xf32, #tpu.memory_space<vmem_shared>> -> memref<10112x128xf32, #tpu.memory_space<vmem_shared>>
        tpu.enqueue_indirect_dma source(%arg7 : memref<128x128xf32, #tpu.memory_space<vmem>>) target(%dma_start3A_36 : memref<10112x128xf32, #tpu.memory_space<vmem_shared>>) offsets(%dma_start3A_33 : memref<128xi32, #tpu.memory_space<vmem>>) semaphore(%arg9 : memref<!tpu.dma_semaphore, #tpu.memory_space<semaphore_mem>>) {add = true}
      }
      %scan3A_25 = arith.constant 32 : i32
      %scan3A_26 = arith.constant 0 : i32
      %scan3A_27 = arith.constant 32 : i32
      %scan3A_28 = arith.addi %scan3A_26, %scan3A_27 : i32
      %scan3A_29 = arith.constant 1 : i32
      scf.for %scan3A_31 = %scan3A_26 to %scan3A_28 step %scan3A_29  : i32 {
        %dma_wait3A = arith.constant 0 : i32
        %dma_wait3A_32 = arith.constant 0 : i32
        %dma_wait3A_33 = tpu.memref_slice %arg6[%dma_wait3A, %dma_wait3A_32] : memref<32x128xi32, #tpu.memory_space<vmem>> -> memref<1x128xi32, #tpu.memory_space<vmem>>
        %dma_wait3A_34 = tpu.memref_squeeze %dma_wait3A_33 : memref<1x128xi32, #tpu.memory_space<vmem>> -> memref<128xi32, #tpu.memory_space<vmem>>
        %dma_wait3A_35 = arith.constant 0 : i32
        %dma_wait3A_36 = arith.constant 0 : i32
        %dma_wait3A_37 = tpu.memref_slice %arg8[%dma_wait3A_35, %dma_wait3A_36] : memref<10112x128xf32, #tpu.memory_space<vmem_shared>> -> memref<10112x128xf32, #tpu.memory_space<vmem_shared>>
        tpu.wait_indirect_dma semaphore(%arg9 : memref<!tpu.dma_semaphore, #tpu.memory_space<semaphore_mem>>) src(%arg7 : memref<128x128xf32, #tpu.memory_space<vmem>>) dst(%dma_wait3A_37 : memref<10112x128xf32, #tpu.memory_space<vmem_shared>>)
      }
      %scan3A_30 = arith.constant 32 : i32
    }
    %scan3A_7 = arith.constant 5 : i32
    %barrier3A_8 = arith.constant 0 : index
    tpu.barrier barrier_id(%barrier3A_8)
    %mul3A_9 = arith.constant 624 : i32
    %mul3A_10 = arith.muli %arg1, %mul3A_9 : i32
    %mul3A_11 = arith.constant 10000 : i32
    %mul3A_12 = arith.muli %arg0, %mul3A_11 : i32
    %mul3A_13 = arith.constant 624 : i32
    %mul3A_14 = arith.muli %arg1, %mul3A_13 : i32
    %add3A_15 = arith.addi %mul3A_12, %mul3A_14 : i32
    "tpu.region"() ({
      %run_scoped3A = tpu.sem_alloc : memref<!tpu.dma_semaphore, #tpu.memory_space<semaphore_mem>>
      %dma_start3A = arith.constant 0 : i32
      %dma_start3A_18 = tpu.memref_slice %arg5[%add3A_15, %dma_start3A] : memref<20000x128xf32, #tpu.memory_space<hbm>> -> memref<624x128xf32, #tpu.memory_space<hbm>>
      %dma_start3A_19 = arith.constant 0 : i32
      %dma_start3A_20 = tpu.memref_slice %arg8[%mul3A_10, %dma_start3A_19] : memref<10112x128xf32, #tpu.memory_space<vmem_shared>> -> memref<624x128xf32, #tpu.memory_space<vmem_shared>>
      tpu.enqueue_dma source(%dma_start3A_20 : memref<624x128xf32, #tpu.memory_space<vmem_shared>>) target(%dma_start3A_18 : memref<624x128xf32, #tpu.memory_space<hbm>>) target_semaphore(%run_scoped3A : memref<!tpu.dma_semaphore, #tpu.memory_space<semaphore_mem>>)
      %dma_wait3A = arith.constant 0 : i32
      %dma_wait3A_21 = tpu.memref_slice %arg5[%add3A_15, %dma_wait3A] : memref<20000x128xf32, #tpu.memory_space<hbm>> -> memref<624x128xf32, #tpu.memory_space<hbm>>
      %dma_wait3A_22 = arith.constant 0 : i32
      %dma_wait3A_23 = tpu.memref_slice %arg8[%mul3A_10, %dma_wait3A_22] : memref<10112x128xf32, #tpu.memory_space<vmem_shared>> -> memref<624x128xf32, #tpu.memory_space<vmem_shared>>
      tpu.wait_dma2 semaphore(%run_scoped3A : memref<!tpu.dma_semaphore, #tpu.memory_space<semaphore_mem>>) src(%dma_wait3A_23 : memref<624x128xf32, #tpu.memory_space<vmem_shared>>) dst(%dma_wait3A_21 : memref<624x128xf32, #tpu.memory_space<hbm>>)
      tpu.yield
    }) : () -> ()
    %eq3A = arith.constant 15 : i32
    %eq3A_16 = arith.cmpi eq, %arg1, %eq3A : i32
    %convert_element_type3A = arith.extui %eq3A_16 : i1 to i32
    %cond3A = arith.constant 0 : i32
    %cond3A_17 = arith.cmpi ne, %convert_element_type3A, %cond3A : i32
    scf.if %cond3A_17 {
      %mul3A_18 = arith.constant 10000 : i32
      %mul3A_19 = arith.muli %arg0, %mul3A_18 : i32
      %add3A_20 = arith.constant 9984 : i32
      %add3A_21 = arith.addi %mul3A_19, %add3A_20 : i32
      "tpu.region"() ({
        %run_scoped3A = tpu.sem_alloc : memref<!tpu.dma_semaphore, #tpu.memory_space<semaphore_mem>>
        %dma_start3A = arith.constant 0 : i32
        %dma_start3A_22 = tpu.memref_slice %arg5[%add3A_21, %dma_start3A] : memref<20000x128xf32, #tpu.memory_space<hbm>> -> memref<16x128xf32, #tpu.memory_space<hbm>>
        %dma_start3A_23 = arith.constant 9984 : i32
        %dma_start3A_24 = arith.constant 0 : i32
        %dma_start3A_25 = tpu.memref_slice %arg8[%dma_start3A_23, %dma_start3A_24] : memref<10112x128xf32, #tpu.memory_space<vmem_shared>> -> memref<16x128xf32, #tpu.memory_space<vmem_shared>>
        tpu.enqueue_dma source(%dma_start3A_25 : memref<16x128xf32, #tpu.memory_space<vmem_shared>>) target(%dma_start3A_22 : memref<16x128xf32, #tpu.memory_space<hbm>>) target_semaphore(%run_scoped3A : memref<!tpu.dma_semaphore, #tpu.memory_space<semaphore_mem>>)
        %dma_wait3A = arith.constant 0 : i32
        %dma_wait3A_26 = tpu.memref_slice %arg5[%add3A_21, %dma_wait3A] : memref<20000x128xf32, #tpu.memory_space<hbm>> -> memref<16x128xf32, #tpu.memory_space<hbm>>
        %dma_wait3A_27 = arith.constant 9984 : i32
        %dma_wait3A_28 = arith.constant 0 : i32
        %dma_wait3A_29 = tpu.memref_slice %arg8[%dma_wait3A_27, %dma_wait3A_28] : memref<10112x128xf32, #tpu.memory_space<vmem_shared>> -> memref<16x128xf32, #tpu.memory_space<vmem_shared>>
        tpu.wait_dma2 semaphore(%run_scoped3A : memref<!tpu.dma_semaphore, #tpu.memory_space<semaphore_mem>>) src(%dma_wait3A_29 : memref<16x128xf32, #tpu.memory_space<vmem_shared>>) dst(%dma_wait3A_26 : memref<16x128xf32, #tpu.memory_space<hbm>>)
        tpu.yield
      }) : () -> ()
    } else {
    }
    return
  }
}

#map = affine_map<(d0, d1) -> (0, 0)>
#map1 = affine_map<(d0, d1) -> (0, 0, 0)>
module attributes {stable_mosaic.version = 14 : i64} {
  func.func @_sc_propagate(%arg0: i32, %arg1: i32, %arg2: memref<20000x128xf32, #tpu.memory_space<hbm>>, %arg3: memref<32x160x128xi32, #tpu.memory_space<hbm>>, %arg4: memref<32x160x128xi32, #tpu.memory_space<hbm>>, %arg5: memref<632x128xf32, #tpu.memory_space<hbm>>, %arg6: memref<20000x128xf32, #tpu.memory_space<hbm>>, %arg7: memref<2x32x128xi32, #tpu.memory_space<vmem>>, %arg8: memref<2x32x128xi32, #tpu.memory_space<vmem>>, %arg9: memref<128x128xf32, #tpu.memory_space<vmem>>, %arg10: memref<128x128xf32, #tpu.memory_space<vmem>>, %arg11: memref<10112x128xf32, #tpu.memory_space<vmem_shared>>, %arg12: memref<!tpu.dma_semaphore, #tpu.memory_space<semaphore_mem>>, %arg13: memref<!tpu.dma_semaphore, #tpu.memory_space<semaphore_mem>>, %arg14: memref<!tpu.dma_semaphore, #tpu.memory_space<semaphore_mem>>, %arg15: memref<!tpu.dma_semaphore, #tpu.memory_space<semaphore_mem>>, %arg16: memref<!tpu.dma_semaphore, #tpu.memory_space<semaphore_mem>>, %arg17: memref<!tpu.dma_semaphore, #tpu.memory_space<semaphore_mem>>) attributes {dimension_semantics = [#tpu.dimension_semantics<core_parallel>, #tpu.dimension_semantics<subcore_parallel>], iteration_bounds = array<i64: 2, 16>, scalar_prefetch = 0 : i64, scratch_operands = 11 : i64, tpu.core_type = #tpu.core_type<sc_vector_subcore>, window_params = [{transform_indices = #map}, {transform_indices = #map1}, {transform_indices = #map1}, {transform_indices = #map}, {transform_indices = #map}]} {
    %mul3A = arith.constant 16 : i32
    %mul3A_0 = arith.muli %arg0, %mul3A : i32
    %add3A = arith.addi %mul3A_0, %arg1 : i32
    %mul3A_1 = arith.constant 632 : i32
    %mul3A_2 = arith.muli %arg1, %mul3A_1 : i32
    %dma_start3A = arith.constant 0 : i32
    %dma_start3A_3 = tpu.memref_slice %arg11[%mul3A_2, %dma_start3A] : memref<10112x128xf32, #tpu.memory_space<vmem_shared>> -> memref<632x128xf32, #tpu.memory_space<vmem_shared>>
    tpu.enqueue_dma source(%arg5 : memref<632x128xf32, #tpu.memory_space<hbm>>) target(%dma_start3A_3 : memref<632x128xf32, #tpu.memory_space<vmem_shared>>) target_semaphore(%arg17 : memref<!tpu.dma_semaphore, #tpu.memory_space<semaphore_mem>>)
    %dma_start3A_4 = arith.constant 0 : i32
    %dma_start3A_5 = arith.constant 0 : i32
    %dma_start3A_6 = arith.constant 0 : i32
    %dma_start3A_7 = tpu.memref_slice %arg7[%dma_start3A_4, %dma_start3A_5, %dma_start3A_6] : memref<2x32x128xi32, #tpu.memory_space<vmem>> -> memref<1x32x128xi32, #tpu.memory_space<vmem>>
    %dma_start3A_8 = tpu.memref_squeeze %dma_start3A_7 : memref<1x32x128xi32, #tpu.memory_space<vmem>> -> memref<32x128xi32, #tpu.memory_space<vmem>>
    %dma_start3A_9 = arith.constant 0 : i32
    %dma_start3A_10 = arith.constant 0 : i32
    %dma_start3A_11 = tpu.memref_slice %arg3[%add3A, %dma_start3A_9, %dma_start3A_10] : memref<32x160x128xi32, #tpu.memory_space<hbm>> -> memref<1x32x128xi32, #tpu.memory_space<hbm>>
    %dma_start3A_12 = tpu.memref_squeeze %dma_start3A_11 : memref<1x32x128xi32, #tpu.memory_space<hbm>> -> memref<32x128xi32, #tpu.memory_space<hbm>>
    %dma_start3A_13 = arith.constant 0 : i32
    %dma_start3A_14 = arith.constant 0 : i32
    %dma_start3A_15 = tpu.memref_slice %arg7[%dma_start3A_4, %dma_start3A_13, %dma_start3A_14] : memref<2x32x128xi32, #tpu.memory_space<vmem>> -> memref<1x32x128xi32, #tpu.memory_space<vmem>>
    %dma_start3A_16 = tpu.memref_squeeze %dma_start3A_15 : memref<1x32x128xi32, #tpu.memory_space<vmem>> -> memref<32x128xi32, #tpu.memory_space<vmem>>
    %dma_start3A_17 = arith.constant 0 : i32
    %dma_start3A_18 = arith.constant 0 : i32
    %dma_start3A_19 = tpu.memref_slice %arg3[%add3A, %dma_start3A_17, %dma_start3A_18] : memref<32x160x128xi32, #tpu.memory_space<hbm>> -> memref<1x32x128xi32, #tpu.memory_space<hbm>>
    %dma_start3A_20 = tpu.memref_squeeze %dma_start3A_19 : memref<1x32x128xi32, #tpu.memory_space<hbm>> -> memref<32x128xi32, #tpu.memory_space<hbm>>
    tpu.enqueue_dma source(%dma_start3A_20 : memref<32x128xi32, #tpu.memory_space<hbm>>) target(%dma_start3A_16 : memref<32x128xi32, #tpu.memory_space<vmem>>) target_semaphore(%arg16 : memref<!tpu.dma_semaphore, #tpu.memory_space<semaphore_mem>>)
    %dma_start3A_21 = arith.constant 0 : i32
    %dma_start3A_22 = arith.constant 0 : i32
    %dma_start3A_23 = arith.constant 0 : i32
    %dma_start3A_24 = tpu.memref_slice %arg8[%dma_start3A_21, %dma_start3A_22, %dma_start3A_23] : memref<2x32x128xi32, #tpu.memory_space<vmem>> -> memref<1x32x128xi32, #tpu.memory_space<vmem>>
    %dma_start3A_25 = tpu.memref_squeeze %dma_start3A_24 : memref<1x32x128xi32, #tpu.memory_space<vmem>> -> memref<32x128xi32, #tpu.memory_space<vmem>>
    %dma_start3A_26 = arith.constant 0 : i32
    %dma_start3A_27 = arith.constant 0 : i32
    %dma_start3A_28 = tpu.memref_slice %arg4[%add3A, %dma_start3A_26, %dma_start3A_27] : memref<32x160x128xi32, #tpu.memory_space<hbm>> -> memref<1x32x128xi32, #tpu.memory_space<hbm>>
    %dma_start3A_29 = tpu.memref_squeeze %dma_start3A_28 : memref<1x32x128xi32, #tpu.memory_space<hbm>> -> memref<32x128xi32, #tpu.memory_space<hbm>>
    %dma_start3A_30 = arith.constant 0 : i32
    %dma_start3A_31 = arith.constant 0 : i32
    %dma_start3A_32 = tpu.memref_slice %arg8[%dma_start3A_21, %dma_start3A_30, %dma_start3A_31] : memref<2x32x128xi32, #tpu.memory_space<vmem>> -> memref<1x32x128xi32, #tpu.memory_space<vmem>>
    %dma_start3A_33 = tpu.memref_squeeze %dma_start3A_32 : memref<1x32x128xi32, #tpu.memory_space<vmem>> -> memref<32x128xi32, #tpu.memory_space<vmem>>
    %dma_start3A_34 = arith.constant 0 : i32
    %dma_start3A_35 = arith.constant 0 : i32
    %dma_start3A_36 = tpu.memref_slice %arg4[%add3A, %dma_start3A_34, %dma_start3A_35] : memref<32x160x128xi32, #tpu.memory_space<hbm>> -> memref<1x32x128xi32, #tpu.memory_space<hbm>>
    %dma_start3A_37 = tpu.memref_squeeze %dma_start3A_36 : memref<1x32x128xi32, #tpu.memory_space<hbm>> -> memref<32x128xi32, #tpu.memory_space<hbm>>
    tpu.enqueue_dma source(%dma_start3A_37 : memref<32x128xi32, #tpu.memory_space<hbm>>) target(%dma_start3A_33 : memref<32x128xi32, #tpu.memory_space<vmem>>) target_semaphore(%arg16 : memref<!tpu.dma_semaphore, #tpu.memory_space<semaphore_mem>>)
    %dma_wait3A = arith.constant 0 : i32
    %dma_wait3A_38 = arith.constant 0 : i32
    %dma_wait3A_39 = arith.constant 0 : i32
    %dma_wait3A_40 = arith.constant 0 : i32
    %dma_wait3A_41 = tpu.memref_slice %arg7[%dma_wait3A_38, %dma_wait3A_39, %dma_wait3A_40] : memref<2x32x128xi32, #tpu.memory_space<vmem>> -> memref<1x32x128xi32, #tpu.memory_space<vmem>>
    %dma_wait3A_42 = tpu.memref_squeeze %dma_wait3A_41 : memref<1x32x128xi32, #tpu.memory_space<vmem>> -> memref<32x128xi32, #tpu.memory_space<vmem>>
    %dma_wait3A_43 = arith.constant 0 : i32
    %dma_wait3A_44 = arith.constant 0 : i32
    %dma_wait3A_45 = tpu.memref_slice %arg3[%dma_wait3A, %dma_wait3A_43, %dma_wait3A_44] : memref<32x160x128xi32, #tpu.memory_space<hbm>> -> memref<1x32x128xi32, #tpu.memory_space<hbm>>
    %dma_wait3A_46 = tpu.memref_squeeze %dma_wait3A_45 : memref<1x32x128xi32, #tpu.memory_space<hbm>> -> memref<32x128xi32, #tpu.memory_space<hbm>>
    %dma_wait3A_47 = arith.constant 0 : i32
    %dma_wait3A_48 = arith.constant 0 : i32
    %dma_wait3A_49 = tpu.memref_slice %arg7[%dma_wait3A_38, %dma_wait3A_47, %dma_wait3A_48] : memref<2x32x128xi32, #tpu.memory_space<vmem>> -> memref<1x32x128xi32, #tpu.memory_space<vmem>>
    %dma_wait3A_50 = tpu.memref_squeeze %dma_wait3A_49 : memref<1x32x128xi32, #tpu.memory_space<vmem>> -> memref<32x128xi32, #tpu.memory_space<vmem>>
    %dma_wait3A_51 = arith.constant 0 : i32
    %dma_wait3A_52 = arith.constant 0 : i32
    %dma_wait3A_53 = tpu.memref_slice %arg3[%dma_wait3A, %dma_wait3A_51, %dma_wait3A_52] : memref<32x160x128xi32, #tpu.memory_space<hbm>> -> memref<1x32x128xi32, #tpu.memory_space<hbm>>
    %dma_wait3A_54 = tpu.memref_squeeze %dma_wait3A_53 : memref<1x32x128xi32, #tpu.memory_space<hbm>> -> memref<32x128xi32, #tpu.memory_space<hbm>>
    tpu.wait_dma2 semaphore(%arg16 : memref<!tpu.dma_semaphore, #tpu.memory_space<semaphore_mem>>) src(%dma_wait3A_54 : memref<32x128xi32, #tpu.memory_space<hbm>>) dst(%dma_wait3A_50 : memref<32x128xi32, #tpu.memory_space<vmem>>)
    %dma_wait3A_55 = arith.constant 0 : i32
    %dma_wait3A_56 = arith.constant 0 : i32
    %dma_wait3A_57 = arith.constant 0 : i32
    %dma_wait3A_58 = arith.constant 0 : i32
    %dma_wait3A_59 = tpu.memref_slice %arg8[%dma_wait3A_56, %dma_wait3A_57, %dma_wait3A_58] : memref<2x32x128xi32, #tpu.memory_space<vmem>> -> memref<1x32x128xi32, #tpu.memory_space<vmem>>
    %dma_wait3A_60 = tpu.memref_squeeze %dma_wait3A_59 : memref<1x32x128xi32, #tpu.memory_space<vmem>> -> memref<32x128xi32, #tpu.memory_space<vmem>>
    %dma_wait3A_61 = arith.constant 0 : i32
    %dma_wait3A_62 = arith.constant 0 : i32
    %dma_wait3A_63 = tpu.memref_slice %arg4[%dma_wait3A_55, %dma_wait3A_61, %dma_wait3A_62] : memref<32x160x128xi32, #tpu.memory_space<hbm>> -> memref<1x32x128xi32, #tpu.memory_space<hbm>>
    %dma_wait3A_64 = tpu.memref_squeeze %dma_wait3A_63 : memref<1x32x128xi32, #tpu.memory_space<hbm>> -> memref<32x128xi32, #tpu.memory_space<hbm>>
    %dma_wait3A_65 = arith.constant 0 : i32
    %dma_wait3A_66 = arith.constant 0 : i32
    %dma_wait3A_67 = tpu.memref_slice %arg8[%dma_wait3A_56, %dma_wait3A_65, %dma_wait3A_66] : memref<2x32x128xi32, #tpu.memory_space<vmem>> -> memref<1x32x128xi32, #tpu.memory_space<vmem>>
    %dma_wait3A_68 = tpu.memref_squeeze %dma_wait3A_67 : memref<1x32x128xi32, #tpu.memory_space<vmem>> -> memref<32x128xi32, #tpu.memory_space<vmem>>
    %dma_wait3A_69 = arith.constant 0 : i32
    %dma_wait3A_70 = arith.constant 0 : i32
    %dma_wait3A_71 = tpu.memref_slice %arg4[%dma_wait3A_55, %dma_wait3A_69, %dma_wait3A_70] : memref<32x160x128xi32, #tpu.memory_space<hbm>> -> memref<1x32x128xi32, #tpu.memory_space<hbm>>
    %dma_wait3A_72 = tpu.memref_squeeze %dma_wait3A_71 : memref<1x32x128xi32, #tpu.memory_space<hbm>> -> memref<32x128xi32, #tpu.memory_space<hbm>>
    tpu.wait_dma2 semaphore(%arg16 : memref<!tpu.dma_semaphore, #tpu.memory_space<semaphore_mem>>) src(%dma_wait3A_72 : memref<32x128xi32, #tpu.memory_space<hbm>>) dst(%dma_wait3A_68 : memref<32x128xi32, #tpu.memory_space<vmem>>)
    %dma_start3A_73 = arith.constant 0 : i32
    %dma_start3A_74 = arith.constant 0 : i32
    %dma_start3A_75 = arith.constant 0 : i32
    %dma_start3A_76 = tpu.memref_slice %arg7[%dma_start3A_73, %dma_start3A_74, %dma_start3A_75] : memref<2x32x128xi32, #tpu.memory_space<vmem>> -> memref<1x1x128xi32, #tpu.memory_space<vmem>>
    %dma_start3A_77 = tpu.memref_squeeze %dma_start3A_76 : memref<1x1x128xi32, #tpu.memory_space<vmem>> -> memref<128xi32, #tpu.memory_space<vmem>>
    %dma_start3A_78 = arith.constant 0 : i32
    %dma_start3A_79 = arith.constant 0 : i32
    %dma_start3A_80 = tpu.memref_slice %arg2[%dma_start3A_78, %dma_start3A_79] : memref<20000x128xf32, #tpu.memory_space<hbm>> -> memref<20000x128xf32, #tpu.memory_space<hbm>>
    tpu.enqueue_indirect_dma source(%dma_start3A_80 : memref<20000x128xf32, #tpu.memory_space<hbm>>) target(%arg9 : memref<128x128xf32, #tpu.memory_space<vmem>>) offsets(%dma_start3A_77 : memref<128xi32, #tpu.memory_space<vmem>>) semaphore(%arg12 : memref<!tpu.dma_semaphore, #tpu.memory_space<semaphore_mem>>)
    %dma_start3A_81 = arith.constant 0 : i32
    %dma_start3A_82 = arith.constant 1 : i32
    %dma_start3A_83 = arith.constant 0 : i32
    %dma_start3A_84 = tpu.memref_slice %arg7[%dma_start3A_81, %dma_start3A_82, %dma_start3A_83] : memref<2x32x128xi32, #tpu.memory_space<vmem>> -> memref<1x1x128xi32, #tpu.memory_space<vmem>>
    %dma_start3A_85 = tpu.memref_squeeze %dma_start3A_84 : memref<1x1x128xi32, #tpu.memory_space<vmem>> -> memref<128xi32, #tpu.memory_space<vmem>>
    %dma_start3A_86 = arith.constant 0 : i32
    %dma_start3A_87 = arith.constant 0 : i32
    %dma_start3A_88 = tpu.memref_slice %arg2[%dma_start3A_86, %dma_start3A_87] : memref<20000x128xf32, #tpu.memory_space<hbm>> -> memref<20000x128xf32, #tpu.memory_space<hbm>>
    tpu.enqueue_indirect_dma source(%dma_start3A_88 : memref<20000x128xf32, #tpu.memory_space<hbm>>) target(%arg10 : memref<128x128xf32, #tpu.memory_space<vmem>>) offsets(%dma_start3A_85 : memref<128xi32, #tpu.memory_space<vmem>>) semaphore(%arg13 : memref<!tpu.dma_semaphore, #tpu.memory_space<semaphore_mem>>)
    %mul3A_89 = arith.constant 632 : i32
    %mul3A_90 = arith.muli %arg1, %mul3A_89 : i32
    %dma_wait3A_91 = arith.constant 0 : i32
    %dma_wait3A_92 = tpu.memref_slice %arg11[%mul3A_90, %dma_wait3A_91] : memref<10112x128xf32, #tpu.memory_space<vmem_shared>> -> memref<632x128xf32, #tpu.memory_space<vmem_shared>>
    tpu.wait_dma2 semaphore(%arg17 : memref<!tpu.dma_semaphore, #tpu.memory_space<semaphore_mem>>) src(%arg5 : memref<632x128xf32, #tpu.memory_space<hbm>>) dst(%dma_wait3A_92 : memref<632x128xf32, #tpu.memory_space<vmem_shared>>)
    %barrier3A = arith.constant 0 : index
    tpu.barrier barrier_id(%barrier3A)
    %scan3A = arith.constant 0 : i32
    %scan3A_93 = arith.constant 0 : i32
    %scan3A_94 = arith.constant 80 : i32
    %scan3A_95 = arith.addi %scan3A_93, %scan3A_94 : i32
    %scan3A_96 = arith.constant 1 : i32
    scf.for %scan3A_108 = %scan3A_93 to %scan3A_95 step %scan3A_96  : i32 {
      %mul3A_109 = arith.constant 2 : i32
      %mul3A_110 = arith.muli %scan3A_108, %mul3A_109 : i32
      %jit3A = arith.constant 32 : i32
      %eq3A_111 = arith.constant 0 : i32
      %eq3A_112 = arith.cmpi eq, %jit3A, %eq3A_111 : i32
      %jit3A_113 = arith.constant 1 : i32
      %select_n3A = arith.select %eq3A_112, %jit3A_113, %jit3A : i32
      %rem3A = arith.remsi %mul3A_110, %select_n3A : i32
      %ne3A = arith.constant 0 : i32
      %ne3A_114 = arith.cmpi ne, %rem3A, %ne3A : i32
      %lt3A = arith.constant 0 : i32
      %lt3A_115 = arith.cmpi slt, %rem3A, %lt3A : i32
      %lt3A_116 = arith.constant 0 : i32
      %lt3A_117 = arith.cmpi slt, %select_n3A, %lt3A_116 : i32
      %ne3A_118 = arith.xori %lt3A_115, %lt3A_117 : i1
      %and3A = arith.andi %ne3A_118, %ne3A_114 : i1
      %add3A_119 = arith.addi %rem3A, %select_n3A : i32
      %select_n3A_120 = arith.select %and3A, %add3A_119, %rem3A : i32
      %eq3A_121 = arith.constant 0 : i32
      %eq3A_122 = arith.cmpi eq, %select_n3A_120, %eq3A_121 : i32
      %gt3A = arith.constant 0 : i32
      %gt3A_123 = arith.cmpi sgt, %mul3A_110, %gt3A : i32
      %and3A_124 = arith.andi %eq3A_122, %gt3A_123 : i1
      %convert_element_type3A_125 = arith.extui %and3A_124 : i1 to i32
      %cond3A_126 = arith.constant 0 : i32
      %cond3A_127 = arith.cmpi ne, %convert_element_type3A_125, %cond3A_126 : i32
      scf.if %cond3A_127 {
        %dma_wait3A_329 = arith.constant 0 : i32
        %dma_wait3A_330 = arith.constant 0 : i32
        %dma_wait3A_331 = arith.constant 0 : i32
        %dma_wait3A_332 = arith.constant 0 : i32
        %dma_wait3A_333 = tpu.memref_slice %arg7[%dma_wait3A_330, %dma_wait3A_331, %dma_wait3A_332] : memref<2x32x128xi32, #tpu.memory_space<vmem>> -> memref<1x32x128xi32, #tpu.memory_space<vmem>>
        %dma_wait3A_334 = tpu.memref_squeeze %dma_wait3A_333 : memref<1x32x128xi32, #tpu.memory_space<vmem>> -> memref<32x128xi32, #tpu.memory_space<vmem>>
        %dma_wait3A_335 = arith.constant 0 : i32
        %dma_wait3A_336 = arith.constant 0 : i32
        %dma_wait3A_337 = tpu.memref_slice %arg3[%dma_wait3A_329, %dma_wait3A_335, %dma_wait3A_336] : memref<32x160x128xi32, #tpu.memory_space<hbm>> -> memref<1x32x128xi32, #tpu.memory_space<hbm>>
        %dma_wait3A_338 = tpu.memref_squeeze %dma_wait3A_337 : memref<1x32x128xi32, #tpu.memory_space<hbm>> -> memref<32x128xi32, #tpu.memory_space<hbm>>
        %dma_wait3A_339 = arith.constant 0 : i32
        %dma_wait3A_340 = arith.constant 0 : i32
        %dma_wait3A_341 = tpu.memref_slice %arg7[%dma_wait3A_330, %dma_wait3A_339, %dma_wait3A_340] : memref<2x32x128xi32, #tpu.memory_space<vmem>> -> memref<1x32x128xi32, #tpu.memory_space<vmem>>
        %dma_wait3A_342 = tpu.memref_squeeze %dma_wait3A_341 : memref<1x32x128xi32, #tpu.memory_space<vmem>> -> memref<32x128xi32, #tpu.memory_space<vmem>>
        %dma_wait3A_343 = arith.constant 0 : i32
        %dma_wait3A_344 = arith.constant 0 : i32
        %dma_wait3A_345 = tpu.memref_slice %arg3[%dma_wait3A_329, %dma_wait3A_343, %dma_wait3A_344] : memref<32x160x128xi32, #tpu.memory_space<hbm>> -> memref<1x32x128xi32, #tpu.memory_space<hbm>>
        %dma_wait3A_346 = tpu.memref_squeeze %dma_wait3A_345 : memref<1x32x128xi32, #tpu.memory_space<hbm>> -> memref<32x128xi32, #tpu.memory_space<hbm>>
        tpu.wait_dma2 semaphore(%arg16 : memref<!tpu.dma_semaphore, #tpu.memory_space<semaphore_mem>>) src(%dma_wait3A_346 : memref<32x128xi32, #tpu.memory_space<hbm>>) dst(%dma_wait3A_342 : memref<32x128xi32, #tpu.memory_space<vmem>>)
        %dma_wait3A_347 = arith.constant 0 : i32
        %dma_wait3A_348 = arith.constant 0 : i32
        %dma_wait3A_349 = arith.constant 0 : i32
        %dma_wait3A_350 = arith.constant 0 : i32
        %dma_wait3A_351 = tpu.memref_slice %arg8[%dma_wait3A_348, %dma_wait3A_349, %dma_wait3A_350] : memref<2x32x128xi32, #tpu.memory_space<vmem>> -> memref<1x32x128xi32, #tpu.memory_space<vmem>>
        %dma_wait3A_352 = tpu.memref_squeeze %dma_wait3A_351 : memref<1x32x128xi32, #tpu.memory_space<vmem>> -> memref<32x128xi32, #tpu.memory_space<vmem>>
        %dma_wait3A_353 = arith.constant 0 : i32
        %dma_wait3A_354 = arith.constant 0 : i32
        %dma_wait3A_355 = tpu.memref_slice %arg4[%dma_wait3A_347, %dma_wait3A_353, %dma_wait3A_354] : memref<32x160x128xi32, #tpu.memory_space<hbm>> -> memref<1x32x128xi32, #tpu.memory_space<hbm>>
        %dma_wait3A_356 = tpu.memref_squeeze %dma_wait3A_355 : memref<1x32x128xi32, #tpu.memory_space<hbm>> -> memref<32x128xi32, #tpu.memory_space<hbm>>
        %dma_wait3A_357 = arith.constant 0 : i32
        %dma_wait3A_358 = arith.constant 0 : i32
        %dma_wait3A_359 = tpu.memref_slice %arg8[%dma_wait3A_348, %dma_wait3A_357, %dma_wait3A_358] : memref<2x32x128xi32, #tpu.memory_space<vmem>> -> memref<1x32x128xi32, #tpu.memory_space<vmem>>
        %dma_wait3A_360 = tpu.memref_squeeze %dma_wait3A_359 : memref<1x32x128xi32, #tpu.memory_space<vmem>> -> memref<32x128xi32, #tpu.memory_space<vmem>>
        %dma_wait3A_361 = arith.constant 0 : i32
        %dma_wait3A_362 = arith.constant 0 : i32
        %dma_wait3A_363 = tpu.memref_slice %arg4[%dma_wait3A_347, %dma_wait3A_361, %dma_wait3A_362] : memref<32x160x128xi32, #tpu.memory_space<hbm>> -> memref<1x32x128xi32, #tpu.memory_space<hbm>>
        %dma_wait3A_364 = tpu.memref_squeeze %dma_wait3A_363 : memref<1x32x128xi32, #tpu.memory_space<hbm>> -> memref<32x128xi32, #tpu.memory_space<hbm>>
        tpu.wait_dma2 semaphore(%arg16 : memref<!tpu.dma_semaphore, #tpu.memory_space<semaphore_mem>>) src(%dma_wait3A_364 : memref<32x128xi32, #tpu.memory_space<hbm>>) dst(%dma_wait3A_360 : memref<32x128xi32, #tpu.memory_space<vmem>>)
      } else {
      }
      %eq3A_128 = arith.constant 6 : i32
      %eq3A_129 = arith.cmpi eq, %select_n3A_120, %eq3A_128 : i32
      %jit3A_130 = arith.constant 32 : i32
      %div3A = arith.divsi %mul3A_110, %jit3A_130 : i32
      %sign3A = arith.constant 0 : i32
      %sign3A_131 = arith.cmpi sgt, %mul3A_110, %sign3A : i32
      %sign3A_132 = arith.extui %sign3A_131 : i1 to i32
      %sign3A_133 = arith.constant 0 : i32
      %sign3A_134 = arith.cmpi slt, %mul3A_110, %sign3A_133 : i32
      %sign3A_135 = arith.extui %sign3A_134 : i1 to i32
      %sign3A_136 = arith.subi %sign3A_132, %sign3A_135 : i32
      %sign3A_137 = arith.constant 0 : i32
      %sign3A_138 = arith.cmpi sgt, %jit3A_130, %sign3A_137 : i32
      %sign3A_139 = arith.extui %sign3A_138 : i1 to i32
      %sign3A_140 = arith.constant 0 : i32
      %sign3A_141 = arith.cmpi slt, %jit3A_130, %sign3A_140 : i32
      %sign3A_142 = arith.extui %sign3A_141 : i1 to i32
      %sign3A_143 = arith.subi %sign3A_139, %sign3A_142 : i32
      %ne3A_144 = arith.cmpi ne, %sign3A_136, %sign3A_143 : i32
      %rem3A_145 = arith.remsi %mul3A_110, %jit3A_130 : i32
      %ne3A_146 = arith.constant 0 : i32
      %ne3A_147 = arith.cmpi ne, %rem3A_145, %ne3A_146 : i32
      %and3A_148 = arith.andi %ne3A_144, %ne3A_147 : i1
      %sub3A = arith.constant 1 : i32
      %sub3A_149 = arith.subi %div3A, %sub3A : i32
      %select_n3A_150 = arith.select %and3A_148, %sub3A_149, %div3A : i32
      %lt3A_151 = arith.constant 4 : i32
      %lt3A_152 = arith.cmpi slt, %select_n3A_150, %lt3A_151 : i32
      %and3A_153 = arith.andi %eq3A_129, %lt3A_152 : i1
      %convert_element_type3A_154 = arith.extui %and3A_153 : i1 to i32
      %cond3A_155 = arith.constant 0 : i32
      %cond3A_156 = arith.cmpi ne, %convert_element_type3A_154, %cond3A_155 : i32
      scf.if %cond3A_156 {
        %jit3A_329 = arith.constant 32 : i32
        %div3A_330 = arith.divsi %mul3A_110, %jit3A_329 : i32
        %sign3A_331 = arith.constant 0 : i32
        %sign3A_332 = arith.cmpi sgt, %mul3A_110, %sign3A_331 : i32
        %sign3A_333 = arith.extui %sign3A_332 : i1 to i32
        %sign3A_334 = arith.constant 0 : i32
        %sign3A_335 = arith.cmpi slt, %mul3A_110, %sign3A_334 : i32
        %sign3A_336 = arith.extui %sign3A_335 : i1 to i32
        %sign3A_337 = arith.subi %sign3A_333, %sign3A_336 : i32
        %sign3A_338 = arith.constant 0 : i32
        %sign3A_339 = arith.cmpi sgt, %jit3A_329, %sign3A_338 : i32
        %sign3A_340 = arith.extui %sign3A_339 : i1 to i32
        %sign3A_341 = arith.constant 0 : i32
        %sign3A_342 = arith.cmpi slt, %jit3A_329, %sign3A_341 : i32
        %sign3A_343 = arith.extui %sign3A_342 : i1 to i32
        %sign3A_344 = arith.subi %sign3A_340, %sign3A_343 : i32
        %ne3A_345 = arith.cmpi ne, %sign3A_337, %sign3A_344 : i32
        %rem3A_346 = arith.remsi %mul3A_110, %jit3A_329 : i32
        %ne3A_347 = arith.constant 0 : i32
        %ne3A_348 = arith.cmpi ne, %rem3A_346, %ne3A_347 : i32
        %and3A_349 = arith.andi %ne3A_345, %ne3A_348 : i1
        %sub3A_350 = arith.constant 1 : i32
        %sub3A_351 = arith.subi %div3A_330, %sub3A_350 : i32
        %select_n3A_352 = arith.select %and3A_349, %sub3A_351, %div3A_330 : i32
        %add3A_353 = arith.constant 1 : i32
        %add3A_354 = arith.addi %select_n3A_352, %add3A_353 : i32
        %jit3A_355 = arith.constant 2 : i32
        %eq3A_356 = arith.constant 0 : i32
        %eq3A_357 = arith.cmpi eq, %jit3A_355, %eq3A_356 : i32
        %jit3A_358 = arith.constant 1 : i32
        %select_n3A_359 = arith.select %eq3A_357, %jit3A_358, %jit3A_355 : i32
        %rem3A_360 = arith.remsi %add3A_354, %select_n3A_359 : i32
        %ne3A_361 = arith.constant 0 : i32
        %ne3A_362 = arith.cmpi ne, %rem3A_360, %ne3A_361 : i32
        %lt3A_363 = arith.constant 0 : i32
        %lt3A_364 = arith.cmpi slt, %rem3A_360, %lt3A_363 : i32
        %lt3A_365 = arith.constant 0 : i32
        %lt3A_366 = arith.cmpi slt, %select_n3A_359, %lt3A_365 : i32
        %ne3A_367 = arith.xori %lt3A_364, %lt3A_366 : i1
        %and3A_368 = arith.andi %ne3A_367, %ne3A_362 : i1
        %add3A_369 = arith.addi %rem3A_360, %select_n3A_359 : i32
        %select_n3A_370 = arith.select %and3A_368, %add3A_369, %rem3A_360 : i32
        %mul3A_371 = arith.constant 32 : i32
        %mul3A_372 = arith.muli %add3A_354, %mul3A_371 : i32
        %dma_start3A_373 = arith.constant 0 : i32
        %dma_start3A_374 = arith.constant 0 : i32
        %dma_start3A_375 = tpu.memref_slice %arg7[%select_n3A_370, %dma_start3A_373, %dma_start3A_374] : memref<2x32x128xi32, #tpu.memory_space<vmem>> -> memref<1x32x128xi32, #tpu.memory_space<vmem>>
        %dma_start3A_376 = tpu.memref_squeeze %dma_start3A_375 : memref<1x32x128xi32, #tpu.memory_space<vmem>> -> memref<32x128xi32, #tpu.memory_space<vmem>>
        %dma_start3A_377 = arith.constant 0 : i32
        %dma_start3A_378 = tpu.memref_slice %arg3[%add3A, %mul3A_372, %dma_start3A_377] : memref<32x160x128xi32, #tpu.memory_space<hbm>> -> memref<1x32x128xi32, #tpu.memory_space<hbm>>
        %dma_start3A_379 = tpu.memref_squeeze %dma_start3A_378 : memref<1x32x128xi32, #tpu.memory_space<hbm>> -> memref<32x128xi32, #tpu.memory_space<hbm>>
        %dma_start3A_380 = arith.constant 0 : i32
        %dma_start3A_381 = arith.constant 0 : i32
        %dma_start3A_382 = tpu.memref_slice %arg7[%select_n3A_370, %dma_start3A_380, %dma_start3A_381] : memref<2x32x128xi32, #tpu.memory_space<vmem>> -> memref<1x32x128xi32, #tpu.memory_space<vmem>>
        %dma_start3A_383 = tpu.memref_squeeze %dma_start3A_382 : memref<1x32x128xi32, #tpu.memory_space<vmem>> -> memref<32x128xi32, #tpu.memory_space<vmem>>
        %dma_start3A_384 = arith.constant 0 : i32
        %dma_start3A_385 = tpu.memref_slice %arg3[%add3A, %mul3A_372, %dma_start3A_384] : memref<32x160x128xi32, #tpu.memory_space<hbm>> -> memref<1x32x128xi32, #tpu.memory_space<hbm>>
        %dma_start3A_386 = tpu.memref_squeeze %dma_start3A_385 : memref<1x32x128xi32, #tpu.memory_space<hbm>> -> memref<32x128xi32, #tpu.memory_space<hbm>>
        tpu.enqueue_dma source(%dma_start3A_386 : memref<32x128xi32, #tpu.memory_space<hbm>>) target(%dma_start3A_383 : memref<32x128xi32, #tpu.memory_space<vmem>>) target_semaphore(%arg16 : memref<!tpu.dma_semaphore, #tpu.memory_space<semaphore_mem>>)
        %mul3A_387 = arith.constant 32 : i32
        %mul3A_388 = arith.muli %add3A_354, %mul3A_387 : i32
        %dma_start3A_389 = arith.constant 0 : i32
        %dma_start3A_390 = arith.constant 0 : i32
        %dma_start3A_391 = tpu.memref_slice %arg8[%select_n3A_370, %dma_start3A_389, %dma_start3A_390] : memref<2x32x128xi32, #tpu.memory_space<vmem>> -> memref<1x32x128xi32, #tpu.memory_space<vmem>>
        %dma_start3A_392 = tpu.memref_squeeze %dma_start3A_391 : memref<1x32x128xi32, #tpu.memory_space<vmem>> -> memref<32x128xi32, #tpu.memory_space<vmem>>
        %dma_start3A_393 = arith.constant 0 : i32
        %dma_start3A_394 = tpu.memref_slice %arg4[%add3A, %mul3A_388, %dma_start3A_393] : memref<32x160x128xi32, #tpu.memory_space<hbm>> -> memref<1x32x128xi32, #tpu.memory_space<hbm>>
        %dma_start3A_395 = tpu.memref_squeeze %dma_start3A_394 : memref<1x32x128xi32, #tpu.memory_space<hbm>> -> memref<32x128xi32, #tpu.memory_space<hbm>>
        %dma_start3A_396 = arith.constant 0 : i32
        %dma_start3A_397 = arith.constant 0 : i32
        %dma_start3A_398 = tpu.memref_slice %arg8[%select_n3A_370, %dma_start3A_396, %dma_start3A_397] : memref<2x32x128xi32, #tpu.memory_space<vmem>> -> memref<1x32x128xi32, #tpu.memory_space<vmem>>
        %dma_start3A_399 = tpu.memref_squeeze %dma_start3A_398 : memref<1x32x128xi32, #tpu.memory_space<vmem>> -> memref<32x128xi32, #tpu.memory_space<vmem>>
        %dma_start3A_400 = arith.constant 0 : i32
        %dma_start3A_401 = tpu.memref_slice %arg4[%add3A, %mul3A_388, %dma_start3A_400] : memref<32x160x128xi32, #tpu.memory_space<hbm>> -> memref<1x32x128xi32, #tpu.memory_space<hbm>>
        %dma_start3A_402 = tpu.memref_squeeze %dma_start3A_401 : memref<1x32x128xi32, #tpu.memory_space<hbm>> -> memref<32x128xi32, #tpu.memory_space<hbm>>
        tpu.enqueue_dma source(%dma_start3A_402 : memref<32x128xi32, #tpu.memory_space<hbm>>) target(%dma_start3A_399 : memref<32x128xi32, #tpu.memory_space<vmem>>) target_semaphore(%arg16 : memref<!tpu.dma_semaphore, #tpu.memory_space<semaphore_mem>>)
      } else {
      }
      %dma_wait3A_157 = arith.constant 0 : i32
      %dma_wait3A_158 = arith.constant 0 : i32
      %dma_wait3A_159 = arith.constant 0 : i32
      %dma_wait3A_160 = tpu.memref_slice %arg7[%dma_wait3A_157, %dma_wait3A_158, %dma_wait3A_159] : memref<2x32x128xi32, #tpu.memory_space<vmem>> -> memref<1x1x128xi32, #tpu.memory_space<vmem>>
      %dma_wait3A_161 = tpu.memref_squeeze %dma_wait3A_160 : memref<1x1x128xi32, #tpu.memory_space<vmem>> -> memref<128xi32, #tpu.memory_space<vmem>>
      %dma_wait3A_162 = arith.constant 0 : i32
      %dma_wait3A_163 = arith.constant 0 : i32
      %dma_wait3A_164 = tpu.memref_slice %arg2[%dma_wait3A_162, %dma_wait3A_163] : memref<20000x128xf32, #tpu.memory_space<hbm>> -> memref<20000x128xf32, #tpu.memory_space<hbm>>
      tpu.wait_indirect_dma semaphore(%arg12 : memref<!tpu.dma_semaphore, #tpu.memory_space<semaphore_mem>>) src(%dma_wait3A_164 : memref<20000x128xf32, #tpu.memory_space<hbm>>) dst(%arg9 : memref<128x128xf32, #tpu.memory_space<vmem>>)
      %jit3A_165 = arith.constant 32 : i32
      %div3A_166 = arith.divsi %mul3A_110, %jit3A_165 : i32
      %sign3A_167 = arith.constant 0 : i32
      %sign3A_168 = arith.cmpi sgt, %mul3A_110, %sign3A_167 : i32
      %sign3A_169 = arith.extui %sign3A_168 : i1 to i32
      %sign3A_170 = arith.constant 0 : i32
      %sign3A_171 = arith.cmpi slt, %mul3A_110, %sign3A_170 : i32
      %sign3A_172 = arith.extui %sign3A_171 : i1 to i32
      %sign3A_173 = arith.subi %sign3A_169, %sign3A_172 : i32
      %sign3A_174 = arith.constant 0 : i32
      %sign3A_175 = arith.cmpi sgt, %jit3A_165, %sign3A_174 : i32
      %sign3A_176 = arith.extui %sign3A_175 : i1 to i32
      %sign3A_177 = arith.constant 0 : i32
      %sign3A_178 = arith.cmpi slt, %jit3A_165, %sign3A_177 : i32
      %sign3A_179 = arith.extui %sign3A_178 : i1 to i32
      %sign3A_180 = arith.subi %sign3A_176, %sign3A_179 : i32
      %ne3A_181 = arith.cmpi ne, %sign3A_173, %sign3A_180 : i32
      %rem3A_182 = arith.remsi %mul3A_110, %jit3A_165 : i32
      %ne3A_183 = arith.constant 0 : i32
      %ne3A_184 = arith.cmpi ne, %rem3A_182, %ne3A_183 : i32
      %and3A_185 = arith.andi %ne3A_181, %ne3A_184 : i1
      %sub3A_186 = arith.constant 1 : i32
      %sub3A_187 = arith.subi %div3A_166, %sub3A_186 : i32
      %select_n3A_188 = arith.select %and3A_185, %sub3A_187, %div3A_166 : i32
      %jit3A_189 = arith.constant 2 : i32
      %eq3A_190 = arith.constant 0 : i32
      %eq3A_191 = arith.cmpi eq, %jit3A_189, %eq3A_190 : i32
      %jit3A_192 = arith.constant 1 : i32
      %select_n3A_193 = arith.select %eq3A_191, %jit3A_192, %jit3A_189 : i32
      %rem3A_194 = arith.remsi %select_n3A_188, %select_n3A_193 : i32
      %ne3A_195 = arith.constant 0 : i32
      %ne3A_196 = arith.cmpi ne, %rem3A_194, %ne3A_195 : i32
      %lt3A_197 = arith.constant 0 : i32
      %lt3A_198 = arith.cmpi slt, %rem3A_194, %lt3A_197 : i32
      %lt3A_199 = arith.constant 0 : i32
      %lt3A_200 = arith.cmpi slt, %select_n3A_193, %lt3A_199 : i32
      %ne3A_201 = arith.xori %lt3A_198, %lt3A_200 : i1
      %and3A_202 = arith.andi %ne3A_201, %ne3A_196 : i1
      %add3A_203 = arith.addi %rem3A_194, %select_n3A_193 : i32
      %select_n3A_204 = arith.select %and3A_202, %add3A_203, %rem3A_194 : i32
      %jit3A_205 = arith.constant 32 : i32
      %eq3A_206 = arith.constant 0 : i32
      %eq3A_207 = arith.cmpi eq, %jit3A_205, %eq3A_206 : i32
      %jit3A_208 = arith.constant 1 : i32
      %select_n3A_209 = arith.select %eq3A_207, %jit3A_208, %jit3A_205 : i32
      %rem3A_210 = arith.remsi %mul3A_110, %select_n3A_209 : i32
      %ne3A_211 = arith.constant 0 : i32
      %ne3A_212 = arith.cmpi ne, %rem3A_210, %ne3A_211 : i32
      %lt3A_213 = arith.constant 0 : i32
      %lt3A_214 = arith.cmpi slt, %rem3A_210, %lt3A_213 : i32
      %lt3A_215 = arith.constant 0 : i32
      %lt3A_216 = arith.cmpi slt, %select_n3A_209, %lt3A_215 : i32
      %ne3A_217 = arith.xori %lt3A_214, %lt3A_216 : i1
      %and3A_218 = arith.andi %ne3A_217, %ne3A_212 : i1
      %add3A_219 = arith.addi %rem3A_210, %select_n3A_209 : i32
      %select_n3A_220 = arith.select %and3A_218, %add3A_219, %rem3A_210 : i32
      %dma_start3A_221 = arith.constant 0 : i32
      %dma_start3A_222 = tpu.memref_slice %arg8[%select_n3A_204, %select_n3A_220, %dma_start3A_221] : memref<2x32x128xi32, #tpu.memory_space<vmem>> -> memref<1x1x128xi32, #tpu.memory_space<vmem>>
      %dma_start3A_223 = tpu.memref_squeeze %dma_start3A_222 : memref<1x1x128xi32, #tpu.memory_space<vmem>> -> memref<128xi32, #tpu.memory_space<vmem>>
      %dma_start3A_224 = arith.constant 0 : i32
      %dma_start3A_225 = arith.constant 0 : i32
      %dma_start3A_226 = tpu.memref_slice %arg11[%dma_start3A_224, %dma_start3A_225] : memref<10112x128xf32, #tpu.memory_space<vmem_shared>> -> memref<10112x128xf32, #tpu.memory_space<vmem_shared>>
      tpu.enqueue_indirect_dma source(%arg9 : memref<128x128xf32, #tpu.memory_space<vmem>>) target(%dma_start3A_226 : memref<10112x128xf32, #tpu.memory_space<vmem_shared>>) offsets(%dma_start3A_223 : memref<128xi32, #tpu.memory_space<vmem>>) semaphore(%arg14 : memref<!tpu.dma_semaphore, #tpu.memory_space<semaphore_mem>>) {add = true}
      %dma_wait3A_227 = arith.constant 0 : i32
      %dma_wait3A_228 = arith.constant 0 : i32
      %dma_wait3A_229 = arith.constant 0 : i32
      %dma_wait3A_230 = tpu.memref_slice %arg7[%dma_wait3A_227, %dma_wait3A_228, %dma_wait3A_229] : memref<2x32x128xi32, #tpu.memory_space<vmem>> -> memref<1x1x128xi32, #tpu.memory_space<vmem>>
      %dma_wait3A_231 = tpu.memref_squeeze %dma_wait3A_230 : memref<1x1x128xi32, #tpu.memory_space<vmem>> -> memref<128xi32, #tpu.memory_space<vmem>>
      %dma_wait3A_232 = arith.constant 0 : i32
      %dma_wait3A_233 = arith.constant 0 : i32
      %dma_wait3A_234 = tpu.memref_slice %arg2[%dma_wait3A_232, %dma_wait3A_233] : memref<20000x128xf32, #tpu.memory_space<hbm>> -> memref<20000x128xf32, #tpu.memory_space<hbm>>
      tpu.wait_indirect_dma semaphore(%arg13 : memref<!tpu.dma_semaphore, #tpu.memory_space<semaphore_mem>>) src(%dma_wait3A_234 : memref<20000x128xf32, #tpu.memory_space<hbm>>) dst(%arg10 : memref<128x128xf32, #tpu.memory_space<vmem>>)
      %add3A_235 = arith.constant 1 : i32
      %add3A_236 = arith.addi %mul3A_110, %add3A_235 : i32
      %jit3A_237 = arith.constant 32 : i32
      %div3A_238 = arith.divsi %add3A_236, %jit3A_237 : i32
      %sign3A_239 = arith.constant 0 : i32
      %sign3A_240 = arith.cmpi sgt, %add3A_236, %sign3A_239 : i32
      %sign3A_241 = arith.extui %sign3A_240 : i1 to i32
      %sign3A_242 = arith.constant 0 : i32
      %sign3A_243 = arith.cmpi slt, %add3A_236, %sign3A_242 : i32
      %sign3A_244 = arith.extui %sign3A_243 : i1 to i32
      %sign3A_245 = arith.subi %sign3A_241, %sign3A_244 : i32
      %sign3A_246 = arith.constant 0 : i32
      %sign3A_247 = arith.cmpi sgt, %jit3A_237, %sign3A_246 : i32
      %sign3A_248 = arith.extui %sign3A_247 : i1 to i32
      %sign3A_249 = arith.constant 0 : i32
      %sign3A_250 = arith.cmpi slt, %jit3A_237, %sign3A_249 : i32
      %sign3A_251 = arith.extui %sign3A_250 : i1 to i32
      %sign3A_252 = arith.subi %sign3A_248, %sign3A_251 : i32
      %ne3A_253 = arith.cmpi ne, %sign3A_245, %sign3A_252 : i32
      %rem3A_254 = arith.remsi %add3A_236, %jit3A_237 : i32
      %ne3A_255 = arith.constant 0 : i32
      %ne3A_256 = arith.cmpi ne, %rem3A_254, %ne3A_255 : i32
      %and3A_257 = arith.andi %ne3A_253, %ne3A_256 : i1
      %sub3A_258 = arith.constant 1 : i32
      %sub3A_259 = arith.subi %div3A_238, %sub3A_258 : i32
      %select_n3A_260 = arith.select %and3A_257, %sub3A_259, %div3A_238 : i32
      %jit3A_261 = arith.constant 2 : i32
      %eq3A_262 = arith.constant 0 : i32
      %eq3A_263 = arith.cmpi eq, %jit3A_261, %eq3A_262 : i32
      %jit3A_264 = arith.constant 1 : i32
      %select_n3A_265 = arith.select %eq3A_263, %jit3A_264, %jit3A_261 : i32
      %rem3A_266 = arith.remsi %select_n3A_260, %select_n3A_265 : i32
      %ne3A_267 = arith.constant 0 : i32
      %ne3A_268 = arith.cmpi ne, %rem3A_266, %ne3A_267 : i32
      %lt3A_269 = arith.constant 0 : i32
      %lt3A_270 = arith.cmpi slt, %rem3A_266, %lt3A_269 : i32
      %lt3A_271 = arith.constant 0 : i32
      %lt3A_272 = arith.cmpi slt, %select_n3A_265, %lt3A_271 : i32
      %ne3A_273 = arith.xori %lt3A_270, %lt3A_272 : i1
      %and3A_274 = arith.andi %ne3A_273, %ne3A_268 : i1
      %add3A_275 = arith.addi %rem3A_266, %select_n3A_265 : i32
      %select_n3A_276 = arith.select %and3A_274, %add3A_275, %rem3A_266 : i32
      %jit3A_277 = arith.constant 32 : i32
      %eq3A_278 = arith.constant 0 : i32
      %eq3A_279 = arith.cmpi eq, %jit3A_277, %eq3A_278 : i32
      %jit3A_280 = arith.constant 1 : i32
      %select_n3A_281 = arith.select %eq3A_279, %jit3A_280, %jit3A_277 : i32
      %rem3A_282 = arith.remsi %add3A_236, %select_n3A_281 : i32
      %ne3A_283 = arith.constant 0 : i32
      %ne3A_284 = arith.cmpi ne, %rem3A_282, %ne3A_283 : i32
      %lt3A_285 = arith.constant 0 : i32
      %lt3A_286 = arith.cmpi slt, %rem3A_282, %lt3A_285 : i32
      %lt3A_287 = arith.constant 0 : i32
      %lt3A_288 = arith.cmpi slt, %select_n3A_281, %lt3A_287 : i32
      %ne3A_289 = arith.xori %lt3A_286, %lt3A_288 : i1
      %and3A_290 = arith.andi %ne3A_289, %ne3A_284 : i1
      %add3A_291 = arith.addi %rem3A_282, %select_n3A_281 : i32
      %select_n3A_292 = arith.select %and3A_290, %add3A_291, %rem3A_282 : i32
      %dma_start3A_293 = arith.constant 0 : i32
      %dma_start3A_294 = tpu.memref_slice %arg8[%select_n3A_276, %select_n3A_292, %dma_start3A_293] : memref<2x32x128xi32, #tpu.memory_space<vmem>> -> memref<1x1x128xi32, #tpu.memory_space<vmem>>
      %dma_start3A_295 = tpu.memref_squeeze %dma_start3A_294 : memref<1x1x128xi32, #tpu.memory_space<vmem>> -> memref<128xi32, #tpu.memory_space<vmem>>
      %dma_start3A_296 = arith.constant 0 : i32
      %dma_start3A_297 = arith.constant 0 : i32
      %dma_start3A_298 = tpu.memref_slice %arg11[%dma_start3A_296, %dma_start3A_297] : memref<10112x128xf32, #tpu.memory_space<vmem_shared>> -> memref<10112x128xf32, #tpu.memory_space<vmem_shared>>
      tpu.enqueue_indirect_dma source(%arg10 : memref<128x128xf32, #tpu.memory_space<vmem>>) target(%dma_start3A_298 : memref<10112x128xf32, #tpu.memory_space<vmem_shared>>) offsets(%dma_start3A_295 : memref<128xi32, #tpu.memory_space<vmem>>) semaphore(%arg15 : memref<!tpu.dma_semaphore, #tpu.memory_space<semaphore_mem>>) {add = true}
      %dma_wait3A_299 = arith.constant 0 : i32
      %dma_wait3A_300 = arith.constant 0 : i32
      %dma_wait3A_301 = arith.constant 0 : i32
      %dma_wait3A_302 = tpu.memref_slice %arg8[%dma_wait3A_299, %dma_wait3A_300, %dma_wait3A_301] : memref<2x32x128xi32, #tpu.memory_space<vmem>> -> memref<1x1x128xi32, #tpu.memory_space<vmem>>
      %dma_wait3A_303 = tpu.memref_squeeze %dma_wait3A_302 : memref<1x1x128xi32, #tpu.memory_space<vmem>> -> memref<128xi32, #tpu.memory_space<vmem>>
      %dma_wait3A_304 = arith.constant 0 : i32
      %dma_wait3A_305 = arith.constant 0 : i32
      %dma_wait3A_306 = tpu.memref_slice %arg11[%dma_wait3A_304, %dma_wait3A_305] : memref<10112x128xf32, #tpu.memory_space<vmem_shared>> -> memref<10112x128xf32, #tpu.memory_space<vmem_shared>>
      tpu.wait_indirect_dma semaphore(%arg14 : memref<!tpu.dma_semaphore, #tpu.memory_space<semaphore_mem>>) src(%arg9 : memref<128x128xf32, #tpu.memory_space<vmem>>) dst(%dma_wait3A_306 : memref<10112x128xf32, #tpu.memory_space<vmem_shared>>)
      %add3A_307 = arith.constant 2 : i32
      %add3A_308 = arith.addi %mul3A_110, %add3A_307 : i32
      %lt3A_309 = arith.constant 160 : i32
      %lt3A_310 = arith.cmpi slt, %add3A_308, %lt3A_309 : i32
      %convert_element_type3A_311 = arith.extui %lt3A_310 : i1 to i32
      %cond3A_312 = arith.constant 0 : i32
      %cond3A_313 = arith.cmpi ne, %convert_element_type3A_311, %cond3A_312 : i32
      scf.if %cond3A_313 {
        %add3A_329 = arith.constant 2 : i32
        %add3A_330 = arith.addi %mul3A_110, %add3A_329 : i32
        %jit3A_331 = arith.constant 32 : i32
        %div3A_332 = arith.divsi %add3A_330, %jit3A_331 : i32
        %sign3A_333 = arith.constant 0 : i32
        %sign3A_334 = arith.cmpi sgt, %add3A_330, %sign3A_333 : i32
        %sign3A_335 = arith.extui %sign3A_334 : i1 to i32
        %sign3A_336 = arith.constant 0 : i32
        %sign3A_337 = arith.cmpi slt, %add3A_330, %sign3A_336 : i32
        %sign3A_338 = arith.extui %sign3A_337 : i1 to i32
        %sign3A_339 = arith.subi %sign3A_335, %sign3A_338 : i32
        %sign3A_340 = arith.constant 0 : i32
        %sign3A_341 = arith.cmpi sgt, %jit3A_331, %sign3A_340 : i32
        %sign3A_342 = arith.extui %sign3A_341 : i1 to i32
        %sign3A_343 = arith.constant 0 : i32
        %sign3A_344 = arith.cmpi slt, %jit3A_331, %sign3A_343 : i32
        %sign3A_345 = arith.extui %sign3A_344 : i1 to i32
        %sign3A_346 = arith.subi %sign3A_342, %sign3A_345 : i32
        %ne3A_347 = arith.cmpi ne, %sign3A_339, %sign3A_346 : i32
        %rem3A_348 = arith.remsi %add3A_330, %jit3A_331 : i32
        %ne3A_349 = arith.constant 0 : i32
        %ne3A_350 = arith.cmpi ne, %rem3A_348, %ne3A_349 : i32
        %and3A_351 = arith.andi %ne3A_347, %ne3A_350 : i1
        %sub3A_352 = arith.constant 1 : i32
        %sub3A_353 = arith.subi %div3A_332, %sub3A_352 : i32
        %select_n3A_354 = arith.select %and3A_351, %sub3A_353, %div3A_332 : i32
        %jit3A_355 = arith.constant 2 : i32
        %eq3A_356 = arith.constant 0 : i32
        %eq3A_357 = arith.cmpi eq, %jit3A_355, %eq3A_356 : i32
        %jit3A_358 = arith.constant 1 : i32
        %select_n3A_359 = arith.select %eq3A_357, %jit3A_358, %jit3A_355 : i32
        %rem3A_360 = arith.remsi %select_n3A_354, %select_n3A_359 : i32
        %ne3A_361 = arith.constant 0 : i32
        %ne3A_362 = arith.cmpi ne, %rem3A_360, %ne3A_361 : i32
        %lt3A_363 = arith.constant 0 : i32
        %lt3A_364 = arith.cmpi slt, %rem3A_360, %lt3A_363 : i32
        %lt3A_365 = arith.constant 0 : i32
        %lt3A_366 = arith.cmpi slt, %select_n3A_359, %lt3A_365 : i32
        %ne3A_367 = arith.xori %lt3A_364, %lt3A_366 : i1
        %and3A_368 = arith.andi %ne3A_367, %ne3A_362 : i1
        %add3A_369 = arith.addi %rem3A_360, %select_n3A_359 : i32
        %select_n3A_370 = arith.select %and3A_368, %add3A_369, %rem3A_360 : i32
        %jit3A_371 = arith.constant 32 : i32
        %eq3A_372 = arith.constant 0 : i32
        %eq3A_373 = arith.cmpi eq, %jit3A_371, %eq3A_372 : i32
        %jit3A_374 = arith.constant 1 : i32
        %select_n3A_375 = arith.select %eq3A_373, %jit3A_374, %jit3A_371 : i32
        %rem3A_376 = arith.remsi %add3A_330, %select_n3A_375 : i32
        %ne3A_377 = arith.constant 0 : i32
        %ne3A_378 = arith.cmpi ne, %rem3A_376, %ne3A_377 : i32
        %lt3A_379 = arith.constant 0 : i32
        %lt3A_380 = arith.cmpi slt, %rem3A_376, %lt3A_379 : i32
        %lt3A_381 = arith.constant 0 : i32
        %lt3A_382 = arith.cmpi slt, %select_n3A_375, %lt3A_381 : i32
        %ne3A_383 = arith.xori %lt3A_380, %lt3A_382 : i1
        %and3A_384 = arith.andi %ne3A_383, %ne3A_378 : i1
        %add3A_385 = arith.addi %rem3A_376, %select_n3A_375 : i32
        %select_n3A_386 = arith.select %and3A_384, %add3A_385, %rem3A_376 : i32
        %dma_start3A_387 = arith.constant 0 : i32
        %dma_start3A_388 = tpu.memref_slice %arg7[%select_n3A_370, %select_n3A_386, %dma_start3A_387] : memref<2x32x128xi32, #tpu.memory_space<vmem>> -> memref<1x1x128xi32, #tpu.memory_space<vmem>>
        %dma_start3A_389 = tpu.memref_squeeze %dma_start3A_388 : memref<1x1x128xi32, #tpu.memory_space<vmem>> -> memref<128xi32, #tpu.memory_space<vmem>>
        %dma_start3A_390 = arith.constant 0 : i32
        %dma_start3A_391 = arith.constant 0 : i32
        %dma_start3A_392 = tpu.memref_slice %arg2[%dma_start3A_390, %dma_start3A_391] : memref<20000x128xf32, #tpu.memory_space<hbm>> -> memref<20000x128xf32, #tpu.memory_space<hbm>>
        tpu.enqueue_indirect_dma source(%dma_start3A_392 : memref<20000x128xf32, #tpu.memory_space<hbm>>) target(%arg9 : memref<128x128xf32, #tpu.memory_space<vmem>>) offsets(%dma_start3A_389 : memref<128xi32, #tpu.memory_space<vmem>>) semaphore(%arg12 : memref<!tpu.dma_semaphore, #tpu.memory_space<semaphore_mem>>)
      } else {
      }
      %dma_wait3A_314 = arith.constant 0 : i32
      %dma_wait3A_315 = arith.constant 0 : i32
      %dma_wait3A_316 = arith.constant 0 : i32
      %dma_wait3A_317 = tpu.memref_slice %arg8[%dma_wait3A_314, %dma_wait3A_315, %dma_wait3A_316] : memref<2x32x128xi32, #tpu.memory_space<vmem>> -> memref<1x1x128xi32, #tpu.memory_space<vmem>>
      %dma_wait3A_318 = tpu.memref_squeeze %dma_wait3A_317 : memref<1x1x128xi32, #tpu.memory_space<vmem>> -> memref<128xi32, #tpu.memory_space<vmem>>
      %dma_wait3A_319 = arith.constant 0 : i32
      %dma_wait3A_320 = arith.constant 0 : i32
      %dma_wait3A_321 = tpu.memref_slice %arg11[%dma_wait3A_319, %dma_wait3A_320] : memref<10112x128xf32, #tpu.memory_space<vmem_shared>> -> memref<10112x128xf32, #tpu.memory_space<vmem_shared>>
      tpu.wait_indirect_dma semaphore(%arg15 : memref<!tpu.dma_semaphore, #tpu.memory_space<semaphore_mem>>) src(%arg10 : memref<128x128xf32, #tpu.memory_space<vmem>>) dst(%dma_wait3A_321 : memref<10112x128xf32, #tpu.memory_space<vmem_shared>>)
      %add3A_322 = arith.constant 3 : i32
      %add3A_323 = arith.addi %mul3A_110, %add3A_322 : i32
      %lt3A_324 = arith.constant 160 : i32
      %lt3A_325 = arith.cmpi slt, %add3A_323, %lt3A_324 : i32
      %convert_element_type3A_326 = arith.extui %lt3A_325 : i1 to i32
      %cond3A_327 = arith.constant 0 : i32
      %cond3A_328 = arith.cmpi ne, %convert_element_type3A_326, %cond3A_327 : i32
      scf.if %cond3A_328 {
        %add3A_329 = arith.constant 3 : i32
        %add3A_330 = arith.addi %mul3A_110, %add3A_329 : i32
        %jit3A_331 = arith.constant 32 : i32
        %div3A_332 = arith.divsi %add3A_330, %jit3A_331 : i32
        %sign3A_333 = arith.constant 0 : i32
        %sign3A_334 = arith.cmpi sgt, %add3A_330, %sign3A_333 : i32
        %sign3A_335 = arith.extui %sign3A_334 : i1 to i32
        %sign3A_336 = arith.constant 0 : i32
        %sign3A_337 = arith.cmpi slt, %add3A_330, %sign3A_336 : i32
        %sign3A_338 = arith.extui %sign3A_337 : i1 to i32
        %sign3A_339 = arith.subi %sign3A_335, %sign3A_338 : i32
        %sign3A_340 = arith.constant 0 : i32
        %sign3A_341 = arith.cmpi sgt, %jit3A_331, %sign3A_340 : i32
        %sign3A_342 = arith.extui %sign3A_341 : i1 to i32
        %sign3A_343 = arith.constant 0 : i32
        %sign3A_344 = arith.cmpi slt, %jit3A_331, %sign3A_343 : i32
        %sign3A_345 = arith.extui %sign3A_344 : i1 to i32
        %sign3A_346 = arith.subi %sign3A_342, %sign3A_345 : i32
        %ne3A_347 = arith.cmpi ne, %sign3A_339, %sign3A_346 : i32
        %rem3A_348 = arith.remsi %add3A_330, %jit3A_331 : i32
        %ne3A_349 = arith.constant 0 : i32
        %ne3A_350 = arith.cmpi ne, %rem3A_348, %ne3A_349 : i32
        %and3A_351 = arith.andi %ne3A_347, %ne3A_350 : i1
        %sub3A_352 = arith.constant 1 : i32
        %sub3A_353 = arith.subi %div3A_332, %sub3A_352 : i32
        %select_n3A_354 = arith.select %and3A_351, %sub3A_353, %div3A_332 : i32
        %jit3A_355 = arith.constant 2 : i32
        %eq3A_356 = arith.constant 0 : i32
        %eq3A_357 = arith.cmpi eq, %jit3A_355, %eq3A_356 : i32
        %jit3A_358 = arith.constant 1 : i32
        %select_n3A_359 = arith.select %eq3A_357, %jit3A_358, %jit3A_355 : i32
        %rem3A_360 = arith.remsi %select_n3A_354, %select_n3A_359 : i32
        %ne3A_361 = arith.constant 0 : i32
        %ne3A_362 = arith.cmpi ne, %rem3A_360, %ne3A_361 : i32
        %lt3A_363 = arith.constant 0 : i32
        %lt3A_364 = arith.cmpi slt, %rem3A_360, %lt3A_363 : i32
        %lt3A_365 = arith.constant 0 : i32
        %lt3A_366 = arith.cmpi slt, %select_n3A_359, %lt3A_365 : i32
        %ne3A_367 = arith.xori %lt3A_364, %lt3A_366 : i1
        %and3A_368 = arith.andi %ne3A_367, %ne3A_362 : i1
        %add3A_369 = arith.addi %rem3A_360, %select_n3A_359 : i32
        %select_n3A_370 = arith.select %and3A_368, %add3A_369, %rem3A_360 : i32
        %jit3A_371 = arith.constant 32 : i32
        %eq3A_372 = arith.constant 0 : i32
        %eq3A_373 = arith.cmpi eq, %jit3A_371, %eq3A_372 : i32
        %jit3A_374 = arith.constant 1 : i32
        %select_n3A_375 = arith.select %eq3A_373, %jit3A_374, %jit3A_371 : i32
        %rem3A_376 = arith.remsi %add3A_330, %select_n3A_375 : i32
        %ne3A_377 = arith.constant 0 : i32
        %ne3A_378 = arith.cmpi ne, %rem3A_376, %ne3A_377 : i32
        %lt3A_379 = arith.constant 0 : i32
        %lt3A_380 = arith.cmpi slt, %rem3A_376, %lt3A_379 : i32
        %lt3A_381 = arith.constant 0 : i32
        %lt3A_382 = arith.cmpi slt, %select_n3A_375, %lt3A_381 : i32
        %ne3A_383 = arith.xori %lt3A_380, %lt3A_382 : i1
        %and3A_384 = arith.andi %ne3A_383, %ne3A_378 : i1
        %add3A_385 = arith.addi %rem3A_376, %select_n3A_375 : i32
        %select_n3A_386 = arith.select %and3A_384, %add3A_385, %rem3A_376 : i32
        %dma_start3A_387 = arith.constant 0 : i32
        %dma_start3A_388 = tpu.memref_slice %arg7[%select_n3A_370, %select_n3A_386, %dma_start3A_387] : memref<2x32x128xi32, #tpu.memory_space<vmem>> -> memref<1x1x128xi32, #tpu.memory_space<vmem>>
        %dma_start3A_389 = tpu.memref_squeeze %dma_start3A_388 : memref<1x1x128xi32, #tpu.memory_space<vmem>> -> memref<128xi32, #tpu.memory_space<vmem>>
        %dma_start3A_390 = arith.constant 0 : i32
        %dma_start3A_391 = arith.constant 0 : i32
        %dma_start3A_392 = tpu.memref_slice %arg2[%dma_start3A_390, %dma_start3A_391] : memref<20000x128xf32, #tpu.memory_space<hbm>> -> memref<20000x128xf32, #tpu.memory_space<hbm>>
        tpu.enqueue_indirect_dma source(%dma_start3A_392 : memref<20000x128xf32, #tpu.memory_space<hbm>>) target(%arg10 : memref<128x128xf32, #tpu.memory_space<vmem>>) offsets(%dma_start3A_389 : memref<128xi32, #tpu.memory_space<vmem>>) semaphore(%arg13 : memref<!tpu.dma_semaphore, #tpu.memory_space<semaphore_mem>>)
      } else {
      }
    }
    %scan3A_97 = arith.constant 80 : i32
    %barrier3A_98 = arith.constant 0 : index
    tpu.barrier barrier_id(%barrier3A_98)
    %mul3A_99 = arith.constant 624 : i32
    %mul3A_100 = arith.muli %arg1, %mul3A_99 : i32
    %mul3A_101 = arith.constant 10000 : i32
    %mul3A_102 = arith.muli %arg0, %mul3A_101 : i32
    %mul3A_103 = arith.constant 624 : i32
    %mul3A_104 = arith.muli %arg1, %mul3A_103 : i32
    %add3A_105 = arith.addi %mul3A_102, %mul3A_104 : i32
    "tpu.region"() ({
      %run_scoped3A = tpu.sem_alloc : memref<!tpu.dma_semaphore, #tpu.memory_space<semaphore_mem>>
      %dma_start3A_108 = arith.constant 0 : i32
      %dma_start3A_109 = tpu.memref_slice %arg6[%add3A_105, %dma_start3A_108] : memref<20000x128xf32, #tpu.memory_space<hbm>> -> memref<624x128xf32, #tpu.memory_space<hbm>>
      %dma_start3A_110 = arith.constant 0 : i32
      %dma_start3A_111 = tpu.memref_slice %arg11[%mul3A_100, %dma_start3A_110] : memref<10112x128xf32, #tpu.memory_space<vmem_shared>> -> memref<624x128xf32, #tpu.memory_space<vmem_shared>>
      tpu.enqueue_dma source(%dma_start3A_111 : memref<624x128xf32, #tpu.memory_space<vmem_shared>>) target(%dma_start3A_109 : memref<624x128xf32, #tpu.memory_space<hbm>>) target_semaphore(%run_scoped3A : memref<!tpu.dma_semaphore, #tpu.memory_space<semaphore_mem>>)
      %dma_wait3A_112 = arith.constant 0 : i32
      %dma_wait3A_113 = tpu.memref_slice %arg6[%add3A_105, %dma_wait3A_112] : memref<20000x128xf32, #tpu.memory_space<hbm>> -> memref<624x128xf32, #tpu.memory_space<hbm>>
      %dma_wait3A_114 = arith.constant 0 : i32
      %dma_wait3A_115 = tpu.memref_slice %arg11[%mul3A_100, %dma_wait3A_114] : memref<10112x128xf32, #tpu.memory_space<vmem_shared>> -> memref<624x128xf32, #tpu.memory_space<vmem_shared>>
      tpu.wait_dma2 semaphore(%run_scoped3A : memref<!tpu.dma_semaphore, #tpu.memory_space<semaphore_mem>>) src(%dma_wait3A_115 : memref<624x128xf32, #tpu.memory_space<vmem_shared>>) dst(%dma_wait3A_113 : memref<624x128xf32, #tpu.memory_space<hbm>>)
      tpu.yield
    }) : () -> ()
    %eq3A = arith.constant 15 : i32
    %eq3A_106 = arith.cmpi eq, %arg1, %eq3A : i32
    %convert_element_type3A = arith.extui %eq3A_106 : i1 to i32
    %cond3A = arith.constant 0 : i32
    %cond3A_107 = arith.cmpi ne, %convert_element_type3A, %cond3A : i32
    scf.if %cond3A_107 {
      %mul3A_108 = arith.constant 10000 : i32
      %mul3A_109 = arith.muli %arg0, %mul3A_108 : i32
      %add3A_110 = arith.constant 9984 : i32
      %add3A_111 = arith.addi %mul3A_109, %add3A_110 : i32
      "tpu.region"() ({
        %run_scoped3A = tpu.sem_alloc : memref<!tpu.dma_semaphore, #tpu.memory_space<semaphore_mem>>
        %dma_start3A_112 = arith.constant 0 : i32
        %dma_start3A_113 = tpu.memref_slice %arg6[%add3A_111, %dma_start3A_112] : memref<20000x128xf32, #tpu.memory_space<hbm>> -> memref<16x128xf32, #tpu.memory_space<hbm>>
        %dma_start3A_114 = arith.constant 9984 : i32
        %dma_start3A_115 = arith.constant 0 : i32
        %dma_start3A_116 = tpu.memref_slice %arg11[%dma_start3A_114, %dma_start3A_115] : memref<10112x128xf32, #tpu.memory_space<vmem_shared>> -> memref<16x128xf32, #tpu.memory_space<vmem_shared>>
        tpu.enqueue_dma source(%dma_start3A_116 : memref<16x128xf32, #tpu.memory_space<vmem_shared>>) target(%dma_start3A_113 : memref<16x128xf32, #tpu.memory_space<hbm>>) target_semaphore(%run_scoped3A : memref<!tpu.dma_semaphore, #tpu.memory_space<semaphore_mem>>)
        %dma_wait3A_117 = arith.constant 0 : i32
        %dma_wait3A_118 = tpu.memref_slice %arg6[%add3A_111, %dma_wait3A_117] : memref<20000x128xf32, #tpu.memory_space<hbm>> -> memref<16x128xf32, #tpu.memory_space<hbm>>
        %dma_wait3A_119 = arith.constant 9984 : i32
        %dma_wait3A_120 = arith.constant 0 : i32
        %dma_wait3A_121 = tpu.memref_slice %arg11[%dma_wait3A_119, %dma_wait3A_120] : memref<10112x128xf32, #tpu.memory_space<vmem_shared>> -> memref<16x128xf32, #tpu.memory_space<vmem_shared>>
        tpu.wait_dma2 semaphore(%run_scoped3A : memref<!tpu.dma_semaphore, #tpu.memory_space<semaphore_mem>>) src(%dma_wait3A_121 : memref<16x128xf32, #tpu.memory_space<vmem_shared>>) dst(%dma_wait3A_118 : memref<16x128xf32, #tpu.memory_space<hbm>>)
        tpu.yield
      }) : () -> ()
    } else {
    }
    return
  }
}

#map = affine_map<(d0, d1) -> (0, 0)>
#map1 = affine_map<(d0, d1) -> (0, 0, 0)>
module attributes {stable_mosaic.version = 14 : i64} {
  func.func @_sc_propagate(%arg0: i32, %arg1: i32, %arg2: memref<20000x128xf32, #tpu.memory_space<hbm>>, %arg3: memref<32x160x128xi32, #tpu.memory_space<hbm>>, %arg4: memref<32x160x128xi32, #tpu.memory_space<hbm>>, %arg5: memref<632x128xf32, #tpu.memory_space<hbm>>, %arg6: memref<20000x128xf32, #tpu.memory_space<hbm>>, %arg7: memref<2x32x128xi32, #tpu.memory_space<vmem>>, %arg8: memref<2x32x128xi32, #tpu.memory_space<vmem>>, %arg9: memref<128x128xf32, #tpu.memory_space<vmem>>, %arg10: memref<128x128xf32, #tpu.memory_space<vmem>>, %arg11: memref<10112x128xf32, #tpu.memory_space<vmem_shared>>, %arg12: memref<!tpu.dma_semaphore, #tpu.memory_space<semaphore_mem>>, %arg13: memref<!tpu.dma_semaphore, #tpu.memory_space<semaphore_mem>>, %arg14: memref<!tpu.dma_semaphore, #tpu.memory_space<semaphore_mem>>, %arg15: memref<!tpu.dma_semaphore, #tpu.memory_space<semaphore_mem>>, %arg16: memref<!tpu.dma_semaphore, #tpu.memory_space<semaphore_mem>>, %arg17: memref<!tpu.dma_semaphore, #tpu.memory_space<semaphore_mem>>) attributes {dimension_semantics = [#tpu.dimension_semantics<core_parallel>, #tpu.dimension_semantics<subcore_parallel>], iteration_bounds = array<i64: 2, 16>, scalar_prefetch = 0 : i64, scratch_operands = 11 : i64, tpu.core_type = #tpu.core_type<sc_vector_subcore>, window_params = [{transform_indices = #map}, {transform_indices = #map1}, {transform_indices = #map1}, {transform_indices = #map}, {transform_indices = #map}]} {
    %mul3A = arith.constant 16 : i32
    %mul3A_0 = arith.muli %arg0, %mul3A : i32
    %add3A = arith.addi %mul3A_0, %arg1 : i32
    %mul3A_1 = arith.constant 632 : i32
    %mul3A_2 = arith.muli %arg1, %mul3A_1 : i32
    %dma_start3A = arith.constant 0 : i32
    %dma_start3A_3 = tpu.memref_slice %arg11[%mul3A_2, %dma_start3A] : memref<10112x128xf32, #tpu.memory_space<vmem_shared>> -> memref<632x128xf32, #tpu.memory_space<vmem_shared>>
    tpu.enqueue_dma source(%arg5 : memref<632x128xf32, #tpu.memory_space<hbm>>) target(%dma_start3A_3 : memref<632x128xf32, #tpu.memory_space<vmem_shared>>) target_semaphore(%arg17 : memref<!tpu.dma_semaphore, #tpu.memory_space<semaphore_mem>>)
    %dma_start3A_4 = arith.constant 0 : i32
    %dma_start3A_5 = arith.constant 0 : i32
    %dma_start3A_6 = arith.constant 0 : i32
    %dma_start3A_7 = tpu.memref_slice %arg7[%dma_start3A_4, %dma_start3A_5, %dma_start3A_6] : memref<2x32x128xi32, #tpu.memory_space<vmem>> -> memref<1x32x128xi32, #tpu.memory_space<vmem>>
    %dma_start3A_8 = tpu.memref_squeeze %dma_start3A_7 : memref<1x32x128xi32, #tpu.memory_space<vmem>> -> memref<32x128xi32, #tpu.memory_space<vmem>>
    %dma_start3A_9 = arith.constant 0 : i32
    %dma_start3A_10 = arith.constant 0 : i32
    %dma_start3A_11 = tpu.memref_slice %arg3[%add3A, %dma_start3A_9, %dma_start3A_10] : memref<32x160x128xi32, #tpu.memory_space<hbm>> -> memref<1x32x128xi32, #tpu.memory_space<hbm>>
    %dma_start3A_12 = tpu.memref_squeeze %dma_start3A_11 : memref<1x32x128xi32, #tpu.memory_space<hbm>> -> memref<32x128xi32, #tpu.memory_space<hbm>>
    %dma_start3A_13 = arith.constant 0 : i32
    %dma_start3A_14 = arith.constant 0 : i32
    %dma_start3A_15 = tpu.memref_slice %arg7[%dma_start3A_4, %dma_start3A_13, %dma_start3A_14] : memref<2x32x128xi32, #tpu.memory_space<vmem>> -> memref<1x32x128xi32, #tpu.memory_space<vmem>>
    %dma_start3A_16 = tpu.memref_squeeze %dma_start3A_15 : memref<1x32x128xi32, #tpu.memory_space<vmem>> -> memref<32x128xi32, #tpu.memory_space<vmem>>
    %dma_start3A_17 = arith.constant 0 : i32
    %dma_start3A_18 = arith.constant 0 : i32
    %dma_start3A_19 = tpu.memref_slice %arg3[%add3A, %dma_start3A_17, %dma_start3A_18] : memref<32x160x128xi32, #tpu.memory_space<hbm>> -> memref<1x32x128xi32, #tpu.memory_space<hbm>>
    %dma_start3A_20 = tpu.memref_squeeze %dma_start3A_19 : memref<1x32x128xi32, #tpu.memory_space<hbm>> -> memref<32x128xi32, #tpu.memory_space<hbm>>
    tpu.enqueue_dma source(%dma_start3A_20 : memref<32x128xi32, #tpu.memory_space<hbm>>) target(%dma_start3A_16 : memref<32x128xi32, #tpu.memory_space<vmem>>) target_semaphore(%arg16 : memref<!tpu.dma_semaphore, #tpu.memory_space<semaphore_mem>>)
    %dma_start3A_21 = arith.constant 0 : i32
    %dma_start3A_22 = arith.constant 0 : i32
    %dma_start3A_23 = arith.constant 0 : i32
    %dma_start3A_24 = tpu.memref_slice %arg8[%dma_start3A_21, %dma_start3A_22, %dma_start3A_23] : memref<2x32x128xi32, #tpu.memory_space<vmem>> -> memref<1x32x128xi32, #tpu.memory_space<vmem>>
    %dma_start3A_25 = tpu.memref_squeeze %dma_start3A_24 : memref<1x32x128xi32, #tpu.memory_space<vmem>> -> memref<32x128xi32, #tpu.memory_space<vmem>>
    %dma_start3A_26 = arith.constant 0 : i32
    %dma_start3A_27 = arith.constant 0 : i32
    %dma_start3A_28 = tpu.memref_slice %arg4[%add3A, %dma_start3A_26, %dma_start3A_27] : memref<32x160x128xi32, #tpu.memory_space<hbm>> -> memref<1x32x128xi32, #tpu.memory_space<hbm>>
    %dma_start3A_29 = tpu.memref_squeeze %dma_start3A_28 : memref<1x32x128xi32, #tpu.memory_space<hbm>> -> memref<32x128xi32, #tpu.memory_space<hbm>>
    %dma_start3A_30 = arith.constant 0 : i32
    %dma_start3A_31 = arith.constant 0 : i32
    %dma_start3A_32 = tpu.memref_slice %arg8[%dma_start3A_21, %dma_start3A_30, %dma_start3A_31] : memref<2x32x128xi32, #tpu.memory_space<vmem>> -> memref<1x32x128xi32, #tpu.memory_space<vmem>>
    %dma_start3A_33 = tpu.memref_squeeze %dma_start3A_32 : memref<1x32x128xi32, #tpu.memory_space<vmem>> -> memref<32x128xi32, #tpu.memory_space<vmem>>
    %dma_start3A_34 = arith.constant 0 : i32
    %dma_start3A_35 = arith.constant 0 : i32
    %dma_start3A_36 = tpu.memref_slice %arg4[%add3A, %dma_start3A_34, %dma_start3A_35] : memref<32x160x128xi32, #tpu.memory_space<hbm>> -> memref<1x32x128xi32, #tpu.memory_space<hbm>>
    %dma_start3A_37 = tpu.memref_squeeze %dma_start3A_36 : memref<1x32x128xi32, #tpu.memory_space<hbm>> -> memref<32x128xi32, #tpu.memory_space<hbm>>
    tpu.enqueue_dma source(%dma_start3A_37 : memref<32x128xi32, #tpu.memory_space<hbm>>) target(%dma_start3A_33 : memref<32x128xi32, #tpu.memory_space<vmem>>) target_semaphore(%arg16 : memref<!tpu.dma_semaphore, #tpu.memory_space<semaphore_mem>>)
    %dma_wait3A = arith.constant 0 : i32
    %dma_wait3A_38 = arith.constant 0 : i32
    %dma_wait3A_39 = arith.constant 0 : i32
    %dma_wait3A_40 = arith.constant 0 : i32
    %dma_wait3A_41 = tpu.memref_slice %arg7[%dma_wait3A_38, %dma_wait3A_39, %dma_wait3A_40] : memref<2x32x128xi32, #tpu.memory_space<vmem>> -> memref<1x32x128xi32, #tpu.memory_space<vmem>>
    %dma_wait3A_42 = tpu.memref_squeeze %dma_wait3A_41 : memref<1x32x128xi32, #tpu.memory_space<vmem>> -> memref<32x128xi32, #tpu.memory_space<vmem>>
    %dma_wait3A_43 = arith.constant 0 : i32
    %dma_wait3A_44 = arith.constant 0 : i32
    %dma_wait3A_45 = tpu.memref_slice %arg3[%dma_wait3A, %dma_wait3A_43, %dma_wait3A_44] : memref<32x160x128xi32, #tpu.memory_space<hbm>> -> memref<1x32x128xi32, #tpu.memory_space<hbm>>
    %dma_wait3A_46 = tpu.memref_squeeze %dma_wait3A_45 : memref<1x32x128xi32, #tpu.memory_space<hbm>> -> memref<32x128xi32, #tpu.memory_space<hbm>>
    %dma_wait3A_47 = arith.constant 0 : i32
    %dma_wait3A_48 = arith.constant 0 : i32
    %dma_wait3A_49 = tpu.memref_slice %arg7[%dma_wait3A_38, %dma_wait3A_47, %dma_wait3A_48] : memref<2x32x128xi32, #tpu.memory_space<vmem>> -> memref<1x32x128xi32, #tpu.memory_space<vmem>>
    %dma_wait3A_50 = tpu.memref_squeeze %dma_wait3A_49 : memref<1x32x128xi32, #tpu.memory_space<vmem>> -> memref<32x128xi32, #tpu.memory_space<vmem>>
    %dma_wait3A_51 = arith.constant 0 : i32
    %dma_wait3A_52 = arith.constant 0 : i32
    %dma_wait3A_53 = tpu.memref_slice %arg3[%dma_wait3A, %dma_wait3A_51, %dma_wait3A_52] : memref<32x160x128xi32, #tpu.memory_space<hbm>> -> memref<1x32x128xi32, #tpu.memory_space<hbm>>
    %dma_wait3A_54 = tpu.memref_squeeze %dma_wait3A_53 : memref<1x32x128xi32, #tpu.memory_space<hbm>> -> memref<32x128xi32, #tpu.memory_space<hbm>>
    tpu.wait_dma2 semaphore(%arg16 : memref<!tpu.dma_semaphore, #tpu.memory_space<semaphore_mem>>) src(%dma_wait3A_54 : memref<32x128xi32, #tpu.memory_space<hbm>>) dst(%dma_wait3A_50 : memref<32x128xi32, #tpu.memory_space<vmem>>)
    %dma_wait3A_55 = arith.constant 0 : i32
    %dma_wait3A_56 = arith.constant 0 : i32
    %dma_wait3A_57 = arith.constant 0 : i32
    %dma_wait3A_58 = arith.constant 0 : i32
    %dma_wait3A_59 = tpu.memref_slice %arg8[%dma_wait3A_56, %dma_wait3A_57, %dma_wait3A_58] : memref<2x32x128xi32, #tpu.memory_space<vmem>> -> memref<1x32x128xi32, #tpu.memory_space<vmem>>
    %dma_wait3A_60 = tpu.memref_squeeze %dma_wait3A_59 : memref<1x32x128xi32, #tpu.memory_space<vmem>> -> memref<32x128xi32, #tpu.memory_space<vmem>>
    %dma_wait3A_61 = arith.constant 0 : i32
    %dma_wait3A_62 = arith.constant 0 : i32
    %dma_wait3A_63 = tpu.memref_slice %arg4[%dma_wait3A_55, %dma_wait3A_61, %dma_wait3A_62] : memref<32x160x128xi32, #tpu.memory_space<hbm>> -> memref<1x32x128xi32, #tpu.memory_space<hbm>>
    %dma_wait3A_64 = tpu.memref_squeeze %dma_wait3A_63 : memref<1x32x128xi32, #tpu.memory_space<hbm>> -> memref<32x128xi32, #tpu.memory_space<hbm>>
    %dma_wait3A_65 = arith.constant 0 : i32
    %dma_wait3A_66 = arith.constant 0 : i32
    %dma_wait3A_67 = tpu.memref_slice %arg8[%dma_wait3A_56, %dma_wait3A_65, %dma_wait3A_66] : memref<2x32x128xi32, #tpu.memory_space<vmem>> -> memref<1x32x128xi32, #tpu.memory_space<vmem>>
    %dma_wait3A_68 = tpu.memref_squeeze %dma_wait3A_67 : memref<1x32x128xi32, #tpu.memory_space<vmem>> -> memref<32x128xi32, #tpu.memory_space<vmem>>
    %dma_wait3A_69 = arith.constant 0 : i32
    %dma_wait3A_70 = arith.constant 0 : i32
    %dma_wait3A_71 = tpu.memref_slice %arg4[%dma_wait3A_55, %dma_wait3A_69, %dma_wait3A_70] : memref<32x160x128xi32, #tpu.memory_space<hbm>> -> memref<1x32x128xi32, #tpu.memory_space<hbm>>
    %dma_wait3A_72 = tpu.memref_squeeze %dma_wait3A_71 : memref<1x32x128xi32, #tpu.memory_space<hbm>> -> memref<32x128xi32, #tpu.memory_space<hbm>>
    tpu.wait_dma2 semaphore(%arg16 : memref<!tpu.dma_semaphore, #tpu.memory_space<semaphore_mem>>) src(%dma_wait3A_72 : memref<32x128xi32, #tpu.memory_space<hbm>>) dst(%dma_wait3A_68 : memref<32x128xi32, #tpu.memory_space<vmem>>)
    %dma_start3A_73 = arith.constant 0 : i32
    %dma_start3A_74 = arith.constant 0 : i32
    %dma_start3A_75 = arith.constant 0 : i32
    %dma_start3A_76 = tpu.memref_slice %arg7[%dma_start3A_73, %dma_start3A_74, %dma_start3A_75] : memref<2x32x128xi32, #tpu.memory_space<vmem>> -> memref<1x1x128xi32, #tpu.memory_space<vmem>>
    %dma_start3A_77 = tpu.memref_squeeze %dma_start3A_76 : memref<1x1x128xi32, #tpu.memory_space<vmem>> -> memref<128xi32, #tpu.memory_space<vmem>>
    %dma_start3A_78 = arith.constant 0 : i32
    %dma_start3A_79 = arith.constant 0 : i32
    %dma_start3A_80 = tpu.memref_slice %arg2[%dma_start3A_78, %dma_start3A_79] : memref<20000x128xf32, #tpu.memory_space<hbm>> -> memref<20000x128xf32, #tpu.memory_space<hbm>>
    tpu.enqueue_indirect_dma source(%dma_start3A_80 : memref<20000x128xf32, #tpu.memory_space<hbm>>) target(%arg9 : memref<128x128xf32, #tpu.memory_space<vmem>>) offsets(%dma_start3A_77 : memref<128xi32, #tpu.memory_space<vmem>>) semaphore(%arg12 : memref<!tpu.dma_semaphore, #tpu.memory_space<semaphore_mem>>)
    %dma_start3A_81 = arith.constant 0 : i32
    %dma_start3A_82 = arith.constant 1 : i32
    %dma_start3A_83 = arith.constant 0 : i32
    %dma_start3A_84 = tpu.memref_slice %arg7[%dma_start3A_81, %dma_start3A_82, %dma_start3A_83] : memref<2x32x128xi32, #tpu.memory_space<vmem>> -> memref<1x1x128xi32, #tpu.memory_space<vmem>>
    %dma_start3A_85 = tpu.memref_squeeze %dma_start3A_84 : memref<1x1x128xi32, #tpu.memory_space<vmem>> -> memref<128xi32, #tpu.memory_space<vmem>>
    %dma_start3A_86 = arith.constant 0 : i32
    %dma_start3A_87 = arith.constant 0 : i32
    %dma_start3A_88 = tpu.memref_slice %arg2[%dma_start3A_86, %dma_start3A_87] : memref<20000x128xf32, #tpu.memory_space<hbm>> -> memref<20000x128xf32, #tpu.memory_space<hbm>>
    tpu.enqueue_indirect_dma source(%dma_start3A_88 : memref<20000x128xf32, #tpu.memory_space<hbm>>) target(%arg10 : memref<128x128xf32, #tpu.memory_space<vmem>>) offsets(%dma_start3A_85 : memref<128xi32, #tpu.memory_space<vmem>>) semaphore(%arg13 : memref<!tpu.dma_semaphore, #tpu.memory_space<semaphore_mem>>)
    %mul3A_89 = arith.constant 632 : i32
    %mul3A_90 = arith.muli %arg1, %mul3A_89 : i32
    %dma_wait3A_91 = arith.constant 0 : i32
    %dma_wait3A_92 = tpu.memref_slice %arg11[%mul3A_90, %dma_wait3A_91] : memref<10112x128xf32, #tpu.memory_space<vmem_shared>> -> memref<632x128xf32, #tpu.memory_space<vmem_shared>>
    tpu.wait_dma2 semaphore(%arg17 : memref<!tpu.dma_semaphore, #tpu.memory_space<semaphore_mem>>) src(%arg5 : memref<632x128xf32, #tpu.memory_space<hbm>>) dst(%dma_wait3A_92 : memref<632x128xf32, #tpu.memory_space<vmem_shared>>)
    %barrier3A = arith.constant 0 : index
    tpu.barrier barrier_id(%barrier3A)
    %scan3A = arith.constant 0 : i32
    %scan3A_93 = arith.constant 0 : i32
    %scan3A_94 = arith.constant 80 : i32
    %scan3A_95 = arith.addi %scan3A_93, %scan3A_94 : i32
    %scan3A_96 = arith.constant 1 : i32
    scf.for %scan3A_108 = %scan3A_93 to %scan3A_95 step %scan3A_96  : i32 {
      %mul3A_109 = arith.constant 2 : i32
      %mul3A_110 = arith.muli %scan3A_108, %mul3A_109 : i32
      %jit3A = arith.constant 32 : i32
      %eq3A_111 = arith.constant 0 : i32
      %eq3A_112 = arith.cmpi eq, %jit3A, %eq3A_111 : i32
      %jit3A_113 = arith.constant 1 : i32
      %select_n3A = arith.select %eq3A_112, %jit3A_113, %jit3A : i32
      %rem3A = arith.remsi %mul3A_110, %select_n3A : i32
      %ne3A = arith.constant 0 : i32
      %ne3A_114 = arith.cmpi ne, %rem3A, %ne3A : i32
      %lt3A = arith.constant 0 : i32
      %lt3A_115 = arith.cmpi slt, %rem3A, %lt3A : i32
      %lt3A_116 = arith.constant 0 : i32
      %lt3A_117 = arith.cmpi slt, %select_n3A, %lt3A_116 : i32
      %ne3A_118 = arith.xori %lt3A_115, %lt3A_117 : i1
      %and3A = arith.andi %ne3A_118, %ne3A_114 : i1
      %add3A_119 = arith.addi %rem3A, %select_n3A : i32
      %select_n3A_120 = arith.select %and3A, %add3A_119, %rem3A : i32
      %eq3A_121 = arith.constant 0 : i32
      %eq3A_122 = arith.cmpi eq, %select_n3A_120, %eq3A_121 : i32
      %gt3A = arith.constant 0 : i32
      %gt3A_123 = arith.cmpi sgt, %mul3A_110, %gt3A : i32
      %and3A_124 = arith.andi %eq3A_122, %gt3A_123 : i1
      %convert_element_type3A_125 = arith.extui %and3A_124 : i1 to i32
      %cond3A_126 = arith.constant 0 : i32
      %cond3A_127 = arith.cmpi ne, %convert_element_type3A_125, %cond3A_126 : i32
      scf.if %cond3A_127 {
        %dma_wait3A_329 = arith.constant 0 : i32
        %dma_wait3A_330 = arith.constant 0 : i32
        %dma_wait3A_331 = arith.constant 0 : i32
        %dma_wait3A_332 = arith.constant 0 : i32
        %dma_wait3A_333 = tpu.memref_slice %arg7[%dma_wait3A_330, %dma_wait3A_331, %dma_wait3A_332] : memref<2x32x128xi32, #tpu.memory_space<vmem>> -> memref<1x32x128xi32, #tpu.memory_space<vmem>>
        %dma_wait3A_334 = tpu.memref_squeeze %dma_wait3A_333 : memref<1x32x128xi32, #tpu.memory_space<vmem>> -> memref<32x128xi32, #tpu.memory_space<vmem>>
        %dma_wait3A_335 = arith.constant 0 : i32
        %dma_wait3A_336 = arith.constant 0 : i32
        %dma_wait3A_337 = tpu.memref_slice %arg3[%dma_wait3A_329, %dma_wait3A_335, %dma_wait3A_336] : memref<32x160x128xi32, #tpu.memory_space<hbm>> -> memref<1x32x128xi32, #tpu.memory_space<hbm>>
        %dma_wait3A_338 = tpu.memref_squeeze %dma_wait3A_337 : memref<1x32x128xi32, #tpu.memory_space<hbm>> -> memref<32x128xi32, #tpu.memory_space<hbm>>
        %dma_wait3A_339 = arith.constant 0 : i32
        %dma_wait3A_340 = arith.constant 0 : i32
        %dma_wait3A_341 = tpu.memref_slice %arg7[%dma_wait3A_330, %dma_wait3A_339, %dma_wait3A_340] : memref<2x32x128xi32, #tpu.memory_space<vmem>> -> memref<1x32x128xi32, #tpu.memory_space<vmem>>
        %dma_wait3A_342 = tpu.memref_squeeze %dma_wait3A_341 : memref<1x32x128xi32, #tpu.memory_space<vmem>> -> memref<32x128xi32, #tpu.memory_space<vmem>>
        %dma_wait3A_343 = arith.constant 0 : i32
        %dma_wait3A_344 = arith.constant 0 : i32
        %dma_wait3A_345 = tpu.memref_slice %arg3[%dma_wait3A_329, %dma_wait3A_343, %dma_wait3A_344] : memref<32x160x128xi32, #tpu.memory_space<hbm>> -> memref<1x32x128xi32, #tpu.memory_space<hbm>>
        %dma_wait3A_346 = tpu.memref_squeeze %dma_wait3A_345 : memref<1x32x128xi32, #tpu.memory_space<hbm>> -> memref<32x128xi32, #tpu.memory_space<hbm>>
        tpu.wait_dma2 semaphore(%arg16 : memref<!tpu.dma_semaphore, #tpu.memory_space<semaphore_mem>>) src(%dma_wait3A_346 : memref<32x128xi32, #tpu.memory_space<hbm>>) dst(%dma_wait3A_342 : memref<32x128xi32, #tpu.memory_space<vmem>>)
        %dma_wait3A_347 = arith.constant 0 : i32
        %dma_wait3A_348 = arith.constant 0 : i32
        %dma_wait3A_349 = arith.constant 0 : i32
        %dma_wait3A_350 = arith.constant 0 : i32
        %dma_wait3A_351 = tpu.memref_slice %arg8[%dma_wait3A_348, %dma_wait3A_349, %dma_wait3A_350] : memref<2x32x128xi32, #tpu.memory_space<vmem>> -> memref<1x32x128xi32, #tpu.memory_space<vmem>>
        %dma_wait3A_352 = tpu.memref_squeeze %dma_wait3A_351 : memref<1x32x128xi32, #tpu.memory_space<vmem>> -> memref<32x128xi32, #tpu.memory_space<vmem>>
        %dma_wait3A_353 = arith.constant 0 : i32
        %dma_wait3A_354 = arith.constant 0 : i32
        %dma_wait3A_355 = tpu.memref_slice %arg4[%dma_wait3A_347, %dma_wait3A_353, %dma_wait3A_354] : memref<32x160x128xi32, #tpu.memory_space<hbm>> -> memref<1x32x128xi32, #tpu.memory_space<hbm>>
        %dma_wait3A_356 = tpu.memref_squeeze %dma_wait3A_355 : memref<1x32x128xi32, #tpu.memory_space<hbm>> -> memref<32x128xi32, #tpu.memory_space<hbm>>
        %dma_wait3A_357 = arith.constant 0 : i32
        %dma_wait3A_358 = arith.constant 0 : i32
        %dma_wait3A_359 = tpu.memref_slice %arg8[%dma_wait3A_348, %dma_wait3A_357, %dma_wait3A_358] : memref<2x32x128xi32, #tpu.memory_space<vmem>> -> memref<1x32x128xi32, #tpu.memory_space<vmem>>
        %dma_wait3A_360 = tpu.memref_squeeze %dma_wait3A_359 : memref<1x32x128xi32, #tpu.memory_space<vmem>> -> memref<32x128xi32, #tpu.memory_space<vmem>>
        %dma_wait3A_361 = arith.constant 0 : i32
        %dma_wait3A_362 = arith.constant 0 : i32
        %dma_wait3A_363 = tpu.memref_slice %arg4[%dma_wait3A_347, %dma_wait3A_361, %dma_wait3A_362] : memref<32x160x128xi32, #tpu.memory_space<hbm>> -> memref<1x32x128xi32, #tpu.memory_space<hbm>>
        %dma_wait3A_364 = tpu.memref_squeeze %dma_wait3A_363 : memref<1x32x128xi32, #tpu.memory_space<hbm>> -> memref<32x128xi32, #tpu.memory_space<hbm>>
        tpu.wait_dma2 semaphore(%arg16 : memref<!tpu.dma_semaphore, #tpu.memory_space<semaphore_mem>>) src(%dma_wait3A_364 : memref<32x128xi32, #tpu.memory_space<hbm>>) dst(%dma_wait3A_360 : memref<32x128xi32, #tpu.memory_space<vmem>>)
      } else {
      }
      %eq3A_128 = arith.constant 6 : i32
      %eq3A_129 = arith.cmpi eq, %select_n3A_120, %eq3A_128 : i32
      %jit3A_130 = arith.constant 32 : i32
      %div3A = arith.divsi %mul3A_110, %jit3A_130 : i32
      %sign3A = arith.constant 0 : i32
      %sign3A_131 = arith.cmpi sgt, %mul3A_110, %sign3A : i32
      %sign3A_132 = arith.extui %sign3A_131 : i1 to i32
      %sign3A_133 = arith.constant 0 : i32
      %sign3A_134 = arith.cmpi slt, %mul3A_110, %sign3A_133 : i32
      %sign3A_135 = arith.extui %sign3A_134 : i1 to i32
      %sign3A_136 = arith.subi %sign3A_132, %sign3A_135 : i32
      %sign3A_137 = arith.constant 0 : i32
      %sign3A_138 = arith.cmpi sgt, %jit3A_130, %sign3A_137 : i32
      %sign3A_139 = arith.extui %sign3A_138 : i1 to i32
      %sign3A_140 = arith.constant 0 : i32
      %sign3A_141 = arith.cmpi slt, %jit3A_130, %sign3A_140 : i32
      %sign3A_142 = arith.extui %sign3A_141 : i1 to i32
      %sign3A_143 = arith.subi %sign3A_139, %sign3A_142 : i32
      %ne3A_144 = arith.cmpi ne, %sign3A_136, %sign3A_143 : i32
      %rem3A_145 = arith.remsi %mul3A_110, %jit3A_130 : i32
      %ne3A_146 = arith.constant 0 : i32
      %ne3A_147 = arith.cmpi ne, %rem3A_145, %ne3A_146 : i32
      %and3A_148 = arith.andi %ne3A_144, %ne3A_147 : i1
      %sub3A = arith.constant 1 : i32
      %sub3A_149 = arith.subi %div3A, %sub3A : i32
      %select_n3A_150 = arith.select %and3A_148, %sub3A_149, %div3A : i32
      %lt3A_151 = arith.constant 4 : i32
      %lt3A_152 = arith.cmpi slt, %select_n3A_150, %lt3A_151 : i32
      %and3A_153 = arith.andi %eq3A_129, %lt3A_152 : i1
      %convert_element_type3A_154 = arith.extui %and3A_153 : i1 to i32
      %cond3A_155 = arith.constant 0 : i32
      %cond3A_156 = arith.cmpi ne, %convert_element_type3A_154, %cond3A_155 : i32
      scf.if %cond3A_156 {
        %jit3A_329 = arith.constant 32 : i32
        %div3A_330 = arith.divsi %mul3A_110, %jit3A_329 : i32
        %sign3A_331 = arith.constant 0 : i32
        %sign3A_332 = arith.cmpi sgt, %mul3A_110, %sign3A_331 : i32
        %sign3A_333 = arith.extui %sign3A_332 : i1 to i32
        %sign3A_334 = arith.constant 0 : i32
        %sign3A_335 = arith.cmpi slt, %mul3A_110, %sign3A_334 : i32
        %sign3A_336 = arith.extui %sign3A_335 : i1 to i32
        %sign3A_337 = arith.subi %sign3A_333, %sign3A_336 : i32
        %sign3A_338 = arith.constant 0 : i32
        %sign3A_339 = arith.cmpi sgt, %jit3A_329, %sign3A_338 : i32
        %sign3A_340 = arith.extui %sign3A_339 : i1 to i32
        %sign3A_341 = arith.constant 0 : i32
        %sign3A_342 = arith.cmpi slt, %jit3A_329, %sign3A_341 : i32
        %sign3A_343 = arith.extui %sign3A_342 : i1 to i32
        %sign3A_344 = arith.subi %sign3A_340, %sign3A_343 : i32
        %ne3A_345 = arith.cmpi ne, %sign3A_337, %sign3A_344 : i32
        %rem3A_346 = arith.remsi %mul3A_110, %jit3A_329 : i32
        %ne3A_347 = arith.constant 0 : i32
        %ne3A_348 = arith.cmpi ne, %rem3A_346, %ne3A_347 : i32
        %and3A_349 = arith.andi %ne3A_345, %ne3A_348 : i1
        %sub3A_350 = arith.constant 1 : i32
        %sub3A_351 = arith.subi %div3A_330, %sub3A_350 : i32
        %select_n3A_352 = arith.select %and3A_349, %sub3A_351, %div3A_330 : i32
        %add3A_353 = arith.constant 1 : i32
        %add3A_354 = arith.addi %select_n3A_352, %add3A_353 : i32
        %jit3A_355 = arith.constant 2 : i32
        %eq3A_356 = arith.constant 0 : i32
        %eq3A_357 = arith.cmpi eq, %jit3A_355, %eq3A_356 : i32
        %jit3A_358 = arith.constant 1 : i32
        %select_n3A_359 = arith.select %eq3A_357, %jit3A_358, %jit3A_355 : i32
        %rem3A_360 = arith.remsi %add3A_354, %select_n3A_359 : i32
        %ne3A_361 = arith.constant 0 : i32
        %ne3A_362 = arith.cmpi ne, %rem3A_360, %ne3A_361 : i32
        %lt3A_363 = arith.constant 0 : i32
        %lt3A_364 = arith.cmpi slt, %rem3A_360, %lt3A_363 : i32
        %lt3A_365 = arith.constant 0 : i32
        %lt3A_366 = arith.cmpi slt, %select_n3A_359, %lt3A_365 : i32
        %ne3A_367 = arith.xori %lt3A_364, %lt3A_366 : i1
        %and3A_368 = arith.andi %ne3A_367, %ne3A_362 : i1
        %add3A_369 = arith.addi %rem3A_360, %select_n3A_359 : i32
        %select_n3A_370 = arith.select %and3A_368, %add3A_369, %rem3A_360 : i32
        %mul3A_371 = arith.constant 32 : i32
        %mul3A_372 = arith.muli %add3A_354, %mul3A_371 : i32
        %dma_start3A_373 = arith.constant 0 : i32
        %dma_start3A_374 = arith.constant 0 : i32
        %dma_start3A_375 = tpu.memref_slice %arg7[%select_n3A_370, %dma_start3A_373, %dma_start3A_374] : memref<2x32x128xi32, #tpu.memory_space<vmem>> -> memref<1x32x128xi32, #tpu.memory_space<vmem>>
        %dma_start3A_376 = tpu.memref_squeeze %dma_start3A_375 : memref<1x32x128xi32, #tpu.memory_space<vmem>> -> memref<32x128xi32, #tpu.memory_space<vmem>>
        %dma_start3A_377 = arith.constant 0 : i32
        %dma_start3A_378 = tpu.memref_slice %arg3[%add3A, %mul3A_372, %dma_start3A_377] : memref<32x160x128xi32, #tpu.memory_space<hbm>> -> memref<1x32x128xi32, #tpu.memory_space<hbm>>
        %dma_start3A_379 = tpu.memref_squeeze %dma_start3A_378 : memref<1x32x128xi32, #tpu.memory_space<hbm>> -> memref<32x128xi32, #tpu.memory_space<hbm>>
        %dma_start3A_380 = arith.constant 0 : i32
        %dma_start3A_381 = arith.constant 0 : i32
        %dma_start3A_382 = tpu.memref_slice %arg7[%select_n3A_370, %dma_start3A_380, %dma_start3A_381] : memref<2x32x128xi32, #tpu.memory_space<vmem>> -> memref<1x32x128xi32, #tpu.memory_space<vmem>>
        %dma_start3A_383 = tpu.memref_squeeze %dma_start3A_382 : memref<1x32x128xi32, #tpu.memory_space<vmem>> -> memref<32x128xi32, #tpu.memory_space<vmem>>
        %dma_start3A_384 = arith.constant 0 : i32
        %dma_start3A_385 = tpu.memref_slice %arg3[%add3A, %mul3A_372, %dma_start3A_384] : memref<32x160x128xi32, #tpu.memory_space<hbm>> -> memref<1x32x128xi32, #tpu.memory_space<hbm>>
        %dma_start3A_386 = tpu.memref_squeeze %dma_start3A_385 : memref<1x32x128xi32, #tpu.memory_space<hbm>> -> memref<32x128xi32, #tpu.memory_space<hbm>>
        tpu.enqueue_dma source(%dma_start3A_386 : memref<32x128xi32, #tpu.memory_space<hbm>>) target(%dma_start3A_383 : memref<32x128xi32, #tpu.memory_space<vmem>>) target_semaphore(%arg16 : memref<!tpu.dma_semaphore, #tpu.memory_space<semaphore_mem>>)
        %mul3A_387 = arith.constant 32 : i32
        %mul3A_388 = arith.muli %add3A_354, %mul3A_387 : i32
        %dma_start3A_389 = arith.constant 0 : i32
        %dma_start3A_390 = arith.constant 0 : i32
        %dma_start3A_391 = tpu.memref_slice %arg8[%select_n3A_370, %dma_start3A_389, %dma_start3A_390] : memref<2x32x128xi32, #tpu.memory_space<vmem>> -> memref<1x32x128xi32, #tpu.memory_space<vmem>>
        %dma_start3A_392 = tpu.memref_squeeze %dma_start3A_391 : memref<1x32x128xi32, #tpu.memory_space<vmem>> -> memref<32x128xi32, #tpu.memory_space<vmem>>
        %dma_start3A_393 = arith.constant 0 : i32
        %dma_start3A_394 = tpu.memref_slice %arg4[%add3A, %mul3A_388, %dma_start3A_393] : memref<32x160x128xi32, #tpu.memory_space<hbm>> -> memref<1x32x128xi32, #tpu.memory_space<hbm>>
        %dma_start3A_395 = tpu.memref_squeeze %dma_start3A_394 : memref<1x32x128xi32, #tpu.memory_space<hbm>> -> memref<32x128xi32, #tpu.memory_space<hbm>>
        %dma_start3A_396 = arith.constant 0 : i32
        %dma_start3A_397 = arith.constant 0 : i32
        %dma_start3A_398 = tpu.memref_slice %arg8[%select_n3A_370, %dma_start3A_396, %dma_start3A_397] : memref<2x32x128xi32, #tpu.memory_space<vmem>> -> memref<1x32x128xi32, #tpu.memory_space<vmem>>
        %dma_start3A_399 = tpu.memref_squeeze %dma_start3A_398 : memref<1x32x128xi32, #tpu.memory_space<vmem>> -> memref<32x128xi32, #tpu.memory_space<vmem>>
        %dma_start3A_400 = arith.constant 0 : i32
        %dma_start3A_401 = tpu.memref_slice %arg4[%add3A, %mul3A_388, %dma_start3A_400] : memref<32x160x128xi32, #tpu.memory_space<hbm>> -> memref<1x32x128xi32, #tpu.memory_space<hbm>>
        %dma_start3A_402 = tpu.memref_squeeze %dma_start3A_401 : memref<1x32x128xi32, #tpu.memory_space<hbm>> -> memref<32x128xi32, #tpu.memory_space<hbm>>
        tpu.enqueue_dma source(%dma_start3A_402 : memref<32x128xi32, #tpu.memory_space<hbm>>) target(%dma_start3A_399 : memref<32x128xi32, #tpu.memory_space<vmem>>) target_semaphore(%arg16 : memref<!tpu.dma_semaphore, #tpu.memory_space<semaphore_mem>>)
      } else {
      }
      %dma_wait3A_157 = arith.constant 0 : i32
      %dma_wait3A_158 = arith.constant 0 : i32
      %dma_wait3A_159 = arith.constant 0 : i32
      %dma_wait3A_160 = tpu.memref_slice %arg7[%dma_wait3A_157, %dma_wait3A_158, %dma_wait3A_159] : memref<2x32x128xi32, #tpu.memory_space<vmem>> -> memref<1x1x128xi32, #tpu.memory_space<vmem>>
      %dma_wait3A_161 = tpu.memref_squeeze %dma_wait3A_160 : memref<1x1x128xi32, #tpu.memory_space<vmem>> -> memref<128xi32, #tpu.memory_space<vmem>>
      %dma_wait3A_162 = arith.constant 0 : i32
      %dma_wait3A_163 = arith.constant 0 : i32
      %dma_wait3A_164 = tpu.memref_slice %arg2[%dma_wait3A_162, %dma_wait3A_163] : memref<20000x128xf32, #tpu.memory_space<hbm>> -> memref<20000x128xf32, #tpu.memory_space<hbm>>
      tpu.wait_indirect_dma semaphore(%arg12 : memref<!tpu.dma_semaphore, #tpu.memory_space<semaphore_mem>>) src(%dma_wait3A_164 : memref<20000x128xf32, #tpu.memory_space<hbm>>) dst(%arg9 : memref<128x128xf32, #tpu.memory_space<vmem>>)
      %jit3A_165 = arith.constant 32 : i32
      %div3A_166 = arith.divsi %mul3A_110, %jit3A_165 : i32
      %sign3A_167 = arith.constant 0 : i32
      %sign3A_168 = arith.cmpi sgt, %mul3A_110, %sign3A_167 : i32
      %sign3A_169 = arith.extui %sign3A_168 : i1 to i32
      %sign3A_170 = arith.constant 0 : i32
      %sign3A_171 = arith.cmpi slt, %mul3A_110, %sign3A_170 : i32
      %sign3A_172 = arith.extui %sign3A_171 : i1 to i32
      %sign3A_173 = arith.subi %sign3A_169, %sign3A_172 : i32
      %sign3A_174 = arith.constant 0 : i32
      %sign3A_175 = arith.cmpi sgt, %jit3A_165, %sign3A_174 : i32
      %sign3A_176 = arith.extui %sign3A_175 : i1 to i32
      %sign3A_177 = arith.constant 0 : i32
      %sign3A_178 = arith.cmpi slt, %jit3A_165, %sign3A_177 : i32
      %sign3A_179 = arith.extui %sign3A_178 : i1 to i32
      %sign3A_180 = arith.subi %sign3A_176, %sign3A_179 : i32
      %ne3A_181 = arith.cmpi ne, %sign3A_173, %sign3A_180 : i32
      %rem3A_182 = arith.remsi %mul3A_110, %jit3A_165 : i32
      %ne3A_183 = arith.constant 0 : i32
      %ne3A_184 = arith.cmpi ne, %rem3A_182, %ne3A_183 : i32
      %and3A_185 = arith.andi %ne3A_181, %ne3A_184 : i1
      %sub3A_186 = arith.constant 1 : i32
      %sub3A_187 = arith.subi %div3A_166, %sub3A_186 : i32
      %select_n3A_188 = arith.select %and3A_185, %sub3A_187, %div3A_166 : i32
      %jit3A_189 = arith.constant 2 : i32
      %eq3A_190 = arith.constant 0 : i32
      %eq3A_191 = arith.cmpi eq, %jit3A_189, %eq3A_190 : i32
      %jit3A_192 = arith.constant 1 : i32
      %select_n3A_193 = arith.select %eq3A_191, %jit3A_192, %jit3A_189 : i32
      %rem3A_194 = arith.remsi %select_n3A_188, %select_n3A_193 : i32
      %ne3A_195 = arith.constant 0 : i32
      %ne3A_196 = arith.cmpi ne, %rem3A_194, %ne3A_195 : i32
      %lt3A_197 = arith.constant 0 : i32
      %lt3A_198 = arith.cmpi slt, %rem3A_194, %lt3A_197 : i32
      %lt3A_199 = arith.constant 0 : i32
      %lt3A_200 = arith.cmpi slt, %select_n3A_193, %lt3A_199 : i32
      %ne3A_201 = arith.xori %lt3A_198, %lt3A_200 : i1
      %and3A_202 = arith.andi %ne3A_201, %ne3A_196 : i1
      %add3A_203 = arith.addi %rem3A_194, %select_n3A_193 : i32
      %select_n3A_204 = arith.select %and3A_202, %add3A_203, %rem3A_194 : i32
      %jit3A_205 = arith.constant 32 : i32
      %eq3A_206 = arith.constant 0 : i32
      %eq3A_207 = arith.cmpi eq, %jit3A_205, %eq3A_206 : i32
      %jit3A_208 = arith.constant 1 : i32
      %select_n3A_209 = arith.select %eq3A_207, %jit3A_208, %jit3A_205 : i32
      %rem3A_210 = arith.remsi %mul3A_110, %select_n3A_209 : i32
      %ne3A_211 = arith.constant 0 : i32
      %ne3A_212 = arith.cmpi ne, %rem3A_210, %ne3A_211 : i32
      %lt3A_213 = arith.constant 0 : i32
      %lt3A_214 = arith.cmpi slt, %rem3A_210, %lt3A_213 : i32
      %lt3A_215 = arith.constant 0 : i32
      %lt3A_216 = arith.cmpi slt, %select_n3A_209, %lt3A_215 : i32
      %ne3A_217 = arith.xori %lt3A_214, %lt3A_216 : i1
      %and3A_218 = arith.andi %ne3A_217, %ne3A_212 : i1
      %add3A_219 = arith.addi %rem3A_210, %select_n3A_209 : i32
      %select_n3A_220 = arith.select %and3A_218, %add3A_219, %rem3A_210 : i32
      %dma_start3A_221 = arith.constant 0 : i32
      %dma_start3A_222 = tpu.memref_slice %arg8[%select_n3A_204, %select_n3A_220, %dma_start3A_221] : memref<2x32x128xi32, #tpu.memory_space<vmem>> -> memref<1x1x128xi32, #tpu.memory_space<vmem>>
      %dma_start3A_223 = tpu.memref_squeeze %dma_start3A_222 : memref<1x1x128xi32, #tpu.memory_space<vmem>> -> memref<128xi32, #tpu.memory_space<vmem>>
      %dma_start3A_224 = arith.constant 0 : i32
      %dma_start3A_225 = arith.constant 0 : i32
      %dma_start3A_226 = tpu.memref_slice %arg11[%dma_start3A_224, %dma_start3A_225] : memref<10112x128xf32, #tpu.memory_space<vmem_shared>> -> memref<10112x128xf32, #tpu.memory_space<vmem_shared>>
      tpu.enqueue_indirect_dma source(%arg9 : memref<128x128xf32, #tpu.memory_space<vmem>>) target(%dma_start3A_226 : memref<10112x128xf32, #tpu.memory_space<vmem_shared>>) offsets(%dma_start3A_223 : memref<128xi32, #tpu.memory_space<vmem>>) semaphore(%arg14 : memref<!tpu.dma_semaphore, #tpu.memory_space<semaphore_mem>>) {add = true}
      %dma_wait3A_227 = arith.constant 0 : i32
      %dma_wait3A_228 = arith.constant 0 : i32
      %dma_wait3A_229 = arith.constant 0 : i32
      %dma_wait3A_230 = tpu.memref_slice %arg7[%dma_wait3A_227, %dma_wait3A_228, %dma_wait3A_229] : memref<2x32x128xi32, #tpu.memory_space<vmem>> -> memref<1x1x128xi32, #tpu.memory_space<vmem>>
      %dma_wait3A_231 = tpu.memref_squeeze %dma_wait3A_230 : memref<1x1x128xi32, #tpu.memory_space<vmem>> -> memref<128xi32, #tpu.memory_space<vmem>>
      %dma_wait3A_232 = arith.constant 0 : i32
      %dma_wait3A_233 = arith.constant 0 : i32
      %dma_wait3A_234 = tpu.memref_slice %arg2[%dma_wait3A_232, %dma_wait3A_233] : memref<20000x128xf32, #tpu.memory_space<hbm>> -> memref<20000x128xf32, #tpu.memory_space<hbm>>
      tpu.wait_indirect_dma semaphore(%arg13 : memref<!tpu.dma_semaphore, #tpu.memory_space<semaphore_mem>>) src(%dma_wait3A_234 : memref<20000x128xf32, #tpu.memory_space<hbm>>) dst(%arg10 : memref<128x128xf32, #tpu.memory_space<vmem>>)
      %add3A_235 = arith.constant 1 : i32
      %add3A_236 = arith.addi %mul3A_110, %add3A_235 : i32
      %jit3A_237 = arith.constant 32 : i32
      %div3A_238 = arith.divsi %add3A_236, %jit3A_237 : i32
      %sign3A_239 = arith.constant 0 : i32
      %sign3A_240 = arith.cmpi sgt, %add3A_236, %sign3A_239 : i32
      %sign3A_241 = arith.extui %sign3A_240 : i1 to i32
      %sign3A_242 = arith.constant 0 : i32
      %sign3A_243 = arith.cmpi slt, %add3A_236, %sign3A_242 : i32
      %sign3A_244 = arith.extui %sign3A_243 : i1 to i32
      %sign3A_245 = arith.subi %sign3A_241, %sign3A_244 : i32
      %sign3A_246 = arith.constant 0 : i32
      %sign3A_247 = arith.cmpi sgt, %jit3A_237, %sign3A_246 : i32
      %sign3A_248 = arith.extui %sign3A_247 : i1 to i32
      %sign3A_249 = arith.constant 0 : i32
      %sign3A_250 = arith.cmpi slt, %jit3A_237, %sign3A_249 : i32
      %sign3A_251 = arith.extui %sign3A_250 : i1 to i32
      %sign3A_252 = arith.subi %sign3A_248, %sign3A_251 : i32
      %ne3A_253 = arith.cmpi ne, %sign3A_245, %sign3A_252 : i32
      %rem3A_254 = arith.remsi %add3A_236, %jit3A_237 : i32
      %ne3A_255 = arith.constant 0 : i32
      %ne3A_256 = arith.cmpi ne, %rem3A_254, %ne3A_255 : i32
      %and3A_257 = arith.andi %ne3A_253, %ne3A_256 : i1
      %sub3A_258 = arith.constant 1 : i32
      %sub3A_259 = arith.subi %div3A_238, %sub3A_258 : i32
      %select_n3A_260 = arith.select %and3A_257, %sub3A_259, %div3A_238 : i32
      %jit3A_261 = arith.constant 2 : i32
      %eq3A_262 = arith.constant 0 : i32
      %eq3A_263 = arith.cmpi eq, %jit3A_261, %eq3A_262 : i32
      %jit3A_264 = arith.constant 1 : i32
      %select_n3A_265 = arith.select %eq3A_263, %jit3A_264, %jit3A_261 : i32
      %rem3A_266 = arith.remsi %select_n3A_260, %select_n3A_265 : i32
      %ne3A_267 = arith.constant 0 : i32
      %ne3A_268 = arith.cmpi ne, %rem3A_266, %ne3A_267 : i32
      %lt3A_269 = arith.constant 0 : i32
      %lt3A_270 = arith.cmpi slt, %rem3A_266, %lt3A_269 : i32
      %lt3A_271 = arith.constant 0 : i32
      %lt3A_272 = arith.cmpi slt, %select_n3A_265, %lt3A_271 : i32
      %ne3A_273 = arith.xori %lt3A_270, %lt3A_272 : i1
      %and3A_274 = arith.andi %ne3A_273, %ne3A_268 : i1
      %add3A_275 = arith.addi %rem3A_266, %select_n3A_265 : i32
      %select_n3A_276 = arith.select %and3A_274, %add3A_275, %rem3A_266 : i32
      %jit3A_277 = arith.constant 32 : i32
      %eq3A_278 = arith.constant 0 : i32
      %eq3A_279 = arith.cmpi eq, %jit3A_277, %eq3A_278 : i32
      %jit3A_280 = arith.constant 1 : i32
      %select_n3A_281 = arith.select %eq3A_279, %jit3A_280, %jit3A_277 : i32
      %rem3A_282 = arith.remsi %add3A_236, %select_n3A_281 : i32
      %ne3A_283 = arith.constant 0 : i32
      %ne3A_284 = arith.cmpi ne, %rem3A_282, %ne3A_283 : i32
      %lt3A_285 = arith.constant 0 : i32
      %lt3A_286 = arith.cmpi slt, %rem3A_282, %lt3A_285 : i32
      %lt3A_287 = arith.constant 0 : i32
      %lt3A_288 = arith.cmpi slt, %select_n3A_281, %lt3A_287 : i32
      %ne3A_289 = arith.xori %lt3A_286, %lt3A_288 : i1
      %and3A_290 = arith.andi %ne3A_289, %ne3A_284 : i1
      %add3A_291 = arith.addi %rem3A_282, %select_n3A_281 : i32
      %select_n3A_292 = arith.select %and3A_290, %add3A_291, %rem3A_282 : i32
      %dma_start3A_293 = arith.constant 0 : i32
      %dma_start3A_294 = tpu.memref_slice %arg8[%select_n3A_276, %select_n3A_292, %dma_start3A_293] : memref<2x32x128xi32, #tpu.memory_space<vmem>> -> memref<1x1x128xi32, #tpu.memory_space<vmem>>
      %dma_start3A_295 = tpu.memref_squeeze %dma_start3A_294 : memref<1x1x128xi32, #tpu.memory_space<vmem>> -> memref<128xi32, #tpu.memory_space<vmem>>
      %dma_start3A_296 = arith.constant 0 : i32
      %dma_start3A_297 = arith.constant 0 : i32
      %dma_start3A_298 = tpu.memref_slice %arg11[%dma_start3A_296, %dma_start3A_297] : memref<10112x128xf32, #tpu.memory_space<vmem_shared>> -> memref<10112x128xf32, #tpu.memory_space<vmem_shared>>
      tpu.enqueue_indirect_dma source(%arg10 : memref<128x128xf32, #tpu.memory_space<vmem>>) target(%dma_start3A_298 : memref<10112x128xf32, #tpu.memory_space<vmem_shared>>) offsets(%dma_start3A_295 : memref<128xi32, #tpu.memory_space<vmem>>) semaphore(%arg15 : memref<!tpu.dma_semaphore, #tpu.memory_space<semaphore_mem>>) {add = true}
      %dma_wait3A_299 = arith.constant 0 : i32
      %dma_wait3A_300 = arith.constant 0 : i32
      %dma_wait3A_301 = arith.constant 0 : i32
      %dma_wait3A_302 = tpu.memref_slice %arg8[%dma_wait3A_299, %dma_wait3A_300, %dma_wait3A_301] : memref<2x32x128xi32, #tpu.memory_space<vmem>> -> memref<1x1x128xi32, #tpu.memory_space<vmem>>
      %dma_wait3A_303 = tpu.memref_squeeze %dma_wait3A_302 : memref<1x1x128xi32, #tpu.memory_space<vmem>> -> memref<128xi32, #tpu.memory_space<vmem>>
      %dma_wait3A_304 = arith.constant 0 : i32
      %dma_wait3A_305 = arith.constant 0 : i32
      %dma_wait3A_306 = tpu.memref_slice %arg11[%dma_wait3A_304, %dma_wait3A_305] : memref<10112x128xf32, #tpu.memory_space<vmem_shared>> -> memref<10112x128xf32, #tpu.memory_space<vmem_shared>>
      tpu.wait_indirect_dma semaphore(%arg14 : memref<!tpu.dma_semaphore, #tpu.memory_space<semaphore_mem>>) src(%arg9 : memref<128x128xf32, #tpu.memory_space<vmem>>) dst(%dma_wait3A_306 : memref<10112x128xf32, #tpu.memory_space<vmem_shared>>)
      %add3A_307 = arith.constant 2 : i32
      %add3A_308 = arith.addi %mul3A_110, %add3A_307 : i32
      %lt3A_309 = arith.constant 160 : i32
      %lt3A_310 = arith.cmpi slt, %add3A_308, %lt3A_309 : i32
      %convert_element_type3A_311 = arith.extui %lt3A_310 : i1 to i32
      %cond3A_312 = arith.constant 0 : i32
      %cond3A_313 = arith.cmpi ne, %convert_element_type3A_311, %cond3A_312 : i32
      scf.if %cond3A_313 {
        %add3A_329 = arith.constant 2 : i32
        %add3A_330 = arith.addi %mul3A_110, %add3A_329 : i32
        %jit3A_331 = arith.constant 32 : i32
        %div3A_332 = arith.divsi %add3A_330, %jit3A_331 : i32
        %sign3A_333 = arith.constant 0 : i32
        %sign3A_334 = arith.cmpi sgt, %add3A_330, %sign3A_333 : i32
        %sign3A_335 = arith.extui %sign3A_334 : i1 to i32
        %sign3A_336 = arith.constant 0 : i32
        %sign3A_337 = arith.cmpi slt, %add3A_330, %sign3A_336 : i32
        %sign3A_338 = arith.extui %sign3A_337 : i1 to i32
        %sign3A_339 = arith.subi %sign3A_335, %sign3A_338 : i32
        %sign3A_340 = arith.constant 0 : i32
        %sign3A_341 = arith.cmpi sgt, %jit3A_331, %sign3A_340 : i32
        %sign3A_342 = arith.extui %sign3A_341 : i1 to i32
        %sign3A_343 = arith.constant 0 : i32
        %sign3A_344 = arith.cmpi slt, %jit3A_331, %sign3A_343 : i32
        %sign3A_345 = arith.extui %sign3A_344 : i1 to i32
        %sign3A_346 = arith.subi %sign3A_342, %sign3A_345 : i32
        %ne3A_347 = arith.cmpi ne, %sign3A_339, %sign3A_346 : i32
        %rem3A_348 = arith.remsi %add3A_330, %jit3A_331 : i32
        %ne3A_349 = arith.constant 0 : i32
        %ne3A_350 = arith.cmpi ne, %rem3A_348, %ne3A_349 : i32
        %and3A_351 = arith.andi %ne3A_347, %ne3A_350 : i1
        %sub3A_352 = arith.constant 1 : i32
        %sub3A_353 = arith.subi %div3A_332, %sub3A_352 : i32
        %select_n3A_354 = arith.select %and3A_351, %sub3A_353, %div3A_332 : i32
        %jit3A_355 = arith.constant 2 : i32
        %eq3A_356 = arith.constant 0 : i32
        %eq3A_357 = arith.cmpi eq, %jit3A_355, %eq3A_356 : i32
        %jit3A_358 = arith.constant 1 : i32
        %select_n3A_359 = arith.select %eq3A_357, %jit3A_358, %jit3A_355 : i32
        %rem3A_360 = arith.remsi %select_n3A_354, %select_n3A_359 : i32
        %ne3A_361 = arith.constant 0 : i32
        %ne3A_362 = arith.cmpi ne, %rem3A_360, %ne3A_361 : i32
        %lt3A_363 = arith.constant 0 : i32
        %lt3A_364 = arith.cmpi slt, %rem3A_360, %lt3A_363 : i32
        %lt3A_365 = arith.constant 0 : i32
        %lt3A_366 = arith.cmpi slt, %select_n3A_359, %lt3A_365 : i32
        %ne3A_367 = arith.xori %lt3A_364, %lt3A_366 : i1
        %and3A_368 = arith.andi %ne3A_367, %ne3A_362 : i1
        %add3A_369 = arith.addi %rem3A_360, %select_n3A_359 : i32
        %select_n3A_370 = arith.select %and3A_368, %add3A_369, %rem3A_360 : i32
        %jit3A_371 = arith.constant 32 : i32
        %eq3A_372 = arith.constant 0 : i32
        %eq3A_373 = arith.cmpi eq, %jit3A_371, %eq3A_372 : i32
        %jit3A_374 = arith.constant 1 : i32
        %select_n3A_375 = arith.select %eq3A_373, %jit3A_374, %jit3A_371 : i32
        %rem3A_376 = arith.remsi %add3A_330, %select_n3A_375 : i32
        %ne3A_377 = arith.constant 0 : i32
        %ne3A_378 = arith.cmpi ne, %rem3A_376, %ne3A_377 : i32
        %lt3A_379 = arith.constant 0 : i32
        %lt3A_380 = arith.cmpi slt, %rem3A_376, %lt3A_379 : i32
        %lt3A_381 = arith.constant 0 : i32
        %lt3A_382 = arith.cmpi slt, %select_n3A_375, %lt3A_381 : i32
        %ne3A_383 = arith.xori %lt3A_380, %lt3A_382 : i1
        %and3A_384 = arith.andi %ne3A_383, %ne3A_378 : i1
        %add3A_385 = arith.addi %rem3A_376, %select_n3A_375 : i32
        %select_n3A_386 = arith.select %and3A_384, %add3A_385, %rem3A_376 : i32
        %dma_start3A_387 = arith.constant 0 : i32
        %dma_start3A_388 = tpu.memref_slice %arg7[%select_n3A_370, %select_n3A_386, %dma_start3A_387] : memref<2x32x128xi32, #tpu.memory_space<vmem>> -> memref<1x1x128xi32, #tpu.memory_space<vmem>>
        %dma_start3A_389 = tpu.memref_squeeze %dma_start3A_388 : memref<1x1x128xi32, #tpu.memory_space<vmem>> -> memref<128xi32, #tpu.memory_space<vmem>>
        %dma_start3A_390 = arith.constant 0 : i32
        %dma_start3A_391 = arith.constant 0 : i32
        %dma_start3A_392 = tpu.memref_slice %arg2[%dma_start3A_390, %dma_start3A_391] : memref<20000x128xf32, #tpu.memory_space<hbm>> -> memref<20000x128xf32, #tpu.memory_space<hbm>>
        tpu.enqueue_indirect_dma source(%dma_start3A_392 : memref<20000x128xf32, #tpu.memory_space<hbm>>) target(%arg9 : memref<128x128xf32, #tpu.memory_space<vmem>>) offsets(%dma_start3A_389 : memref<128xi32, #tpu.memory_space<vmem>>) semaphore(%arg12 : memref<!tpu.dma_semaphore, #tpu.memory_space<semaphore_mem>>)
      } else {
      }
      %dma_wait3A_314 = arith.constant 0 : i32
      %dma_wait3A_315 = arith.constant 0 : i32
      %dma_wait3A_316 = arith.constant 0 : i32
      %dma_wait3A_317 = tpu.memref_slice %arg8[%dma_wait3A_314, %dma_wait3A_315, %dma_wait3A_316] : memref<2x32x128xi32, #tpu.memory_space<vmem>> -> memref<1x1x128xi32, #tpu.memory_space<vmem>>
      %dma_wait3A_318 = tpu.memref_squeeze %dma_wait3A_317 : memref<1x1x128xi32, #tpu.memory_space<vmem>> -> memref<128xi32, #tpu.memory_space<vmem>>
      %dma_wait3A_319 = arith.constant 0 : i32
      %dma_wait3A_320 = arith.constant 0 : i32
      %dma_wait3A_321 = tpu.memref_slice %arg11[%dma_wait3A_319, %dma_wait3A_320] : memref<10112x128xf32, #tpu.memory_space<vmem_shared>> -> memref<10112x128xf32, #tpu.memory_space<vmem_shared>>
      tpu.wait_indirect_dma semaphore(%arg15 : memref<!tpu.dma_semaphore, #tpu.memory_space<semaphore_mem>>) src(%arg10 : memref<128x128xf32, #tpu.memory_space<vmem>>) dst(%dma_wait3A_321 : memref<10112x128xf32, #tpu.memory_space<vmem_shared>>)
      %add3A_322 = arith.constant 3 : i32
      %add3A_323 = arith.addi %mul3A_110, %add3A_322 : i32
      %lt3A_324 = arith.constant 160 : i32
      %lt3A_325 = arith.cmpi slt, %add3A_323, %lt3A_324 : i32
      %convert_element_type3A_326 = arith.extui %lt3A_325 : i1 to i32
      %cond3A_327 = arith.constant 0 : i32
      %cond3A_328 = arith.cmpi ne, %convert_element_type3A_326, %cond3A_327 : i32
      scf.if %cond3A_328 {
        %add3A_329 = arith.constant 3 : i32
        %add3A_330 = arith.addi %mul3A_110, %add3A_329 : i32
        %jit3A_331 = arith.constant 32 : i32
        %div3A_332 = arith.divsi %add3A_330, %jit3A_331 : i32
        %sign3A_333 = arith.constant 0 : i32
        %sign3A_334 = arith.cmpi sgt, %add3A_330, %sign3A_333 : i32
        %sign3A_335 = arith.extui %sign3A_334 : i1 to i32
        %sign3A_336 = arith.constant 0 : i32
        %sign3A_337 = arith.cmpi slt, %add3A_330, %sign3A_336 : i32
        %sign3A_338 = arith.extui %sign3A_337 : i1 to i32
        %sign3A_339 = arith.subi %sign3A_335, %sign3A_338 : i32
        %sign3A_340 = arith.constant 0 : i32
        %sign3A_341 = arith.cmpi sgt, %jit3A_331, %sign3A_340 : i32
        %sign3A_342 = arith.extui %sign3A_341 : i1 to i32
        %sign3A_343 = arith.constant 0 : i32
        %sign3A_344 = arith.cmpi slt, %jit3A_331, %sign3A_343 : i32
        %sign3A_345 = arith.extui %sign3A_344 : i1 to i32
        %sign3A_346 = arith.subi %sign3A_342, %sign3A_345 : i32
        %ne3A_347 = arith.cmpi ne, %sign3A_339, %sign3A_346 : i32
        %rem3A_348 = arith.remsi %add3A_330, %jit3A_331 : i32
        %ne3A_349 = arith.constant 0 : i32
        %ne3A_350 = arith.cmpi ne, %rem3A_348, %ne3A_349 : i32
        %and3A_351 = arith.andi %ne3A_347, %ne3A_350 : i1
        %sub3A_352 = arith.constant 1 : i32
        %sub3A_353 = arith.subi %div3A_332, %sub3A_352 : i32
        %select_n3A_354 = arith.select %and3A_351, %sub3A_353, %div3A_332 : i32
        %jit3A_355 = arith.constant 2 : i32
        %eq3A_356 = arith.constant 0 : i32
        %eq3A_357 = arith.cmpi eq, %jit3A_355, %eq3A_356 : i32
        %jit3A_358 = arith.constant 1 : i32
        %select_n3A_359 = arith.select %eq3A_357, %jit3A_358, %jit3A_355 : i32
        %rem3A_360 = arith.remsi %select_n3A_354, %select_n3A_359 : i32
        %ne3A_361 = arith.constant 0 : i32
        %ne3A_362 = arith.cmpi ne, %rem3A_360, %ne3A_361 : i32
        %lt3A_363 = arith.constant 0 : i32
        %lt3A_364 = arith.cmpi slt, %rem3A_360, %lt3A_363 : i32
        %lt3A_365 = arith.constant 0 : i32
        %lt3A_366 = arith.cmpi slt, %select_n3A_359, %lt3A_365 : i32
        %ne3A_367 = arith.xori %lt3A_364, %lt3A_366 : i1
        %and3A_368 = arith.andi %ne3A_367, %ne3A_362 : i1
        %add3A_369 = arith.addi %rem3A_360, %select_n3A_359 : i32
        %select_n3A_370 = arith.select %and3A_368, %add3A_369, %rem3A_360 : i32
        %jit3A_371 = arith.constant 32 : i32
        %eq3A_372 = arith.constant 0 : i32
        %eq3A_373 = arith.cmpi eq, %jit3A_371, %eq3A_372 : i32
        %jit3A_374 = arith.constant 1 : i32
        %select_n3A_375 = arith.select %eq3A_373, %jit3A_374, %jit3A_371 : i32
        %rem3A_376 = arith.remsi %add3A_330, %select_n3A_375 : i32
        %ne3A_377 = arith.constant 0 : i32
        %ne3A_378 = arith.cmpi ne, %rem3A_376, %ne3A_377 : i32
        %lt3A_379 = arith.constant 0 : i32
        %lt3A_380 = arith.cmpi slt, %rem3A_376, %lt3A_379 : i32
        %lt3A_381 = arith.constant 0 : i32
        %lt3A_382 = arith.cmpi slt, %select_n3A_375, %lt3A_381 : i32
        %ne3A_383 = arith.xori %lt3A_380, %lt3A_382 : i1
        %and3A_384 = arith.andi %ne3A_383, %ne3A_378 : i1
        %add3A_385 = arith.addi %rem3A_376, %select_n3A_375 : i32
        %select_n3A_386 = arith.select %and3A_384, %add3A_385, %rem3A_376 : i32
        %dma_start3A_387 = arith.constant 0 : i32
        %dma_start3A_388 = tpu.memref_slice %arg7[%select_n3A_370, %select_n3A_386, %dma_start3A_387] : memref<2x32x128xi32, #tpu.memory_space<vmem>> -> memref<1x1x128xi32, #tpu.memory_space<vmem>>
        %dma_start3A_389 = tpu.memref_squeeze %dma_start3A_388 : memref<1x1x128xi32, #tpu.memory_space<vmem>> -> memref<128xi32, #tpu.memory_space<vmem>>
        %dma_start3A_390 = arith.constant 0 : i32
        %dma_start3A_391 = arith.constant 0 : i32
        %dma_start3A_392 = tpu.memref_slice %arg2[%dma_start3A_390, %dma_start3A_391] : memref<20000x128xf32, #tpu.memory_space<hbm>> -> memref<20000x128xf32, #tpu.memory_space<hbm>>
        tpu.enqueue_indirect_dma source(%dma_start3A_392 : memref<20000x128xf32, #tpu.memory_space<hbm>>) target(%arg10 : memref<128x128xf32, #tpu.memory_space<vmem>>) offsets(%dma_start3A_389 : memref<128xi32, #tpu.memory_space<vmem>>) semaphore(%arg13 : memref<!tpu.dma_semaphore, #tpu.memory_space<semaphore_mem>>)
      } else {
      }
    }
    %scan3A_97 = arith.constant 80 : i32
    %barrier3A_98 = arith.constant 0 : index
    tpu.barrier barrier_id(%barrier3A_98)
    %mul3A_99 = arith.constant 624 : i32
    %mul3A_100 = arith.muli %arg1, %mul3A_99 : i32
    %mul3A_101 = arith.constant 10000 : i32
    %mul3A_102 = arith.muli %arg0, %mul3A_101 : i32
    %mul3A_103 = arith.constant 624 : i32
    %mul3A_104 = arith.muli %arg1, %mul3A_103 : i32
    %add3A_105 = arith.addi %mul3A_102, %mul3A_104 : i32
    "tpu.region"() ({
      %run_scoped3A = tpu.sem_alloc : memref<!tpu.dma_semaphore, #tpu.memory_space<semaphore_mem>>
      %dma_start3A_108 = arith.constant 0 : i32
      %dma_start3A_109 = tpu.memref_slice %arg6[%add3A_105, %dma_start3A_108] : memref<20000x128xf32, #tpu.memory_space<hbm>> -> memref<624x128xf32, #tpu.memory_space<hbm>>
      %dma_start3A_110 = arith.constant 0 : i32
      %dma_start3A_111 = tpu.memref_slice %arg11[%mul3A_100, %dma_start3A_110] : memref<10112x128xf32, #tpu.memory_space<vmem_shared>> -> memref<624x128xf32, #tpu.memory_space<vmem_shared>>
      tpu.enqueue_dma source(%dma_start3A_111 : memref<624x128xf32, #tpu.memory_space<vmem_shared>>) target(%dma_start3A_109 : memref<624x128xf32, #tpu.memory_space<hbm>>) target_semaphore(%run_scoped3A : memref<!tpu.dma_semaphore, #tpu.memory_space<semaphore_mem>>)
      %dma_wait3A_112 = arith.constant 0 : i32
      %dma_wait3A_113 = tpu.memref_slice %arg6[%add3A_105, %dma_wait3A_112] : memref<20000x128xf32, #tpu.memory_space<hbm>> -> memref<624x128xf32, #tpu.memory_space<hbm>>
      %dma_wait3A_114 = arith.constant 0 : i32
      %dma_wait3A_115 = tpu.memref_slice %arg11[%mul3A_100, %dma_wait3A_114] : memref<10112x128xf32, #tpu.memory_space<vmem_shared>> -> memref<624x128xf32, #tpu.memory_space<vmem_shared>>
      tpu.wait_dma2 semaphore(%run_scoped3A : memref<!tpu.dma_semaphore, #tpu.memory_space<semaphore_mem>>) src(%dma_wait3A_115 : memref<624x128xf32, #tpu.memory_space<vmem_shared>>) dst(%dma_wait3A_113 : memref<624x128xf32, #tpu.memory_space<hbm>>)
      tpu.yield
    }) : () -> ()
    %eq3A = arith.constant 15 : i32
    %eq3A_106 = arith.cmpi eq, %arg1, %eq3A : i32
    %convert_element_type3A = arith.extui %eq3A_106 : i1 to i32
    %cond3A = arith.constant 0 : i32
    %cond3A_107 = arith.cmpi ne, %convert_element_type3A, %cond3A : i32
    scf.if %cond3A_107 {
      %mul3A_108 = arith.constant 10000 : i32
      %mul3A_109 = arith.muli %arg0, %mul3A_108 : i32
      %add3A_110 = arith.constant 9984 : i32
      %add3A_111 = arith.addi %mul3A_109, %add3A_110 : i32
      "tpu.region"() ({
        %run_scoped3A = tpu.sem_alloc : memref<!tpu.dma_semaphore, #tpu.memory_space<semaphore_mem>>
        %dma_start3A_112 = arith.constant 0 : i32
        %dma_start3A_113 = tpu.memref_slice %arg6[%add3A_111, %dma_start3A_112] : memref<20000x128xf32, #tpu.memory_space<hbm>> -> memref<16x128xf32, #tpu.memory_space<hbm>>
        %dma_start3A_114 = arith.constant 9984 : i32
        %dma_start3A_115 = arith.constant 0 : i32
        %dma_start3A_116 = tpu.memref_slice %arg11[%dma_start3A_114, %dma_start3A_115] : memref<10112x128xf32, #tpu.memory_space<vmem_shared>> -> memref<16x128xf32, #tpu.memory_space<vmem_shared>>
        tpu.enqueue_dma source(%dma_start3A_116 : memref<16x128xf32, #tpu.memory_space<vmem_shared>>) target(%dma_start3A_113 : memref<16x128xf32, #tpu.memory_space<hbm>>) target_semaphore(%run_scoped3A : memref<!tpu.dma_semaphore, #tpu.memory_space<semaphore_mem>>)
        %dma_wait3A_117 = arith.constant 0 : i32
        %dma_wait3A_118 = tpu.memref_slice %arg6[%add3A_111, %dma_wait3A_117] : memref<20000x128xf32, #tpu.memory_space<hbm>> -> memref<16x128xf32, #tpu.memory_space<hbm>>
        %dma_wait3A_119 = arith.constant 9984 : i32
        %dma_wait3A_120 = arith.constant 0 : i32
        %dma_wait3A_121 = tpu.memref_slice %arg11[%dma_wait3A_119, %dma_wait3A_120] : memref<10112x128xf32, #tpu.memory_space<vmem_shared>> -> memref<16x128xf32, #tpu.memory_space<vmem_shared>>
        tpu.wait_dma2 semaphore(%run_scoped3A : memref<!tpu.dma_semaphore, #tpu.memory_space<semaphore_mem>>) src(%dma_wait3A_121 : memref<16x128xf32, #tpu.memory_space<vmem_shared>>) dst(%dma_wait3A_118 : memref<16x128xf32, #tpu.memory_space<hbm>>)
        tpu.yield
      }) : () -> ()
    } else {
    }
    return
  }
}

#map = affine_map<(d0, d1) -> (0, 0)>
#map1 = affine_map<(d0, d1) -> (0, 0, 0)>
module attributes {stable_mosaic.version = 14 : i64} {
  func.func @_sc_propagate(%arg0: i32, %arg1: i32, %arg2: memref<20000x128xf32, #tpu.memory_space<hbm>>, %arg3: memref<32x160x128xi32, #tpu.memory_space<hbm>>, %arg4: memref<32x160x128xi32, #tpu.memory_space<hbm>>, %arg5: memref<632x128xf32, #tpu.memory_space<hbm>>, %arg6: memref<20000x128xf32, #tpu.memory_space<hbm>>, %arg7: memref<2x32x128xi32, #tpu.memory_space<vmem>>, %arg8: memref<2x32x128xi32, #tpu.memory_space<vmem>>, %arg9: memref<128x128xf32, #tpu.memory_space<vmem>>, %arg10: memref<128x128xf32, #tpu.memory_space<vmem>>, %arg11: memref<10112x128xf32, #tpu.memory_space<vmem_shared>>, %arg12: memref<!tpu.dma_semaphore, #tpu.memory_space<semaphore_mem>>, %arg13: memref<!tpu.dma_semaphore, #tpu.memory_space<semaphore_mem>>, %arg14: memref<!tpu.dma_semaphore, #tpu.memory_space<semaphore_mem>>, %arg15: memref<!tpu.dma_semaphore, #tpu.memory_space<semaphore_mem>>, %arg16: memref<!tpu.dma_semaphore, #tpu.memory_space<semaphore_mem>>, %arg17: memref<!tpu.dma_semaphore, #tpu.memory_space<semaphore_mem>>) attributes {dimension_semantics = [#tpu.dimension_semantics<core_parallel>, #tpu.dimension_semantics<subcore_parallel>], iteration_bounds = array<i64: 2, 16>, scalar_prefetch = 0 : i64, scratch_operands = 11 : i64, tpu.core_type = #tpu.core_type<sc_vector_subcore>, window_params = [{transform_indices = #map}, {transform_indices = #map1}, {transform_indices = #map1}, {transform_indices = #map}, {transform_indices = #map}]} {
    %mul3A = arith.constant 16 : i32
    %mul3A_0 = arith.muli %arg0, %mul3A : i32
    %add3A = arith.addi %mul3A_0, %arg1 : i32
    %mul3A_1 = arith.constant 632 : i32
    %mul3A_2 = arith.muli %arg1, %mul3A_1 : i32
    %dma_start3A = arith.constant 0 : i32
    %dma_start3A_3 = tpu.memref_slice %arg11[%mul3A_2, %dma_start3A] : memref<10112x128xf32, #tpu.memory_space<vmem_shared>> -> memref<632x128xf32, #tpu.memory_space<vmem_shared>>
    tpu.enqueue_dma source(%arg5 : memref<632x128xf32, #tpu.memory_space<hbm>>) target(%dma_start3A_3 : memref<632x128xf32, #tpu.memory_space<vmem_shared>>) target_semaphore(%arg17 : memref<!tpu.dma_semaphore, #tpu.memory_space<semaphore_mem>>)
    %dma_start3A_4 = arith.constant 0 : i32
    %dma_start3A_5 = arith.constant 0 : i32
    %dma_start3A_6 = arith.constant 0 : i32
    %dma_start3A_7 = tpu.memref_slice %arg7[%dma_start3A_4, %dma_start3A_5, %dma_start3A_6] : memref<2x32x128xi32, #tpu.memory_space<vmem>> -> memref<1x32x128xi32, #tpu.memory_space<vmem>>
    %dma_start3A_8 = tpu.memref_squeeze %dma_start3A_7 : memref<1x32x128xi32, #tpu.memory_space<vmem>> -> memref<32x128xi32, #tpu.memory_space<vmem>>
    %dma_start3A_9 = arith.constant 0 : i32
    %dma_start3A_10 = arith.constant 0 : i32
    %dma_start3A_11 = tpu.memref_slice %arg3[%add3A, %dma_start3A_9, %dma_start3A_10] : memref<32x160x128xi32, #tpu.memory_space<hbm>> -> memref<1x32x128xi32, #tpu.memory_space<hbm>>
    %dma_start3A_12 = tpu.memref_squeeze %dma_start3A_11 : memref<1x32x128xi32, #tpu.memory_space<hbm>> -> memref<32x128xi32, #tpu.memory_space<hbm>>
    %dma_start3A_13 = arith.constant 0 : i32
    %dma_start3A_14 = arith.constant 0 : i32
    %dma_start3A_15 = tpu.memref_slice %arg7[%dma_start3A_4, %dma_start3A_13, %dma_start3A_14] : memref<2x32x128xi32, #tpu.memory_space<vmem>> -> memref<1x32x128xi32, #tpu.memory_space<vmem>>
    %dma_start3A_16 = tpu.memref_squeeze %dma_start3A_15 : memref<1x32x128xi32, #tpu.memory_space<vmem>> -> memref<32x128xi32, #tpu.memory_space<vmem>>
    %dma_start3A_17 = arith.constant 0 : i32
    %dma_start3A_18 = arith.constant 0 : i32
    %dma_start3A_19 = tpu.memref_slice %arg3[%add3A, %dma_start3A_17, %dma_start3A_18] : memref<32x160x128xi32, #tpu.memory_space<hbm>> -> memref<1x32x128xi32, #tpu.memory_space<hbm>>
    %dma_start3A_20 = tpu.memref_squeeze %dma_start3A_19 : memref<1x32x128xi32, #tpu.memory_space<hbm>> -> memref<32x128xi32, #tpu.memory_space<hbm>>
    tpu.enqueue_dma source(%dma_start3A_20 : memref<32x128xi32, #tpu.memory_space<hbm>>) target(%dma_start3A_16 : memref<32x128xi32, #tpu.memory_space<vmem>>) target_semaphore(%arg16 : memref<!tpu.dma_semaphore, #tpu.memory_space<semaphore_mem>>)
    %dma_start3A_21 = arith.constant 0 : i32
    %dma_start3A_22 = arith.constant 0 : i32
    %dma_start3A_23 = arith.constant 0 : i32
    %dma_start3A_24 = tpu.memref_slice %arg8[%dma_start3A_21, %dma_start3A_22, %dma_start3A_23] : memref<2x32x128xi32, #tpu.memory_space<vmem>> -> memref<1x32x128xi32, #tpu.memory_space<vmem>>
    %dma_start3A_25 = tpu.memref_squeeze %dma_start3A_24 : memref<1x32x128xi32, #tpu.memory_space<vmem>> -> memref<32x128xi32, #tpu.memory_space<vmem>>
    %dma_start3A_26 = arith.constant 0 : i32
    %dma_start3A_27 = arith.constant 0 : i32
    %dma_start3A_28 = tpu.memref_slice %arg4[%add3A, %dma_start3A_26, %dma_start3A_27] : memref<32x160x128xi32, #tpu.memory_space<hbm>> -> memref<1x32x128xi32, #tpu.memory_space<hbm>>
    %dma_start3A_29 = tpu.memref_squeeze %dma_start3A_28 : memref<1x32x128xi32, #tpu.memory_space<hbm>> -> memref<32x128xi32, #tpu.memory_space<hbm>>
    %dma_start3A_30 = arith.constant 0 : i32
    %dma_start3A_31 = arith.constant 0 : i32
    %dma_start3A_32 = tpu.memref_slice %arg8[%dma_start3A_21, %dma_start3A_30, %dma_start3A_31] : memref<2x32x128xi32, #tpu.memory_space<vmem>> -> memref<1x32x128xi32, #tpu.memory_space<vmem>>
    %dma_start3A_33 = tpu.memref_squeeze %dma_start3A_32 : memref<1x32x128xi32, #tpu.memory_space<vmem>> -> memref<32x128xi32, #tpu.memory_space<vmem>>
    %dma_start3A_34 = arith.constant 0 : i32
    %dma_start3A_35 = arith.constant 0 : i32
    %dma_start3A_36 = tpu.memref_slice %arg4[%add3A, %dma_start3A_34, %dma_start3A_35] : memref<32x160x128xi32, #tpu.memory_space<hbm>> -> memref<1x32x128xi32, #tpu.memory_space<hbm>>
    %dma_start3A_37 = tpu.memref_squeeze %dma_start3A_36 : memref<1x32x128xi32, #tpu.memory_space<hbm>> -> memref<32x128xi32, #tpu.memory_space<hbm>>
    tpu.enqueue_dma source(%dma_start3A_37 : memref<32x128xi32, #tpu.memory_space<hbm>>) target(%dma_start3A_33 : memref<32x128xi32, #tpu.memory_space<vmem>>) target_semaphore(%arg16 : memref<!tpu.dma_semaphore, #tpu.memory_space<semaphore_mem>>)
    %dma_wait3A = arith.constant 0 : i32
    %dma_wait3A_38 = arith.constant 0 : i32
    %dma_wait3A_39 = arith.constant 0 : i32
    %dma_wait3A_40 = arith.constant 0 : i32
    %dma_wait3A_41 = tpu.memref_slice %arg7[%dma_wait3A_38, %dma_wait3A_39, %dma_wait3A_40] : memref<2x32x128xi32, #tpu.memory_space<vmem>> -> memref<1x32x128xi32, #tpu.memory_space<vmem>>
    %dma_wait3A_42 = tpu.memref_squeeze %dma_wait3A_41 : memref<1x32x128xi32, #tpu.memory_space<vmem>> -> memref<32x128xi32, #tpu.memory_space<vmem>>
    %dma_wait3A_43 = arith.constant 0 : i32
    %dma_wait3A_44 = arith.constant 0 : i32
    %dma_wait3A_45 = tpu.memref_slice %arg3[%dma_wait3A, %dma_wait3A_43, %dma_wait3A_44] : memref<32x160x128xi32, #tpu.memory_space<hbm>> -> memref<1x32x128xi32, #tpu.memory_space<hbm>>
    %dma_wait3A_46 = tpu.memref_squeeze %dma_wait3A_45 : memref<1x32x128xi32, #tpu.memory_space<hbm>> -> memref<32x128xi32, #tpu.memory_space<hbm>>
    %dma_wait3A_47 = arith.constant 0 : i32
    %dma_wait3A_48 = arith.constant 0 : i32
    %dma_wait3A_49 = tpu.memref_slice %arg7[%dma_wait3A_38, %dma_wait3A_47, %dma_wait3A_48] : memref<2x32x128xi32, #tpu.memory_space<vmem>> -> memref<1x32x128xi32, #tpu.memory_space<vmem>>
    %dma_wait3A_50 = tpu.memref_squeeze %dma_wait3A_49 : memref<1x32x128xi32, #tpu.memory_space<vmem>> -> memref<32x128xi32, #tpu.memory_space<vmem>>
    %dma_wait3A_51 = arith.constant 0 : i32
    %dma_wait3A_52 = arith.constant 0 : i32
    %dma_wait3A_53 = tpu.memref_slice %arg3[%dma_wait3A, %dma_wait3A_51, %dma_wait3A_52] : memref<32x160x128xi32, #tpu.memory_space<hbm>> -> memref<1x32x128xi32, #tpu.memory_space<hbm>>
    %dma_wait3A_54 = tpu.memref_squeeze %dma_wait3A_53 : memref<1x32x128xi32, #tpu.memory_space<hbm>> -> memref<32x128xi32, #tpu.memory_space<hbm>>
    tpu.wait_dma2 semaphore(%arg16 : memref<!tpu.dma_semaphore, #tpu.memory_space<semaphore_mem>>) src(%dma_wait3A_54 : memref<32x128xi32, #tpu.memory_space<hbm>>) dst(%dma_wait3A_50 : memref<32x128xi32, #tpu.memory_space<vmem>>)
    %dma_wait3A_55 = arith.constant 0 : i32
    %dma_wait3A_56 = arith.constant 0 : i32
    %dma_wait3A_57 = arith.constant 0 : i32
    %dma_wait3A_58 = arith.constant 0 : i32
    %dma_wait3A_59 = tpu.memref_slice %arg8[%dma_wait3A_56, %dma_wait3A_57, %dma_wait3A_58] : memref<2x32x128xi32, #tpu.memory_space<vmem>> -> memref<1x32x128xi32, #tpu.memory_space<vmem>>
    %dma_wait3A_60 = tpu.memref_squeeze %dma_wait3A_59 : memref<1x32x128xi32, #tpu.memory_space<vmem>> -> memref<32x128xi32, #tpu.memory_space<vmem>>
    %dma_wait3A_61 = arith.constant 0 : i32
    %dma_wait3A_62 = arith.constant 0 : i32
    %dma_wait3A_63 = tpu.memref_slice %arg4[%dma_wait3A_55, %dma_wait3A_61, %dma_wait3A_62] : memref<32x160x128xi32, #tpu.memory_space<hbm>> -> memref<1x32x128xi32, #tpu.memory_space<hbm>>
    %dma_wait3A_64 = tpu.memref_squeeze %dma_wait3A_63 : memref<1x32x128xi32, #tpu.memory_space<hbm>> -> memref<32x128xi32, #tpu.memory_space<hbm>>
    %dma_wait3A_65 = arith.constant 0 : i32
    %dma_wait3A_66 = arith.constant 0 : i32
    %dma_wait3A_67 = tpu.memref_slice %arg8[%dma_wait3A_56, %dma_wait3A_65, %dma_wait3A_66] : memref<2x32x128xi32, #tpu.memory_space<vmem>> -> memref<1x32x128xi32, #tpu.memory_space<vmem>>
    %dma_wait3A_68 = tpu.memref_squeeze %dma_wait3A_67 : memref<1x32x128xi32, #tpu.memory_space<vmem>> -> memref<32x128xi32, #tpu.memory_space<vmem>>
    %dma_wait3A_69 = arith.constant 0 : i32
    %dma_wait3A_70 = arith.constant 0 : i32
    %dma_wait3A_71 = tpu.memref_slice %arg4[%dma_wait3A_55, %dma_wait3A_69, %dma_wait3A_70] : memref<32x160x128xi32, #tpu.memory_space<hbm>> -> memref<1x32x128xi32, #tpu.memory_space<hbm>>
    %dma_wait3A_72 = tpu.memref_squeeze %dma_wait3A_71 : memref<1x32x128xi32, #tpu.memory_space<hbm>> -> memref<32x128xi32, #tpu.memory_space<hbm>>
    tpu.wait_dma2 semaphore(%arg16 : memref<!tpu.dma_semaphore, #tpu.memory_space<semaphore_mem>>) src(%dma_wait3A_72 : memref<32x128xi32, #tpu.memory_space<hbm>>) dst(%dma_wait3A_68 : memref<32x128xi32, #tpu.memory_space<vmem>>)
    %dma_start3A_73 = arith.constant 0 : i32
    %dma_start3A_74 = arith.constant 0 : i32
    %dma_start3A_75 = arith.constant 0 : i32
    %dma_start3A_76 = tpu.memref_slice %arg7[%dma_start3A_73, %dma_start3A_74, %dma_start3A_75] : memref<2x32x128xi32, #tpu.memory_space<vmem>> -> memref<1x1x128xi32, #tpu.memory_space<vmem>>
    %dma_start3A_77 = tpu.memref_squeeze %dma_start3A_76 : memref<1x1x128xi32, #tpu.memory_space<vmem>> -> memref<128xi32, #tpu.memory_space<vmem>>
    %dma_start3A_78 = arith.constant 0 : i32
    %dma_start3A_79 = arith.constant 0 : i32
    %dma_start3A_80 = tpu.memref_slice %arg2[%dma_start3A_78, %dma_start3A_79] : memref<20000x128xf32, #tpu.memory_space<hbm>> -> memref<20000x128xf32, #tpu.memory_space<hbm>>
    tpu.enqueue_indirect_dma source(%dma_start3A_80 : memref<20000x128xf32, #tpu.memory_space<hbm>>) target(%arg9 : memref<128x128xf32, #tpu.memory_space<vmem>>) offsets(%dma_start3A_77 : memref<128xi32, #tpu.memory_space<vmem>>) semaphore(%arg12 : memref<!tpu.dma_semaphore, #tpu.memory_space<semaphore_mem>>)
    %dma_start3A_81 = arith.constant 0 : i32
    %dma_start3A_82 = arith.constant 1 : i32
    %dma_start3A_83 = arith.constant 0 : i32
    %dma_start3A_84 = tpu.memref_slice %arg7[%dma_start3A_81, %dma_start3A_82, %dma_start3A_83] : memref<2x32x128xi32, #tpu.memory_space<vmem>> -> memref<1x1x128xi32, #tpu.memory_space<vmem>>
    %dma_start3A_85 = tpu.memref_squeeze %dma_start3A_84 : memref<1x1x128xi32, #tpu.memory_space<vmem>> -> memref<128xi32, #tpu.memory_space<vmem>>
    %dma_start3A_86 = arith.constant 0 : i32
    %dma_start3A_87 = arith.constant 0 : i32
    %dma_start3A_88 = tpu.memref_slice %arg2[%dma_start3A_86, %dma_start3A_87] : memref<20000x128xf32, #tpu.memory_space<hbm>> -> memref<20000x128xf32, #tpu.memory_space<hbm>>
    tpu.enqueue_indirect_dma source(%dma_start3A_88 : memref<20000x128xf32, #tpu.memory_space<hbm>>) target(%arg10 : memref<128x128xf32, #tpu.memory_space<vmem>>) offsets(%dma_start3A_85 : memref<128xi32, #tpu.memory_space<vmem>>) semaphore(%arg13 : memref<!tpu.dma_semaphore, #tpu.memory_space<semaphore_mem>>)
    %mul3A_89 = arith.constant 632 : i32
    %mul3A_90 = arith.muli %arg1, %mul3A_89 : i32
    %dma_wait3A_91 = arith.constant 0 : i32
    %dma_wait3A_92 = tpu.memref_slice %arg11[%mul3A_90, %dma_wait3A_91] : memref<10112x128xf32, #tpu.memory_space<vmem_shared>> -> memref<632x128xf32, #tpu.memory_space<vmem_shared>>
    tpu.wait_dma2 semaphore(%arg17 : memref<!tpu.dma_semaphore, #tpu.memory_space<semaphore_mem>>) src(%arg5 : memref<632x128xf32, #tpu.memory_space<hbm>>) dst(%dma_wait3A_92 : memref<632x128xf32, #tpu.memory_space<vmem_shared>>)
    %barrier3A = arith.constant 0 : index
    tpu.barrier barrier_id(%barrier3A)
    %scan3A = arith.constant 0 : i32
    %scan3A_93 = arith.constant 0 : i32
    %scan3A_94 = arith.constant 80 : i32
    %scan3A_95 = arith.addi %scan3A_93, %scan3A_94 : i32
    %scan3A_96 = arith.constant 1 : i32
    scf.for %scan3A_108 = %scan3A_93 to %scan3A_95 step %scan3A_96  : i32 {
      %mul3A_109 = arith.constant 2 : i32
      %mul3A_110 = arith.muli %scan3A_108, %mul3A_109 : i32
      %jit3A = arith.constant 32 : i32
      %eq3A_111 = arith.constant 0 : i32
      %eq3A_112 = arith.cmpi eq, %jit3A, %eq3A_111 : i32
      %jit3A_113 = arith.constant 1 : i32
      %select_n3A = arith.select %eq3A_112, %jit3A_113, %jit3A : i32
      %rem3A = arith.remsi %mul3A_110, %select_n3A : i32
      %ne3A = arith.constant 0 : i32
      %ne3A_114 = arith.cmpi ne, %rem3A, %ne3A : i32
      %lt3A = arith.constant 0 : i32
      %lt3A_115 = arith.cmpi slt, %rem3A, %lt3A : i32
      %lt3A_116 = arith.constant 0 : i32
      %lt3A_117 = arith.cmpi slt, %select_n3A, %lt3A_116 : i32
      %ne3A_118 = arith.xori %lt3A_115, %lt3A_117 : i1
      %and3A = arith.andi %ne3A_118, %ne3A_114 : i1
      %add3A_119 = arith.addi %rem3A, %select_n3A : i32
      %select_n3A_120 = arith.select %and3A, %add3A_119, %rem3A : i32
      %eq3A_121 = arith.constant 0 : i32
      %eq3A_122 = arith.cmpi eq, %select_n3A_120, %eq3A_121 : i32
      %gt3A = arith.constant 0 : i32
      %gt3A_123 = arith.cmpi sgt, %mul3A_110, %gt3A : i32
      %and3A_124 = arith.andi %eq3A_122, %gt3A_123 : i1
      %convert_element_type3A_125 = arith.extui %and3A_124 : i1 to i32
      %cond3A_126 = arith.constant 0 : i32
      %cond3A_127 = arith.cmpi ne, %convert_element_type3A_125, %cond3A_126 : i32
      scf.if %cond3A_127 {
        %dma_wait3A_329 = arith.constant 0 : i32
        %dma_wait3A_330 = arith.constant 0 : i32
        %dma_wait3A_331 = arith.constant 0 : i32
        %dma_wait3A_332 = arith.constant 0 : i32
        %dma_wait3A_333 = tpu.memref_slice %arg7[%dma_wait3A_330, %dma_wait3A_331, %dma_wait3A_332] : memref<2x32x128xi32, #tpu.memory_space<vmem>> -> memref<1x32x128xi32, #tpu.memory_space<vmem>>
        %dma_wait3A_334 = tpu.memref_squeeze %dma_wait3A_333 : memref<1x32x128xi32, #tpu.memory_space<vmem>> -> memref<32x128xi32, #tpu.memory_space<vmem>>
        %dma_wait3A_335 = arith.constant 0 : i32
        %dma_wait3A_336 = arith.constant 0 : i32
        %dma_wait3A_337 = tpu.memref_slice %arg3[%dma_wait3A_329, %dma_wait3A_335, %dma_wait3A_336] : memref<32x160x128xi32, #tpu.memory_space<hbm>> -> memref<1x32x128xi32, #tpu.memory_space<hbm>>
        %dma_wait3A_338 = tpu.memref_squeeze %dma_wait3A_337 : memref<1x32x128xi32, #tpu.memory_space<hbm>> -> memref<32x128xi32, #tpu.memory_space<hbm>>
        %dma_wait3A_339 = arith.constant 0 : i32
        %dma_wait3A_340 = arith.constant 0 : i32
        %dma_wait3A_341 = tpu.memref_slice %arg7[%dma_wait3A_330, %dma_wait3A_339, %dma_wait3A_340] : memref<2x32x128xi32, #tpu.memory_space<vmem>> -> memref<1x32x128xi32, #tpu.memory_space<vmem>>
        %dma_wait3A_342 = tpu.memref_squeeze %dma_wait3A_341 : memref<1x32x128xi32, #tpu.memory_space<vmem>> -> memref<32x128xi32, #tpu.memory_space<vmem>>
        %dma_wait3A_343 = arith.constant 0 : i32
        %dma_wait3A_344 = arith.constant 0 : i32
        %dma_wait3A_345 = tpu.memref_slice %arg3[%dma_wait3A_329, %dma_wait3A_343, %dma_wait3A_344] : memref<32x160x128xi32, #tpu.memory_space<hbm>> -> memref<1x32x128xi32, #tpu.memory_space<hbm>>
        %dma_wait3A_346 = tpu.memref_squeeze %dma_wait3A_345 : memref<1x32x128xi32, #tpu.memory_space<hbm>> -> memref<32x128xi32, #tpu.memory_space<hbm>>
        tpu.wait_dma2 semaphore(%arg16 : memref<!tpu.dma_semaphore, #tpu.memory_space<semaphore_mem>>) src(%dma_wait3A_346 : memref<32x128xi32, #tpu.memory_space<hbm>>) dst(%dma_wait3A_342 : memref<32x128xi32, #tpu.memory_space<vmem>>)
        %dma_wait3A_347 = arith.constant 0 : i32
        %dma_wait3A_348 = arith.constant 0 : i32
        %dma_wait3A_349 = arith.constant 0 : i32
        %dma_wait3A_350 = arith.constant 0 : i32
        %dma_wait3A_351 = tpu.memref_slice %arg8[%dma_wait3A_348, %dma_wait3A_349, %dma_wait3A_350] : memref<2x32x128xi32, #tpu.memory_space<vmem>> -> memref<1x32x128xi32, #tpu.memory_space<vmem>>
        %dma_wait3A_352 = tpu.memref_squeeze %dma_wait3A_351 : memref<1x32x128xi32, #tpu.memory_space<vmem>> -> memref<32x128xi32, #tpu.memory_space<vmem>>
        %dma_wait3A_353 = arith.constant 0 : i32
        %dma_wait3A_354 = arith.constant 0 : i32
        %dma_wait3A_355 = tpu.memref_slice %arg4[%dma_wait3A_347, %dma_wait3A_353, %dma_wait3A_354] : memref<32x160x128xi32, #tpu.memory_space<hbm>> -> memref<1x32x128xi32, #tpu.memory_space<hbm>>
        %dma_wait3A_356 = tpu.memref_squeeze %dma_wait3A_355 : memref<1x32x128xi32, #tpu.memory_space<hbm>> -> memref<32x128xi32, #tpu.memory_space<hbm>>
        %dma_wait3A_357 = arith.constant 0 : i32
        %dma_wait3A_358 = arith.constant 0 : i32
        %dma_wait3A_359 = tpu.memref_slice %arg8[%dma_wait3A_348, %dma_wait3A_357, %dma_wait3A_358] : memref<2x32x128xi32, #tpu.memory_space<vmem>> -> memref<1x32x128xi32, #tpu.memory_space<vmem>>
        %dma_wait3A_360 = tpu.memref_squeeze %dma_wait3A_359 : memref<1x32x128xi32, #tpu.memory_space<vmem>> -> memref<32x128xi32, #tpu.memory_space<vmem>>
        %dma_wait3A_361 = arith.constant 0 : i32
        %dma_wait3A_362 = arith.constant 0 : i32
        %dma_wait3A_363 = tpu.memref_slice %arg4[%dma_wait3A_347, %dma_wait3A_361, %dma_wait3A_362] : memref<32x160x128xi32, #tpu.memory_space<hbm>> -> memref<1x32x128xi32, #tpu.memory_space<hbm>>
        %dma_wait3A_364 = tpu.memref_squeeze %dma_wait3A_363 : memref<1x32x128xi32, #tpu.memory_space<hbm>> -> memref<32x128xi32, #tpu.memory_space<hbm>>
        tpu.wait_dma2 semaphore(%arg16 : memref<!tpu.dma_semaphore, #tpu.memory_space<semaphore_mem>>) src(%dma_wait3A_364 : memref<32x128xi32, #tpu.memory_space<hbm>>) dst(%dma_wait3A_360 : memref<32x128xi32, #tpu.memory_space<vmem>>)
      } else {
      }
      %eq3A_128 = arith.constant 6 : i32
      %eq3A_129 = arith.cmpi eq, %select_n3A_120, %eq3A_128 : i32
      %jit3A_130 = arith.constant 32 : i32
      %div3A = arith.divsi %mul3A_110, %jit3A_130 : i32
      %sign3A = arith.constant 0 : i32
      %sign3A_131 = arith.cmpi sgt, %mul3A_110, %sign3A : i32
      %sign3A_132 = arith.extui %sign3A_131 : i1 to i32
      %sign3A_133 = arith.constant 0 : i32
      %sign3A_134 = arith.cmpi slt, %mul3A_110, %sign3A_133 : i32
      %sign3A_135 = arith.extui %sign3A_134 : i1 to i32
      %sign3A_136 = arith.subi %sign3A_132, %sign3A_135 : i32
      %sign3A_137 = arith.constant 0 : i32
      %sign3A_138 = arith.cmpi sgt, %jit3A_130, %sign3A_137 : i32
      %sign3A_139 = arith.extui %sign3A_138 : i1 to i32
      %sign3A_140 = arith.constant 0 : i32
      %sign3A_141 = arith.cmpi slt, %jit3A_130, %sign3A_140 : i32
      %sign3A_142 = arith.extui %sign3A_141 : i1 to i32
      %sign3A_143 = arith.subi %sign3A_139, %sign3A_142 : i32
      %ne3A_144 = arith.cmpi ne, %sign3A_136, %sign3A_143 : i32
      %rem3A_145 = arith.remsi %mul3A_110, %jit3A_130 : i32
      %ne3A_146 = arith.constant 0 : i32
      %ne3A_147 = arith.cmpi ne, %rem3A_145, %ne3A_146 : i32
      %and3A_148 = arith.andi %ne3A_144, %ne3A_147 : i1
      %sub3A = arith.constant 1 : i32
      %sub3A_149 = arith.subi %div3A, %sub3A : i32
      %select_n3A_150 = arith.select %and3A_148, %sub3A_149, %div3A : i32
      %lt3A_151 = arith.constant 4 : i32
      %lt3A_152 = arith.cmpi slt, %select_n3A_150, %lt3A_151 : i32
      %and3A_153 = arith.andi %eq3A_129, %lt3A_152 : i1
      %convert_element_type3A_154 = arith.extui %and3A_153 : i1 to i32
      %cond3A_155 = arith.constant 0 : i32
      %cond3A_156 = arith.cmpi ne, %convert_element_type3A_154, %cond3A_155 : i32
      scf.if %cond3A_156 {
        %jit3A_329 = arith.constant 32 : i32
        %div3A_330 = arith.divsi %mul3A_110, %jit3A_329 : i32
        %sign3A_331 = arith.constant 0 : i32
        %sign3A_332 = arith.cmpi sgt, %mul3A_110, %sign3A_331 : i32
        %sign3A_333 = arith.extui %sign3A_332 : i1 to i32
        %sign3A_334 = arith.constant 0 : i32
        %sign3A_335 = arith.cmpi slt, %mul3A_110, %sign3A_334 : i32
        %sign3A_336 = arith.extui %sign3A_335 : i1 to i32
        %sign3A_337 = arith.subi %sign3A_333, %sign3A_336 : i32
        %sign3A_338 = arith.constant 0 : i32
        %sign3A_339 = arith.cmpi sgt, %jit3A_329, %sign3A_338 : i32
        %sign3A_340 = arith.extui %sign3A_339 : i1 to i32
        %sign3A_341 = arith.constant 0 : i32
        %sign3A_342 = arith.cmpi slt, %jit3A_329, %sign3A_341 : i32
        %sign3A_343 = arith.extui %sign3A_342 : i1 to i32
        %sign3A_344 = arith.subi %sign3A_340, %sign3A_343 : i32
        %ne3A_345 = arith.cmpi ne, %sign3A_337, %sign3A_344 : i32
        %rem3A_346 = arith.remsi %mul3A_110, %jit3A_329 : i32
        %ne3A_347 = arith.constant 0 : i32
        %ne3A_348 = arith.cmpi ne, %rem3A_346, %ne3A_347 : i32
        %and3A_349 = arith.andi %ne3A_345, %ne3A_348 : i1
        %sub3A_350 = arith.constant 1 : i32
        %sub3A_351 = arith.subi %div3A_330, %sub3A_350 : i32
        %select_n3A_352 = arith.select %and3A_349, %sub3A_351, %div3A_330 : i32
        %add3A_353 = arith.constant 1 : i32
        %add3A_354 = arith.addi %select_n3A_352, %add3A_353 : i32
        %jit3A_355 = arith.constant 2 : i32
        %eq3A_356 = arith.constant 0 : i32
        %eq3A_357 = arith.cmpi eq, %jit3A_355, %eq3A_356 : i32
        %jit3A_358 = arith.constant 1 : i32
        %select_n3A_359 = arith.select %eq3A_357, %jit3A_358, %jit3A_355 : i32
        %rem3A_360 = arith.remsi %add3A_354, %select_n3A_359 : i32
        %ne3A_361 = arith.constant 0 : i32
        %ne3A_362 = arith.cmpi ne, %rem3A_360, %ne3A_361 : i32
        %lt3A_363 = arith.constant 0 : i32
        %lt3A_364 = arith.cmpi slt, %rem3A_360, %lt3A_363 : i32
        %lt3A_365 = arith.constant 0 : i32
        %lt3A_366 = arith.cmpi slt, %select_n3A_359, %lt3A_365 : i32
        %ne3A_367 = arith.xori %lt3A_364, %lt3A_366 : i1
        %and3A_368 = arith.andi %ne3A_367, %ne3A_362 : i1
        %add3A_369 = arith.addi %rem3A_360, %select_n3A_359 : i32
        %select_n3A_370 = arith.select %and3A_368, %add3A_369, %rem3A_360 : i32
        %mul3A_371 = arith.constant 32 : i32
        %mul3A_372 = arith.muli %add3A_354, %mul3A_371 : i32
        %dma_start3A_373 = arith.constant 0 : i32
        %dma_start3A_374 = arith.constant 0 : i32
        %dma_start3A_375 = tpu.memref_slice %arg7[%select_n3A_370, %dma_start3A_373, %dma_start3A_374] : memref<2x32x128xi32, #tpu.memory_space<vmem>> -> memref<1x32x128xi32, #tpu.memory_space<vmem>>
        %dma_start3A_376 = tpu.memref_squeeze %dma_start3A_375 : memref<1x32x128xi32, #tpu.memory_space<vmem>> -> memref<32x128xi32, #tpu.memory_space<vmem>>
        %dma_start3A_377 = arith.constant 0 : i32
        %dma_start3A_378 = tpu.memref_slice %arg3[%add3A, %mul3A_372, %dma_start3A_377] : memref<32x160x128xi32, #tpu.memory_space<hbm>> -> memref<1x32x128xi32, #tpu.memory_space<hbm>>
        %dma_start3A_379 = tpu.memref_squeeze %dma_start3A_378 : memref<1x32x128xi32, #tpu.memory_space<hbm>> -> memref<32x128xi32, #tpu.memory_space<hbm>>
        %dma_start3A_380 = arith.constant 0 : i32
        %dma_start3A_381 = arith.constant 0 : i32
        %dma_start3A_382 = tpu.memref_slice %arg7[%select_n3A_370, %dma_start3A_380, %dma_start3A_381] : memref<2x32x128xi32, #tpu.memory_space<vmem>> -> memref<1x32x128xi32, #tpu.memory_space<vmem>>
        %dma_start3A_383 = tpu.memref_squeeze %dma_start3A_382 : memref<1x32x128xi32, #tpu.memory_space<vmem>> -> memref<32x128xi32, #tpu.memory_space<vmem>>
        %dma_start3A_384 = arith.constant 0 : i32
        %dma_start3A_385 = tpu.memref_slice %arg3[%add3A, %mul3A_372, %dma_start3A_384] : memref<32x160x128xi32, #tpu.memory_space<hbm>> -> memref<1x32x128xi32, #tpu.memory_space<hbm>>
        %dma_start3A_386 = tpu.memref_squeeze %dma_start3A_385 : memref<1x32x128xi32, #tpu.memory_space<hbm>> -> memref<32x128xi32, #tpu.memory_space<hbm>>
        tpu.enqueue_dma source(%dma_start3A_386 : memref<32x128xi32, #tpu.memory_space<hbm>>) target(%dma_start3A_383 : memref<32x128xi32, #tpu.memory_space<vmem>>) target_semaphore(%arg16 : memref<!tpu.dma_semaphore, #tpu.memory_space<semaphore_mem>>)
        %mul3A_387 = arith.constant 32 : i32
        %mul3A_388 = arith.muli %add3A_354, %mul3A_387 : i32
        %dma_start3A_389 = arith.constant 0 : i32
        %dma_start3A_390 = arith.constant 0 : i32
        %dma_start3A_391 = tpu.memref_slice %arg8[%select_n3A_370, %dma_start3A_389, %dma_start3A_390] : memref<2x32x128xi32, #tpu.memory_space<vmem>> -> memref<1x32x128xi32, #tpu.memory_space<vmem>>
        %dma_start3A_392 = tpu.memref_squeeze %dma_start3A_391 : memref<1x32x128xi32, #tpu.memory_space<vmem>> -> memref<32x128xi32, #tpu.memory_space<vmem>>
        %dma_start3A_393 = arith.constant 0 : i32
        %dma_start3A_394 = tpu.memref_slice %arg4[%add3A, %mul3A_388, %dma_start3A_393] : memref<32x160x128xi32, #tpu.memory_space<hbm>> -> memref<1x32x128xi32, #tpu.memory_space<hbm>>
        %dma_start3A_395 = tpu.memref_squeeze %dma_start3A_394 : memref<1x32x128xi32, #tpu.memory_space<hbm>> -> memref<32x128xi32, #tpu.memory_space<hbm>>
        %dma_start3A_396 = arith.constant 0 : i32
        %dma_start3A_397 = arith.constant 0 : i32
        %dma_start3A_398 = tpu.memref_slice %arg8[%select_n3A_370, %dma_start3A_396, %dma_start3A_397] : memref<2x32x128xi32, #tpu.memory_space<vmem>> -> memref<1x32x128xi32, #tpu.memory_space<vmem>>
        %dma_start3A_399 = tpu.memref_squeeze %dma_start3A_398 : memref<1x32x128xi32, #tpu.memory_space<vmem>> -> memref<32x128xi32, #tpu.memory_space<vmem>>
        %dma_start3A_400 = arith.constant 0 : i32
        %dma_start3A_401 = tpu.memref_slice %arg4[%add3A, %mul3A_388, %dma_start3A_400] : memref<32x160x128xi32, #tpu.memory_space<hbm>> -> memref<1x32x128xi32, #tpu.memory_space<hbm>>
        %dma_start3A_402 = tpu.memref_squeeze %dma_start3A_401 : memref<1x32x128xi32, #tpu.memory_space<hbm>> -> memref<32x128xi32, #tpu.memory_space<hbm>>
        tpu.enqueue_dma source(%dma_start3A_402 : memref<32x128xi32, #tpu.memory_space<hbm>>) target(%dma_start3A_399 : memref<32x128xi32, #tpu.memory_space<vmem>>) target_semaphore(%arg16 : memref<!tpu.dma_semaphore, #tpu.memory_space<semaphore_mem>>)
      } else {
      }
      %dma_wait3A_157 = arith.constant 0 : i32
      %dma_wait3A_158 = arith.constant 0 : i32
      %dma_wait3A_159 = arith.constant 0 : i32
      %dma_wait3A_160 = tpu.memref_slice %arg7[%dma_wait3A_157, %dma_wait3A_158, %dma_wait3A_159] : memref<2x32x128xi32, #tpu.memory_space<vmem>> -> memref<1x1x128xi32, #tpu.memory_space<vmem>>
      %dma_wait3A_161 = tpu.memref_squeeze %dma_wait3A_160 : memref<1x1x128xi32, #tpu.memory_space<vmem>> -> memref<128xi32, #tpu.memory_space<vmem>>
      %dma_wait3A_162 = arith.constant 0 : i32
      %dma_wait3A_163 = arith.constant 0 : i32
      %dma_wait3A_164 = tpu.memref_slice %arg2[%dma_wait3A_162, %dma_wait3A_163] : memref<20000x128xf32, #tpu.memory_space<hbm>> -> memref<20000x128xf32, #tpu.memory_space<hbm>>
      tpu.wait_indirect_dma semaphore(%arg12 : memref<!tpu.dma_semaphore, #tpu.memory_space<semaphore_mem>>) src(%dma_wait3A_164 : memref<20000x128xf32, #tpu.memory_space<hbm>>) dst(%arg9 : memref<128x128xf32, #tpu.memory_space<vmem>>)
      %jit3A_165 = arith.constant 32 : i32
      %div3A_166 = arith.divsi %mul3A_110, %jit3A_165 : i32
      %sign3A_167 = arith.constant 0 : i32
      %sign3A_168 = arith.cmpi sgt, %mul3A_110, %sign3A_167 : i32
      %sign3A_169 = arith.extui %sign3A_168 : i1 to i32
      %sign3A_170 = arith.constant 0 : i32
      %sign3A_171 = arith.cmpi slt, %mul3A_110, %sign3A_170 : i32
      %sign3A_172 = arith.extui %sign3A_171 : i1 to i32
      %sign3A_173 = arith.subi %sign3A_169, %sign3A_172 : i32
      %sign3A_174 = arith.constant 0 : i32
      %sign3A_175 = arith.cmpi sgt, %jit3A_165, %sign3A_174 : i32
      %sign3A_176 = arith.extui %sign3A_175 : i1 to i32
      %sign3A_177 = arith.constant 0 : i32
      %sign3A_178 = arith.cmpi slt, %jit3A_165, %sign3A_177 : i32
      %sign3A_179 = arith.extui %sign3A_178 : i1 to i32
      %sign3A_180 = arith.subi %sign3A_176, %sign3A_179 : i32
      %ne3A_181 = arith.cmpi ne, %sign3A_173, %sign3A_180 : i32
      %rem3A_182 = arith.remsi %mul3A_110, %jit3A_165 : i32
      %ne3A_183 = arith.constant 0 : i32
      %ne3A_184 = arith.cmpi ne, %rem3A_182, %ne3A_183 : i32
      %and3A_185 = arith.andi %ne3A_181, %ne3A_184 : i1
      %sub3A_186 = arith.constant 1 : i32
      %sub3A_187 = arith.subi %div3A_166, %sub3A_186 : i32
      %select_n3A_188 = arith.select %and3A_185, %sub3A_187, %div3A_166 : i32
      %jit3A_189 = arith.constant 2 : i32
      %eq3A_190 = arith.constant 0 : i32
      %eq3A_191 = arith.cmpi eq, %jit3A_189, %eq3A_190 : i32
      %jit3A_192 = arith.constant 1 : i32
      %select_n3A_193 = arith.select %eq3A_191, %jit3A_192, %jit3A_189 : i32
      %rem3A_194 = arith.remsi %select_n3A_188, %select_n3A_193 : i32
      %ne3A_195 = arith.constant 0 : i32
      %ne3A_196 = arith.cmpi ne, %rem3A_194, %ne3A_195 : i32
      %lt3A_197 = arith.constant 0 : i32
      %lt3A_198 = arith.cmpi slt, %rem3A_194, %lt3A_197 : i32
      %lt3A_199 = arith.constant 0 : i32
      %lt3A_200 = arith.cmpi slt, %select_n3A_193, %lt3A_199 : i32
      %ne3A_201 = arith.xori %lt3A_198, %lt3A_200 : i1
      %and3A_202 = arith.andi %ne3A_201, %ne3A_196 : i1
      %add3A_203 = arith.addi %rem3A_194, %select_n3A_193 : i32
      %select_n3A_204 = arith.select %and3A_202, %add3A_203, %rem3A_194 : i32
      %jit3A_205 = arith.constant 32 : i32
      %eq3A_206 = arith.constant 0 : i32
      %eq3A_207 = arith.cmpi eq, %jit3A_205, %eq3A_206 : i32
      %jit3A_208 = arith.constant 1 : i32
      %select_n3A_209 = arith.select %eq3A_207, %jit3A_208, %jit3A_205 : i32
      %rem3A_210 = arith.remsi %mul3A_110, %select_n3A_209 : i32
      %ne3A_211 = arith.constant 0 : i32
      %ne3A_212 = arith.cmpi ne, %rem3A_210, %ne3A_211 : i32
      %lt3A_213 = arith.constant 0 : i32
      %lt3A_214 = arith.cmpi slt, %rem3A_210, %lt3A_213 : i32
      %lt3A_215 = arith.constant 0 : i32
      %lt3A_216 = arith.cmpi slt, %select_n3A_209, %lt3A_215 : i32
      %ne3A_217 = arith.xori %lt3A_214, %lt3A_216 : i1
      %and3A_218 = arith.andi %ne3A_217, %ne3A_212 : i1
      %add3A_219 = arith.addi %rem3A_210, %select_n3A_209 : i32
      %select_n3A_220 = arith.select %and3A_218, %add3A_219, %rem3A_210 : i32
      %dma_start3A_221 = arith.constant 0 : i32
      %dma_start3A_222 = tpu.memref_slice %arg8[%select_n3A_204, %select_n3A_220, %dma_start3A_221] : memref<2x32x128xi32, #tpu.memory_space<vmem>> -> memref<1x1x128xi32, #tpu.memory_space<vmem>>
      %dma_start3A_223 = tpu.memref_squeeze %dma_start3A_222 : memref<1x1x128xi32, #tpu.memory_space<vmem>> -> memref<128xi32, #tpu.memory_space<vmem>>
      %dma_start3A_224 = arith.constant 0 : i32
      %dma_start3A_225 = arith.constant 0 : i32
      %dma_start3A_226 = tpu.memref_slice %arg11[%dma_start3A_224, %dma_start3A_225] : memref<10112x128xf32, #tpu.memory_space<vmem_shared>> -> memref<10112x128xf32, #tpu.memory_space<vmem_shared>>
      tpu.enqueue_indirect_dma source(%arg9 : memref<128x128xf32, #tpu.memory_space<vmem>>) target(%dma_start3A_226 : memref<10112x128xf32, #tpu.memory_space<vmem_shared>>) offsets(%dma_start3A_223 : memref<128xi32, #tpu.memory_space<vmem>>) semaphore(%arg14 : memref<!tpu.dma_semaphore, #tpu.memory_space<semaphore_mem>>) {add = true}
      %dma_wait3A_227 = arith.constant 0 : i32
      %dma_wait3A_228 = arith.constant 0 : i32
      %dma_wait3A_229 = arith.constant 0 : i32
      %dma_wait3A_230 = tpu.memref_slice %arg7[%dma_wait3A_227, %dma_wait3A_228, %dma_wait3A_229] : memref<2x32x128xi32, #tpu.memory_space<vmem>> -> memref<1x1x128xi32, #tpu.memory_space<vmem>>
      %dma_wait3A_231 = tpu.memref_squeeze %dma_wait3A_230 : memref<1x1x128xi32, #tpu.memory_space<vmem>> -> memref<128xi32, #tpu.memory_space<vmem>>
      %dma_wait3A_232 = arith.constant 0 : i32
      %dma_wait3A_233 = arith.constant 0 : i32
      %dma_wait3A_234 = tpu.memref_slice %arg2[%dma_wait3A_232, %dma_wait3A_233] : memref<20000x128xf32, #tpu.memory_space<hbm>> -> memref<20000x128xf32, #tpu.memory_space<hbm>>
      tpu.wait_indirect_dma semaphore(%arg13 : memref<!tpu.dma_semaphore, #tpu.memory_space<semaphore_mem>>) src(%dma_wait3A_234 : memref<20000x128xf32, #tpu.memory_space<hbm>>) dst(%arg10 : memref<128x128xf32, #tpu.memory_space<vmem>>)
      %add3A_235 = arith.constant 1 : i32
      %add3A_236 = arith.addi %mul3A_110, %add3A_235 : i32
      %jit3A_237 = arith.constant 32 : i32
      %div3A_238 = arith.divsi %add3A_236, %jit3A_237 : i32
      %sign3A_239 = arith.constant 0 : i32
      %sign3A_240 = arith.cmpi sgt, %add3A_236, %sign3A_239 : i32
      %sign3A_241 = arith.extui %sign3A_240 : i1 to i32
      %sign3A_242 = arith.constant 0 : i32
      %sign3A_243 = arith.cmpi slt, %add3A_236, %sign3A_242 : i32
      %sign3A_244 = arith.extui %sign3A_243 : i1 to i32
      %sign3A_245 = arith.subi %sign3A_241, %sign3A_244 : i32
      %sign3A_246 = arith.constant 0 : i32
      %sign3A_247 = arith.cmpi sgt, %jit3A_237, %sign3A_246 : i32
      %sign3A_248 = arith.extui %sign3A_247 : i1 to i32
      %sign3A_249 = arith.constant 0 : i32
      %sign3A_250 = arith.cmpi slt, %jit3A_237, %sign3A_249 : i32
      %sign3A_251 = arith.extui %sign3A_250 : i1 to i32
      %sign3A_252 = arith.subi %sign3A_248, %sign3A_251 : i32
      %ne3A_253 = arith.cmpi ne, %sign3A_245, %sign3A_252 : i32
      %rem3A_254 = arith.remsi %add3A_236, %jit3A_237 : i32
      %ne3A_255 = arith.constant 0 : i32
      %ne3A_256 = arith.cmpi ne, %rem3A_254, %ne3A_255 : i32
      %and3A_257 = arith.andi %ne3A_253, %ne3A_256 : i1
      %sub3A_258 = arith.constant 1 : i32
      %sub3A_259 = arith.subi %div3A_238, %sub3A_258 : i32
      %select_n3A_260 = arith.select %and3A_257, %sub3A_259, %div3A_238 : i32
      %jit3A_261 = arith.constant 2 : i32
      %eq3A_262 = arith.constant 0 : i32
      %eq3A_263 = arith.cmpi eq, %jit3A_261, %eq3A_262 : i32
      %jit3A_264 = arith.constant 1 : i32
      %select_n3A_265 = arith.select %eq3A_263, %jit3A_264, %jit3A_261 : i32
      %rem3A_266 = arith.remsi %select_n3A_260, %select_n3A_265 : i32
      %ne3A_267 = arith.constant 0 : i32
      %ne3A_268 = arith.cmpi ne, %rem3A_266, %ne3A_267 : i32
      %lt3A_269 = arith.constant 0 : i32
      %lt3A_270 = arith.cmpi slt, %rem3A_266, %lt3A_269 : i32
      %lt3A_271 = arith.constant 0 : i32
      %lt3A_272 = arith.cmpi slt, %select_n3A_265, %lt3A_271 : i32
      %ne3A_273 = arith.xori %lt3A_270, %lt3A_272 : i1
      %and3A_274 = arith.andi %ne3A_273, %ne3A_268 : i1
      %add3A_275 = arith.addi %rem3A_266, %select_n3A_265 : i32
      %select_n3A_276 = arith.select %and3A_274, %add3A_275, %rem3A_266 : i32
      %jit3A_277 = arith.constant 32 : i32
      %eq3A_278 = arith.constant 0 : i32
      %eq3A_279 = arith.cmpi eq, %jit3A_277, %eq3A_278 : i32
      %jit3A_280 = arith.constant 1 : i32
      %select_n3A_281 = arith.select %eq3A_279, %jit3A_280, %jit3A_277 : i32
      %rem3A_282 = arith.remsi %add3A_236, %select_n3A_281 : i32
      %ne3A_283 = arith.constant 0 : i32
      %ne3A_284 = arith.cmpi ne, %rem3A_282, %ne3A_283 : i32
      %lt3A_285 = arith.constant 0 : i32
      %lt3A_286 = arith.cmpi slt, %rem3A_282, %lt3A_285 : i32
      %lt3A_287 = arith.constant 0 : i32
      %lt3A_288 = arith.cmpi slt, %select_n3A_281, %lt3A_287 : i32
      %ne3A_289 = arith.xori %lt3A_286, %lt3A_288 : i1
      %and3A_290 = arith.andi %ne3A_289, %ne3A_284 : i1
      %add3A_291 = arith.addi %rem3A_282, %select_n3A_281 : i32
      %select_n3A_292 = arith.select %and3A_290, %add3A_291, %rem3A_282 : i32
      %dma_start3A_293 = arith.constant 0 : i32
      %dma_start3A_294 = tpu.memref_slice %arg8[%select_n3A_276, %select_n3A_292, %dma_start3A_293] : memref<2x32x128xi32, #tpu.memory_space<vmem>> -> memref<1x1x128xi32, #tpu.memory_space<vmem>>
      %dma_start3A_295 = tpu.memref_squeeze %dma_start3A_294 : memref<1x1x128xi32, #tpu.memory_space<vmem>> -> memref<128xi32, #tpu.memory_space<vmem>>
      %dma_start3A_296 = arith.constant 0 : i32
      %dma_start3A_297 = arith.constant 0 : i32
      %dma_start3A_298 = tpu.memref_slice %arg11[%dma_start3A_296, %dma_start3A_297] : memref<10112x128xf32, #tpu.memory_space<vmem_shared>> -> memref<10112x128xf32, #tpu.memory_space<vmem_shared>>
      tpu.enqueue_indirect_dma source(%arg10 : memref<128x128xf32, #tpu.memory_space<vmem>>) target(%dma_start3A_298 : memref<10112x128xf32, #tpu.memory_space<vmem_shared>>) offsets(%dma_start3A_295 : memref<128xi32, #tpu.memory_space<vmem>>) semaphore(%arg15 : memref<!tpu.dma_semaphore, #tpu.memory_space<semaphore_mem>>) {add = true}
      %dma_wait3A_299 = arith.constant 0 : i32
      %dma_wait3A_300 = arith.constant 0 : i32
      %dma_wait3A_301 = arith.constant 0 : i32
      %dma_wait3A_302 = tpu.memref_slice %arg8[%dma_wait3A_299, %dma_wait3A_300, %dma_wait3A_301] : memref<2x32x128xi32, #tpu.memory_space<vmem>> -> memref<1x1x128xi32, #tpu.memory_space<vmem>>
      %dma_wait3A_303 = tpu.memref_squeeze %dma_wait3A_302 : memref<1x1x128xi32, #tpu.memory_space<vmem>> -> memref<128xi32, #tpu.memory_space<vmem>>
      %dma_wait3A_304 = arith.constant 0 : i32
      %dma_wait3A_305 = arith.constant 0 : i32
      %dma_wait3A_306 = tpu.memref_slice %arg11[%dma_wait3A_304, %dma_wait3A_305] : memref<10112x128xf32, #tpu.memory_space<vmem_shared>> -> memref<10112x128xf32, #tpu.memory_space<vmem_shared>>
      tpu.wait_indirect_dma semaphore(%arg14 : memref<!tpu.dma_semaphore, #tpu.memory_space<semaphore_mem>>) src(%arg9 : memref<128x128xf32, #tpu.memory_space<vmem>>) dst(%dma_wait3A_306 : memref<10112x128xf32, #tpu.memory_space<vmem_shared>>)
      %add3A_307 = arith.constant 2 : i32
      %add3A_308 = arith.addi %mul3A_110, %add3A_307 : i32
      %lt3A_309 = arith.constant 160 : i32
      %lt3A_310 = arith.cmpi slt, %add3A_308, %lt3A_309 : i32
      %convert_element_type3A_311 = arith.extui %lt3A_310 : i1 to i32
      %cond3A_312 = arith.constant 0 : i32
      %cond3A_313 = arith.cmpi ne, %convert_element_type3A_311, %cond3A_312 : i32
      scf.if %cond3A_313 {
        %add3A_329 = arith.constant 2 : i32
        %add3A_330 = arith.addi %mul3A_110, %add3A_329 : i32
        %jit3A_331 = arith.constant 32 : i32
        %div3A_332 = arith.divsi %add3A_330, %jit3A_331 : i32
        %sign3A_333 = arith.constant 0 : i32
        %sign3A_334 = arith.cmpi sgt, %add3A_330, %sign3A_333 : i32
        %sign3A_335 = arith.extui %sign3A_334 : i1 to i32
        %sign3A_336 = arith.constant 0 : i32
        %sign3A_337 = arith.cmpi slt, %add3A_330, %sign3A_336 : i32
        %sign3A_338 = arith.extui %sign3A_337 : i1 to i32
        %sign3A_339 = arith.subi %sign3A_335, %sign3A_338 : i32
        %sign3A_340 = arith.constant 0 : i32
        %sign3A_341 = arith.cmpi sgt, %jit3A_331, %sign3A_340 : i32
        %sign3A_342 = arith.extui %sign3A_341 : i1 to i32
        %sign3A_343 = arith.constant 0 : i32
        %sign3A_344 = arith.cmpi slt, %jit3A_331, %sign3A_343 : i32
        %sign3A_345 = arith.extui %sign3A_344 : i1 to i32
        %sign3A_346 = arith.subi %sign3A_342, %sign3A_345 : i32
        %ne3A_347 = arith.cmpi ne, %sign3A_339, %sign3A_346 : i32
        %rem3A_348 = arith.remsi %add3A_330, %jit3A_331 : i32
        %ne3A_349 = arith.constant 0 : i32
        %ne3A_350 = arith.cmpi ne, %rem3A_348, %ne3A_349 : i32
        %and3A_351 = arith.andi %ne3A_347, %ne3A_350 : i1
        %sub3A_352 = arith.constant 1 : i32
        %sub3A_353 = arith.subi %div3A_332, %sub3A_352 : i32
        %select_n3A_354 = arith.select %and3A_351, %sub3A_353, %div3A_332 : i32
        %jit3A_355 = arith.constant 2 : i32
        %eq3A_356 = arith.constant 0 : i32
        %eq3A_357 = arith.cmpi eq, %jit3A_355, %eq3A_356 : i32
        %jit3A_358 = arith.constant 1 : i32
        %select_n3A_359 = arith.select %eq3A_357, %jit3A_358, %jit3A_355 : i32
        %rem3A_360 = arith.remsi %select_n3A_354, %select_n3A_359 : i32
        %ne3A_361 = arith.constant 0 : i32
        %ne3A_362 = arith.cmpi ne, %rem3A_360, %ne3A_361 : i32
        %lt3A_363 = arith.constant 0 : i32
        %lt3A_364 = arith.cmpi slt, %rem3A_360, %lt3A_363 : i32
        %lt3A_365 = arith.constant 0 : i32
        %lt3A_366 = arith.cmpi slt, %select_n3A_359, %lt3A_365 : i32
        %ne3A_367 = arith.xori %lt3A_364, %lt3A_366 : i1
        %and3A_368 = arith.andi %ne3A_367, %ne3A_362 : i1
        %add3A_369 = arith.addi %rem3A_360, %select_n3A_359 : i32
        %select_n3A_370 = arith.select %and3A_368, %add3A_369, %rem3A_360 : i32
        %jit3A_371 = arith.constant 32 : i32
        %eq3A_372 = arith.constant 0 : i32
        %eq3A_373 = arith.cmpi eq, %jit3A_371, %eq3A_372 : i32
        %jit3A_374 = arith.constant 1 : i32
        %select_n3A_375 = arith.select %eq3A_373, %jit3A_374, %jit3A_371 : i32
        %rem3A_376 = arith.remsi %add3A_330, %select_n3A_375 : i32
        %ne3A_377 = arith.constant 0 : i32
        %ne3A_378 = arith.cmpi ne, %rem3A_376, %ne3A_377 : i32
        %lt3A_379 = arith.constant 0 : i32
        %lt3A_380 = arith.cmpi slt, %rem3A_376, %lt3A_379 : i32
        %lt3A_381 = arith.constant 0 : i32
        %lt3A_382 = arith.cmpi slt, %select_n3A_375, %lt3A_381 : i32
        %ne3A_383 = arith.xori %lt3A_380, %lt3A_382 : i1
        %and3A_384 = arith.andi %ne3A_383, %ne3A_378 : i1
        %add3A_385 = arith.addi %rem3A_376, %select_n3A_375 : i32
        %select_n3A_386 = arith.select %and3A_384, %add3A_385, %rem3A_376 : i32
        %dma_start3A_387 = arith.constant 0 : i32
        %dma_start3A_388 = tpu.memref_slice %arg7[%select_n3A_370, %select_n3A_386, %dma_start3A_387] : memref<2x32x128xi32, #tpu.memory_space<vmem>> -> memref<1x1x128xi32, #tpu.memory_space<vmem>>
        %dma_start3A_389 = tpu.memref_squeeze %dma_start3A_388 : memref<1x1x128xi32, #tpu.memory_space<vmem>> -> memref<128xi32, #tpu.memory_space<vmem>>
        %dma_start3A_390 = arith.constant 0 : i32
        %dma_start3A_391 = arith.constant 0 : i32
        %dma_start3A_392 = tpu.memref_slice %arg2[%dma_start3A_390, %dma_start3A_391] : memref<20000x128xf32, #tpu.memory_space<hbm>> -> memref<20000x128xf32, #tpu.memory_space<hbm>>
        tpu.enqueue_indirect_dma source(%dma_start3A_392 : memref<20000x128xf32, #tpu.memory_space<hbm>>) target(%arg9 : memref<128x128xf32, #tpu.memory_space<vmem>>) offsets(%dma_start3A_389 : memref<128xi32, #tpu.memory_space<vmem>>) semaphore(%arg12 : memref<!tpu.dma_semaphore, #tpu.memory_space<semaphore_mem>>)
      } else {
      }
      %dma_wait3A_314 = arith.constant 0 : i32
      %dma_wait3A_315 = arith.constant 0 : i32
      %dma_wait3A_316 = arith.constant 0 : i32
      %dma_wait3A_317 = tpu.memref_slice %arg8[%dma_wait3A_314, %dma_wait3A_315, %dma_wait3A_316] : memref<2x32x128xi32, #tpu.memory_space<vmem>> -> memref<1x1x128xi32, #tpu.memory_space<vmem>>
      %dma_wait3A_318 = tpu.memref_squeeze %dma_wait3A_317 : memref<1x1x128xi32, #tpu.memory_space<vmem>> -> memref<128xi32, #tpu.memory_space<vmem>>
      %dma_wait3A_319 = arith.constant 0 : i32
      %dma_wait3A_320 = arith.constant 0 : i32
      %dma_wait3A_321 = tpu.memref_slice %arg11[%dma_wait3A_319, %dma_wait3A_320] : memref<10112x128xf32, #tpu.memory_space<vmem_shared>> -> memref<10112x128xf32, #tpu.memory_space<vmem_shared>>
      tpu.wait_indirect_dma semaphore(%arg15 : memref<!tpu.dma_semaphore, #tpu.memory_space<semaphore_mem>>) src(%arg10 : memref<128x128xf32, #tpu.memory_space<vmem>>) dst(%dma_wait3A_321 : memref<10112x128xf32, #tpu.memory_space<vmem_shared>>)
      %add3A_322 = arith.constant 3 : i32
      %add3A_323 = arith.addi %mul3A_110, %add3A_322 : i32
      %lt3A_324 = arith.constant 160 : i32
      %lt3A_325 = arith.cmpi slt, %add3A_323, %lt3A_324 : i32
      %convert_element_type3A_326 = arith.extui %lt3A_325 : i1 to i32
      %cond3A_327 = arith.constant 0 : i32
      %cond3A_328 = arith.cmpi ne, %convert_element_type3A_326, %cond3A_327 : i32
      scf.if %cond3A_328 {
        %add3A_329 = arith.constant 3 : i32
        %add3A_330 = arith.addi %mul3A_110, %add3A_329 : i32
        %jit3A_331 = arith.constant 32 : i32
        %div3A_332 = arith.divsi %add3A_330, %jit3A_331 : i32
        %sign3A_333 = arith.constant 0 : i32
        %sign3A_334 = arith.cmpi sgt, %add3A_330, %sign3A_333 : i32
        %sign3A_335 = arith.extui %sign3A_334 : i1 to i32
        %sign3A_336 = arith.constant 0 : i32
        %sign3A_337 = arith.cmpi slt, %add3A_330, %sign3A_336 : i32
        %sign3A_338 = arith.extui %sign3A_337 : i1 to i32
        %sign3A_339 = arith.subi %sign3A_335, %sign3A_338 : i32
        %sign3A_340 = arith.constant 0 : i32
        %sign3A_341 = arith.cmpi sgt, %jit3A_331, %sign3A_340 : i32
        %sign3A_342 = arith.extui %sign3A_341 : i1 to i32
        %sign3A_343 = arith.constant 0 : i32
        %sign3A_344 = arith.cmpi slt, %jit3A_331, %sign3A_343 : i32
        %sign3A_345 = arith.extui %sign3A_344 : i1 to i32
        %sign3A_346 = arith.subi %sign3A_342, %sign3A_345 : i32
        %ne3A_347 = arith.cmpi ne, %sign3A_339, %sign3A_346 : i32
        %rem3A_348 = arith.remsi %add3A_330, %jit3A_331 : i32
        %ne3A_349 = arith.constant 0 : i32
        %ne3A_350 = arith.cmpi ne, %rem3A_348, %ne3A_349 : i32
        %and3A_351 = arith.andi %ne3A_347, %ne3A_350 : i1
        %sub3A_352 = arith.constant 1 : i32
        %sub3A_353 = arith.subi %div3A_332, %sub3A_352 : i32
        %select_n3A_354 = arith.select %and3A_351, %sub3A_353, %div3A_332 : i32
        %jit3A_355 = arith.constant 2 : i32
        %eq3A_356 = arith.constant 0 : i32
        %eq3A_357 = arith.cmpi eq, %jit3A_355, %eq3A_356 : i32
        %jit3A_358 = arith.constant 1 : i32
        %select_n3A_359 = arith.select %eq3A_357, %jit3A_358, %jit3A_355 : i32
        %rem3A_360 = arith.remsi %select_n3A_354, %select_n3A_359 : i32
        %ne3A_361 = arith.constant 0 : i32
        %ne3A_362 = arith.cmpi ne, %rem3A_360, %ne3A_361 : i32
        %lt3A_363 = arith.constant 0 : i32
        %lt3A_364 = arith.cmpi slt, %rem3A_360, %lt3A_363 : i32
        %lt3A_365 = arith.constant 0 : i32
        %lt3A_366 = arith.cmpi slt, %select_n3A_359, %lt3A_365 : i32
        %ne3A_367 = arith.xori %lt3A_364, %lt3A_366 : i1
        %and3A_368 = arith.andi %ne3A_367, %ne3A_362 : i1
        %add3A_369 = arith.addi %rem3A_360, %select_n3A_359 : i32
        %select_n3A_370 = arith.select %and3A_368, %add3A_369, %rem3A_360 : i32
        %jit3A_371 = arith.constant 32 : i32
        %eq3A_372 = arith.constant 0 : i32
        %eq3A_373 = arith.cmpi eq, %jit3A_371, %eq3A_372 : i32
        %jit3A_374 = arith.constant 1 : i32
        %select_n3A_375 = arith.select %eq3A_373, %jit3A_374, %jit3A_371 : i32
        %rem3A_376 = arith.remsi %add3A_330, %select_n3A_375 : i32
        %ne3A_377 = arith.constant 0 : i32
        %ne3A_378 = arith.cmpi ne, %rem3A_376, %ne3A_377 : i32
        %lt3A_379 = arith.constant 0 : i32
        %lt3A_380 = arith.cmpi slt, %rem3A_376, %lt3A_379 : i32
        %lt3A_381 = arith.constant 0 : i32
        %lt3A_382 = arith.cmpi slt, %select_n3A_375, %lt3A_381 : i32
        %ne3A_383 = arith.xori %lt3A_380, %lt3A_382 : i1
        %and3A_384 = arith.andi %ne3A_383, %ne3A_378 : i1
        %add3A_385 = arith.addi %rem3A_376, %select_n3A_375 : i32
        %select_n3A_386 = arith.select %and3A_384, %add3A_385, %rem3A_376 : i32
        %dma_start3A_387 = arith.constant 0 : i32
        %dma_start3A_388 = tpu.memref_slice %arg7[%select_n3A_370, %select_n3A_386, %dma_start3A_387] : memref<2x32x128xi32, #tpu.memory_space<vmem>> -> memref<1x1x128xi32, #tpu.memory_space<vmem>>
        %dma_start3A_389 = tpu.memref_squeeze %dma_start3A_388 : memref<1x1x128xi32, #tpu.memory_space<vmem>> -> memref<128xi32, #tpu.memory_space<vmem>>
        %dma_start3A_390 = arith.constant 0 : i32
        %dma_start3A_391 = arith.constant 0 : i32
        %dma_start3A_392 = tpu.memref_slice %arg2[%dma_start3A_390, %dma_start3A_391] : memref<20000x128xf32, #tpu.memory_space<hbm>> -> memref<20000x128xf32, #tpu.memory_space<hbm>>
        tpu.enqueue_indirect_dma source(%dma_start3A_392 : memref<20000x128xf32, #tpu.memory_space<hbm>>) target(%arg10 : memref<128x128xf32, #tpu.memory_space<vmem>>) offsets(%dma_start3A_389 : memref<128xi32, #tpu.memory_space<vmem>>) semaphore(%arg13 : memref<!tpu.dma_semaphore, #tpu.memory_space<semaphore_mem>>)
      } else {
      }
    }
    %scan3A_97 = arith.constant 80 : i32
    %barrier3A_98 = arith.constant 0 : index
    tpu.barrier barrier_id(%barrier3A_98)
    %mul3A_99 = arith.constant 624 : i32
    %mul3A_100 = arith.muli %arg1, %mul3A_99 : i32
    %mul3A_101 = arith.constant 10000 : i32
    %mul3A_102 = arith.muli %arg0, %mul3A_101 : i32
    %mul3A_103 = arith.constant 624 : i32
    %mul3A_104 = arith.muli %arg1, %mul3A_103 : i32
    %add3A_105 = arith.addi %mul3A_102, %mul3A_104 : i32
    "tpu.region"() ({
      %run_scoped3A = tpu.sem_alloc : memref<!tpu.dma_semaphore, #tpu.memory_space<semaphore_mem>>
      %dma_start3A_108 = arith.constant 0 : i32
      %dma_start3A_109 = tpu.memref_slice %arg6[%add3A_105, %dma_start3A_108] : memref<20000x128xf32, #tpu.memory_space<hbm>> -> memref<624x128xf32, #tpu.memory_space<hbm>>
      %dma_start3A_110 = arith.constant 0 : i32
      %dma_start3A_111 = tpu.memref_slice %arg11[%mul3A_100, %dma_start3A_110] : memref<10112x128xf32, #tpu.memory_space<vmem_shared>> -> memref<624x128xf32, #tpu.memory_space<vmem_shared>>
      tpu.enqueue_dma source(%dma_start3A_111 : memref<624x128xf32, #tpu.memory_space<vmem_shared>>) target(%dma_start3A_109 : memref<624x128xf32, #tpu.memory_space<hbm>>) target_semaphore(%run_scoped3A : memref<!tpu.dma_semaphore, #tpu.memory_space<semaphore_mem>>)
      %dma_wait3A_112 = arith.constant 0 : i32
      %dma_wait3A_113 = tpu.memref_slice %arg6[%add3A_105, %dma_wait3A_112] : memref<20000x128xf32, #tpu.memory_space<hbm>> -> memref<624x128xf32, #tpu.memory_space<hbm>>
      %dma_wait3A_114 = arith.constant 0 : i32
      %dma_wait3A_115 = tpu.memref_slice %arg11[%mul3A_100, %dma_wait3A_114] : memref<10112x128xf32, #tpu.memory_space<vmem_shared>> -> memref<624x128xf32, #tpu.memory_space<vmem_shared>>
      tpu.wait_dma2 semaphore(%run_scoped3A : memref<!tpu.dma_semaphore, #tpu.memory_space<semaphore_mem>>) src(%dma_wait3A_115 : memref<624x128xf32, #tpu.memory_space<vmem_shared>>) dst(%dma_wait3A_113 : memref<624x128xf32, #tpu.memory_space<hbm>>)
      tpu.yield
    }) : () -> ()
    %eq3A = arith.constant 15 : i32
    %eq3A_106 = arith.cmpi eq, %arg1, %eq3A : i32
    %convert_element_type3A = arith.extui %eq3A_106 : i1 to i32
    %cond3A = arith.constant 0 : i32
    %cond3A_107 = arith.cmpi ne, %convert_element_type3A, %cond3A : i32
    scf.if %cond3A_107 {
      %mul3A_108 = arith.constant 10000 : i32
      %mul3A_109 = arith.muli %arg0, %mul3A_108 : i32
      %add3A_110 = arith.constant 9984 : i32
      %add3A_111 = arith.addi %mul3A_109, %add3A_110 : i32
      "tpu.region"() ({
        %run_scoped3A = tpu.sem_alloc : memref<!tpu.dma_semaphore, #tpu.memory_space<semaphore_mem>>
        %dma_start3A_112 = arith.constant 0 : i32
        %dma_start3A_113 = tpu.memref_slice %arg6[%add3A_111, %dma_start3A_112] : memref<20000x128xf32, #tpu.memory_space<hbm>> -> memref<16x128xf32, #tpu.memory_space<hbm>>
        %dma_start3A_114 = arith.constant 9984 : i32
        %dma_start3A_115 = arith.constant 0 : i32
        %dma_start3A_116 = tpu.memref_slice %arg11[%dma_start3A_114, %dma_start3A_115] : memref<10112x128xf32, #tpu.memory_space<vmem_shared>> -> memref<16x128xf32, #tpu.memory_space<vmem_shared>>
        tpu.enqueue_dma source(%dma_start3A_116 : memref<16x128xf32, #tpu.memory_space<vmem_shared>>) target(%dma_start3A_113 : memref<16x128xf32, #tpu.memory_space<hbm>>) target_semaphore(%run_scoped3A : memref<!tpu.dma_semaphore, #tpu.memory_space<semaphore_mem>>)
        %dma_wait3A_117 = arith.constant 0 : i32
        %dma_wait3A_118 = tpu.memref_slice %arg6[%add3A_111, %dma_wait3A_117] : memref<20000x128xf32, #tpu.memory_space<hbm>> -> memref<16x128xf32, #tpu.memory_space<hbm>>
        %dma_wait3A_119 = arith.constant 9984 : i32
        %dma_wait3A_120 = arith.constant 0 : i32
        %dma_wait3A_121 = tpu.memref_slice %arg11[%dma_wait3A_119, %dma_wait3A_120] : memref<10112x128xf32, #tpu.memory_space<vmem_shared>> -> memref<16x128xf32, #tpu.memory_space<vmem_shared>>
        tpu.wait_dma2 semaphore(%run_scoped3A : memref<!tpu.dma_semaphore, #tpu.memory_space<semaphore_mem>>) src(%dma_wait3A_121 : memref<16x128xf32, #tpu.memory_space<vmem_shared>>) dst(%dma_wait3A_118 : memref<16x128xf32, #tpu.memory_space<hbm>>)
        tpu.yield
      }) : () -> ()
    } else {
    }
    return
  }
}

#map = affine_map<(d0, d1) -> (0, 0)>
#map1 = affine_map<(d0, d1) -> (0, 0, 0)>
module attributes {stable_mosaic.version = 14 : i64} {
  func.func @_sc_propagate(%arg0: i32, %arg1: i32, %arg2: memref<20000x128xf32, #tpu.memory_space<hbm>>, %arg3: memref<32x160x128xi32, #tpu.memory_space<hbm>>, %arg4: memref<32x160x128xi32, #tpu.memory_space<hbm>>, %arg5: memref<632x128xf32, #tpu.memory_space<hbm>>, %arg6: memref<20000x128xf32, #tpu.memory_space<hbm>>, %arg7: memref<2x32x128xi32, #tpu.memory_space<vmem>>, %arg8: memref<2x32x128xi32, #tpu.memory_space<vmem>>, %arg9: memref<128x128xf32, #tpu.memory_space<vmem>>, %arg10: memref<128x128xf32, #tpu.memory_space<vmem>>, %arg11: memref<10112x128xf32, #tpu.memory_space<vmem_shared>>, %arg12: memref<!tpu.dma_semaphore, #tpu.memory_space<semaphore_mem>>, %arg13: memref<!tpu.dma_semaphore, #tpu.memory_space<semaphore_mem>>, %arg14: memref<!tpu.dma_semaphore, #tpu.memory_space<semaphore_mem>>, %arg15: memref<!tpu.dma_semaphore, #tpu.memory_space<semaphore_mem>>, %arg16: memref<!tpu.dma_semaphore, #tpu.memory_space<semaphore_mem>>, %arg17: memref<!tpu.dma_semaphore, #tpu.memory_space<semaphore_mem>>) attributes {dimension_semantics = [#tpu.dimension_semantics<core_parallel>, #tpu.dimension_semantics<subcore_parallel>], iteration_bounds = array<i64: 2, 16>, scalar_prefetch = 0 : i64, scratch_operands = 11 : i64, tpu.core_type = #tpu.core_type<sc_vector_subcore>, window_params = [{transform_indices = #map}, {transform_indices = #map1}, {transform_indices = #map1}, {transform_indices = #map}, {transform_indices = #map}]} {
    %mul3A = arith.constant 16 : i32
    %mul3A_0 = arith.muli %arg0, %mul3A : i32
    %add3A = arith.addi %mul3A_0, %arg1 : i32
    %mul3A_1 = arith.constant 632 : i32
    %mul3A_2 = arith.muli %arg1, %mul3A_1 : i32
    %dma_start3A = arith.constant 0 : i32
    %dma_start3A_3 = tpu.memref_slice %arg11[%mul3A_2, %dma_start3A] : memref<10112x128xf32, #tpu.memory_space<vmem_shared>> -> memref<632x128xf32, #tpu.memory_space<vmem_shared>>
    tpu.enqueue_dma source(%arg5 : memref<632x128xf32, #tpu.memory_space<hbm>>) target(%dma_start3A_3 : memref<632x128xf32, #tpu.memory_space<vmem_shared>>) target_semaphore(%arg17 : memref<!tpu.dma_semaphore, #tpu.memory_space<semaphore_mem>>)
    %dma_start3A_4 = arith.constant 0 : i32
    %dma_start3A_5 = arith.constant 0 : i32
    %dma_start3A_6 = arith.constant 0 : i32
    %dma_start3A_7 = tpu.memref_slice %arg7[%dma_start3A_4, %dma_start3A_5, %dma_start3A_6] : memref<2x32x128xi32, #tpu.memory_space<vmem>> -> memref<1x32x128xi32, #tpu.memory_space<vmem>>
    %dma_start3A_8 = tpu.memref_squeeze %dma_start3A_7 : memref<1x32x128xi32, #tpu.memory_space<vmem>> -> memref<32x128xi32, #tpu.memory_space<vmem>>
    %dma_start3A_9 = arith.constant 0 : i32
    %dma_start3A_10 = arith.constant 0 : i32
    %dma_start3A_11 = tpu.memref_slice %arg3[%add3A, %dma_start3A_9, %dma_start3A_10] : memref<32x160x128xi32, #tpu.memory_space<hbm>> -> memref<1x32x128xi32, #tpu.memory_space<hbm>>
    %dma_start3A_12 = tpu.memref_squeeze %dma_start3A_11 : memref<1x32x128xi32, #tpu.memory_space<hbm>> -> memref<32x128xi32, #tpu.memory_space<hbm>>
    %dma_start3A_13 = arith.constant 0 : i32
    %dma_start3A_14 = arith.constant 0 : i32
    %dma_start3A_15 = tpu.memref_slice %arg7[%dma_start3A_4, %dma_start3A_13, %dma_start3A_14] : memref<2x32x128xi32, #tpu.memory_space<vmem>> -> memref<1x32x128xi32, #tpu.memory_space<vmem>>
    %dma_start3A_16 = tpu.memref_squeeze %dma_start3A_15 : memref<1x32x128xi32, #tpu.memory_space<vmem>> -> memref<32x128xi32, #tpu.memory_space<vmem>>
    %dma_start3A_17 = arith.constant 0 : i32
    %dma_start3A_18 = arith.constant 0 : i32
    %dma_start3A_19 = tpu.memref_slice %arg3[%add3A, %dma_start3A_17, %dma_start3A_18] : memref<32x160x128xi32, #tpu.memory_space<hbm>> -> memref<1x32x128xi32, #tpu.memory_space<hbm>>
    %dma_start3A_20 = tpu.memref_squeeze %dma_start3A_19 : memref<1x32x128xi32, #tpu.memory_space<hbm>> -> memref<32x128xi32, #tpu.memory_space<hbm>>
    tpu.enqueue_dma source(%dma_start3A_20 : memref<32x128xi32, #tpu.memory_space<hbm>>) target(%dma_start3A_16 : memref<32x128xi32, #tpu.memory_space<vmem>>) target_semaphore(%arg16 : memref<!tpu.dma_semaphore, #tpu.memory_space<semaphore_mem>>)
    %dma_start3A_21 = arith.constant 0 : i32
    %dma_start3A_22 = arith.constant 0 : i32
    %dma_start3A_23 = arith.constant 0 : i32
    %dma_start3A_24 = tpu.memref_slice %arg8[%dma_start3A_21, %dma_start3A_22, %dma_start3A_23] : memref<2x32x128xi32, #tpu.memory_space<vmem>> -> memref<1x32x128xi32, #tpu.memory_space<vmem>>
    %dma_start3A_25 = tpu.memref_squeeze %dma_start3A_24 : memref<1x32x128xi32, #tpu.memory_space<vmem>> -> memref<32x128xi32, #tpu.memory_space<vmem>>
    %dma_start3A_26 = arith.constant 0 : i32
    %dma_start3A_27 = arith.constant 0 : i32
    %dma_start3A_28 = tpu.memref_slice %arg4[%add3A, %dma_start3A_26, %dma_start3A_27] : memref<32x160x128xi32, #tpu.memory_space<hbm>> -> memref<1x32x128xi32, #tpu.memory_space<hbm>>
    %dma_start3A_29 = tpu.memref_squeeze %dma_start3A_28 : memref<1x32x128xi32, #tpu.memory_space<hbm>> -> memref<32x128xi32, #tpu.memory_space<hbm>>
    %dma_start3A_30 = arith.constant 0 : i32
    %dma_start3A_31 = arith.constant 0 : i32
    %dma_start3A_32 = tpu.memref_slice %arg8[%dma_start3A_21, %dma_start3A_30, %dma_start3A_31] : memref<2x32x128xi32, #tpu.memory_space<vmem>> -> memref<1x32x128xi32, #tpu.memory_space<vmem>>
    %dma_start3A_33 = tpu.memref_squeeze %dma_start3A_32 : memref<1x32x128xi32, #tpu.memory_space<vmem>> -> memref<32x128xi32, #tpu.memory_space<vmem>>
    %dma_start3A_34 = arith.constant 0 : i32
    %dma_start3A_35 = arith.constant 0 : i32
    %dma_start3A_36 = tpu.memref_slice %arg4[%add3A, %dma_start3A_34, %dma_start3A_35] : memref<32x160x128xi32, #tpu.memory_space<hbm>> -> memref<1x32x128xi32, #tpu.memory_space<hbm>>
    %dma_start3A_37 = tpu.memref_squeeze %dma_start3A_36 : memref<1x32x128xi32, #tpu.memory_space<hbm>> -> memref<32x128xi32, #tpu.memory_space<hbm>>
    tpu.enqueue_dma source(%dma_start3A_37 : memref<32x128xi32, #tpu.memory_space<hbm>>) target(%dma_start3A_33 : memref<32x128xi32, #tpu.memory_space<vmem>>) target_semaphore(%arg16 : memref<!tpu.dma_semaphore, #tpu.memory_space<semaphore_mem>>)
    %dma_wait3A = arith.constant 0 : i32
    %dma_wait3A_38 = arith.constant 0 : i32
    %dma_wait3A_39 = arith.constant 0 : i32
    %dma_wait3A_40 = arith.constant 0 : i32
    %dma_wait3A_41 = tpu.memref_slice %arg7[%dma_wait3A_38, %dma_wait3A_39, %dma_wait3A_40] : memref<2x32x128xi32, #tpu.memory_space<vmem>> -> memref<1x32x128xi32, #tpu.memory_space<vmem>>
    %dma_wait3A_42 = tpu.memref_squeeze %dma_wait3A_41 : memref<1x32x128xi32, #tpu.memory_space<vmem>> -> memref<32x128xi32, #tpu.memory_space<vmem>>
    %dma_wait3A_43 = arith.constant 0 : i32
    %dma_wait3A_44 = arith.constant 0 : i32
    %dma_wait3A_45 = tpu.memref_slice %arg3[%dma_wait3A, %dma_wait3A_43, %dma_wait3A_44] : memref<32x160x128xi32, #tpu.memory_space<hbm>> -> memref<1x32x128xi32, #tpu.memory_space<hbm>>
    %dma_wait3A_46 = tpu.memref_squeeze %dma_wait3A_45 : memref<1x32x128xi32, #tpu.memory_space<hbm>> -> memref<32x128xi32, #tpu.memory_space<hbm>>
    %dma_wait3A_47 = arith.constant 0 : i32
    %dma_wait3A_48 = arith.constant 0 : i32
    %dma_wait3A_49 = tpu.memref_slice %arg7[%dma_wait3A_38, %dma_wait3A_47, %dma_wait3A_48] : memref<2x32x128xi32, #tpu.memory_space<vmem>> -> memref<1x32x128xi32, #tpu.memory_space<vmem>>
    %dma_wait3A_50 = tpu.memref_squeeze %dma_wait3A_49 : memref<1x32x128xi32, #tpu.memory_space<vmem>> -> memref<32x128xi32, #tpu.memory_space<vmem>>
    %dma_wait3A_51 = arith.constant 0 : i32
    %dma_wait3A_52 = arith.constant 0 : i32
    %dma_wait3A_53 = tpu.memref_slice %arg3[%dma_wait3A, %dma_wait3A_51, %dma_wait3A_52] : memref<32x160x128xi32, #tpu.memory_space<hbm>> -> memref<1x32x128xi32, #tpu.memory_space<hbm>>
    %dma_wait3A_54 = tpu.memref_squeeze %dma_wait3A_53 : memref<1x32x128xi32, #tpu.memory_space<hbm>> -> memref<32x128xi32, #tpu.memory_space<hbm>>
    tpu.wait_dma2 semaphore(%arg16 : memref<!tpu.dma_semaphore, #tpu.memory_space<semaphore_mem>>) src(%dma_wait3A_54 : memref<32x128xi32, #tpu.memory_space<hbm>>) dst(%dma_wait3A_50 : memref<32x128xi32, #tpu.memory_space<vmem>>)
    %dma_wait3A_55 = arith.constant 0 : i32
    %dma_wait3A_56 = arith.constant 0 : i32
    %dma_wait3A_57 = arith.constant 0 : i32
    %dma_wait3A_58 = arith.constant 0 : i32
    %dma_wait3A_59 = tpu.memref_slice %arg8[%dma_wait3A_56, %dma_wait3A_57, %dma_wait3A_58] : memref<2x32x128xi32, #tpu.memory_space<vmem>> -> memref<1x32x128xi32, #tpu.memory_space<vmem>>
    %dma_wait3A_60 = tpu.memref_squeeze %dma_wait3A_59 : memref<1x32x128xi32, #tpu.memory_space<vmem>> -> memref<32x128xi32, #tpu.memory_space<vmem>>
    %dma_wait3A_61 = arith.constant 0 : i32
    %dma_wait3A_62 = arith.constant 0 : i32
    %dma_wait3A_63 = tpu.memref_slice %arg4[%dma_wait3A_55, %dma_wait3A_61, %dma_wait3A_62] : memref<32x160x128xi32, #tpu.memory_space<hbm>> -> memref<1x32x128xi32, #tpu.memory_space<hbm>>
    %dma_wait3A_64 = tpu.memref_squeeze %dma_wait3A_63 : memref<1x32x128xi32, #tpu.memory_space<hbm>> -> memref<32x128xi32, #tpu.memory_space<hbm>>
    %dma_wait3A_65 = arith.constant 0 : i32
    %dma_wait3A_66 = arith.constant 0 : i32
    %dma_wait3A_67 = tpu.memref_slice %arg8[%dma_wait3A_56, %dma_wait3A_65, %dma_wait3A_66] : memref<2x32x128xi32, #tpu.memory_space<vmem>> -> memref<1x32x128xi32, #tpu.memory_space<vmem>>
    %dma_wait3A_68 = tpu.memref_squeeze %dma_wait3A_67 : memref<1x32x128xi32, #tpu.memory_space<vmem>> -> memref<32x128xi32, #tpu.memory_space<vmem>>
    %dma_wait3A_69 = arith.constant 0 : i32
    %dma_wait3A_70 = arith.constant 0 : i32
    %dma_wait3A_71 = tpu.memref_slice %arg4[%dma_wait3A_55, %dma_wait3A_69, %dma_wait3A_70] : memref<32x160x128xi32, #tpu.memory_space<hbm>> -> memref<1x32x128xi32, #tpu.memory_space<hbm>>
    %dma_wait3A_72 = tpu.memref_squeeze %dma_wait3A_71 : memref<1x32x128xi32, #tpu.memory_space<hbm>> -> memref<32x128xi32, #tpu.memory_space<hbm>>
    tpu.wait_dma2 semaphore(%arg16 : memref<!tpu.dma_semaphore, #tpu.memory_space<semaphore_mem>>) src(%dma_wait3A_72 : memref<32x128xi32, #tpu.memory_space<hbm>>) dst(%dma_wait3A_68 : memref<32x128xi32, #tpu.memory_space<vmem>>)
    %dma_start3A_73 = arith.constant 0 : i32
    %dma_start3A_74 = arith.constant 0 : i32
    %dma_start3A_75 = arith.constant 0 : i32
    %dma_start3A_76 = tpu.memref_slice %arg7[%dma_start3A_73, %dma_start3A_74, %dma_start3A_75] : memref<2x32x128xi32, #tpu.memory_space<vmem>> -> memref<1x1x128xi32, #tpu.memory_space<vmem>>
    %dma_start3A_77 = tpu.memref_squeeze %dma_start3A_76 : memref<1x1x128xi32, #tpu.memory_space<vmem>> -> memref<128xi32, #tpu.memory_space<vmem>>
    %dma_start3A_78 = arith.constant 0 : i32
    %dma_start3A_79 = arith.constant 0 : i32
    %dma_start3A_80 = tpu.memref_slice %arg2[%dma_start3A_78, %dma_start3A_79] : memref<20000x128xf32, #tpu.memory_space<hbm>> -> memref<20000x128xf32, #tpu.memory_space<hbm>>
    tpu.enqueue_indirect_dma source(%dma_start3A_80 : memref<20000x128xf32, #tpu.memory_space<hbm>>) target(%arg9 : memref<128x128xf32, #tpu.memory_space<vmem>>) offsets(%dma_start3A_77 : memref<128xi32, #tpu.memory_space<vmem>>) semaphore(%arg12 : memref<!tpu.dma_semaphore, #tpu.memory_space<semaphore_mem>>)
    %dma_start3A_81 = arith.constant 0 : i32
    %dma_start3A_82 = arith.constant 1 : i32
    %dma_start3A_83 = arith.constant 0 : i32
    %dma_start3A_84 = tpu.memref_slice %arg7[%dma_start3A_81, %dma_start3A_82, %dma_start3A_83] : memref<2x32x128xi32, #tpu.memory_space<vmem>> -> memref<1x1x128xi32, #tpu.memory_space<vmem>>
    %dma_start3A_85 = tpu.memref_squeeze %dma_start3A_84 : memref<1x1x128xi32, #tpu.memory_space<vmem>> -> memref<128xi32, #tpu.memory_space<vmem>>
    %dma_start3A_86 = arith.constant 0 : i32
    %dma_start3A_87 = arith.constant 0 : i32
    %dma_start3A_88 = tpu.memref_slice %arg2[%dma_start3A_86, %dma_start3A_87] : memref<20000x128xf32, #tpu.memory_space<hbm>> -> memref<20000x128xf32, #tpu.memory_space<hbm>>
    tpu.enqueue_indirect_dma source(%dma_start3A_88 : memref<20000x128xf32, #tpu.memory_space<hbm>>) target(%arg10 : memref<128x128xf32, #tpu.memory_space<vmem>>) offsets(%dma_start3A_85 : memref<128xi32, #tpu.memory_space<vmem>>) semaphore(%arg13 : memref<!tpu.dma_semaphore, #tpu.memory_space<semaphore_mem>>)
    %mul3A_89 = arith.constant 632 : i32
    %mul3A_90 = arith.muli %arg1, %mul3A_89 : i32
    %dma_wait3A_91 = arith.constant 0 : i32
    %dma_wait3A_92 = tpu.memref_slice %arg11[%mul3A_90, %dma_wait3A_91] : memref<10112x128xf32, #tpu.memory_space<vmem_shared>> -> memref<632x128xf32, #tpu.memory_space<vmem_shared>>
    tpu.wait_dma2 semaphore(%arg17 : memref<!tpu.dma_semaphore, #tpu.memory_space<semaphore_mem>>) src(%arg5 : memref<632x128xf32, #tpu.memory_space<hbm>>) dst(%dma_wait3A_92 : memref<632x128xf32, #tpu.memory_space<vmem_shared>>)
    %barrier3A = arith.constant 0 : index
    tpu.barrier barrier_id(%barrier3A)
    %scan3A = arith.constant 0 : i32
    %scan3A_93 = arith.constant 0 : i32
    %scan3A_94 = arith.constant 80 : i32
    %scan3A_95 = arith.addi %scan3A_93, %scan3A_94 : i32
    %scan3A_96 = arith.constant 1 : i32
    scf.for %scan3A_108 = %scan3A_93 to %scan3A_95 step %scan3A_96  : i32 {
      %mul3A_109 = arith.constant 2 : i32
      %mul3A_110 = arith.muli %scan3A_108, %mul3A_109 : i32
      %jit3A = arith.constant 32 : i32
      %eq3A_111 = arith.constant 0 : i32
      %eq3A_112 = arith.cmpi eq, %jit3A, %eq3A_111 : i32
      %jit3A_113 = arith.constant 1 : i32
      %select_n3A = arith.select %eq3A_112, %jit3A_113, %jit3A : i32
      %rem3A = arith.remsi %mul3A_110, %select_n3A : i32
      %ne3A = arith.constant 0 : i32
      %ne3A_114 = arith.cmpi ne, %rem3A, %ne3A : i32
      %lt3A = arith.constant 0 : i32
      %lt3A_115 = arith.cmpi slt, %rem3A, %lt3A : i32
      %lt3A_116 = arith.constant 0 : i32
      %lt3A_117 = arith.cmpi slt, %select_n3A, %lt3A_116 : i32
      %ne3A_118 = arith.xori %lt3A_115, %lt3A_117 : i1
      %and3A = arith.andi %ne3A_118, %ne3A_114 : i1
      %add3A_119 = arith.addi %rem3A, %select_n3A : i32
      %select_n3A_120 = arith.select %and3A, %add3A_119, %rem3A : i32
      %eq3A_121 = arith.constant 0 : i32
      %eq3A_122 = arith.cmpi eq, %select_n3A_120, %eq3A_121 : i32
      %gt3A = arith.constant 0 : i32
      %gt3A_123 = arith.cmpi sgt, %mul3A_110, %gt3A : i32
      %and3A_124 = arith.andi %eq3A_122, %gt3A_123 : i1
      %convert_element_type3A_125 = arith.extui %and3A_124 : i1 to i32
      %cond3A_126 = arith.constant 0 : i32
      %cond3A_127 = arith.cmpi ne, %convert_element_type3A_125, %cond3A_126 : i32
      scf.if %cond3A_127 {
        %dma_wait3A_329 = arith.constant 0 : i32
        %dma_wait3A_330 = arith.constant 0 : i32
        %dma_wait3A_331 = arith.constant 0 : i32
        %dma_wait3A_332 = arith.constant 0 : i32
        %dma_wait3A_333 = tpu.memref_slice %arg7[%dma_wait3A_330, %dma_wait3A_331, %dma_wait3A_332] : memref<2x32x128xi32, #tpu.memory_space<vmem>> -> memref<1x32x128xi32, #tpu.memory_space<vmem>>
        %dma_wait3A_334 = tpu.memref_squeeze %dma_wait3A_333 : memref<1x32x128xi32, #tpu.memory_space<vmem>> -> memref<32x128xi32, #tpu.memory_space<vmem>>
        %dma_wait3A_335 = arith.constant 0 : i32
        %dma_wait3A_336 = arith.constant 0 : i32
        %dma_wait3A_337 = tpu.memref_slice %arg3[%dma_wait3A_329, %dma_wait3A_335, %dma_wait3A_336] : memref<32x160x128xi32, #tpu.memory_space<hbm>> -> memref<1x32x128xi32, #tpu.memory_space<hbm>>
        %dma_wait3A_338 = tpu.memref_squeeze %dma_wait3A_337 : memref<1x32x128xi32, #tpu.memory_space<hbm>> -> memref<32x128xi32, #tpu.memory_space<hbm>>
        %dma_wait3A_339 = arith.constant 0 : i32
        %dma_wait3A_340 = arith.constant 0 : i32
        %dma_wait3A_341 = tpu.memref_slice %arg7[%dma_wait3A_330, %dma_wait3A_339, %dma_wait3A_340] : memref<2x32x128xi32, #tpu.memory_space<vmem>> -> memref<1x32x128xi32, #tpu.memory_space<vmem>>
        %dma_wait3A_342 = tpu.memref_squeeze %dma_wait3A_341 : memref<1x32x128xi32, #tpu.memory_space<vmem>> -> memref<32x128xi32, #tpu.memory_space<vmem>>
        %dma_wait3A_343 = arith.constant 0 : i32
        %dma_wait3A_344 = arith.constant 0 : i32
        %dma_wait3A_345 = tpu.memref_slice %arg3[%dma_wait3A_329, %dma_wait3A_343, %dma_wait3A_344] : memref<32x160x128xi32, #tpu.memory_space<hbm>> -> memref<1x32x128xi32, #tpu.memory_space<hbm>>
        %dma_wait3A_346 = tpu.memref_squeeze %dma_wait3A_345 : memref<1x32x128xi32, #tpu.memory_space<hbm>> -> memref<32x128xi32, #tpu.memory_space<hbm>>
        tpu.wait_dma2 semaphore(%arg16 : memref<!tpu.dma_semaphore, #tpu.memory_space<semaphore_mem>>) src(%dma_wait3A_346 : memref<32x128xi32, #tpu.memory_space<hbm>>) dst(%dma_wait3A_342 : memref<32x128xi32, #tpu.memory_space<vmem>>)
        %dma_wait3A_347 = arith.constant 0 : i32
        %dma_wait3A_348 = arith.constant 0 : i32
        %dma_wait3A_349 = arith.constant 0 : i32
        %dma_wait3A_350 = arith.constant 0 : i32
        %dma_wait3A_351 = tpu.memref_slice %arg8[%dma_wait3A_348, %dma_wait3A_349, %dma_wait3A_350] : memref<2x32x128xi32, #tpu.memory_space<vmem>> -> memref<1x32x128xi32, #tpu.memory_space<vmem>>
        %dma_wait3A_352 = tpu.memref_squeeze %dma_wait3A_351 : memref<1x32x128xi32, #tpu.memory_space<vmem>> -> memref<32x128xi32, #tpu.memory_space<vmem>>
        %dma_wait3A_353 = arith.constant 0 : i32
        %dma_wait3A_354 = arith.constant 0 : i32
        %dma_wait3A_355 = tpu.memref_slice %arg4[%dma_wait3A_347, %dma_wait3A_353, %dma_wait3A_354] : memref<32x160x128xi32, #tpu.memory_space<hbm>> -> memref<1x32x128xi32, #tpu.memory_space<hbm>>
        %dma_wait3A_356 = tpu.memref_squeeze %dma_wait3A_355 : memref<1x32x128xi32, #tpu.memory_space<hbm>> -> memref<32x128xi32, #tpu.memory_space<hbm>>
        %dma_wait3A_357 = arith.constant 0 : i32
        %dma_wait3A_358 = arith.constant 0 : i32
        %dma_wait3A_359 = tpu.memref_slice %arg8[%dma_wait3A_348, %dma_wait3A_357, %dma_wait3A_358] : memref<2x32x128xi32, #tpu.memory_space<vmem>> -> memref<1x32x128xi32, #tpu.memory_space<vmem>>
        %dma_wait3A_360 = tpu.memref_squeeze %dma_wait3A_359 : memref<1x32x128xi32, #tpu.memory_space<vmem>> -> memref<32x128xi32, #tpu.memory_space<vmem>>
        %dma_wait3A_361 = arith.constant 0 : i32
        %dma_wait3A_362 = arith.constant 0 : i32
        %dma_wait3A_363 = tpu.memref_slice %arg4[%dma_wait3A_347, %dma_wait3A_361, %dma_wait3A_362] : memref<32x160x128xi32, #tpu.memory_space<hbm>> -> memref<1x32x128xi32, #tpu.memory_space<hbm>>
        %dma_wait3A_364 = tpu.memref_squeeze %dma_wait3A_363 : memref<1x32x128xi32, #tpu.memory_space<hbm>> -> memref<32x128xi32, #tpu.memory_space<hbm>>
        tpu.wait_dma2 semaphore(%arg16 : memref<!tpu.dma_semaphore, #tpu.memory_space<semaphore_mem>>) src(%dma_wait3A_364 : memref<32x128xi32, #tpu.memory_space<hbm>>) dst(%dma_wait3A_360 : memref<32x128xi32, #tpu.memory_space<vmem>>)
      } else {
      }
      %eq3A_128 = arith.constant 6 : i32
      %eq3A_129 = arith.cmpi eq, %select_n3A_120, %eq3A_128 : i32
      %jit3A_130 = arith.constant 32 : i32
      %div3A = arith.divsi %mul3A_110, %jit3A_130 : i32
      %sign3A = arith.constant 0 : i32
      %sign3A_131 = arith.cmpi sgt, %mul3A_110, %sign3A : i32
      %sign3A_132 = arith.extui %sign3A_131 : i1 to i32
      %sign3A_133 = arith.constant 0 : i32
      %sign3A_134 = arith.cmpi slt, %mul3A_110, %sign3A_133 : i32
      %sign3A_135 = arith.extui %sign3A_134 : i1 to i32
      %sign3A_136 = arith.subi %sign3A_132, %sign3A_135 : i32
      %sign3A_137 = arith.constant 0 : i32
      %sign3A_138 = arith.cmpi sgt, %jit3A_130, %sign3A_137 : i32
      %sign3A_139 = arith.extui %sign3A_138 : i1 to i32
      %sign3A_140 = arith.constant 0 : i32
      %sign3A_141 = arith.cmpi slt, %jit3A_130, %sign3A_140 : i32
      %sign3A_142 = arith.extui %sign3A_141 : i1 to i32
      %sign3A_143 = arith.subi %sign3A_139, %sign3A_142 : i32
      %ne3A_144 = arith.cmpi ne, %sign3A_136, %sign3A_143 : i32
      %rem3A_145 = arith.remsi %mul3A_110, %jit3A_130 : i32
      %ne3A_146 = arith.constant 0 : i32
      %ne3A_147 = arith.cmpi ne, %rem3A_145, %ne3A_146 : i32
      %and3A_148 = arith.andi %ne3A_144, %ne3A_147 : i1
      %sub3A = arith.constant 1 : i32
      %sub3A_149 = arith.subi %div3A, %sub3A : i32
      %select_n3A_150 = arith.select %and3A_148, %sub3A_149, %div3A : i32
      %lt3A_151 = arith.constant 4 : i32
      %lt3A_152 = arith.cmpi slt, %select_n3A_150, %lt3A_151 : i32
      %and3A_153 = arith.andi %eq3A_129, %lt3A_152 : i1
      %convert_element_type3A_154 = arith.extui %and3A_153 : i1 to i32
      %cond3A_155 = arith.constant 0 : i32
      %cond3A_156 = arith.cmpi ne, %convert_element_type3A_154, %cond3A_155 : i32
      scf.if %cond3A_156 {
        %jit3A_329 = arith.constant 32 : i32
        %div3A_330 = arith.divsi %mul3A_110, %jit3A_329 : i32
        %sign3A_331 = arith.constant 0 : i32
        %sign3A_332 = arith.cmpi sgt, %mul3A_110, %sign3A_331 : i32
        %sign3A_333 = arith.extui %sign3A_332 : i1 to i32
        %sign3A_334 = arith.constant 0 : i32
        %sign3A_335 = arith.cmpi slt, %mul3A_110, %sign3A_334 : i32
        %sign3A_336 = arith.extui %sign3A_335 : i1 to i32
        %sign3A_337 = arith.subi %sign3A_333, %sign3A_336 : i32
        %sign3A_338 = arith.constant 0 : i32
        %sign3A_339 = arith.cmpi sgt, %jit3A_329, %sign3A_338 : i32
        %sign3A_340 = arith.extui %sign3A_339 : i1 to i32
        %sign3A_341 = arith.constant 0 : i32
        %sign3A_342 = arith.cmpi slt, %jit3A_329, %sign3A_341 : i32
        %sign3A_343 = arith.extui %sign3A_342 : i1 to i32
        %sign3A_344 = arith.subi %sign3A_340, %sign3A_343 : i32
        %ne3A_345 = arith.cmpi ne, %sign3A_337, %sign3A_344 : i32
        %rem3A_346 = arith.remsi %mul3A_110, %jit3A_329 : i32
        %ne3A_347 = arith.constant 0 : i32
        %ne3A_348 = arith.cmpi ne, %rem3A_346, %ne3A_347 : i32
        %and3A_349 = arith.andi %ne3A_345, %ne3A_348 : i1
        %sub3A_350 = arith.constant 1 : i32
        %sub3A_351 = arith.subi %div3A_330, %sub3A_350 : i32
        %select_n3A_352 = arith.select %and3A_349, %sub3A_351, %div3A_330 : i32
        %add3A_353 = arith.constant 1 : i32
        %add3A_354 = arith.addi %select_n3A_352, %add3A_353 : i32
        %jit3A_355 = arith.constant 2 : i32
        %eq3A_356 = arith.constant 0 : i32
        %eq3A_357 = arith.cmpi eq, %jit3A_355, %eq3A_356 : i32
        %jit3A_358 = arith.constant 1 : i32
        %select_n3A_359 = arith.select %eq3A_357, %jit3A_358, %jit3A_355 : i32
        %rem3A_360 = arith.remsi %add3A_354, %select_n3A_359 : i32
        %ne3A_361 = arith.constant 0 : i32
        %ne3A_362 = arith.cmpi ne, %rem3A_360, %ne3A_361 : i32
        %lt3A_363 = arith.constant 0 : i32
        %lt3A_364 = arith.cmpi slt, %rem3A_360, %lt3A_363 : i32
        %lt3A_365 = arith.constant 0 : i32
        %lt3A_366 = arith.cmpi slt, %select_n3A_359, %lt3A_365 : i32
        %ne3A_367 = arith.xori %lt3A_364, %lt3A_366 : i1
        %and3A_368 = arith.andi %ne3A_367, %ne3A_362 : i1
        %add3A_369 = arith.addi %rem3A_360, %select_n3A_359 : i32
        %select_n3A_370 = arith.select %and3A_368, %add3A_369, %rem3A_360 : i32
        %mul3A_371 = arith.constant 32 : i32
        %mul3A_372 = arith.muli %add3A_354, %mul3A_371 : i32
        %dma_start3A_373 = arith.constant 0 : i32
        %dma_start3A_374 = arith.constant 0 : i32
        %dma_start3A_375 = tpu.memref_slice %arg7[%select_n3A_370, %dma_start3A_373, %dma_start3A_374] : memref<2x32x128xi32, #tpu.memory_space<vmem>> -> memref<1x32x128xi32, #tpu.memory_space<vmem>>
        %dma_start3A_376 = tpu.memref_squeeze %dma_start3A_375 : memref<1x32x128xi32, #tpu.memory_space<vmem>> -> memref<32x128xi32, #tpu.memory_space<vmem>>
        %dma_start3A_377 = arith.constant 0 : i32
        %dma_start3A_378 = tpu.memref_slice %arg3[%add3A, %mul3A_372, %dma_start3A_377] : memref<32x160x128xi32, #tpu.memory_space<hbm>> -> memref<1x32x128xi32, #tpu.memory_space<hbm>>
        %dma_start3A_379 = tpu.memref_squeeze %dma_start3A_378 : memref<1x32x128xi32, #tpu.memory_space<hbm>> -> memref<32x128xi32, #tpu.memory_space<hbm>>
        %dma_start3A_380 = arith.constant 0 : i32
        %dma_start3A_381 = arith.constant 0 : i32
        %dma_start3A_382 = tpu.memref_slice %arg7[%select_n3A_370, %dma_start3A_380, %dma_start3A_381] : memref<2x32x128xi32, #tpu.memory_space<vmem>> -> memref<1x32x128xi32, #tpu.memory_space<vmem>>
        %dma_start3A_383 = tpu.memref_squeeze %dma_start3A_382 : memref<1x32x128xi32, #tpu.memory_space<vmem>> -> memref<32x128xi32, #tpu.memory_space<vmem>>
        %dma_start3A_384 = arith.constant 0 : i32
        %dma_start3A_385 = tpu.memref_slice %arg3[%add3A, %mul3A_372, %dma_start3A_384] : memref<32x160x128xi32, #tpu.memory_space<hbm>> -> memref<1x32x128xi32, #tpu.memory_space<hbm>>
        %dma_start3A_386 = tpu.memref_squeeze %dma_start3A_385 : memref<1x32x128xi32, #tpu.memory_space<hbm>> -> memref<32x128xi32, #tpu.memory_space<hbm>>
        tpu.enqueue_dma source(%dma_start3A_386 : memref<32x128xi32, #tpu.memory_space<hbm>>) target(%dma_start3A_383 : memref<32x128xi32, #tpu.memory_space<vmem>>) target_semaphore(%arg16 : memref<!tpu.dma_semaphore, #tpu.memory_space<semaphore_mem>>)
        %mul3A_387 = arith.constant 32 : i32
        %mul3A_388 = arith.muli %add3A_354, %mul3A_387 : i32
        %dma_start3A_389 = arith.constant 0 : i32
        %dma_start3A_390 = arith.constant 0 : i32
        %dma_start3A_391 = tpu.memref_slice %arg8[%select_n3A_370, %dma_start3A_389, %dma_start3A_390] : memref<2x32x128xi32, #tpu.memory_space<vmem>> -> memref<1x32x128xi32, #tpu.memory_space<vmem>>
        %dma_start3A_392 = tpu.memref_squeeze %dma_start3A_391 : memref<1x32x128xi32, #tpu.memory_space<vmem>> -> memref<32x128xi32, #tpu.memory_space<vmem>>
        %dma_start3A_393 = arith.constant 0 : i32
        %dma_start3A_394 = tpu.memref_slice %arg4[%add3A, %mul3A_388, %dma_start3A_393] : memref<32x160x128xi32, #tpu.memory_space<hbm>> -> memref<1x32x128xi32, #tpu.memory_space<hbm>>
        %dma_start3A_395 = tpu.memref_squeeze %dma_start3A_394 : memref<1x32x128xi32, #tpu.memory_space<hbm>> -> memref<32x128xi32, #tpu.memory_space<hbm>>
        %dma_start3A_396 = arith.constant 0 : i32
        %dma_start3A_397 = arith.constant 0 : i32
        %dma_start3A_398 = tpu.memref_slice %arg8[%select_n3A_370, %dma_start3A_396, %dma_start3A_397] : memref<2x32x128xi32, #tpu.memory_space<vmem>> -> memref<1x32x128xi32, #tpu.memory_space<vmem>>
        %dma_start3A_399 = tpu.memref_squeeze %dma_start3A_398 : memref<1x32x128xi32, #tpu.memory_space<vmem>> -> memref<32x128xi32, #tpu.memory_space<vmem>>
        %dma_start3A_400 = arith.constant 0 : i32
        %dma_start3A_401 = tpu.memref_slice %arg4[%add3A, %mul3A_388, %dma_start3A_400] : memref<32x160x128xi32, #tpu.memory_space<hbm>> -> memref<1x32x128xi32, #tpu.memory_space<hbm>>
        %dma_start3A_402 = tpu.memref_squeeze %dma_start3A_401 : memref<1x32x128xi32, #tpu.memory_space<hbm>> -> memref<32x128xi32, #tpu.memory_space<hbm>>
        tpu.enqueue_dma source(%dma_start3A_402 : memref<32x128xi32, #tpu.memory_space<hbm>>) target(%dma_start3A_399 : memref<32x128xi32, #tpu.memory_space<vmem>>) target_semaphore(%arg16 : memref<!tpu.dma_semaphore, #tpu.memory_space<semaphore_mem>>)
      } else {
      }
      %dma_wait3A_157 = arith.constant 0 : i32
      %dma_wait3A_158 = arith.constant 0 : i32
      %dma_wait3A_159 = arith.constant 0 : i32
      %dma_wait3A_160 = tpu.memref_slice %arg7[%dma_wait3A_157, %dma_wait3A_158, %dma_wait3A_159] : memref<2x32x128xi32, #tpu.memory_space<vmem>> -> memref<1x1x128xi32, #tpu.memory_space<vmem>>
      %dma_wait3A_161 = tpu.memref_squeeze %dma_wait3A_160 : memref<1x1x128xi32, #tpu.memory_space<vmem>> -> memref<128xi32, #tpu.memory_space<vmem>>
      %dma_wait3A_162 = arith.constant 0 : i32
      %dma_wait3A_163 = arith.constant 0 : i32
      %dma_wait3A_164 = tpu.memref_slice %arg2[%dma_wait3A_162, %dma_wait3A_163] : memref<20000x128xf32, #tpu.memory_space<hbm>> -> memref<20000x128xf32, #tpu.memory_space<hbm>>
      tpu.wait_indirect_dma semaphore(%arg12 : memref<!tpu.dma_semaphore, #tpu.memory_space<semaphore_mem>>) src(%dma_wait3A_164 : memref<20000x128xf32, #tpu.memory_space<hbm>>) dst(%arg9 : memref<128x128xf32, #tpu.memory_space<vmem>>)
      %jit3A_165 = arith.constant 32 : i32
      %div3A_166 = arith.divsi %mul3A_110, %jit3A_165 : i32
      %sign3A_167 = arith.constant 0 : i32
      %sign3A_168 = arith.cmpi sgt, %mul3A_110, %sign3A_167 : i32
      %sign3A_169 = arith.extui %sign3A_168 : i1 to i32
      %sign3A_170 = arith.constant 0 : i32
      %sign3A_171 = arith.cmpi slt, %mul3A_110, %sign3A_170 : i32
      %sign3A_172 = arith.extui %sign3A_171 : i1 to i32
      %sign3A_173 = arith.subi %sign3A_169, %sign3A_172 : i32
      %sign3A_174 = arith.constant 0 : i32
      %sign3A_175 = arith.cmpi sgt, %jit3A_165, %sign3A_174 : i32
      %sign3A_176 = arith.extui %sign3A_175 : i1 to i32
      %sign3A_177 = arith.constant 0 : i32
      %sign3A_178 = arith.cmpi slt, %jit3A_165, %sign3A_177 : i32
      %sign3A_179 = arith.extui %sign3A_178 : i1 to i32
      %sign3A_180 = arith.subi %sign3A_176, %sign3A_179 : i32
      %ne3A_181 = arith.cmpi ne, %sign3A_173, %sign3A_180 : i32
      %rem3A_182 = arith.remsi %mul3A_110, %jit3A_165 : i32
      %ne3A_183 = arith.constant 0 : i32
      %ne3A_184 = arith.cmpi ne, %rem3A_182, %ne3A_183 : i32
      %and3A_185 = arith.andi %ne3A_181, %ne3A_184 : i1
      %sub3A_186 = arith.constant 1 : i32
      %sub3A_187 = arith.subi %div3A_166, %sub3A_186 : i32
      %select_n3A_188 = arith.select %and3A_185, %sub3A_187, %div3A_166 : i32
      %jit3A_189 = arith.constant 2 : i32
      %eq3A_190 = arith.constant 0 : i32
      %eq3A_191 = arith.cmpi eq, %jit3A_189, %eq3A_190 : i32
      %jit3A_192 = arith.constant 1 : i32
      %select_n3A_193 = arith.select %eq3A_191, %jit3A_192, %jit3A_189 : i32
      %rem3A_194 = arith.remsi %select_n3A_188, %select_n3A_193 : i32
      %ne3A_195 = arith.constant 0 : i32
      %ne3A_196 = arith.cmpi ne, %rem3A_194, %ne3A_195 : i32
      %lt3A_197 = arith.constant 0 : i32
      %lt3A_198 = arith.cmpi slt, %rem3A_194, %lt3A_197 : i32
      %lt3A_199 = arith.constant 0 : i32
      %lt3A_200 = arith.cmpi slt, %select_n3A_193, %lt3A_199 : i32
      %ne3A_201 = arith.xori %lt3A_198, %lt3A_200 : i1
      %and3A_202 = arith.andi %ne3A_201, %ne3A_196 : i1
      %add3A_203 = arith.addi %rem3A_194, %select_n3A_193 : i32
      %select_n3A_204 = arith.select %and3A_202, %add3A_203, %rem3A_194 : i32
      %jit3A_205 = arith.constant 32 : i32
      %eq3A_206 = arith.constant 0 : i32
      %eq3A_207 = arith.cmpi eq, %jit3A_205, %eq3A_206 : i32
      %jit3A_208 = arith.constant 1 : i32
      %select_n3A_209 = arith.select %eq3A_207, %jit3A_208, %jit3A_205 : i32
      %rem3A_210 = arith.remsi %mul3A_110, %select_n3A_209 : i32
      %ne3A_211 = arith.constant 0 : i32
      %ne3A_212 = arith.cmpi ne, %rem3A_210, %ne3A_211 : i32
      %lt3A_213 = arith.constant 0 : i32
      %lt3A_214 = arith.cmpi slt, %rem3A_210, %lt3A_213 : i32
      %lt3A_215 = arith.constant 0 : i32
      %lt3A_216 = arith.cmpi slt, %select_n3A_209, %lt3A_215 : i32
      %ne3A_217 = arith.xori %lt3A_214, %lt3A_216 : i1
      %and3A_218 = arith.andi %ne3A_217, %ne3A_212 : i1
      %add3A_219 = arith.addi %rem3A_210, %select_n3A_209 : i32
      %select_n3A_220 = arith.select %and3A_218, %add3A_219, %rem3A_210 : i32
      %dma_start3A_221 = arith.constant 0 : i32
      %dma_start3A_222 = tpu.memref_slice %arg8[%select_n3A_204, %select_n3A_220, %dma_start3A_221] : memref<2x32x128xi32, #tpu.memory_space<vmem>> -> memref<1x1x128xi32, #tpu.memory_space<vmem>>
      %dma_start3A_223 = tpu.memref_squeeze %dma_start3A_222 : memref<1x1x128xi32, #tpu.memory_space<vmem>> -> memref<128xi32, #tpu.memory_space<vmem>>
      %dma_start3A_224 = arith.constant 0 : i32
      %dma_start3A_225 = arith.constant 0 : i32
      %dma_start3A_226 = tpu.memref_slice %arg11[%dma_start3A_224, %dma_start3A_225] : memref<10112x128xf32, #tpu.memory_space<vmem_shared>> -> memref<10112x128xf32, #tpu.memory_space<vmem_shared>>
      tpu.enqueue_indirect_dma source(%arg9 : memref<128x128xf32, #tpu.memory_space<vmem>>) target(%dma_start3A_226 : memref<10112x128xf32, #tpu.memory_space<vmem_shared>>) offsets(%dma_start3A_223 : memref<128xi32, #tpu.memory_space<vmem>>) semaphore(%arg14 : memref<!tpu.dma_semaphore, #tpu.memory_space<semaphore_mem>>) {add = true}
      %dma_wait3A_227 = arith.constant 0 : i32
      %dma_wait3A_228 = arith.constant 0 : i32
      %dma_wait3A_229 = arith.constant 0 : i32
      %dma_wait3A_230 = tpu.memref_slice %arg7[%dma_wait3A_227, %dma_wait3A_228, %dma_wait3A_229] : memref<2x32x128xi32, #tpu.memory_space<vmem>> -> memref<1x1x128xi32, #tpu.memory_space<vmem>>
      %dma_wait3A_231 = tpu.memref_squeeze %dma_wait3A_230 : memref<1x1x128xi32, #tpu.memory_space<vmem>> -> memref<128xi32, #tpu.memory_space<vmem>>
      %dma_wait3A_232 = arith.constant 0 : i32
      %dma_wait3A_233 = arith.constant 0 : i32
      %dma_wait3A_234 = tpu.memref_slice %arg2[%dma_wait3A_232, %dma_wait3A_233] : memref<20000x128xf32, #tpu.memory_space<hbm>> -> memref<20000x128xf32, #tpu.memory_space<hbm>>
      tpu.wait_indirect_dma semaphore(%arg13 : memref<!tpu.dma_semaphore, #tpu.memory_space<semaphore_mem>>) src(%dma_wait3A_234 : memref<20000x128xf32, #tpu.memory_space<hbm>>) dst(%arg10 : memref<128x128xf32, #tpu.memory_space<vmem>>)
      %add3A_235 = arith.constant 1 : i32
      %add3A_236 = arith.addi %mul3A_110, %add3A_235 : i32
      %jit3A_237 = arith.constant 32 : i32
      %div3A_238 = arith.divsi %add3A_236, %jit3A_237 : i32
      %sign3A_239 = arith.constant 0 : i32
      %sign3A_240 = arith.cmpi sgt, %add3A_236, %sign3A_239 : i32
      %sign3A_241 = arith.extui %sign3A_240 : i1 to i32
      %sign3A_242 = arith.constant 0 : i32
      %sign3A_243 = arith.cmpi slt, %add3A_236, %sign3A_242 : i32
      %sign3A_244 = arith.extui %sign3A_243 : i1 to i32
      %sign3A_245 = arith.subi %sign3A_241, %sign3A_244 : i32
      %sign3A_246 = arith.constant 0 : i32
      %sign3A_247 = arith.cmpi sgt, %jit3A_237, %sign3A_246 : i32
      %sign3A_248 = arith.extui %sign3A_247 : i1 to i32
      %sign3A_249 = arith.constant 0 : i32
      %sign3A_250 = arith.cmpi slt, %jit3A_237, %sign3A_249 : i32
      %sign3A_251 = arith.extui %sign3A_250 : i1 to i32
      %sign3A_252 = arith.subi %sign3A_248, %sign3A_251 : i32
      %ne3A_253 = arith.cmpi ne, %sign3A_245, %sign3A_252 : i32
      %rem3A_254 = arith.remsi %add3A_236, %jit3A_237 : i32
      %ne3A_255 = arith.constant 0 : i32
      %ne3A_256 = arith.cmpi ne, %rem3A_254, %ne3A_255 : i32
      %and3A_257 = arith.andi %ne3A_253, %ne3A_256 : i1
      %sub3A_258 = arith.constant 1 : i32
      %sub3A_259 = arith.subi %div3A_238, %sub3A_258 : i32
      %select_n3A_260 = arith.select %and3A_257, %sub3A_259, %div3A_238 : i32
      %jit3A_261 = arith.constant 2 : i32
      %eq3A_262 = arith.constant 0 : i32
      %eq3A_263 = arith.cmpi eq, %jit3A_261, %eq3A_262 : i32
      %jit3A_264 = arith.constant 1 : i32
      %select_n3A_265 = arith.select %eq3A_263, %jit3A_264, %jit3A_261 : i32
      %rem3A_266 = arith.remsi %select_n3A_260, %select_n3A_265 : i32
      %ne3A_267 = arith.constant 0 : i32
      %ne3A_268 = arith.cmpi ne, %rem3A_266, %ne3A_267 : i32
      %lt3A_269 = arith.constant 0 : i32
      %lt3A_270 = arith.cmpi slt, %rem3A_266, %lt3A_269 : i32
      %lt3A_271 = arith.constant 0 : i32
      %lt3A_272 = arith.cmpi slt, %select_n3A_265, %lt3A_271 : i32
      %ne3A_273 = arith.xori %lt3A_270, %lt3A_272 : i1
      %and3A_274 = arith.andi %ne3A_273, %ne3A_268 : i1
      %add3A_275 = arith.addi %rem3A_266, %select_n3A_265 : i32
      %select_n3A_276 = arith.select %and3A_274, %add3A_275, %rem3A_266 : i32
      %jit3A_277 = arith.constant 32 : i32
      %eq3A_278 = arith.constant 0 : i32
      %eq3A_279 = arith.cmpi eq, %jit3A_277, %eq3A_278 : i32
      %jit3A_280 = arith.constant 1 : i32
      %select_n3A_281 = arith.select %eq3A_279, %jit3A_280, %jit3A_277 : i32
      %rem3A_282 = arith.remsi %add3A_236, %select_n3A_281 : i32
      %ne3A_283 = arith.constant 0 : i32
      %ne3A_284 = arith.cmpi ne, %rem3A_282, %ne3A_283 : i32
      %lt3A_285 = arith.constant 0 : i32
      %lt3A_286 = arith.cmpi slt, %rem3A_282, %lt3A_285 : i32
      %lt3A_287 = arith.constant 0 : i32
      %lt3A_288 = arith.cmpi slt, %select_n3A_281, %lt3A_287 : i32
      %ne3A_289 = arith.xori %lt3A_286, %lt3A_288 : i1
      %and3A_290 = arith.andi %ne3A_289, %ne3A_284 : i1
      %add3A_291 = arith.addi %rem3A_282, %select_n3A_281 : i32
      %select_n3A_292 = arith.select %and3A_290, %add3A_291, %rem3A_282 : i32
      %dma_start3A_293 = arith.constant 0 : i32
      %dma_start3A_294 = tpu.memref_slice %arg8[%select_n3A_276, %select_n3A_292, %dma_start3A_293] : memref<2x32x128xi32, #tpu.memory_space<vmem>> -> memref<1x1x128xi32, #tpu.memory_space<vmem>>
      %dma_start3A_295 = tpu.memref_squeeze %dma_start3A_294 : memref<1x1x128xi32, #tpu.memory_space<vmem>> -> memref<128xi32, #tpu.memory_space<vmem>>
      %dma_start3A_296 = arith.constant 0 : i32
      %dma_start3A_297 = arith.constant 0 : i32
      %dma_start3A_298 = tpu.memref_slice %arg11[%dma_start3A_296, %dma_start3A_297] : memref<10112x128xf32, #tpu.memory_space<vmem_shared>> -> memref<10112x128xf32, #tpu.memory_space<vmem_shared>>
      tpu.enqueue_indirect_dma source(%arg10 : memref<128x128xf32, #tpu.memory_space<vmem>>) target(%dma_start3A_298 : memref<10112x128xf32, #tpu.memory_space<vmem_shared>>) offsets(%dma_start3A_295 : memref<128xi32, #tpu.memory_space<vmem>>) semaphore(%arg15 : memref<!tpu.dma_semaphore, #tpu.memory_space<semaphore_mem>>) {add = true}
      %dma_wait3A_299 = arith.constant 0 : i32
      %dma_wait3A_300 = arith.constant 0 : i32
      %dma_wait3A_301 = arith.constant 0 : i32
      %dma_wait3A_302 = tpu.memref_slice %arg8[%dma_wait3A_299, %dma_wait3A_300, %dma_wait3A_301] : memref<2x32x128xi32, #tpu.memory_space<vmem>> -> memref<1x1x128xi32, #tpu.memory_space<vmem>>
      %dma_wait3A_303 = tpu.memref_squeeze %dma_wait3A_302 : memref<1x1x128xi32, #tpu.memory_space<vmem>> -> memref<128xi32, #tpu.memory_space<vmem>>
      %dma_wait3A_304 = arith.constant 0 : i32
      %dma_wait3A_305 = arith.constant 0 : i32
      %dma_wait3A_306 = tpu.memref_slice %arg11[%dma_wait3A_304, %dma_wait3A_305] : memref<10112x128xf32, #tpu.memory_space<vmem_shared>> -> memref<10112x128xf32, #tpu.memory_space<vmem_shared>>
      tpu.wait_indirect_dma semaphore(%arg14 : memref<!tpu.dma_semaphore, #tpu.memory_space<semaphore_mem>>) src(%arg9 : memref<128x128xf32, #tpu.memory_space<vmem>>) dst(%dma_wait3A_306 : memref<10112x128xf32, #tpu.memory_space<vmem_shared>>)
      %add3A_307 = arith.constant 2 : i32
      %add3A_308 = arith.addi %mul3A_110, %add3A_307 : i32
      %lt3A_309 = arith.constant 160 : i32
      %lt3A_310 = arith.cmpi slt, %add3A_308, %lt3A_309 : i32
      %convert_element_type3A_311 = arith.extui %lt3A_310 : i1 to i32
      %cond3A_312 = arith.constant 0 : i32
      %cond3A_313 = arith.cmpi ne, %convert_element_type3A_311, %cond3A_312 : i32
      scf.if %cond3A_313 {
        %add3A_329 = arith.constant 2 : i32
        %add3A_330 = arith.addi %mul3A_110, %add3A_329 : i32
        %jit3A_331 = arith.constant 32 : i32
        %div3A_332 = arith.divsi %add3A_330, %jit3A_331 : i32
        %sign3A_333 = arith.constant 0 : i32
        %sign3A_334 = arith.cmpi sgt, %add3A_330, %sign3A_333 : i32
        %sign3A_335 = arith.extui %sign3A_334 : i1 to i32
        %sign3A_336 = arith.constant 0 : i32
        %sign3A_337 = arith.cmpi slt, %add3A_330, %sign3A_336 : i32
        %sign3A_338 = arith.extui %sign3A_337 : i1 to i32
        %sign3A_339 = arith.subi %sign3A_335, %sign3A_338 : i32
        %sign3A_340 = arith.constant 0 : i32
        %sign3A_341 = arith.cmpi sgt, %jit3A_331, %sign3A_340 : i32
        %sign3A_342 = arith.extui %sign3A_341 : i1 to i32
        %sign3A_343 = arith.constant 0 : i32
        %sign3A_344 = arith.cmpi slt, %jit3A_331, %sign3A_343 : i32
        %sign3A_345 = arith.extui %sign3A_344 : i1 to i32
        %sign3A_346 = arith.subi %sign3A_342, %sign3A_345 : i32
        %ne3A_347 = arith.cmpi ne, %sign3A_339, %sign3A_346 : i32
        %rem3A_348 = arith.remsi %add3A_330, %jit3A_331 : i32
        %ne3A_349 = arith.constant 0 : i32
        %ne3A_350 = arith.cmpi ne, %rem3A_348, %ne3A_349 : i32
        %and3A_351 = arith.andi %ne3A_347, %ne3A_350 : i1
        %sub3A_352 = arith.constant 1 : i32
        %sub3A_353 = arith.subi %div3A_332, %sub3A_352 : i32
        %select_n3A_354 = arith.select %and3A_351, %sub3A_353, %div3A_332 : i32
        %jit3A_355 = arith.constant 2 : i32
        %eq3A_356 = arith.constant 0 : i32
        %eq3A_357 = arith.cmpi eq, %jit3A_355, %eq3A_356 : i32
        %jit3A_358 = arith.constant 1 : i32
        %select_n3A_359 = arith.select %eq3A_357, %jit3A_358, %jit3A_355 : i32
        %rem3A_360 = arith.remsi %select_n3A_354, %select_n3A_359 : i32
        %ne3A_361 = arith.constant 0 : i32
        %ne3A_362 = arith.cmpi ne, %rem3A_360, %ne3A_361 : i32
        %lt3A_363 = arith.constant 0 : i32
        %lt3A_364 = arith.cmpi slt, %rem3A_360, %lt3A_363 : i32
        %lt3A_365 = arith.constant 0 : i32
        %lt3A_366 = arith.cmpi slt, %select_n3A_359, %lt3A_365 : i32
        %ne3A_367 = arith.xori %lt3A_364, %lt3A_366 : i1
        %and3A_368 = arith.andi %ne3A_367, %ne3A_362 : i1
        %add3A_369 = arith.addi %rem3A_360, %select_n3A_359 : i32
        %select_n3A_370 = arith.select %and3A_368, %add3A_369, %rem3A_360 : i32
        %jit3A_371 = arith.constant 32 : i32
        %eq3A_372 = arith.constant 0 : i32
        %eq3A_373 = arith.cmpi eq, %jit3A_371, %eq3A_372 : i32
        %jit3A_374 = arith.constant 1 : i32
        %select_n3A_375 = arith.select %eq3A_373, %jit3A_374, %jit3A_371 : i32
        %rem3A_376 = arith.remsi %add3A_330, %select_n3A_375 : i32
        %ne3A_377 = arith.constant 0 : i32
        %ne3A_378 = arith.cmpi ne, %rem3A_376, %ne3A_377 : i32
        %lt3A_379 = arith.constant 0 : i32
        %lt3A_380 = arith.cmpi slt, %rem3A_376, %lt3A_379 : i32
        %lt3A_381 = arith.constant 0 : i32
        %lt3A_382 = arith.cmpi slt, %select_n3A_375, %lt3A_381 : i32
        %ne3A_383 = arith.xori %lt3A_380, %lt3A_382 : i1
        %and3A_384 = arith.andi %ne3A_383, %ne3A_378 : i1
        %add3A_385 = arith.addi %rem3A_376, %select_n3A_375 : i32
        %select_n3A_386 = arith.select %and3A_384, %add3A_385, %rem3A_376 : i32
        %dma_start3A_387 = arith.constant 0 : i32
        %dma_start3A_388 = tpu.memref_slice %arg7[%select_n3A_370, %select_n3A_386, %dma_start3A_387] : memref<2x32x128xi32, #tpu.memory_space<vmem>> -> memref<1x1x128xi32, #tpu.memory_space<vmem>>
        %dma_start3A_389 = tpu.memref_squeeze %dma_start3A_388 : memref<1x1x128xi32, #tpu.memory_space<vmem>> -> memref<128xi32, #tpu.memory_space<vmem>>
        %dma_start3A_390 = arith.constant 0 : i32
        %dma_start3A_391 = arith.constant 0 : i32
        %dma_start3A_392 = tpu.memref_slice %arg2[%dma_start3A_390, %dma_start3A_391] : memref<20000x128xf32, #tpu.memory_space<hbm>> -> memref<20000x128xf32, #tpu.memory_space<hbm>>
        tpu.enqueue_indirect_dma source(%dma_start3A_392 : memref<20000x128xf32, #tpu.memory_space<hbm>>) target(%arg9 : memref<128x128xf32, #tpu.memory_space<vmem>>) offsets(%dma_start3A_389 : memref<128xi32, #tpu.memory_space<vmem>>) semaphore(%arg12 : memref<!tpu.dma_semaphore, #tpu.memory_space<semaphore_mem>>)
      } else {
      }
      %dma_wait3A_314 = arith.constant 0 : i32
      %dma_wait3A_315 = arith.constant 0 : i32
      %dma_wait3A_316 = arith.constant 0 : i32
      %dma_wait3A_317 = tpu.memref_slice %arg8[%dma_wait3A_314, %dma_wait3A_315, %dma_wait3A_316] : memref<2x32x128xi32, #tpu.memory_space<vmem>> -> memref<1x1x128xi32, #tpu.memory_space<vmem>>
      %dma_wait3A_318 = tpu.memref_squeeze %dma_wait3A_317 : memref<1x1x128xi32, #tpu.memory_space<vmem>> -> memref<128xi32, #tpu.memory_space<vmem>>
      %dma_wait3A_319 = arith.constant 0 : i32
      %dma_wait3A_320 = arith.constant 0 : i32
      %dma_wait3A_321 = tpu.memref_slice %arg11[%dma_wait3A_319, %dma_wait3A_320] : memref<10112x128xf32, #tpu.memory_space<vmem_shared>> -> memref<10112x128xf32, #tpu.memory_space<vmem_shared>>
      tpu.wait_indirect_dma semaphore(%arg15 : memref<!tpu.dma_semaphore, #tpu.memory_space<semaphore_mem>>) src(%arg10 : memref<128x128xf32, #tpu.memory_space<vmem>>) dst(%dma_wait3A_321 : memref<10112x128xf32, #tpu.memory_space<vmem_shared>>)
      %add3A_322 = arith.constant 3 : i32
      %add3A_323 = arith.addi %mul3A_110, %add3A_322 : i32
      %lt3A_324 = arith.constant 160 : i32
      %lt3A_325 = arith.cmpi slt, %add3A_323, %lt3A_324 : i32
      %convert_element_type3A_326 = arith.extui %lt3A_325 : i1 to i32
      %cond3A_327 = arith.constant 0 : i32
      %cond3A_328 = arith.cmpi ne, %convert_element_type3A_326, %cond3A_327 : i32
      scf.if %cond3A_328 {
        %add3A_329 = arith.constant 3 : i32
        %add3A_330 = arith.addi %mul3A_110, %add3A_329 : i32
        %jit3A_331 = arith.constant 32 : i32
        %div3A_332 = arith.divsi %add3A_330, %jit3A_331 : i32
        %sign3A_333 = arith.constant 0 : i32
        %sign3A_334 = arith.cmpi sgt, %add3A_330, %sign3A_333 : i32
        %sign3A_335 = arith.extui %sign3A_334 : i1 to i32
        %sign3A_336 = arith.constant 0 : i32
        %sign3A_337 = arith.cmpi slt, %add3A_330, %sign3A_336 : i32
        %sign3A_338 = arith.extui %sign3A_337 : i1 to i32
        %sign3A_339 = arith.subi %sign3A_335, %sign3A_338 : i32
        %sign3A_340 = arith.constant 0 : i32
        %sign3A_341 = arith.cmpi sgt, %jit3A_331, %sign3A_340 : i32
        %sign3A_342 = arith.extui %sign3A_341 : i1 to i32
        %sign3A_343 = arith.constant 0 : i32
        %sign3A_344 = arith.cmpi slt, %jit3A_331, %sign3A_343 : i32
        %sign3A_345 = arith.extui %sign3A_344 : i1 to i32
        %sign3A_346 = arith.subi %sign3A_342, %sign3A_345 : i32
        %ne3A_347 = arith.cmpi ne, %sign3A_339, %sign3A_346 : i32
        %rem3A_348 = arith.remsi %add3A_330, %jit3A_331 : i32
        %ne3A_349 = arith.constant 0 : i32
        %ne3A_350 = arith.cmpi ne, %rem3A_348, %ne3A_349 : i32
        %and3A_351 = arith.andi %ne3A_347, %ne3A_350 : i1
        %sub3A_352 = arith.constant 1 : i32
        %sub3A_353 = arith.subi %div3A_332, %sub3A_352 : i32
        %select_n3A_354 = arith.select %and3A_351, %sub3A_353, %div3A_332 : i32
        %jit3A_355 = arith.constant 2 : i32
        %eq3A_356 = arith.constant 0 : i32
        %eq3A_357 = arith.cmpi eq, %jit3A_355, %eq3A_356 : i32
        %jit3A_358 = arith.constant 1 : i32
        %select_n3A_359 = arith.select %eq3A_357, %jit3A_358, %jit3A_355 : i32
        %rem3A_360 = arith.remsi %select_n3A_354, %select_n3A_359 : i32
        %ne3A_361 = arith.constant 0 : i32
        %ne3A_362 = arith.cmpi ne, %rem3A_360, %ne3A_361 : i32
        %lt3A_363 = arith.constant 0 : i32
        %lt3A_364 = arith.cmpi slt, %rem3A_360, %lt3A_363 : i32
        %lt3A_365 = arith.constant 0 : i32
        %lt3A_366 = arith.cmpi slt, %select_n3A_359, %lt3A_365 : i32
        %ne3A_367 = arith.xori %lt3A_364, %lt3A_366 : i1
        %and3A_368 = arith.andi %ne3A_367, %ne3A_362 : i1
        %add3A_369 = arith.addi %rem3A_360, %select_n3A_359 : i32
        %select_n3A_370 = arith.select %and3A_368, %add3A_369, %rem3A_360 : i32
        %jit3A_371 = arith.constant 32 : i32
        %eq3A_372 = arith.constant 0 : i32
        %eq3A_373 = arith.cmpi eq, %jit3A_371, %eq3A_372 : i32
        %jit3A_374 = arith.constant 1 : i32
        %select_n3A_375 = arith.select %eq3A_373, %jit3A_374, %jit3A_371 : i32
        %rem3A_376 = arith.remsi %add3A_330, %select_n3A_375 : i32
        %ne3A_377 = arith.constant 0 : i32
        %ne3A_378 = arith.cmpi ne, %rem3A_376, %ne3A_377 : i32
        %lt3A_379 = arith.constant 0 : i32
        %lt3A_380 = arith.cmpi slt, %rem3A_376, %lt3A_379 : i32
        %lt3A_381 = arith.constant 0 : i32
        %lt3A_382 = arith.cmpi slt, %select_n3A_375, %lt3A_381 : i32
        %ne3A_383 = arith.xori %lt3A_380, %lt3A_382 : i1
        %and3A_384 = arith.andi %ne3A_383, %ne3A_378 : i1
        %add3A_385 = arith.addi %rem3A_376, %select_n3A_375 : i32
        %select_n3A_386 = arith.select %and3A_384, %add3A_385, %rem3A_376 : i32
        %dma_start3A_387 = arith.constant 0 : i32
        %dma_start3A_388 = tpu.memref_slice %arg7[%select_n3A_370, %select_n3A_386, %dma_start3A_387] : memref<2x32x128xi32, #tpu.memory_space<vmem>> -> memref<1x1x128xi32, #tpu.memory_space<vmem>>
        %dma_start3A_389 = tpu.memref_squeeze %dma_start3A_388 : memref<1x1x128xi32, #tpu.memory_space<vmem>> -> memref<128xi32, #tpu.memory_space<vmem>>
        %dma_start3A_390 = arith.constant 0 : i32
        %dma_start3A_391 = arith.constant 0 : i32
        %dma_start3A_392 = tpu.memref_slice %arg2[%dma_start3A_390, %dma_start3A_391] : memref<20000x128xf32, #tpu.memory_space<hbm>> -> memref<20000x128xf32, #tpu.memory_space<hbm>>
        tpu.enqueue_indirect_dma source(%dma_start3A_392 : memref<20000x128xf32, #tpu.memory_space<hbm>>) target(%arg10 : memref<128x128xf32, #tpu.memory_space<vmem>>) offsets(%dma_start3A_389 : memref<128xi32, #tpu.memory_space<vmem>>) semaphore(%arg13 : memref<!tpu.dma_semaphore, #tpu.memory_space<semaphore_mem>>)
      } else {
      }
    }
    %scan3A_97 = arith.constant 80 : i32
    %barrier3A_98 = arith.constant 0 : index
    tpu.barrier barrier_id(%barrier3A_98)
    %mul3A_99 = arith.constant 624 : i32
    %mul3A_100 = arith.muli %arg1, %mul3A_99 : i32
    %mul3A_101 = arith.constant 10000 : i32
    %mul3A_102 = arith.muli %arg0, %mul3A_101 : i32
    %mul3A_103 = arith.constant 624 : i32
    %mul3A_104 = arith.muli %arg1, %mul3A_103 : i32
    %add3A_105 = arith.addi %mul3A_102, %mul3A_104 : i32
    "tpu.region"() ({
      %run_scoped3A = tpu.sem_alloc : memref<!tpu.dma_semaphore, #tpu.memory_space<semaphore_mem>>
      %dma_start3A_108 = arith.constant 0 : i32
      %dma_start3A_109 = tpu.memref_slice %arg6[%add3A_105, %dma_start3A_108] : memref<20000x128xf32, #tpu.memory_space<hbm>> -> memref<624x128xf32, #tpu.memory_space<hbm>>
      %dma_start3A_110 = arith.constant 0 : i32
      %dma_start3A_111 = tpu.memref_slice %arg11[%mul3A_100, %dma_start3A_110] : memref<10112x128xf32, #tpu.memory_space<vmem_shared>> -> memref<624x128xf32, #tpu.memory_space<vmem_shared>>
      tpu.enqueue_dma source(%dma_start3A_111 : memref<624x128xf32, #tpu.memory_space<vmem_shared>>) target(%dma_start3A_109 : memref<624x128xf32, #tpu.memory_space<hbm>>) target_semaphore(%run_scoped3A : memref<!tpu.dma_semaphore, #tpu.memory_space<semaphore_mem>>)
      %dma_wait3A_112 = arith.constant 0 : i32
      %dma_wait3A_113 = tpu.memref_slice %arg6[%add3A_105, %dma_wait3A_112] : memref<20000x128xf32, #tpu.memory_space<hbm>> -> memref<624x128xf32, #tpu.memory_space<hbm>>
      %dma_wait3A_114 = arith.constant 0 : i32
      %dma_wait3A_115 = tpu.memref_slice %arg11[%mul3A_100, %dma_wait3A_114] : memref<10112x128xf32, #tpu.memory_space<vmem_shared>> -> memref<624x128xf32, #tpu.memory_space<vmem_shared>>
      tpu.wait_dma2 semaphore(%run_scoped3A : memref<!tpu.dma_semaphore, #tpu.memory_space<semaphore_mem>>) src(%dma_wait3A_115 : memref<624x128xf32, #tpu.memory_space<vmem_shared>>) dst(%dma_wait3A_113 : memref<624x128xf32, #tpu.memory_space<hbm>>)
      tpu.yield
    }) : () -> ()
    %eq3A = arith.constant 15 : i32
    %eq3A_106 = arith.cmpi eq, %arg1, %eq3A : i32
    %convert_element_type3A = arith.extui %eq3A_106 : i1 to i32
    %cond3A = arith.constant 0 : i32
    %cond3A_107 = arith.cmpi ne, %convert_element_type3A, %cond3A : i32
    scf.if %cond3A_107 {
      %mul3A_108 = arith.constant 10000 : i32
      %mul3A_109 = arith.muli %arg0, %mul3A_108 : i32
      %add3A_110 = arith.constant 9984 : i32
      %add3A_111 = arith.addi %mul3A_109, %add3A_110 : i32
      "tpu.region"() ({
        %run_scoped3A = tpu.sem_alloc : memref<!tpu.dma_semaphore, #tpu.memory_space<semaphore_mem>>
        %dma_start3A_112 = arith.constant 0 : i32
        %dma_start3A_113 = tpu.memref_slice %arg6[%add3A_111, %dma_start3A_112] : memref<20000x128xf32, #tpu.memory_space<hbm>> -> memref<16x128xf32, #tpu.memory_space<hbm>>
        %dma_start3A_114 = arith.constant 9984 : i32
        %dma_start3A_115 = arith.constant 0 : i32
        %dma_start3A_116 = tpu.memref_slice %arg11[%dma_start3A_114, %dma_start3A_115] : memref<10112x128xf32, #tpu.memory_space<vmem_shared>> -> memref<16x128xf32, #tpu.memory_space<vmem_shared>>
        tpu.enqueue_dma source(%dma_start3A_116 : memref<16x128xf32, #tpu.memory_space<vmem_shared>>) target(%dma_start3A_113 : memref<16x128xf32, #tpu.memory_space<hbm>>) target_semaphore(%run_scoped3A : memref<!tpu.dma_semaphore, #tpu.memory_space<semaphore_mem>>)
        %dma_wait3A_117 = arith.constant 0 : i32
        %dma_wait3A_118 = tpu.memref_slice %arg6[%add3A_111, %dma_wait3A_117] : memref<20000x128xf32, #tpu.memory_space<hbm>> -> memref<16x128xf32, #tpu.memory_space<hbm>>
        %dma_wait3A_119 = arith.constant 9984 : i32
        %dma_wait3A_120 = arith.constant 0 : i32
        %dma_wait3A_121 = tpu.memref_slice %arg11[%dma_wait3A_119, %dma_wait3A_120] : memref<10112x128xf32, #tpu.memory_space<vmem_shared>> -> memref<16x128xf32, #tpu.memory_space<vmem_shared>>
        tpu.wait_dma2 semaphore(%run_scoped3A : memref<!tpu.dma_semaphore, #tpu.memory_space<semaphore_mem>>) src(%dma_wait3A_121 : memref<16x128xf32, #tpu.memory_space<vmem_shared>>) dst(%dma_wait3A_118 : memref<16x128xf32, #tpu.memory_space<hbm>>)
        tpu.yield
      }) : () -> ()
    } else {
    }
    return
  }
}

module attributes {stable_mosaic.version = 14 : i64} {
  func.func @_stage_b_body(%arg0: i32, %arg1: i32, %arg2: memref<1x1000x128xf32, #tpu.memory_space<vmem>>, %arg3: memref<1x128x128xf32, #tpu.memory_space<vmem>>, %arg4: memref<1x1000x128xf32, #tpu.memory_space<vmem>>, %arg5: memref<1x1000x128xf32, #tpu.memory_space<vmem>>) attributes {dimension_semantics = [#tpu.dimension_semantics<arbitrary>, #tpu.dimension_semantics<arbitrary>], iteration_bounds = array<i64: 2, 10>, scalar_prefetch = 0 : i64, scratch_operands = 0 : i64, tpu.core_type = #tpu.core_type<tc>, window_params = [{transform_indices = @transform_0, window_bounds = array<i64: 1, 1000, 128>}, {transform_indices = @transform_1, window_bounds = array<i64: 1, 128, 128>}, {transform_indices = @transform_2, window_bounds = array<i64: 1, 1000, 128>}, {transform_indices = @transform_3, window_bounds = array<i64: 1, 1000, 128>}]} {
    %get3A = arith.constant 0 : index
    %get3A_0 = arith.constant 0 : index
    %get3A_1 = arith.constant 0 : index
    %get3A_2 = vector.load %arg2[%get3A, %get3A_0, %get3A_1] : memref<1x1000x128xf32, #tpu.memory_space<vmem>>, vector<1x1000x128xf32>
    %get3A_3 = vector.shape_cast %get3A_2 : vector<1x1000x128xf32> to vector<1000x128xf32>
    %get3A_4 = arith.constant 0 : index
    %get3A_5 = arith.constant 0 : index
    %get3A_6 = arith.constant 0 : index
    %get3A_7 = vector.load %arg3[%get3A_4, %get3A_5, %get3A_6] : memref<1x128x128xf32, #tpu.memory_space<vmem>>, vector<1x128x128xf32>
    %get3A_8 = vector.shape_cast %get3A_7 : vector<1x128x128xf32> to vector<128x128xf32>
    %dot_general3A = arith.constant dense<0.000000e+00> : vector<1000x128xf32>
    %dot_general3A_9 = tpu.matmul %get3A_3, %get3A_8, %dot_general3A {dimension_numbers = #tpu.dot_dimension_numbers<[1], [0], [0], [1], [0, 0, 1, 1], [], []>, transpose_lhs_hint = false} : vector<1000x128xf32>, vector<128x128xf32>, vector<1000x128xf32> -> vector<1000x128xf32>
    %get3A_10 = arith.constant 0 : index
    %get3A_11 = arith.constant 0 : index
    %get3A_12 = arith.constant 0 : index
    %get3A_13 = vector.load %arg4[%get3A_10, %get3A_11, %get3A_12] : memref<1x1000x128xf32, #tpu.memory_space<vmem>>, vector<1x1000x1xf32>
    %get3A_14 = vector.shape_cast %get3A_13 : vector<1x1000x1xf32> to vector<1000x1xf32>
    %add3A = arith.constant 1.000000e+00 : f32
    %add3A_15 = vector.broadcast %add3A : f32 to vector<1000x1xf32>
    %add3A_16 = arith.addf %add3A_15, %get3A_14 : vector<1000x1xf32>
    %rsqrt3A = math.rsqrt %add3A_16 : vector<1000x1xf32>
    %mul3A = vector.broadcast %rsqrt3A : vector<1000x1xf32> to vector<1000x128xf32>
    %mul3A_17 = arith.mulf %dot_general3A_9, %mul3A : vector<1000x128xf32>
    %swap3A = arith.constant 0 : index
    %swap3A_18 = arith.constant 0 : index
    %swap3A_19 = arith.constant 0 : index
    %swap3A_20 = vector.load %arg5[%swap3A, %swap3A_18, %swap3A_19] : memref<1x1000x128xf32, #tpu.memory_space<vmem>>, vector<1x1000x128xf32>
    %swap3A_21 = vector.shape_cast %swap3A_20 : vector<1x1000x128xf32> to vector<1000x128xf32>
    %swap3A_22 = vector.shape_cast %mul3A_17 : vector<1000x128xf32> to vector<1x1000x128xf32>
    tpu.vector_store %arg5[%swap3A, %swap3A_18, %swap3A_19], %swap3A_22 {strides = array<i32>} : memref<1x1000x128xf32, #tpu.memory_space<vmem>>, vector<1x1000x128xf32>,
    return
  }
  func.func @transform_0(%arg0: i32, %arg1: i32) -> (i32, i32, i32) {
    %mul3A = arith.constant 2 : i32
    %mul3A_0 = arith.muli %mul3A, %arg0 : i32
    %add3A = arith.constant 1 : i32
    %add3A_1 = arith.addi %mul3A_0, %add3A : i32
    %c0_i32 = arith.constant 0 : i32
    %c0_i32_2 = arith.constant 0 : i32
    return %add3A_1, %arg1, %c0_i32 : i32, i32, i32
  }
  func.func @transform_1(%arg0: i32, %arg1: i32) -> (i32, i32, i32) {
    %mul3A = arith.constant 2 : i32
    %mul3A_0 = arith.muli %mul3A, %arg0 : i32
    %add3A = arith.constant 1 : i32
    %add3A_1 = arith.addi %mul3A_0, %add3A : i32
    %c0_i32 = arith.constant 0 : i32
    %c0_i32_2 = arith.constant 0 : i32
    %c0_i32_3 = arith.constant 0 : i32
    return %add3A_1, %c0_i32, %c0_i32_2 : i32, i32, i32
  }
  func.func @transform_2(%arg0: i32, %arg1: i32) -> (i32, i32, i32) {
    %c0_i32 = arith.constant 0 : i32
    %c0_i32_0 = arith.constant 0 : i32
    return %arg0, %arg1, %c0_i32 : i32, i32, i32
  }
  func.func @transform_3(%arg0: i32, %arg1: i32) -> (i32, i32, i32) {
    %c0_i32 = arith.constant 0 : i32
    %c0_i32_0 = arith.constant 0 : i32
    return %arg0, %arg1, %c0_i32 : i32, i32, i32
  }
}

module attributes {stable_mosaic.version = 14 : i64} {
  func.func @_stage_b_body(%arg0: i32, %arg1: i32, %arg2: memref<1x1000x128xf32, #tpu.memory_space<vmem>>, %arg3: memref<1x128x128xf32, #tpu.memory_space<vmem>>, %arg4: memref<1x1000x128xf32, #tpu.memory_space<vmem>>, %arg5: memref<1x1000x128xf32, #tpu.memory_space<vmem>>) attributes {dimension_semantics = [#tpu.dimension_semantics<arbitrary>, #tpu.dimension_semantics<arbitrary>], iteration_bounds = array<i64: 2, 10>, scalar_prefetch = 0 : i64, scratch_operands = 0 : i64, tpu.core_type = #tpu.core_type<tc>, window_params = [{transform_indices = @transform_0, window_bounds = array<i64: 1, 1000, 128>}, {transform_indices = @transform_1, window_bounds = array<i64: 1, 128, 128>}, {transform_indices = @transform_2, window_bounds = array<i64: 1, 1000, 128>}, {transform_indices = @transform_3, window_bounds = array<i64: 1, 1000, 128>}]} {
    %get3A = arith.constant 0 : index
    %get3A_0 = arith.constant 0 : index
    %get3A_1 = arith.constant 0 : index
    %get3A_2 = vector.load %arg2[%get3A, %get3A_0, %get3A_1] : memref<1x1000x128xf32, #tpu.memory_space<vmem>>, vector<1x1000x128xf32>
    %get3A_3 = vector.shape_cast %get3A_2 : vector<1x1000x128xf32> to vector<1000x128xf32>
    %get3A_4 = arith.constant 0 : index
    %get3A_5 = arith.constant 0 : index
    %get3A_6 = arith.constant 0 : index
    %get3A_7 = vector.load %arg3[%get3A_4, %get3A_5, %get3A_6] : memref<1x128x128xf32, #tpu.memory_space<vmem>>, vector<1x128x128xf32>
    %get3A_8 = vector.shape_cast %get3A_7 : vector<1x128x128xf32> to vector<128x128xf32>
    %dot_general3A = arith.constant dense<0.000000e+00> : vector<1000x128xf32>
    %dot_general3A_9 = tpu.matmul %get3A_3, %get3A_8, %dot_general3A {dimension_numbers = #tpu.dot_dimension_numbers<[1], [0], [0], [1], [0, 0, 1, 1], [], []>, transpose_lhs_hint = false} : vector<1000x128xf32>, vector<128x128xf32>, vector<1000x128xf32> -> vector<1000x128xf32>
    %get3A_10 = arith.constant 0 : index
    %get3A_11 = arith.constant 0 : index
    %get3A_12 = arith.constant 0 : index
    %get3A_13 = vector.load %arg4[%get3A_10, %get3A_11, %get3A_12] : memref<1x1000x128xf32, #tpu.memory_space<vmem>>, vector<1x1000x1xf32>
    %get3A_14 = vector.shape_cast %get3A_13 : vector<1x1000x1xf32> to vector<1000x1xf32>
    %add3A = arith.constant 1.000000e+00 : f32
    %add3A_15 = vector.broadcast %add3A : f32 to vector<1000x1xf32>
    %add3A_16 = arith.addf %add3A_15, %get3A_14 : vector<1000x1xf32>
    %rsqrt3A = math.rsqrt %add3A_16 : vector<1000x1xf32>
    %mul3A = vector.broadcast %rsqrt3A : vector<1000x1xf32> to vector<1000x128xf32>
    %mul3A_17 = arith.mulf %dot_general3A_9, %mul3A : vector<1000x128xf32>
    %swap3A = arith.constant 0 : index
    %swap3A_18 = arith.constant 0 : index
    %swap3A_19 = arith.constant 0 : index
    %swap3A_20 = vector.load %arg5[%swap3A, %swap3A_18, %swap3A_19] : memref<1x1000x128xf32, #tpu.memory_space<vmem>>, vector<1x1000x128xf32>
    %swap3A_21 = vector.shape_cast %swap3A_20 : vector<1x1000x128xf32> to vector<1000x128xf32>
    %swap3A_22 = vector.shape_cast %mul3A_17 : vector<1000x128xf32> to vector<1x1000x128xf32>
    tpu.vector_store %arg5[%swap3A, %swap3A_18, %swap3A_19], %swap3A_22 {strides = array<i32>} : memref<1x1000x128xf32, #tpu.memory_space<vmem>>, vector<1x1000x128xf32>,
    return
  }
  func.func @transform_0(%arg0: i32, %arg1: i32) -> (i32, i32, i32) {
    %mul3A = arith.constant 2 : i32
    %mul3A_0 = arith.muli %mul3A, %arg0 : i32
    %add3A = arith.constant 0 : i32
    %add3A_1 = arith.addi %mul3A_0, %add3A : i32
    %c0_i32 = arith.constant 0 : i32
    %c0_i32_2 = arith.constant 0 : i32
    return %add3A_1, %arg1, %c0_i32 : i32, i32, i32
  }
  func.func @transform_1(%arg0: i32, %arg1: i32) -> (i32, i32, i32) {
    %mul3A = arith.constant 2 : i32
    %mul3A_0 = arith.muli %mul3A, %arg0 : i32
    %add3A = arith.constant 0 : i32
    %add3A_1 = arith.addi %mul3A_0, %add3A : i32
    %c0_i32 = arith.constant 0 : i32
    %c0_i32_2 = arith.constant 0 : i32
    %c0_i32_3 = arith.constant 0 : i32
    return %add3A_1, %c0_i32, %c0_i32_2 : i32, i32, i32
  }
  func.func @transform_2(%arg0: i32, %arg1: i32) -> (i32, i32, i32) {
    %c0_i32 = arith.constant 0 : i32
    %c0_i32_0 = arith.constant 0 : i32
    return %arg0, %arg1, %c0_i32 : i32, i32, i32
  }
  func.func @transform_3(%arg0: i32, %arg1: i32) -> (i32, i32, i32) {
    %c0_i32 = arith.constant 0 : i32
    %c0_i32_0 = arith.constant 0 : i32
    return %arg0, %arg1, %c0_i32 : i32, i32, i32
  }
}

module attributes {stable_mosaic.version = 14 : i64} {
  func.func @_stage_d_body(%arg0: i32, %arg1: i32, %arg2: memref<1x1000x128xf32, #tpu.memory_space<vmem>>, %arg3: memref<1x1000x128xf32, #tpu.memory_space<vmem>>, %arg4: memref<1x1000x128xf32, #tpu.memory_space<vmem>>, %arg5: memref<1x1x128xf32, #tpu.memory_space<vmem>>, %arg6: memref<1x128x128xf32, #tpu.memory_space<vmem>>, %arg7: memref<1x1000x128xf32, #tpu.memory_space<vmem>>) attributes {dimension_semantics = [#tpu.dimension_semantics<arbitrary>, #tpu.dimension_semantics<arbitrary>], iteration_bounds = array<i64: 2, 10>, scalar_prefetch = 0 : i64, scratch_operands = 0 : i64, tpu.core_type = #tpu.core_type<tc>, window_params = [{transform_indices = @transform_0, window_bounds = array<i64: 1, 1000, 128>}, {transform_indices = @transform_1, window_bounds = array<i64: 1, 1000, 128>}, {transform_indices = @transform_2, window_bounds = array<i64: 1, 1000, 128>}, {transform_indices = @transform_3, window_bounds = array<i64: 1, 1, 128>}, {transform_indices = @transform_4, window_bounds = array<i64: 1, 128, 128>}, {transform_indices = @transform_5, window_bounds = array<i64: 1, 1000, 128>}]} {
    %get3A = arith.constant 0 : index
    %get3A_0 = arith.constant 0 : index
    %get3A_1 = arith.constant 0 : index
    %get3A_2 = vector.load %arg4[%get3A, %get3A_0, %get3A_1] : memref<1x1000x128xf32, #tpu.memory_space<vmem>>, vector<1x1000x1xf32>
    %get3A_3 = vector.shape_cast %get3A_2 : vector<1x1000x1xf32> to vector<1000x1xf32>
    %add3A = arith.constant 1.000000e+00 : f32
    %add3A_4 = vector.broadcast %add3A : f32 to vector<1000x1xf32>
    %add3A_5 = arith.addf %add3A_4, %get3A_3 : vector<1000x1xf32>
    %rsqrt3A = math.rsqrt %add3A_5 : vector<1000x1xf32>
    %get3A_6 = arith.constant 0 : index
    %get3A_7 = arith.constant 0 : index
    %get3A_8 = arith.constant 0 : index
    %get3A_9 = vector.load %arg2[%get3A_6, %get3A_7, %get3A_8] : memref<1x1000x128xf32, #tpu.memory_space<vmem>>, vector<1x1000x128xf32>
    %get3A_10 = vector.shape_cast %get3A_9 : vector<1x1000x128xf32> to vector<1000x128xf32>
    %get3A_11 = arith.constant 0 : index
    %get3A_12 = arith.constant 0 : index
    %get3A_13 = arith.constant 0 : index
    %get3A_14 = vector.load %arg3[%get3A_11, %get3A_12, %get3A_13] : memref<1x1000x128xf32, #tpu.memory_space<vmem>>, vector<1x1000x128xf32>
    %get3A_15 = vector.shape_cast %get3A_14 : vector<1x1000x128xf32> to vector<1000x128xf32>
    %add3A_16 = arith.addf %get3A_10, %get3A_15 : vector<1000x128xf32>
    %mul3A = vector.broadcast %rsqrt3A : vector<1000x1xf32> to vector<1000x128xf32>
    %mul3A_17 = arith.mulf %add3A_16, %mul3A : vector<1000x128xf32>
    %get3A_18 = arith.constant 0 : index
    %get3A_19 = arith.constant 0 : index
    %get3A_20 = arith.constant 0 : index
    %get3A_21 = vector.load %arg5[%get3A_18, %get3A_19, %get3A_20] : memref<1x1x128xf32, #tpu.memory_space<vmem>>, vector<1x1x128xf32>
    %get3A_22 = vector.shape_cast %get3A_21 : vector<1x1x128xf32> to vector<1x128xf32>
    %add3A_23 = vector.broadcast %get3A_22 : vector<1x128xf32> to vector<1000x128xf32>
    %add3A_24 = arith.addf %mul3A_17, %add3A_23 : vector<1000x128xf32>
    %get3A_25 = arith.constant 0 : index
    %get3A_26 = arith.constant 0 : index
    %get3A_27 = arith.constant 0 : index
    %get3A_28 = vector.load %arg6[%get3A_25, %get3A_26, %get3A_27] : memref<1x128x128xf32, #tpu.memory_space<vmem>>, vector<1x128x128xf32>
    %get3A_29 = vector.shape_cast %get3A_28 : vector<1x128x128xf32> to vector<128x128xf32>
    %dot_general3A = arith.constant dense<0.000000e+00> : vector<1000x128xf32>
    %dot_general3A_30 = tpu.matmul %add3A_24, %get3A_29, %dot_general3A {dimension_numbers = #tpu.dot_dimension_numbers<[1], [0], [0], [1], [0, 0, 1, 1], [], []>, transpose_lhs_hint = false} : vector<1000x128xf32>, vector<128x128xf32>, vector<1000x128xf32> -> vector<1000x128xf32>
    %mul3A_31 = vector.broadcast %rsqrt3A : vector<1000x1xf32> to vector<1000x128xf32>
    %mul3A_32 = arith.mulf %dot_general3A_30, %mul3A_31 : vector<1000x128xf32>
    %swap3A = arith.constant 0 : index
    %swap3A_33 = arith.constant 0 : index
    %swap3A_34 = arith.constant 0 : index
    %swap3A_35 = vector.load %arg7[%swap3A, %swap3A_33, %swap3A_34] : memref<1x1000x128xf32, #tpu.memory_space<vmem>>, vector<1x1000x128xf32>
    %swap3A_36 = vector.shape_cast %swap3A_35 : vector<1x1000x128xf32> to vector<1000x128xf32>
    %swap3A_37 = vector.shape_cast %mul3A_32 : vector<1000x128xf32> to vector<1x1000x128xf32>
    tpu.vector_store %arg7[%swap3A, %swap3A_33, %swap3A_34], %swap3A_37 {strides = array<i32>} : memref<1x1000x128xf32, #tpu.memory_space<vmem>>, vector<1x1000x128xf32>,
    return
  }
  func.func @transform_0(%arg0: i32, %arg1: i32) -> (i32, i32, i32) {
    %c0_i32 = arith.constant 0 : i32
    %c0_i32_0 = arith.constant 0 : i32
    return %arg0, %arg1, %c0_i32 : i32, i32, i32
  }
  func.func @transform_1(%arg0: i32, %arg1: i32) -> (i32, i32, i32) {
    %c0_i32 = arith.constant 0 : i32
    %c0_i32_0 = arith.constant 0 : i32
    return %arg0, %arg1, %c0_i32 : i32, i32, i32
  }
  func.func @transform_2(%arg0: i32, %arg1: i32) -> (i32, i32, i32) {
    %c0_i32 = arith.constant 0 : i32
    %c0_i32_0 = arith.constant 0 : i32
    return %arg0, %arg1, %c0_i32 : i32, i32, i32
  }
  func.func @transform_3(%arg0: i32, %arg1: i32) -> (i32, i32, i32) {
    %mul3A = arith.constant 2 : i32
    %mul3A_0 = arith.muli %mul3A, %arg0 : i32
    %add3A = arith.constant 1 : i32
    %add3A_1 = arith.addi %mul3A_0, %add3A : i32
    %c0_i32 = arith.constant 0 : i32
    %c0_i32_2 = arith.constant 0 : i32
    %c0_i32_3 = arith.constant 0 : i32
    return %add3A_1, %c0_i32, %c0_i32_2 : i32, i32, i32
  }
  func.func @transform_4(%arg0: i32, %arg1: i32) -> (i32, i32, i32) {
    %mul3A = arith.constant 2 : i32
    %mul3A_0 = arith.muli %mul3A, %arg0 : i32
    %add3A = arith.constant 1 : i32
    %add3A_1 = arith.addi %mul3A_0, %add3A : i32
    %c0_i32 = arith.constant 0 : i32
    %c0_i32_2 = arith.constant 0 : i32
    %c0_i32_3 = arith.constant 0 : i32
    return %add3A_1, %c0_i32, %c0_i32_2 : i32, i32, i32
  }
  func.func @transform_5(%arg0: i32, %arg1: i32) -> (i32, i32, i32) {
    %c0_i32 = arith.constant 0 : i32
    %c0_i32_0 = arith.constant 0 : i32
    return %arg0, %arg1, %c0_i32 : i32, i32, i32
  }
}

module attributes {stable_mosaic.version = 14 : i64} {
  func.func @_stage_d_body(%arg0: i32, %arg1: i32, %arg2: memref<1x1000x128xf32, #tpu.memory_space<vmem>>, %arg3: memref<1x1000x128xf32, #tpu.memory_space<vmem>>, %arg4: memref<1x1000x128xf32, #tpu.memory_space<vmem>>, %arg5: memref<1x1x128xf32, #tpu.memory_space<vmem>>, %arg6: memref<1x128x128xf32, #tpu.memory_space<vmem>>, %arg7: memref<1x1000x128xf32, #tpu.memory_space<vmem>>) attributes {dimension_semantics = [#tpu.dimension_semantics<arbitrary>, #tpu.dimension_semantics<arbitrary>], iteration_bounds = array<i64: 2, 10>, scalar_prefetch = 0 : i64, scratch_operands = 0 : i64, tpu.core_type = #tpu.core_type<tc>, window_params = [{transform_indices = @transform_0, window_bounds = array<i64: 1, 1000, 128>}, {transform_indices = @transform_1, window_bounds = array<i64: 1, 1000, 128>}, {transform_indices = @transform_2, window_bounds = array<i64: 1, 1000, 128>}, {transform_indices = @transform_3, window_bounds = array<i64: 1, 1, 128>}, {transform_indices = @transform_4, window_bounds = array<i64: 1, 128, 128>}, {transform_indices = @transform_5, window_bounds = array<i64: 1, 1000, 128>}]} {
    %get3A = arith.constant 0 : index
    %get3A_0 = arith.constant 0 : index
    %get3A_1 = arith.constant 0 : index
    %get3A_2 = vector.load %arg4[%get3A, %get3A_0, %get3A_1] : memref<1x1000x128xf32, #tpu.memory_space<vmem>>, vector<1x1000x1xf32>
    %get3A_3 = vector.shape_cast %get3A_2 : vector<1x1000x1xf32> to vector<1000x1xf32>
    %add3A = arith.constant 1.000000e+00 : f32
    %add3A_4 = vector.broadcast %add3A : f32 to vector<1000x1xf32>
    %add3A_5 = arith.addf %add3A_4, %get3A_3 : vector<1000x1xf32>
    %rsqrt3A = math.rsqrt %add3A_5 : vector<1000x1xf32>
    %get3A_6 = arith.constant 0 : index
    %get3A_7 = arith.constant 0 : index
    %get3A_8 = arith.constant 0 : index
    %get3A_9 = vector.load %arg2[%get3A_6, %get3A_7, %get3A_8] : memref<1x1000x128xf32, #tpu.memory_space<vmem>>, vector<1x1000x128xf32>
    %get3A_10 = vector.shape_cast %get3A_9 : vector<1x1000x128xf32> to vector<1000x128xf32>
    %get3A_11 = arith.constant 0 : index
    %get3A_12 = arith.constant 0 : index
    %get3A_13 = arith.constant 0 : index
    %get3A_14 = vector.load %arg3[%get3A_11, %get3A_12, %get3A_13] : memref<1x1000x128xf32, #tpu.memory_space<vmem>>, vector<1x1000x128xf32>
    %get3A_15 = vector.shape_cast %get3A_14 : vector<1x1000x128xf32> to vector<1000x128xf32>
    %add3A_16 = arith.addf %get3A_10, %get3A_15 : vector<1000x128xf32>
    %mul3A = vector.broadcast %rsqrt3A : vector<1000x1xf32> to vector<1000x128xf32>
    %mul3A_17 = arith.mulf %add3A_16, %mul3A : vector<1000x128xf32>
    %get3A_18 = arith.constant 0 : index
    %get3A_19 = arith.constant 0 : index
    %get3A_20 = arith.constant 0 : index
    %get3A_21 = vector.load %arg5[%get3A_18, %get3A_19, %get3A_20] : memref<1x1x128xf32, #tpu.memory_space<vmem>>, vector<1x1x128xf32>
    %get3A_22 = vector.shape_cast %get3A_21 : vector<1x1x128xf32> to vector<1x128xf32>
    %add3A_23 = vector.broadcast %get3A_22 : vector<1x128xf32> to vector<1000x128xf32>
    %add3A_24 = arith.addf %mul3A_17, %add3A_23 : vector<1000x128xf32>
    %get3A_25 = arith.constant 0 : index
    %get3A_26 = arith.constant 0 : index
    %get3A_27 = arith.constant 0 : index
    %get3A_28 = vector.load %arg6[%get3A_25, %get3A_26, %get3A_27] : memref<1x128x128xf32, #tpu.memory_space<vmem>>, vector<1x128x128xf32>
    %get3A_29 = vector.shape_cast %get3A_28 : vector<1x128x128xf32> to vector<128x128xf32>
    %dot_general3A = arith.constant dense<0.000000e+00> : vector<1000x128xf32>
    %dot_general3A_30 = tpu.matmul %add3A_24, %get3A_29, %dot_general3A {dimension_numbers = #tpu.dot_dimension_numbers<[1], [0], [0], [1], [0, 0, 1, 1], [], []>, transpose_lhs_hint = false} : vector<1000x128xf32>, vector<128x128xf32>, vector<1000x128xf32> -> vector<1000x128xf32>
    %mul3A_31 = vector.broadcast %rsqrt3A : vector<1000x1xf32> to vector<1000x128xf32>
    %mul3A_32 = arith.mulf %dot_general3A_30, %mul3A_31 : vector<1000x128xf32>
    %swap3A = arith.constant 0 : index
    %swap3A_33 = arith.constant 0 : index
    %swap3A_34 = arith.constant 0 : index
    %swap3A_35 = vector.load %arg7[%swap3A, %swap3A_33, %swap3A_34] : memref<1x1000x128xf32, #tpu.memory_space<vmem>>, vector<1x1000x128xf32>
    %swap3A_36 = vector.shape_cast %swap3A_35 : vector<1x1000x128xf32> to vector<1000x128xf32>
    %swap3A_37 = vector.shape_cast %mul3A_32 : vector<1000x128xf32> to vector<1x1000x128xf32>
    tpu.vector_store %arg7[%swap3A, %swap3A_33, %swap3A_34], %swap3A_37 {strides = array<i32>} : memref<1x1000x128xf32, #tpu.memory_space<vmem>>, vector<1x1000x128xf32>,
    return
  }
  func.func @transform_0(%arg0: i32, %arg1: i32) -> (i32, i32, i32) {
    %c0_i32 = arith.constant 0 : i32
    %c0_i32_0 = arith.constant 0 : i32
    return %arg0, %arg1, %c0_i32 : i32, i32, i32
  }
  func.func @transform_1(%arg0: i32, %arg1: i32) -> (i32, i32, i32) {
    %c0_i32 = arith.constant 0 : i32
    %c0_i32_0 = arith.constant 0 : i32
    return %arg0, %arg1, %c0_i32 : i32, i32, i32
  }
  func.func @transform_2(%arg0: i32, %arg1: i32) -> (i32, i32, i32) {
    %c0_i32 = arith.constant 0 : i32
    %c0_i32_0 = arith.constant 0 : i32
    return %arg0, %arg1, %c0_i32 : i32, i32, i32
  }
  func.func @transform_3(%arg0: i32, %arg1: i32) -> (i32, i32, i32) {
    %mul3A = arith.constant 2 : i32
    %mul3A_0 = arith.muli %mul3A, %arg0 : i32
    %add3A = arith.constant 0 : i32
    %add3A_1 = arith.addi %mul3A_0, %add3A : i32
    %c0_i32 = arith.constant 0 : i32
    %c0_i32_2 = arith.constant 0 : i32
    %c0_i32_3 = arith.constant 0 : i32
    return %add3A_1, %c0_i32, %c0_i32_2 : i32, i32, i32
  }
  func.func @transform_4(%arg0: i32, %arg1: i32) -> (i32, i32, i32) {
    %mul3A = arith.constant 2 : i32
    %mul3A_0 = arith.muli %mul3A, %arg0 : i32
    %add3A = arith.constant 0 : i32
    %add3A_1 = arith.addi %mul3A_0, %add3A : i32
    %c0_i32 = arith.constant 0 : i32
    %c0_i32_2 = arith.constant 0 : i32
    %c0_i32_3 = arith.constant 0 : i32
    return %add3A_1, %c0_i32, %c0_i32_2 : i32, i32, i32
  }
  func.func @transform_5(%arg0: i32, %arg1: i32) -> (i32, i32, i32) {
    %c0_i32 = arith.constant 0 : i32
    %c0_i32_0 = arith.constant 0 : i32
    return %arg0, %arg1, %c0_i32 : i32, i32, i32
  }
}

module attributes {stable_mosaic.version = 14 : i64} {
  func.func @_stage_f_body(%arg0: i32, %arg1: i32, %arg2: memref<1x1000x128xf32, #tpu.memory_space<vmem>>, %arg3: memref<1x1000x128xf32, #tpu.memory_space<vmem>>, %arg4: memref<1x1000x128xf32, #tpu.memory_space<vmem>>, %arg5: memref<1x1x128xf32, #tpu.memory_space<vmem>>, %arg6: memref<1x1000x64xf32, #tpu.memory_space<vmem>>, %arg7: memref<1x1000x64xf32, #tpu.memory_space<vmem>>) attributes {dimension_semantics = [#tpu.dimension_semantics<arbitrary>, #tpu.dimension_semantics<arbitrary>], iteration_bounds = array<i64: 2, 10>, scalar_prefetch = 0 : i64, scratch_operands = 0 : i64, tpu.core_type = #tpu.core_type<tc>, window_params = [{transform_indices = @transform_0, window_bounds = array<i64: 1, 1000, 128>}, {transform_indices = @transform_1, window_bounds = array<i64: 1, 1000, 128>}, {transform_indices = @transform_2, window_bounds = array<i64: 1, 1000, 128>}, {transform_indices = @transform_3, window_bounds = array<i64: 1, 1, 128>}, {transform_indices = @transform_4, window_bounds = array<i64: 1, 1000, 64>}, {transform_indices = @transform_5, window_bounds = array<i64: 1, 1000, 64>}]} {
    %get3A = arith.constant 0 : index
    %get3A_0 = arith.constant 0 : index
    %get3A_1 = arith.constant 0 : index
    %get3A_2 = vector.load %arg2[%get3A, %get3A_0, %get3A_1] : memref<1x1000x128xf32, #tpu.memory_space<vmem>>, vector<1x1000x128xf32>
    %get3A_3 = vector.shape_cast %get3A_2 : vector<1x1000x128xf32> to vector<1000x128xf32>
    %get3A_4 = arith.constant 0 : index
    %get3A_5 = arith.constant 0 : index
    %get3A_6 = arith.constant 0 : index
    %get3A_7 = vector.load %arg3[%get3A_4, %get3A_5, %get3A_6] : memref<1x1000x128xf32, #tpu.memory_space<vmem>>, vector<1x1000x128xf32>
    %get3A_8 = vector.shape_cast %get3A_7 : vector<1x1000x128xf32> to vector<1000x128xf32>
    %add3A = arith.addf %get3A_3, %get3A_8 : vector<1000x128xf32>
    %get3A_9 = arith.constant 0 : index
    %get3A_10 = arith.constant 0 : index
    %get3A_11 = arith.constant 0 : index
    %get3A_12 = vector.load %arg4[%get3A_9, %get3A_10, %get3A_11] : memref<1x1000x128xf32, #tpu.memory_space<vmem>>, vector<1x1000x1xf32>
    %get3A_13 = vector.shape_cast %get3A_12 : vector<1x1000x1xf32> to vector<1000x1xf32>
    %add3A_14 = arith.constant 1.000000e+00 : f32
    %add3A_15 = vector.broadcast %add3A_14 : f32 to vector<1000x1xf32>
    %add3A_16 = arith.addf %add3A_15, %get3A_13 : vector<1000x1xf32>
    %rsqrt3A = math.rsqrt %add3A_16 : vector<1000x1xf32>
    %mul3A = vector.broadcast %rsqrt3A : vector<1000x1xf32> to vector<1000x128xf32>
    %mul3A_17 = arith.mulf %add3A, %mul3A : vector<1000x128xf32>
    %get3A_18 = arith.constant 0 : index
    %get3A_19 = arith.constant 0 : index
    %get3A_20 = arith.constant 0 : index
    %get3A_21 = vector.load %arg5[%get3A_18, %get3A_19, %get3A_20] : memref<1x1x128xf32, #tpu.memory_space<vmem>>, vector<1x1x128xf32>
    %get3A_22 = vector.shape_cast %get3A_21 : vector<1x1x128xf32> to vector<1x128xf32>
    %add3A_23 = vector.broadcast %get3A_22 : vector<1x128xf32> to vector<1000x128xf32>
    %add3A_24 = arith.addf %mul3A_17, %add3A_23 : vector<1000x128xf32>
    %slice3A = vector.extract_strided_slice %add3A_24 {offsets = [0, 0], sizes = [1000, 64], strides = [1, 1]} : vector<1000x128xf32> to vector<1000x64xf32>
    %swap3A = arith.constant 0 : index
    %swap3A_25 = arith.constant 0 : index
    %swap3A_26 = arith.constant 0 : index
    %swap3A_27 = vector.load %arg6[%swap3A, %swap3A_25, %swap3A_26] : memref<1x1000x64xf32, #tpu.memory_space<vmem>>, vector<1x1000x64xf32>
    %swap3A_28 = vector.shape_cast %swap3A_27 : vector<1x1000x64xf32> to vector<1000x64xf32>
    %swap3A_29 = vector.shape_cast %slice3A : vector<1000x64xf32> to vector<1x1000x64xf32>
    tpu.vector_store %arg6[%swap3A, %swap3A_25, %swap3A_26], %swap3A_29 {strides = array<i32>} : memref<1x1000x64xf32, #tpu.memory_space<vmem>>, vector<1x1000x64xf32>,
    %slice3A_30 = vector.extract_strided_slice %add3A_24 {offsets = [0, 64], sizes = [1000, 64], strides = [1, 1]} : vector<1000x128xf32> to vector<1000x64xf32>
    %swap3A_31 = arith.constant 0 : index
    %swap3A_32 = arith.constant 0 : index
    %swap3A_33 = arith.constant 0 : index
    %swap3A_34 = vector.load %arg7[%swap3A_31, %swap3A_32, %swap3A_33] : memref<1x1000x64xf32, #tpu.memory_space<vmem>>, vector<1x1000x64xf32>
    %swap3A_35 = vector.shape_cast %swap3A_34 : vector<1x1000x64xf32> to vector<1000x64xf32>
    %swap3A_36 = vector.shape_cast %slice3A_30 : vector<1000x64xf32> to vector<1x1000x64xf32>
    tpu.vector_store %arg7[%swap3A_31, %swap3A_32, %swap3A_33], %swap3A_36 {strides = array<i32>} : memref<1x1000x64xf32, #tpu.memory_space<vmem>>, vector<1x1000x64xf32>,
    return
  }
  func.func @transform_0(%arg0: i32, %arg1: i32) -> (i32, i32, i32) {
    %c0_i32 = arith.constant 0 : i32
    %c0_i32_0 = arith.constant 0 : i32
    return %arg0, %arg1, %c0_i32 : i32, i32, i32
  }
  func.func @transform_1(%arg0: i32, %arg1: i32) -> (i32, i32, i32) {
    %c0_i32 = arith.constant 0 : i32
    %c0_i32_0 = arith.constant 0 : i32
    return %arg0, %arg1, %c0_i32 : i32, i32, i32
  }
  func.func @transform_2(%arg0: i32, %arg1: i32) -> (i32, i32, i32) {
    %c0_i32 = arith.constant 0 : i32
    %c0_i32_0 = arith.constant 0 : i32
    return %arg0, %arg1, %c0_i32 : i32, i32, i32
  }
  func.func @transform_3(%arg0: i32, %arg1: i32) -> (i32, i32, i32) {
    %mul3A = arith.constant 2 : i32
    %mul3A_0 = arith.muli %mul3A, %arg0 : i32
    %add3A = arith.constant 1 : i32
    %add3A_1 = arith.addi %mul3A_0, %add3A : i32
    %c0_i32 = arith.constant 0 : i32
    %c0_i32_2 = arith.constant 0 : i32
    %c0_i32_3 = arith.constant 0 : i32
    return %add3A_1, %c0_i32, %c0_i32_2 : i32, i32, i32
  }
  func.func @transform_4(%arg0: i32, %arg1: i32) -> (i32, i32, i32) {
    %c0_i32 = arith.constant 0 : i32
    %c0_i32_0 = arith.constant 0 : i32
    return %arg0, %arg1, %c0_i32 : i32, i32, i32
  }
  func.func @transform_5(%arg0: i32, %arg1: i32) -> (i32, i32, i32) {
    %c0_i32 = arith.constant 0 : i32
    %c0_i32_0 = arith.constant 0 : i32
    return %arg0, %arg1, %c0_i32 : i32, i32, i32
  }
}

module attributes {stable_mosaic.version = 14 : i64} {
  func.func @_stage_f_body(%arg0: i32, %arg1: i32, %arg2: memref<1x1000x128xf32, #tpu.memory_space<vmem>>, %arg3: memref<1x1000x128xf32, #tpu.memory_space<vmem>>, %arg4: memref<1x1000x128xf32, #tpu.memory_space<vmem>>, %arg5: memref<1x1x128xf32, #tpu.memory_space<vmem>>, %arg6: memref<1x1000x64xf32, #tpu.memory_space<vmem>>, %arg7: memref<1x1000x64xf32, #tpu.memory_space<vmem>>) attributes {dimension_semantics = [#tpu.dimension_semantics<arbitrary>, #tpu.dimension_semantics<arbitrary>], iteration_bounds = array<i64: 2, 10>, scalar_prefetch = 0 : i64, scratch_operands = 0 : i64, tpu.core_type = #tpu.core_type<tc>, window_params = [{transform_indices = @transform_0, window_bounds = array<i64: 1, 1000, 128>}, {transform_indices = @transform_1, window_bounds = array<i64: 1, 1000, 128>}, {transform_indices = @transform_2, window_bounds = array<i64: 1, 1000, 128>}, {transform_indices = @transform_3, window_bounds = array<i64: 1, 1, 128>}, {transform_indices = @transform_4, window_bounds = array<i64: 1, 1000, 64>}, {transform_indices = @transform_5, window_bounds = array<i64: 1, 1000, 64>}]} {
    %get3A = arith.constant 0 : index
    %get3A_0 = arith.constant 0 : index
    %get3A_1 = arith.constant 0 : index
    %get3A_2 = vector.load %arg2[%get3A, %get3A_0, %get3A_1] : memref<1x1000x128xf32, #tpu.memory_space<vmem>>, vector<1x1000x128xf32>
    %get3A_3 = vector.shape_cast %get3A_2 : vector<1x1000x128xf32> to vector<1000x128xf32>
    %get3A_4 = arith.constant 0 : index
    %get3A_5 = arith.constant 0 : index
    %get3A_6 = arith.constant 0 : index
    %get3A_7 = vector.load %arg3[%get3A_4, %get3A_5, %get3A_6] : memref<1x1000x128xf32, #tpu.memory_space<vmem>>, vector<1x1000x128xf32>
    %get3A_8 = vector.shape_cast %get3A_7 : vector<1x1000x128xf32> to vector<1000x128xf32>
    %add3A = arith.addf %get3A_3, %get3A_8 : vector<1000x128xf32>
    %get3A_9 = arith.constant 0 : index
    %get3A_10 = arith.constant 0 : index
    %get3A_11 = arith.constant 0 : index
    %get3A_12 = vector.load %arg4[%get3A_9, %get3A_10, %get3A_11] : memref<1x1000x128xf32, #tpu.memory_space<vmem>>, vector<1x1000x1xf32>
    %get3A_13 = vector.shape_cast %get3A_12 : vector<1x1000x1xf32> to vector<1000x1xf32>
    %add3A_14 = arith.constant 1.000000e+00 : f32
    %add3A_15 = vector.broadcast %add3A_14 : f32 to vector<1000x1xf32>
    %add3A_16 = arith.addf %add3A_15, %get3A_13 : vector<1000x1xf32>
    %rsqrt3A = math.rsqrt %add3A_16 : vector<1000x1xf32>
    %mul3A = vector.broadcast %rsqrt3A : vector<1000x1xf32> to vector<1000x128xf32>
    %mul3A_17 = arith.mulf %add3A, %mul3A : vector<1000x128xf32>
    %get3A_18 = arith.constant 0 : index
    %get3A_19 = arith.constant 0 : index
    %get3A_20 = arith.constant 0 : index
    %get3A_21 = vector.load %arg5[%get3A_18, %get3A_19, %get3A_20] : memref<1x1x128xf32, #tpu.memory_space<vmem>>, vector<1x1x128xf32>
    %get3A_22 = vector.shape_cast %get3A_21 : vector<1x1x128xf32> to vector<1x128xf32>
    %add3A_23 = vector.broadcast %get3A_22 : vector<1x128xf32> to vector<1000x128xf32>
    %add3A_24 = arith.addf %mul3A_17, %add3A_23 : vector<1000x128xf32>
    %slice3A = vector.extract_strided_slice %add3A_24 {offsets = [0, 0], sizes = [1000, 64], strides = [1, 1]} : vector<1000x128xf32> to vector<1000x64xf32>
    %swap3A = arith.constant 0 : index
    %swap3A_25 = arith.constant 0 : index
    %swap3A_26 = arith.constant 0 : index
    %swap3A_27 = vector.load %arg6[%swap3A, %swap3A_25, %swap3A_26] : memref<1x1000x64xf32, #tpu.memory_space<vmem>>, vector<1x1000x64xf32>
    %swap3A_28 = vector.shape_cast %swap3A_27 : vector<1x1000x64xf32> to vector<1000x64xf32>
    %swap3A_29 = vector.shape_cast %slice3A : vector<1000x64xf32> to vector<1x1000x64xf32>
    tpu.vector_store %arg6[%swap3A, %swap3A_25, %swap3A_26], %swap3A_29 {strides = array<i32>} : memref<1x1000x64xf32, #tpu.memory_space<vmem>>, vector<1x1000x64xf32>,
    %slice3A_30 = vector.extract_strided_slice %add3A_24 {offsets = [0, 64], sizes = [1000, 64], strides = [1, 1]} : vector<1000x128xf32> to vector<1000x64xf32>
    %swap3A_31 = arith.constant 0 : index
    %swap3A_32 = arith.constant 0 : index
    %swap3A_33 = arith.constant 0 : index
    %swap3A_34 = vector.load %arg7[%swap3A_31, %swap3A_32, %swap3A_33] : memref<1x1000x64xf32, #tpu.memory_space<vmem>>, vector<1x1000x64xf32>
    %swap3A_35 = vector.shape_cast %swap3A_34 : vector<1x1000x64xf32> to vector<1000x64xf32>
    %swap3A_36 = vector.shape_cast %slice3A_30 : vector<1000x64xf32> to vector<1x1000x64xf32>
    tpu.vector_store %arg7[%swap3A_31, %swap3A_32, %swap3A_33], %swap3A_36 {strides = array<i32>} : memref<1x1000x64xf32, #tpu.memory_space<vmem>>, vector<1x1000x64xf32>,
    return
  }
  func.func @transform_0(%arg0: i32, %arg1: i32) -> (i32, i32, i32) {
    %c0_i32 = arith.constant 0 : i32
    %c0_i32_0 = arith.constant 0 : i32
    return %arg0, %arg1, %c0_i32 : i32, i32, i32
  }
  func.func @transform_1(%arg0: i32, %arg1: i32) -> (i32, i32, i32) {
    %c0_i32 = arith.constant 0 : i32
    %c0_i32_0 = arith.constant 0 : i32
    return %arg0, %arg1, %c0_i32 : i32, i32, i32
  }
  func.func @transform_2(%arg0: i32, %arg1: i32) -> (i32, i32, i32) {
    %c0_i32 = arith.constant 0 : i32
    %c0_i32_0 = arith.constant 0 : i32
    return %arg0, %arg1, %c0_i32 : i32, i32, i32
  }
  func.func @transform_3(%arg0: i32, %arg1: i32) -> (i32, i32, i32) {
    %mul3A = arith.constant 2 : i32
    %mul3A_0 = arith.muli %mul3A, %arg0 : i32
    %add3A = arith.constant 0 : i32
    %add3A_1 = arith.addi %mul3A_0, %add3A : i32
    %c0_i32 = arith.constant 0 : i32
    %c0_i32_2 = arith.constant 0 : i32
    %c0_i32_3 = arith.constant 0 : i32
    return %add3A_1, %c0_i32, %c0_i32_2 : i32, i32, i32
  }
  func.func @transform_4(%arg0: i32, %arg1: i32) -> (i32, i32, i32) {
    %c0_i32 = arith.constant 0 : i32
    %c0_i32_0 = arith.constant 0 : i32
    return %arg0, %arg1, %c0_i32 : i32, i32, i32
  }
  func.func @transform_5(%arg0: i32, %arg1: i32) -> (i32, i32, i32) {
    %c0_i32 = arith.constant 0 : i32
    %c0_i32_0 = arith.constant 0 : i32
    return %arg0, %arg1, %c0_i32 : i32, i32, i32
  }
}

</mosaic_0001>

<sc_bundles>
// kernel: kernel.14.cloned.1.call-start
scs
__scs_entry_jumppad:
0x0: {  	(pc) =	sbr.rel $0x88, $3  }
0x1: {  	(tag) =	ssettag $0x0;
	lr =	simm.s32 $0x1  }
0x2: {  	[smem:$0x3F81] =	sst lr;
	_ =	strace $0xD0000000  }
0x3: {  	_ = 	snop  }
0x4: {  	_ = 	snop  }
0x5: {  	_ = 	snop  }
0x6: {  	_ = 	snop  }
0x7: {  	_ = 	snop  }
__scs_overlays_trampoline_lowered:
0x8: {  	[smem:$0x3F90] =	sst s0  }
0x9: {  	[smem:$0x3F91] =	sst s1  }
0xa: {  	[smem:$0x3F92] =	sst s2  }
0xb: {  	[smem:$0x3F93] =	sst s3  }
0xc: {  	[smem:$0x3F94] =	sst s4  }
0xd: {  	[smem:$0x3F95] =	sst s5  }
0xe: {  	[smem:$0x3F96] =	sst s6  }
0xf: {  	[smem:$0x3F97] =	sst s7  }
0x10: {  	[smem:$0x3F98] =	sst s8  }
0x11: {  	[smem:$0x3F99] =	sst s9;
	s0 =	simm.s32 @!p0 $0x0  }
0x12: {  	s1 =	sld [smem:$0x3F7F];
	s0 =	simm.s32 @p0 $0x1  }
0x13: {  	[smem:$0x3F9A] =	sst s0;
	s0 =	simm.s32 @!p1 $0x0  }
0x14: {  	s2 =	sld [smem:$0x3F7E];
	s0 =	simm.s32 @p1 $0x1  }
0x15: {  	[smem:$0x3F9B] =	sst s0;
	s0 =	simm.s32 @!p2 $0x0  }
0x16: {  	s3 =	sld [smem:$0x3FDB];
	s0 =	simm.s32 @p2 $0x1  }
0x17: {  	s4 =	simm.s32 $0x1BF5;
	[smem:$0x3F9D] =	sst s0  }
0x18: {  	s0 =	sld [smem:$0x3F80];
	_ =	swait.ge [sflag:s4], $0x0  }
0x19: {  	s7 =	sld [smem:$0x3F81]  }
0x1a: {  	s8 =	sadd.s32 $0xFFFFE003, lr  }
0x1b: {  	s9 =	sadd.s32 $0xFFFFFEF7, lr;
	s5 =	simm.s32 $0xFFFFFFFF;
	p2 =	slt.u32 s8, $0xFFFFF086  }
0x1c: {  	p1 =	slt.u32 s9, $0xF7A;
	s5 =	simm.s32 @!p2 $0x0  }
0x1d: {  	s5 =	simm.s32 @p1 $0x1;
	p0 =	seq.s32 s7, s2  }
0x1e: {  	s7 =	smul.u32 @!p0 $0xF7A, s2;
	p2 =	seq.s32 @!p0 s5, $0x0  }
0x1f: {  	s9 =	smul.u32 $0xF7A, s1;
	s8 =	simm.s32 @!p0 $0x1BF5;
	p2 =	por !p2, p0  }
0x20: {  	[sflag:s8] =	ssyncset.s32 @!p0 $0xFFFFF086;
	s6 =	sadd.s32 @!p0 s3, s7;
	s7 =	simm.s32 @!p0 $0x108  }
0x21: {  	s3 =	sadd.s32 s3, s9;
	s6 =	sadd.s32 @!p0 $0x88, s6;
	s7 =	simm.s32 @p2 $0x1082  }
0x22: {  	[simem:s7], [sflag:s8] =	dma.local @!p0 [hbm:s6], $0xF7A  }
0x23: {  	s9 =	sor.u32 $0xD0000000, s2;
	s6 =	simm.s32 $0x108;
	_ =	swait.ge @!p0 [sflag:s8], $0x0  }
0x24: {  	s3 =	sadd.s32 $0x88, s3;
	s6 =	simm.s32 @!p1 $0x1082;
	[sflag:s4] =	ssyncset.s32 $0xFFFFF086  }
0x25: {  	[simem:s6], [sflag:s4] =	dma.local [hbm:s3], $0xF7A  }
0x26: {  	[smem:$0x3F81] =	sst s1;
	(tag) =	ssettag s2;
	_ =	strace s9  }
0x27: {  	s1 =	sld [smem:$0x3F91]  }
0x28: {  	s2 =	sld [smem:$0x3F92]  }
0x29: {  	s4 =	sld [smem:$0x3F94]  }
0x2a: {  	p0 =	seq.s32 s5, $0x0;
	s5 =	sld [smem:$0x3F95]  }
0x2b: {  	s6 =	sld [smem:$0x3F96]  }
0x2c: {  	s7 =	sld [smem:$0x3F97]  }
0x2d: {  	s3 =	simm.s32 $0x108;
	s8 =	sld [smem:$0x3F98]  }
0x2e: {  	s3 =	simm.s32 @!p0 $0x1082;
	s9 =	sld [smem:$0x3F99]  }
0x2f: {  	lr =	sadd.s32 s0, s3;
	s0 =	sld [smem:$0x3F90]  }
0x30: {  	s3 =	sld [smem:$0x3F93]  }
0x31: {  	[smem:$0x3F9C] =	sst s10  }
0x32: {  	s10 =	sld [smem:$0x3F9A];
	_ =	sdelay $0x3  }
0x33: {  	p0 =	seq.s32 s10, $0x1;
	s10 =	sld [smem:$0x3F9C];
	_ =	sdelay $0x3  }
0x34: {  	[smem:$0x3F9C] =	sst s10  }
0x35: {  	s10 =	sld [smem:$0x3F9B];
	_ =	sdelay $0x3  }
0x36: {  	p1 =	seq.s32 s10, $0x1;
	s10 =	sld [smem:$0x3F9C];
	_ =	sdelay $0x3  }
0x37: {  	[smem:$0x3F9C] =	sst s10  }
0x38: {  	s10 =	sld [smem:$0x3F9D]  }
0x39: {  	_ = 	snop;
	(pc) =	sbr.ind lr, $3  }
0x3a: {  	_ = 	snop  }
0x3b: {  	_ = 	snop  }
0x3c: {  	p2 =	seq.s32 s10, $0x1;
	s10 =	sld [smem:$0x3F9C]  }
0x3d: {  	_ =	shalt  }
0x3e: {  	_ =	shalt  }
0x3f: {  	_ =	shalt  }
0x40: {  	_ =	shalt  }
0x41: {  	_ =	shalt  }
0x42: {  	_ =	shalt  }
0x43: {  	_ =	shalt  }
0x44: {  	_ =	shalt  }
0x45: {  	_ =	shalt  }
0x46: {  	_ =	shalt  }
0x47: {  	_ =	shalt  }
0x48: {  	_ =	shalt  }
0x49: {  	_ =	shalt  }
0x4a: {  	_ =	shalt  }
0x4b: {  	_ =	shalt  }
0x4c: {  	_ =	shalt  }
0x4d: {  	_ =	shalt  }
0x4e: {  	_ =	shalt  }
0x4f: {  	_ =	shalt  }
0x50: {  	_ =	shalt  }
0x51: {  	_ =	shalt  }
0x52: {  	_ =	shalt  }
0x53: {  	_ =	shalt  }
0x54: {  	_ =	shalt  }
0x55: {  	_ =	shalt  }
0x56: {  	_ =	shalt  }
0x57: {  	_ =	shalt  }
0x58: {  	_ =	shalt  }
0x59: {  	_ =	shalt  }
0x5a: {  	_ =	shalt  }
0x5b: {  	_ =	shalt  }
0x5c: {  	_ =	shalt  }
0x5d: {  	_ =	shalt  }
0x5e: {  	_ =	shalt  }
0x5f: {  	_ =	shalt  }
0x60: {  	_ =	shalt  }
0x61: {  	_ =	shalt  }
0x62: {  	_ =	shalt  }
0x63: {  	_ =	shalt  }
0x64: {  	_ =	shalt  }
0x65: {  	_ =	shalt  }
0x66: {  	_ =	shalt  }
0x67: {  	_ =	shalt  }
0x68: {  	_ =	shalt  }
0x69: {  	_ =	shalt  }
0x6a: {  	_ =	shalt  }
0x6b: {  	_ =	shalt  }
0x6c: {  	_ =	shalt  }
0x6d: {  	_ =	shalt  }
0x6e: {  	_ =	shalt  }
0x6f: {  	_ =	shalt  }
0x70: {  	_ =	shalt  }
0x71: {  	_ =	shalt  }
0x72: {  	_ =	shalt  }
0x73: {  	_ =	shalt  }
0x74: {  	_ =	shalt  }
0x75: {  	_ =	shalt  }
0x76: {  	_ =	shalt  }
0x77: {  	_ =	shalt  }
0x78: {  	_ =	shalt  }
0x79: {  	_ =	shalt  }
0x7a: {  	_ =	shalt  }
0x7b: {  	_ =	shalt  }
0x7c: {  	_ =	shalt  }
0x7d: {  	_ =	shalt  }
0x7e: {  	_ =	shalt  }
0x7f: {  	_ =	shalt  }
0x80: {  	_ =	shalt  }
0x81: {  	_ =	shalt  }
0x82: {  	_ =	shalt  }
0x83: {  	_ =	shalt  }
0x84: {  	_ =	shalt  }
0x85: {  	_ =	shalt  }
0x86: {  	_ =	shalt  }
0x87: {  	_ =	shalt  }
.Lfunc_end0:
.L_simem_size_0:
called_computation_lowered:
.L_overlay_start_0:
0x88: {  	s2 =	sld [smem:$0x3FD9]  }
0x89: {  	s3 =	sld [smem:$0x3FFE];
	_ =	sdelay $0x1  }
0x8a: {  	s1 =	srdreg.scid  }
0x8b: {  	s0 =	sand.u32 $0x1, s1  }
0x8c: {  	s15 =	sshll.u32 s0, $0xA;
	s2 =	sadd.s32 s3, s2  }
0x8d: {  	s2 =	sadd.s32 s2, s15  }
0x8e: {  	[smem:$0x3FA8] =	sst s2  }
0x8f: {  	_ = 	snop  }
0x90: {  	s2 =	sld [smem:$0x3FD0];
	_ =	sdelay $0x2  }
0x91: {  	s16 =	simm.s32 $0xB;
	s4 =	simm.s32 $0x10  }
0x92: {  	[smem:s4], [sflag:s16] =	dma.local [hbm:s2], $0x1  }
0x93: {  	_ =	swait.eq [sflag:s16], $0x1  }
0x94: {  	[sflag:s16] =	ssyncset.done $0x0  }
0x95: {  	[sflag:s16] =	ssyncadd.s32 $0xFFFFFFFF  }
0x96: {  	s17 =	sld [smem:$0x10];
	(tm) =	ssettm $0x1  }
0x97: {  	s18 =	sld [smem:$0x3FFB];
	_ =	sdelay $0x3  }
0x98: {  	_ =	strace s18  }
0x99: {  	s2 =	sld [smem:$0x3FFC];
	_ =	sdelay $0x3  }
0x9a: {  	_ =	strace s2  }
0x9b: {  	s2 =	sld [smem:$0x3FFD];
	_ =	sdelay $0x3  }
0x9c: {  	_ =	strace s2  }
0x9d: {  	_ =	strace $0x8FFFFFFF  }
0x9e: {  	s19 =	sld [smem:$0x3FDB];
	_ =	sdelay $0x1  }
0x9f: {  	s20 =	simm.s32 $_scs_section_size  }
0xa0: {  	s5 =	simm.s32 $_size__tile_overlayer_lowered;
	s6 =	simm.s32 $_tile_overlayer_lowered  }
0xa1: {  	s7 =	simm.s32 $0x1BFF;
	s21 =	sshll.u32 s6, $0x1;
	s4 =	sadd.s32 s20, s19  }
0xa2: {  	s22 =	simm.s32 $0x0;
	s5 =	sshll.u32 s5, $0x1;
	s6 =	sadd.s32 s21, s4  }
0xa3: {  	[timem:s22], [sflag:s7] =	dma.local [hbm:s6], s5  }
0xa4: {  	_ =	swait.ge [sflag:s7], s5  }
0xa5: {  	s5 =	ssub.s32 $0x0, s5;
	[sflag:s7] =	ssyncset.done $0x0  }
0xa6: {  	[sflag:s7] =	ssyncadd.s32 s5;
	_ =	sdelay $0x1  }
0xa7: {  	s23 =	simm.s32 $0x1B8B  }
0xa8: {  	_ =	swait.ge [sflag:s23], $0x1  }
0xa9: {  	[sflag:s23] =	ssyncset.done $0x0  }
0xaa: {  	[sflag:s23] =	ssyncadd.s32 $0xFFFFFFFF  }
0xab: {  	s5 =	sld [smem:$0x0]  }
0xac: {  	s6 =	sand.u32 $0xFFFFFFFE, s1  }
0xad: {  	p0 =	sne.s32 s1, s6  }
0xae: {  	s6 =	sshll.u32 @p0 s6, $0xE  }
0xaf: {  	s6 =	sadd.s32 @p0 $0x11B8D, s6;
	s7 =	sshll.u32 @p0 s5, $0x11  }
0xb0: {  	s6 =	sor.u32 @p0 s7, s6  }
0xb1: {  	[sflag:s6] =	ssyncadd.remote.s32 @p0 $0x1;
	_ =	sdelay $0x1  }
0xb2: {  	s6 =	simm.s32 @p0 $0x1B8D  }
0xb3: {  	_ =	swait.eq @p0 [sflag:s6], $0x1  }
0xb4: {  	[sflag:s6] =	ssyncadd.s32 @p0 $0xFFFFFFFF  }
0xb5: {  	s7 =	sshll.u32 @!p0 s1, $0xE  }
0xb6: {  	s7 =	sor.u32 @!p0 $0x4000, s7;
	s6 =	simm.s32 @!p0 $0x1B8D  }
0xb7: {  	s5 =	sshll.u32 @!p0 s5, $0x11;
	s7 =	sadd.s32 @!p0 $0x11B8D, s7;
	_ =	swait.eq @!p0 [sflag:s6], $0x1  }
0xb8: {  	s5 =	sor.u32 @!p0 s5, s7;
	[sflag:s6] =	ssyncadd.s32 @!p0 $0xFFFFFFFF  }
0xb9: {  	s25 =	simm.s32 $0x1B8E;
	s24 =	sld [smem:$0x3FFE];
	[sflag:s5] =	ssyncadd.remote.s32 @!p0 $0x1  }
0xba: {  	s26 =	simm.s32 $execute0_lowered;
	[smem:$0x3FD2] =	sst s25  }
0xbb: {  	s6 =	sshll.u32 s26, $0x1;
	_ =	strace $0x80000049;
	[dreg:$0x1] =	wrdreg $0xFFFFFFFF  }
0xbc: {  	s28 =	simm.s32 $_size_execute0_lowered;
	s4 =	sadd.s32 s4, s6;
	[dreg:$0x0] =	wrdreg $0x0  }
0xbd: {  	s6 =	sshll.u32 s28, $0x1;
	[dreg:$0x2] =	wrdreg s4  }
0xbe: {  	[dreg:$0x3] =	wrdreg s6  }
0xbf: {  	[dreg:$0x4] =	wrdreg $0xC0  }
0xc0: {  	_ =	task [dreg:s22], $0x5FFFF  }
0xc1: {  	[dreg:$0x1] =	wrdreg $0xFFFFFFFF  }
0xc2: {  	[dreg:$0x0] =	wrdreg $0x60  }
0xc3: {  	[dreg:$0x2] =	wrdreg s24  }
0xc4: {  	[dreg:$0x3] =	wrdreg s17  }
0xc5: {  	[dreg:$0x4] =	wrdreg $0x50000  }
0xc6: {  	[dreg:$0x5] =	wrdreg $0x9  }
0xc7: {  	_ =	task.clear_ibuf [dreg:s22], $0x6FFFF;
	_ =	strace $0x90000049  }
0xc8: {  	s29 =	simm.s32 $0x9;
	_ =	strace $0x8000004B  }
0xc9: {  	_ =	swait.ge [sflag:s29], $0x1  }
0xca: {  	[sflag:s29] =	ssyncadd.s32 $0xFFFFFFFF  }
0xcb: {  	_ =	strace $0x9000004B  }
0xcc: {  	_ =	sfence  }
0xcd: {  	s30 =	sld [smem:$0x0];
	_ =	sdelay $0x2  }
0xce: {  	s31 =	sshll.u32 s1, $0xD;
	s1 =	sshrl.u32 s1, $0x2  }
0xcf: {  	s4 =	sand.u32 $0x4000, s31;
	s1 =	sadd.s32 s1, s30  }
0xd0: {  	s0 =	sor.u32 s4, s0;
	s1 =	sshll.u32 s1, $0x11  }
0xd1: {  	s0 =	sor.u32 s1, s0  }
0xd2: {  	s0 =	sadd.s32 $0x8F2B, s0  }
0xd3: {  	[sflag:s0] =	ssyncadd.remote.s32 $0x1  }
0xd4: {  	_ =	sfence.sel $0xFFFF  }
0xd5: {  	[dreg:$0x0] =	wrdreg $0xFFFFFFFF;
	(pc) =	sbr.abs _section_cstart, $3  }
0xd6: {  	[dreg:$0x1] =	wrdreg $0xFFFFFFFF  }
0xd7: {  	_ =	task.clear_ibuf [dreg:s22], $0x2FFFF;
	_ =	strace $0x9FFFFFFF  }
0xd8: {  	(tm) =	ssettm $0x7FFFFFFF  }
0xd9: {  	_ =	shalt  }
tec
execute0_lowered:
.L_overlay_start_1:
0x0: {  	(tag) =	ssettag $0x1  }
0x1: {  	s0 =	rddreg [dreg:$0x0];
	s1 =	srdreg.scid  }
0x2: {  	s11 =	stileid.u32;
	s3 =	rddreg [dreg:$0x2];
	s4 =	simm.s32 $0x0  }
0x3: {  	s14 =	simm.s32 $0x100;
	s15 =	simm.s32 $0x180;
	s16 =	simm.s32 $0x200  }
0x4: {  	s18 =	simm.s32 $0x280;
	s19 =	simm.s32 $0x300;
	s20 =	simm.s32 $0x380  }
0x5: {  	s22 =	simm.s32 $0x400;
	[smem:$0x7FF] =	sst s4;
	s6 =	sadd.s32 $0x1CC00, s0  }
0x6: {  	s23 =	simm.s32 $0x480;
	_ =	strace $0x8000004A;
	[dreg:$0xd] =	wrdreg s6  }
0x7: {  	s28 =	simm.s32 $0xA80;
	s29 =	simm.s32 $0xB00;
	[dreg:$0x5] =	wrdreg s14  }
0x8: {  	s30 =	simm.s32 $0xB80;
	s5 =	smul.u32 $0x5000, s11;
	[dreg:$0x6] =	wrdreg s15  }
0x9: {  	s31 =	simm.s32 $0xC00;
	s12 =	smul.u32 $0x4F000, s11;
	[dreg:$0x7] =	wrdreg s16  }
0xa: {  	s1 =	sand.u32 $0x1, s1;
	s13 =	smul.u32 $0x4E000, s11;
	[dreg:$0x8] =	wrdreg s18  }
0xb: {  	s10 =	smul.u32 $0x2700, s11;
	s21 =	sshll.u32 s11, $0x6;
	[dreg:$0x9] =	wrdreg s19  }
0xc: {  	p0 =	sne.s32 s11, $0xF;
	s2 =	smul.u32 $0x50000, s1;
	[dreg:$0xa] =	wrdreg s20  }
0xd: {  	s7 =	ssub.s32 $0x2, s1;
	s8 =	smul.u32 $0x27100, s1;
	[dreg:$0xb] =	wrdreg s22  }
0xe: {  	s1 =	smul.u32 $0x138800, s1;
	s24 =	sor.u32 $0x1C02, s21;
	[dreg:$0xc] =	wrdreg s23  }
0xf: {  	s15 =	simm.s32 $0x580;
	s16 =	simm.s32 $0x600;
	s18 =	simm.s32 $0x700  }
0x10: {  	s19 =	simm.s32 $0x780;
	s20 =	simm.s32 $0x800;
	s21 =	simm.s32 $0x880  }
0x11: {  	s22 =	simm.s32 $0x900;
	s23 =	simm.s32 $0x980;
	s9 =	sshrl.u32 s7, $0x1  }
0x12: {  	s6 =	sshrl.u32 s13, $0x2;
	s13 =	simm.s32 $0x80;
	[dreg:$0x11] =	wrdreg s24  }
0x13: {  	s2 =	sadd.s32 s5, s2;
	s5 =	sshrl.u32 s12, $0x2;
	s7 =	ssub.s32 s7, s9  }
0x14: {  	s6 =	sadd.s32 s6, s3;
	s8 =	sadd.s32 s10, s8;
	s1 =	sshrl.u32 s1, $0x3  }
0x15: {  	s9 =	simm.s32 $0x1000;
	s10 =	simm.s32 $0x2;
	s12 =	simm.s32 $0x1  }
0x16: {  	s2 =	sshrl.u32 s2, $0x3;
	s5 =	sadd.s32 s5, s3;
	s17 =	smax.u32 s7, $0x1  }
0x17: {  	s26 =	sshrl.u32 s6, $0x3;
	s6 =	simm.s32 $0xE80;
	s7 =	simm.s32 $0xF00  }
0x18: {  	s2 =	sadd.s32 s2, s0;
	s0 =	sadd.s32 $0x81600, s0;
	[dreg:$0x10] =	wrdreg s17  }
0x19: {  	s25 =	sshrl.u32 s5, $0x3;
	s17 =	simm.s32 $0x680;
	[dreg:$0x13] =	wrdreg s26  }
0x1a: {  	s26 =	simm.s32 $0xA00;
	s5 =	simm.s32 $0xE00;
	s8 =	sadd.s32 s0, s8  }
0x1b: {  	s2 =	sadd.s32 $0x6D600, s2;
	s0 =	sadd.s32 s0, s1;
	[dreg:$0x12] =	wrdreg s25  }
0x1c: {  	s1 =	simm.s32 $0xC80;
	s25 =	simm.s32 $0x0;
	[dreg:$0xe] =	wrdreg s8  }
0x1d: {  	s8 =	sadd.s32 $0x138000, s3;
	[dreg:$0x4] =	wrdreg s2;
	s0 =	sadd.s32 $0x27000, s0  }
0x1e: {  	s2 =	simm.s32 $0xD80;
	[dreg:$0xf] =	wrdreg s0;
	s0 =	sshrl.u32 @!p0 s8, $0x3  }
0x1f: {  	s8 =	simm.s32 $0xF80;
	[dreg:$0x14] =	wrdreg s0;
	s0 =	simm.s32 $0xD00  }
.LBB2_1:
0x20: {  	[dreg:$0x15] =	wrdreg s25  }
0x21: {  	s11 =	rddreg [dreg:$0x1]  }
0x22: {  	[tilespmem:s9], [sflag:$0x2] =	stream.linear.gather [hbm4b:s11+s4], $0x4000, $0x38;
	[tilespmem:$0x18C00] =	vst v63  }
0x23: {  	_ =	swait.ge [sflag:s10], $0x4000  }
0x24: {  	[sflag:s10] =	ssyncset.done $0x0;
	s25 =	rddreg [dreg:$0xd]  }
0x25: {  	s14 =	rddreg [dreg:$0x12];
	[sflag:s10] =	ssyncadd.s32 $0xFFFFC000  }
0x26: {  	[spmem:s14], [sflag:s24] =	dma.local [hbm:s25], $0x2780  }
0x27: {  	_ =	swait.ge [sflag:s10], $0x2780  }
0x28: {  	[sflag:s10] =	ssyncset.done $0x0  }
0x29: {  	[sflag:s10] =	ssyncadd.s32 $0xFFFFD880  }
0x2a: {  	[bflag:$0x0] =	sbarrier.arrive $0xFFFF  }
0x2b: {  	s24 =	rddreg [dreg:$0x4]  }
0x2c: {  	s11 =	sadd.s32 $0x0, s24  }
0x2d: {  	[tilespmem:s4], [sflag:$0x2] =	stream.linear.gather [hbm4b:s11+s4], $0x1000, $0x38;
	[tilespmem:$0x18C00] =	vst v63  }
0x2e: {  	_ =	swait.ge [sflag:s10], $0x1000  }
0x2f: {  	[sflag:s10] =	ssyncset.done $0x0  }
0x30: {  	[sflag:s10] =	ssyncadd.s32 $0xFFFFF000  }
0x31: {  	[spmem:s3] =	stream.indirect.scatter.add.f32 [tilespmem:s9], [sflag:$0x1], $0x80, s4, s13, $0xb8;
	[tilespmem:$0x18C00] =	vst v63  }
0x32: {  	_ = 	snop  }
0x33: {  	[spmem:s3] =	stream.indirect.scatter.add.f32 [tilespmem:s9], [sflag:$0x1], $0x80, s13, s13, $0xb8;
	[tilespmem:$0x18C00] =	vst v63  }
0x34: {  	s25 =	rddreg [dreg:$0x5]  }
0x35: {  	[spmem:s3] =	stream.indirect.scatter.add.f32 [tilespmem:s9], [sflag:$0x1], $0x80, s25, s13, $0xb8;
	[tilespmem:$0x18C00] =	vst v63  }
0x36: {  	s14 =	rddreg [dreg:$0x6]  }
0x37: {  	[spmem:s3] =	stream.indirect.scatter.add.f32 [tilespmem:s9], [sflag:$0x1], $0x80, s14, s13, $0xb8;
	[tilespmem:$0x18C00] =	vst v63  }
0x38: {  	s25 =	rddreg [dreg:$0x7]  }
0x39: {  	[spmem:s3] =	stream.indirect.scatter.add.f32 [tilespmem:s9], [sflag:$0x1], $0x80, s25, s13, $0xb8;
	[tilespmem:$0x18C00] =	vst v63  }
0x3a: {  	s14 =	rddreg [dreg:$0x8]  }
0x3b: {  	[spmem:s3] =	stream.indirect.scatter.add.f32 [tilespmem:s9], [sflag:$0x1], $0x80, s14, s13, $0xb8;
	[tilespmem:$0x18C00] =	vst v63  }
0x3c: {  	s25 =	rddreg [dreg:$0x9]  }
0x3d: {  	[spmem:s3] =	stream.indirect.scatter.add.f32 [tilespmem:s9], [sflag:$0x1], $0x80, s25, s13, $0xb8;
	[tilespmem:$0x18C00] =	vst v63  }
0x3e: {  	s14 =	rddreg [dreg:$0xa]  }
0x3f: {  	[spmem:s3] =	stream.indirect.scatter.add.f32 [tilespmem:s9], [sflag:$0x1], $0x80, s14, s13, $0xb8;
	[tilespmem:$0x18C00] =	vst v63  }
0x40: {  	s25 =	rddreg [dreg:$0xb]  }
0x41: {  	[spmem:s3] =	stream.indirect.scatter.add.f32 [tilespmem:s9], [sflag:$0x1], $0x80, s25, s13, $0xb8;
	[tilespmem:$0x18C00] =	vst v63  }
0x42: {  	s14 =	rddreg [dreg:$0xc]  }
0x43: {  	[spmem:s3] =	stream.indirect.scatter.add.f32 [tilespmem:s9], [sflag:$0x1], $0x80, s14, s13, $0xb8;
	[tilespmem:$0x18C00] =	vst v63  }
0x44: {  	s25 =	simm.s32 $0x500  }
0x45: {  	[spmem:s3] =	stream.indirect.scatter.add.f32 [tilespmem:s9], [sflag:$0x1], $0x80, s25, s13, $0xb8;
	[tilespmem:$0x18C00] =	vst v63  }
0x46: {  	_ = 	snop  }
0x47: {  	[spmem:s3] =	stream.indirect.scatter.add.f32 [tilespmem:s9], [sflag:$0x1], $0x80, s15, s13, $0xb8;
	[tilespmem:$0x18C00] =	vst v63  }
0x48: {  	_ = 	snop  }
0x49: {  	[spmem:s3] =	stream.indirect.scatter.add.f32 [tilespmem:s9], [sflag:$0x1], $0x80, s16, s13, $0xb8;
	[tilespmem:$0x18C00] =	vst v63  }
0x4a: {  	_ = 	snop  }
0x4b: {  	[spmem:s3] =	stream.indirect.scatter.add.f32 [tilespmem:s9], [sflag:$0x1], $0x80, s17, s13, $0xb8;
	[tilespmem:$0x18C00] =	vst v63  }
0x4c: {  	_ = 	snop  }
0x4d: {  	[spmem:s3] =	stream.indirect.scatter.add.f32 [tilespmem:s9], [sflag:$0x1], $0x80, s18, s13, $0xb8;
	[tilespmem:$0x18C00] =	vst v63  }
0x4e: {  	_ = 	snop  }
0x4f: {  	[spmem:s3] =	stream.indirect.scatter.add.f32 [tilespmem:s9], [sflag:$0x1], $0x80, s19, s13, $0xb8;
	[tilespmem:$0x18C00] =	vst v63  }
0x50: {  	_ = 	snop  }
0x51: {  	[spmem:s3] =	stream.indirect.scatter.add.f32 [tilespmem:s9], [sflag:$0x1], $0x80, s20, s13, $0xb8;
	[tilespmem:$0x18C00] =	vst v63  }
0x52: {  	_ = 	snop  }
0x53: {  	[spmem:s3] =	stream.indirect.scatter.add.f32 [tilespmem:s9], [sflag:$0x1], $0x80, s21, s13, $0xb8;
	[tilespmem:$0x18C00] =	vst v63  }
0x54: {  	_ = 	snop  }
0x55: {  	[spmem:s3] =	stream.indirect.scatter.add.f32 [tilespmem:s9], [sflag:$0x1], $0x80, s22, s13, $0xb8;
	[tilespmem:$0x18C00] =	vst v63  }
0x56: {  	_ = 	snop  }
0x57: {  	[spmem:s3] =	stream.indirect.scatter.add.f32 [tilespmem:s9], [sflag:$0x1], $0x80, s23, s13, $0xb8;
	[tilespmem:$0x18C00] =	vst v63  }
0x58: {  	_ = 	snop  }
0x59: {  	[spmem:s3] =	stream.indirect.scatter.add.f32 [tilespmem:s9], [sflag:$0x1], $0x80, s26, s13, $0xb8;
	[tilespmem:$0x18C00] =	vst v63  }
0x5a: {  	_ = 	snop  }
0x5b: {  	[spmem:s3] =	stream.indirect.scatter.add.f32 [tilespmem:s9], [sflag:$0x1], $0x80, s28, s13, $0xb8;
	[tilespmem:$0x18C00] =	vst v63  }
0x5c: {  	_ = 	snop  }
0x5d: {  	[spmem:s3] =	stream.indirect.scatter.add.f32 [tilespmem:s9], [sflag:$0x1], $0x80, s29, s13, $0xb8;
	[tilespmem:$0x18C00] =	vst v63  }
0x5e: {  	_ = 	snop  }
0x5f: {  	[spmem:s3] =	stream.indirect.scatter.add.f32 [tilespmem:s9], [sflag:$0x1], $0x80, s30, s13, $0xb8;
	[tilespmem:$0x18C00] =	vst v63  }
0x60: {  	_ = 	snop  }
0x61: {  	[spmem:s3] =	stream.indirect.scatter.add.f32 [tilespmem:s9], [sflag:$0x1], $0x80, s31, s13, $0xb8;
	[tilespmem:$0x18C00] =	vst v63  }
0x62: {  	_ = 	snop  }
0x63: {  	[spmem:s3] =	stream.indirect.scatter.add.f32 [tilespmem:s9], [sflag:$0x1], $0x80, s1, s13, $0xb8;
	[tilespmem:$0x18C00] =	vst v63  }
0x64: {  	_ = 	snop  }
0x65: {  	[spmem:s3] =	stream.indirect.scatter.add.f32 [tilespmem:s9], [sflag:$0x1], $0x80, s0, s13, $0xb8;
	[tilespmem:$0x18C00] =	vst v63  }
0x66: {  	_ = 	snop  }
0x67: {  	[spmem:s3] =	stream.indirect.scatter.add.f32 [tilespmem:s9], [sflag:$0x1], $0x80, s2, s13, $0xb8;
	[tilespmem:$0x18C00] =	vst v63  }
0x68: {  	_ = 	snop  }
0x69: {  	[spmem:s3] =	stream.indirect.scatter.add.f32 [tilespmem:s9], [sflag:$0x1], $0x80, s5, s13, $0xb8;
	[tilespmem:$0x18C00] =	vst v63  }
0x6a: {  	_ = 	snop  }
0x6b: {  	[spmem:s3] =	stream.indirect.scatter.add.f32 [tilespmem:s9], [sflag:$0x1], $0x80, s6, s13, $0xb8;
	[tilespmem:$0x18C00] =	vst v63  }
0x6c: {  	_ = 	snop  }
0x6d: {  	[spmem:s3] =	stream.indirect.scatter.add.f32 [tilespmem:s9], [sflag:$0x1], $0x80, s7, s13, $0xb8;
	[tilespmem:$0x18C00] =	vst v63  }
0x6e: {  	_ = 	snop  }
0x6f: {  	[spmem:s3] =	stream.indirect.scatter.add.f32 [tilespmem:s9], [sflag:$0x1], $0x80, s8, s13, $0xb8;
	[tilespmem:$0x18C00] =	vst v63  }
0x70: {  	_ =	swait.ge [sflag:s12], $0x4000  }
0x71: {  	[sflag:s12] =	ssyncset.done $0x0  }
0x72: {  	[sflag:s12] =	ssyncadd.s32 $0xFFFFC000  }
0x73: {  	_ =	swait.ge [sflag:s12], $0x4000  }
0x74: {  	[sflag:s12] =	ssyncset.done $0x0  }
0x75: {  	[sflag:s12] =	ssyncadd.s32 $0xFFFFC000  }
0x76: {  	_ =	swait.ge [sflag:s12], $0x4000  }
0x77: {  	[sflag:s12] =	ssyncset.done $0x0  }
0x78: {  	[sflag:s12] =	ssyncadd.s32 $0xFFFFC000  }
0x79: {  	_ =	swait.ge [sflag:s12], $0x4000  }
0x7a: {  	[sflag:s12] =	ssyncset.done $0x0  }
0x7b: {  	[sflag:s12] =	ssyncadd.s32 $0xFFFFC000  }
0x7c: {  	_ =	swait.ge [sflag:s12], $0x4000  }
0x7d: {  	[sflag:s12] =	ssyncset.done $0x0  }
0x7e: {  	[sflag:s12] =	ssyncadd.s32 $0xFFFFC000  }
0x7f: {  	_ =	swait.ge [sflag:s12], $0x4000  }
0x80: {  	[sflag:s12] =	ssyncset.done $0x0  }
0x81: {  	[sflag:s12] =	ssyncadd.s32 $0xFFFFC000  }
0x82: {  	_ =	swait.ge [sflag:s12], $0x4000  }
0x83: {  	[sflag:s12] =	ssyncset.done $0x0  }
0x84: {  	[sflag:s12] =	ssyncadd.s32 $0xFFFFC000  }
0x85: {  	_ =	swait.ge [sflag:s12], $0x4000  }
0x86: {  	[sflag:s12] =	ssyncset.done $0x0  }
0x87: {  	[sflag:s12] =	ssyncadd.s32 $0xFFFFC000  }
0x88: {  	_ =	swait.ge [sflag:s12], $0x4000  }
0x89: {  	[sflag:s12] =	ssyncset.done $0x0  }
0x8a: {  	[sflag:s12] =	ssyncadd.s32 $0xFFFFC000  }
0x8b: {  	_ =	swait.ge [sflag:s12], $0x4000  }
0x8c: {  	[sflag:s12] =	ssyncset.done $0x0  }
0x8d: {  	[sflag:s12] =	ssyncadd.s32 $0xFFFFC000  }
0x8e: {  	_ =	swait.ge [sflag:s12], $0x4000  }
0x8f: {  	[sflag:s12] =	ssyncset.done $0x0  }
0x90: {  	[sflag:s12] =	ssyncadd.s32 $0xFFFFC000  }
0x91: {  	_ =	swait.ge [sflag:s12], $0x4000  }
0x92: {  	[sflag:s12] =	ssyncset.done $0x0  }
0x93: {  	[sflag:s12] =	ssyncadd.s32 $0xFFFFC000  }
0x94: {  	_ =	swait.ge [sflag:s12], $0x4000  }
0x95: {  	[sflag:s12] =	ssyncset.done $0x0  }
0x96: {  	[sflag:s12] =	ssyncadd.s32 $0xFFFFC000  }
0x97: {  	_ =	swait.ge [sflag:s12], $0x4000  }
0x98: {  	[sflag:s12] =	ssyncset.done $0x0  }
0x99: {  	[sflag:s12] =	ssyncadd.s32 $0xFFFFC000  }
0x9a: {  	_ =	swait.ge [sflag:s12], $0x4000  }
0x9b: {  	[sflag:s12] =	ssyncset.done $0x0  }
0x9c: {  	[sflag:s12] =	ssyncadd.s32 $0xFFFFC000  }
0x9d: {  	_ =	swait.ge [sflag:s12], $0x4000  }
0x9e: {  	[sflag:s12] =	ssyncset.done $0x0  }
0x9f: {  	[sflag:s12] =	ssyncadd.s32 $0xFFFFC000  }
0xa0: {  	_ =	swait.ge [sflag:s12], $0x4000  }
0xa1: {  	[sflag:s12] =	ssyncset.done $0x0  }
0xa2: {  	[sflag:s12] =	ssyncadd.s32 $0xFFFFC000  }
0xa3: {  	_ =	swait.ge [sflag:s12], $0x4000  }
0xa4: {  	[sflag:s12] =	ssyncset.done $0x0  }
0xa5: {  	[sflag:s12] =	ssyncadd.s32 $0xFFFFC000  }
0xa6: {  	_ =	swait.ge [sflag:s12], $0x4000  }
0xa7: {  	[sflag:s12] =	ssyncset.done $0x0  }
0xa8: {  	[sflag:s12] =	ssyncadd.s32 $0xFFFFC000  }
0xa9: {  	_ =	swait.ge [sflag:s12], $0x4000  }
0xaa: {  	[sflag:s12] =	ssyncset.done $0x0  }
0xab: {  	[sflag:s12] =	ssyncadd.s32 $0xFFFFC000  }
0xac: {  	_ =	swait.ge [sflag:s12], $0x4000  }
0xad: {  	[sflag:s12] =	ssyncset.done $0x0  }
0xae: {  	[sflag:s12] =	ssyncadd.s32 $0xFFFFC000  }
0xaf: {  	_ =	swait.ge [sflag:s12], $0x4000  }
0xb0: {  	[sflag:s12] =	ssyncset.done $0x0  }
0xb1: {  	[sflag:s12] =	ssyncadd.s32 $0xFFFFC000  }
0xb2: {  	_ =	swait.ge [sflag:s12], $0x4000  }
0xb3: {  	[sflag:s12] =	ssyncset.done $0x0  }
0xb4: {  	[sflag:s12] =	ssyncadd.s32 $0xFFFFC000  }
0xb5: {  	_ =	swait.ge [sflag:s12], $0x4000  }
0xb6: {  	[sflag:s12] =	ssyncset.done $0x0  }
0xb7: {  	[sflag:s12] =	ssyncadd.s32 $0xFFFFC000  }
0xb8: {  	_ =	swait.ge [sflag:s12], $0x4000  }
0xb9: {  	[sflag:s12] =	ssyncset.done $0x0  }
0xba: {  	[sflag:s12] =	ssyncadd.s32 $0xFFFFC000  }
0xbb: {  	_ =	swait.ge [sflag:s12], $0x4000  }
0xbc: {  	[sflag:s12] =	ssyncset.done $0x0  }
0xbd: {  	[sflag:s12] =	ssyncadd.s32 $0xFFFFC000  }
0xbe: {  	_ =	swait.ge [sflag:s12], $0x4000  }
0xbf: {  	[sflag:s12] =	ssyncset.done $0x0  }
0xc0: {  	[sflag:s12] =	ssyncadd.s32 $0xFFFFC000  }
0xc1: {  	_ =	swait.ge [sflag:s12], $0x4000  }
0xc2: {  	[sflag:s12] =	ssyncset.done $0x0  }
0xc3: {  	[sflag:s12] =	ssyncadd.s32 $0xFFFFC000  }
0xc4: {  	_ =	swait.ge [sflag:s12], $0x4000  }
0xc5: {  	[sflag:s12] =	ssyncset.done $0x0  }
0xc6: {  	[sflag:s12] =	ssyncadd.s32 $0xFFFFC000  }
0xc7: {  	_ =	swait.ge [sflag:s12], $0x4000  }
0xc8: {  	[sflag:s12] =	ssyncset.done $0x0  }
0xc9: {  	[sflag:s12] =	ssyncadd.s32 $0xFFFFC000  }
0xca: {  	_ =	swait.ge [sflag:s12], $0x4000  }
0xcb: {  	[sflag:s12] =	ssyncset.done $0x0  }
0xcc: {  	[sflag:s12] =	ssyncadd.s32 $0xFFFFC000  }
0xcd: {  	s11 =	simm.s32 $0x400;
	_ =	swait.ge [sflag:s12], $0x4000  }
0xce: {  	s25 =	simm.s32 $0x200;
	s24 =	rddreg [dreg:$0x4];
	[sflag:s12] =	ssyncset.done $0x0  }
.LBB2_2:
0xcf: {  	[sflag:s12] =	ssyncadd.s32 $0xFFFFC000;
	s24 =	sadd.s32 s25, s24  }
0xd0: {  	[tilespmem:s4], [sflag:$0x2] =	stream.linear.gather [hbm4b:s24+s4], $0x1000, $0x38;
	[tilespmem:$0x18C00] =	vst v63  }
0xd1: {  	_ =	swait.ge [sflag:s10], $0x1000  }
0xd2: {  	[sflag:s10] =	ssyncset.done $0x0  }
0xd3: {  	[sflag:s10] =	ssyncadd.s32 $0xFFFFF000  }
0xd4: {  	[spmem:s3] =	stream.indirect.scatter.add.f32 [tilespmem:s9], [sflag:$0x1], $0x80, s4, s13, $0xb8;
	[tilespmem:$0x18C00] =	vst v63  }
0xd5: {  	s14 =	smov.u32 s11  }
0xd6: {  	[spmem:s3] =	stream.indirect.scatter.add.f32 [tilespmem:s9], [sflag:$0x1], $0x80, s13, s13, $0xb8;
	[tilespmem:$0x18C00] =	vst v63  }
0xd7: {  	s25 =	smov.u32 s14;
	s14 =	rddreg [dreg:$0x5]  }
0xd8: {  	[spmem:s3] =	stream.indirect.scatter.add.f32 [tilespmem:s9], [sflag:$0x1], $0x80, s14, s13, $0xb8;
	[tilespmem:$0x18C00] =	vst v63  }
0xd9: {  	s24 =	rddreg [dreg:$0x6]  }
0xda: {  	[spmem:s3] =	stream.indirect.scatter.add.f32 [tilespmem:s9], [sflag:$0x1], $0x80, s24, s13, $0xb8;
	[tilespmem:$0x18C00] =	vst v63  }
0xdb: {  	s14 =	rddreg [dreg:$0x7]  }
0xdc: {  	[spmem:s3] =	stream.indirect.scatter.add.f32 [tilespmem:s9], [sflag:$0x1], $0x80, s14, s13, $0xb8;
	[tilespmem:$0x18C00] =	vst v63  }
0xdd: {  	s24 =	rddreg [dreg:$0x8]  }
0xde: {  	[spmem:s3] =	stream.indirect.scatter.add.f32 [tilespmem:s9], [sflag:$0x1], $0x80, s24, s13, $0xb8;
	[tilespmem:$0x18C00] =	vst v63  }
0xdf: {  	s14 =	rddreg [dreg:$0x9]  }
0xe0: {  	[spmem:s3] =	stream.indirect.scatter.add.f32 [tilespmem:s9], [sflag:$0x1], $0x80, s14, s13, $0xb8;
	[tilespmem:$0x18C00] =	vst v63  }
0xe1: {  	s24 =	rddreg [dreg:$0xa]  }
0xe2: {  	[spmem:s3] =	stream.indirect.scatter.add.f32 [tilespmem:s9], [sflag:$0x1], $0x80, s24, s13, $0xb8;
	[tilespmem:$0x18C00] =	vst v63  }
0xe3: {  	s14 =	rddreg [dreg:$0xb]  }
0xe4: {  	[spmem:s3] =	stream.indirect.scatter.add.f32 [tilespmem:s9], [sflag:$0x1], $0x80, s14, s13, $0xb8;
	[tilespmem:$0x18C00] =	vst v63  }
0xe5: {  	s24 =	rddreg [dreg:$0xc]  }
0xe6: {  	[spmem:s3] =	stream.indirect.scatter.add.f32 [tilespmem:s9], [sflag:$0x1], $0x80, s24, s13, $0xb8;
	[tilespmem:$0x18C00] =	vst v63  }
0xe7: {  	s24 =	simm.s32 $0x500  }
0xe8: {  	[spmem:s3] =	stream.indirect.scatter.add.f32 [tilespmem:s9], [sflag:$0x1], $0x80, s24, s13, $0xb8;
	[tilespmem:$0x18C00] =	vst v63  }
0xe9: {  	_ = 	snop  }
0xea: {  	[spmem:s3] =	stream.indirect.scatter.add.f32 [tilespmem:s9], [sflag:$0x1], $0x80, s15, s13, $0xb8;
	[tilespmem:$0x18C00] =	vst v63  }
0xeb: {  	_ = 	snop  }
0xec: {  	[spmem:s3] =	stream.indirect.scatter.add.f32 [tilespmem:s9], [sflag:$0x1], $0x80, s16, s13, $0xb8;
	[tilespmem:$0x18C00] =	vst v63  }
0xed: {  	_ = 	snop  }
0xee: {  	[spmem:s3] =	stream.indirect.scatter.add.f32 [tilespmem:s9], [sflag:$0x1], $0x80, s17, s13, $0xb8;
	[tilespmem:$0x18C00] =	vst v63  }
0xef: {  	_ = 	snop  }
0xf0: {  	[spmem:s3] =	stream.indirect.scatter.add.f32 [tilespmem:s9], [sflag:$0x1], $0x80, s18, s13, $0xb8;
	[tilespmem:$0x18C00] =	vst v63  }
0xf1: {  	_ = 	snop  }
0xf2: {  	[spmem:s3] =	stream.indirect.scatter.add.f32 [tilespmem:s9], [sflag:$0x1], $0x80, s19, s13, $0xb8;
	[tilespmem:$0x18C00] =	vst v63  }
0xf3: {  	_ = 	snop  }
0xf4: {  	[spmem:s3] =	stream.indirect.scatter.add.f32 [tilespmem:s9], [sflag:$0x1], $0x80, s20, s13, $0xb8;
	[tilespmem:$0x18C00] =	vst v63  }
0xf5: {  	_ = 	snop  }
0xf6: {  	[spmem:s3] =	stream.indirect.scatter.add.f32 [tilespmem:s9], [sflag:$0x1], $0x80, s21, s13, $0xb8;
	[tilespmem:$0x18C00] =	vst v63  }
0xf7: {  	_ = 	snop  }
0xf8: {  	[spmem:s3] =	stream.indirect.scatter.add.f32 [tilespmem:s9], [sflag:$0x1], $0x80, s22, s13, $0xb8;
	[tilespmem:$0x18C00] =	vst v63  }
0xf9: {  	_ = 	snop  }
0xfa: {  	[spmem:s3] =	stream.indirect.scatter.add.f32 [tilespmem:s9], [sflag:$0x1], $0x80, s23, s13, $0xb8;
	[tilespmem:$0x18C00] =	vst v63  }
0xfb: {  	_ = 	snop  }
0xfc: {  	[spmem:s3] =	stream.indirect.scatter.add.f32 [tilespmem:s9], [sflag:$0x1], $0x80, s26, s13, $0xb8;
	[tilespmem:$0x18C00] =	vst v63  }
0xfd: {  	_ = 	snop  }
0xfe: {  	[spmem:s3] =	stream.indirect.scatter.add.f32 [tilespmem:s9], [sflag:$0x1], $0x80, s28, s13, $0xb8;
	[tilespmem:$0x18C00] =	vst v63  }
0xff: {  	_ = 	snop  }
0x100: {  	[spmem:s3] =	stream.indirect.scatter.add.f32 [tilespmem:s9], [sflag:$0x1], $0x80, s29, s13, $0xb8;
	[tilespmem:$0x18C00] =	vst v63  }
0x101: {  	_ = 	snop  }
0x102: {  	[spmem:s3] =	stream.indirect.scatter.add.f32 [tilespmem:s9], [sflag:$0x1], $0x80, s30, s13, $0xb8;
	[tilespmem:$0x18C00] =	vst v63  }
0x103: {  	_ = 	snop  }
0x104: {  	[spmem:s3] =	stream.indirect.scatter.add.f32 [tilespmem:s9], [sflag:$0x1], $0x80, s31, s13, $0xb8;
	[tilespmem:$0x18C00] =	vst v63  }
0x105: {  	_ = 	snop  }
0x106: {  	[spmem:s3] =	stream.indirect.scatter.add.f32 [tilespmem:s9], [sflag:$0x1], $0x80, s1, s13, $0xb8;
	[tilespmem:$0x18C00] =	vst v63  }
0x107: {  	_ = 	snop  }
0x108: {  	[spmem:s3] =	stream.indirect.scatter.add.f32 [tilespmem:s9], [sflag:$0x1], $0x80, s0, s13, $0xb8;
	[tilespmem:$0x18C00] =	vst v63  }
0x109: {  	_ = 	snop  }
0x10a: {  	[spmem:s3] =	stream.indirect.scatter.add.f32 [tilespmem:s9], [sflag:$0x1], $0x80, s2, s13, $0xb8;
	[tilespmem:$0x18C00] =	vst v63  }
0x10b: {  	_ = 	snop  }
0x10c: {  	[spmem:s3] =	stream.indirect.scatter.add.f32 [tilespmem:s9], [sflag:$0x1], $0x80, s5, s13, $0xb8;
	[tilespmem:$0x18C00] =	vst v63  }
0x10d: {  	_ = 	snop  }
0x10e: {  	[spmem:s3] =	stream.indirect.scatter.add.f32 [tilespmem:s9], [sflag:$0x1], $0x80, s6, s13, $0xb8;
	[tilespmem:$0x18C00] =	vst v63  }
0x10f: {  	_ = 	snop  }
0x110: {  	[spmem:s3] =	stream.indirect.scatter.add.f32 [tilespmem:s9], [sflag:$0x1], $0x80, s7, s13, $0xb8;
	[tilespmem:$0x18C00] =	vst v63  }
0x111: {  	_ = 	snop  }
0x112: {  	[spmem:s3] =	stream.indirect.scatter.add.f32 [tilespmem:s9], [sflag:$0x1], $0x80, s8, s13, $0xb8;
	[tilespmem:$0x18C00] =	vst v63  }
0x113: {  	_ =	swait.ge [sflag:s12], $0x4000  }
0x114: {  	[sflag:s12] =	ssyncset.done $0x0  }
0x115: {  	[sflag:s12] =	ssyncadd.s32 $0xFFFFC000  }
0x116: {  	_ =	swait.ge [sflag:s12], $0x4000  }
0x117: {  	[sflag:s12] =	ssyncset.done $0x0  }
0x118: {  	[sflag:s12] =	ssyncadd.s32 $0xFFFFC000  }
0x119: {  	_ =	swait.ge [sflag:s12], $0x4000  }
0x11a: {  	[sflag:s12] =	ssyncset.done $0x0  }
0x11b: {  	[sflag:s12] =	ssyncadd.s32 $0xFFFFC000  }
0x11c: {  	_ =	swait.ge [sflag:s12], $0x4000  }
0x11d: {  	[sflag:s12] =	ssyncset.done $0x0  }
0x11e: {  	[sflag:s12] =	ssyncadd.s32 $0xFFFFC000  }
0x11f: {  	_ =	swait.ge [sflag:s12], $0x4000  }
0x120: {  	[sflag:s12] =	ssyncset.done $0x0  }
0x121: {  	[sflag:s12] =	ssyncadd.s32 $0xFFFFC000  }
0x122: {  	_ =	swait.ge [sflag:s12], $0x4000  }
0x123: {  	[sflag:s12] =	ssyncset.done $0x0  }
0x124: {  	[sflag:s12] =	ssyncadd.s32 $0xFFFFC000  }
0x125: {  	_ =	swait.ge [sflag:s12], $0x4000  }
0x126: {  	[sflag:s12] =	ssyncset.done $0x0  }
0x127: {  	[sflag:s12] =	ssyncadd.s32 $0xFFFFC000  }
0x128: {  	_ =	swait.ge [sflag:s12], $0x4000  }
0x129: {  	[sflag:s12] =	ssyncset.done $0x0  }
0x12a: {  	[sflag:s12] =	ssyncadd.s32 $0xFFFFC000  }
0x12b: {  	_ =	swait.ge [sflag:s12], $0x4000  }
0x12c: {  	[sflag:s12] =	ssyncset.done $0x0  }
0x12d: {  	[sflag:s12] =	ssyncadd.s32 $0xFFFFC000  }
0x12e: {  	_ =	swait.ge [sflag:s12], $0x4000  }
0x12f: {  	[sflag:s12] =	ssyncset.done $0x0  }
0x130: {  	[sflag:s12] =	ssyncadd.s32 $0xFFFFC000  }
0x131: {  	_ =	swait.ge [sflag:s12], $0x4000  }
0x132: {  	[sflag:s12] =	ssyncset.done $0x0  }
0x133: {  	[sflag:s12] =	ssyncadd.s32 $0xFFFFC000  }
0x134: {  	_ =	swait.ge [sflag:s12], $0x4000  }
0x135: {  	[sflag:s12] =	ssyncset.done $0x0  }
0x136: {  	[sflag:s12] =	ssyncadd.s32 $0xFFFFC000  }
0x137: {  	_ =	swait.ge [sflag:s12], $0x4000  }
0x138: {  	[sflag:s12] =	ssyncset.done $0x0  }
0x139: {  	[sflag:s12] =	ssyncadd.s32 $0xFFFFC000  }
0x13a: {  	_ =	swait.ge [sflag:s12], $0x4000  }
0x13b: {  	[sflag:s12] =	ssyncset.done $0x0  }
0x13c: {  	[sflag:s12] =	ssyncadd.s32 $0xFFFFC000  }
0x13d: {  	_ =	swait.ge [sflag:s12], $0x4000  }
0x13e: {  	[sflag:s12] =	ssyncset.done $0x0  }
0x13f: {  	[sflag:s12] =	ssyncadd.s32 $0xFFFFC000  }
0x140: {  	_ =	swait.ge [sflag:s12], $0x4000  }
0x141: {  	[sflag:s12] =	ssyncset.done $0x0  }
0x142: {  	[sflag:s12] =	ssyncadd.s32 $0xFFFFC000  }
0x143: {  	_ =	swait.ge [sflag:s12], $0x4000  }
0x144: {  	[sflag:s12] =	ssyncset.done $0x0  }
0x145: {  	[sflag:s12] =	ssyncadd.s32 $0xFFFFC000  }
0x146: {  	_ =	swait.ge [sflag:s12], $0x4000  }
0x147: {  	[sflag:s12] =	ssyncset.done $0x0  }
0x148: {  	[sflag:s12] =	ssyncadd.s32 $0xFFFFC000  }
0x149: {  	_ =	swait.ge [sflag:s12], $0x4000  }
0x14a: {  	[sflag:s12] =	ssyncset.done $0x0  }
0x14b: {  	[sflag:s12] =	ssyncadd.s32 $0xFFFFC000  }
0x14c: {  	_ =	swait.ge [sflag:s12], $0x4000  }
0x14d: {  	[sflag:s12] =	ssyncset.done $0x0  }
0x14e: {  	[sflag:s12] =	ssyncadd.s32 $0xFFFFC000  }
0x14f: {  	_ =	swait.ge [sflag:s12], $0x4000  }
0x150: {  	[sflag:s12] =	ssyncset.done $0x0  }
0x151: {  	[sflag:s12] =	ssyncadd.s32 $0xFFFFC000  }
0x152: {  	_ =	swait.ge [sflag:s12], $0x4000  }
0x153: {  	[sflag:s12] =	ssyncset.done $0x0  }
0x154: {  	[sflag:s12] =	ssyncadd.s32 $0xFFFFC000  }
0x155: {  	_ =	swait.ge [sflag:s12], $0x4000  }
0x156: {  	[sflag:s12] =	ssyncset.done $0x0  }
0x157: {  	[sflag:s12] =	ssyncadd.s32 $0xFFFFC000  }
0x158: {  	_ =	swait.ge [sflag:s12], $0x4000  }
0x159: {  	[sflag:s12] =	ssyncset.done $0x0  }
0x15a: {  	[sflag:s12] =	ssyncadd.s32 $0xFFFFC000  }
0x15b: {  	_ =	swait.ge [sflag:s12], $0x4000  }
0x15c: {  	[sflag:s12] =	ssyncset.done $0x0  }
0x15d: {  	[sflag:s12] =	ssyncadd.s32 $0xFFFFC000  }
0x15e: {  	_ =	swait.ge [sflag:s12], $0x4000  }
0x15f: {  	[sflag:s12] =	ssyncset.done $0x0  }
0x160: {  	[sflag:s12] =	ssyncadd.s32 $0xFFFFC000  }
0x161: {  	_ =	swait.ge [sflag:s12], $0x4000  }
0x162: {  	[sflag:s12] =	ssyncset.done $0x0  }
0x163: {  	[sflag:s12] =	ssyncadd.s32 $0xFFFFC000  }
0x164: {  	_ =	swait.ge [sflag:s12], $0x4000  }
0x165: {  	[sflag:s12] =	ssyncset.done $0x0  }
0x166: {  	[sflag:s12] =	ssyncadd.s32 $0xFFFFC000  }
0x167: {  	_ =	swait.ge [sflag:s12], $0x4000  }
0x168: {  	[sflag:s12] =	ssyncset.done $0x0  }
0x169: {  	[sflag:s12] =	ssyncadd.s32 $0xFFFFC000  }
0x16a: {  	_ =	swait.ge [sflag:s12], $0x4000  }
0x16b: {  	[sflag:s12] =	ssyncset.done $0x0  }
0x16c: {  	p1 =	sne.s32 s11, $0x800;
	[sflag:s12] =	ssyncadd.s32 $0xFFFFC000  }
.Ltmp0:
0x16d: {  	_ =	swait.ge [sflag:s12], $0x4000;
	(pc) =	sbr.rel @p1 .LBB2_2-.Ltmp0, $4  }
0x16e: {  	[sflag:s12] =	ssyncset.done $0x0  }
0x16f: {  	[sflag:s12] =	ssyncadd.s32 $0xFFFFC000  }
0x170: {  	_ =	swait.ge [sflag:s12], $0x4000  }
0x171: {  	s11 =	sadd.s32 $0x200, s11;
	s24 =	rddreg [dreg:$0x4];
	[sflag:s12] =	ssyncset.done $0x0  }
0x172: {  	[sflag:s12] =	ssyncadd.s32 $0xFFFFC000;
	s11 =	sadd.s32 s25, s24  }
0x173: {  	[tilespmem:s4], [sflag:$0x2] =	stream.linear.gather [hbm4b:s11+s4], $0x1000, $0x38;
	[tilespmem:$0x18C00] =	vst v63  }
0x174: {  	_ =	swait.ge [sflag:s10], $0x1000  }
0x175: {  	[sflag:s10] =	ssyncset.done $0x0  }
0x176: {  	[sflag:s10] =	ssyncadd.s32 $0xFFFFF000  }
0x177: {  	[spmem:s3] =	stream.indirect.scatter.add.f32 [tilespmem:s9], [sflag:$0x1], $0x80, s4, s13, $0xb8;
	[tilespmem:$0x18C00] =	vst v63  }
0x178: {  	_ = 	snop  }
0x179: {  	[spmem:s3] =	stream.indirect.scatter.add.f32 [tilespmem:s9], [sflag:$0x1], $0x80, s13, s13, $0xb8;
	[tilespmem:$0x18C00] =	vst v63  }
0x17a: {  	s24 =	rddreg [dreg:$0x5]  }
0x17b: {  	[spmem:s3] =	stream.indirect.scatter.add.f32 [tilespmem:s9], [sflag:$0x1], $0x80, s24, s13, $0xb8;
	[tilespmem:$0x18C00] =	vst v63  }
0x17c: {  	s14 =	rddreg [dreg:$0x6]  }
0x17d: {  	[spmem:s3] =	stream.indirect.scatter.add.f32 [tilespmem:s9], [sflag:$0x1], $0x80, s14, s13, $0xb8;
	[tilespmem:$0x18C00] =	vst v63  }
0x17e: {  	s25 =	rddreg [dreg:$0x7]  }
0x17f: {  	[spmem:s3] =	stream.indirect.scatter.add.f32 [tilespmem:s9], [sflag:$0x1], $0x80, s25, s13, $0xb8;
	[tilespmem:$0x18C00] =	vst v63  }
0x180: {  	s24 =	rddreg [dreg:$0x8]  }
0x181: {  	[spmem:s3] =	stream.indirect.scatter.add.f32 [tilespmem:s9], [sflag:$0x1], $0x80, s24, s13, $0xb8;
	[tilespmem:$0x18C00] =	vst v63  }
0x182: {  	s25 =	rddreg [dreg:$0x9]  }
0x183: {  	[spmem:s3] =	stream.indirect.scatter.add.f32 [tilespmem:s9], [sflag:$0x1], $0x80, s25, s13, $0xb8;
	[tilespmem:$0x18C00] =	vst v63  }
0x184: {  	s24 =	rddreg [dreg:$0xa]  }
0x185: {  	[spmem:s3] =	stream.indirect.scatter.add.f32 [tilespmem:s9], [sflag:$0x1], $0x80, s24, s13, $0xb8;
	[tilespmem:$0x18C00] =	vst v63  }
0x186: {  	s25 =	rddreg [dreg:$0xb]  }
0x187: {  	[spmem:s3] =	stream.indirect.scatter.add.f32 [tilespmem:s9], [sflag:$0x1], $0x80, s25, s13, $0xb8;
	[tilespmem:$0x18C00] =	vst v63  }
0x188: {  	s24 =	rddreg [dreg:$0xc]  }
0x189: {  	[spmem:s3] =	stream.indirect.scatter.add.f32 [tilespmem:s9], [sflag:$0x1], $0x80, s24, s13, $0xb8;
	[tilespmem:$0x18C00] =	vst v63  }
0x18a: {  	s25 =	simm.s32 $0x500  }
0x18b: {  	[spmem:s3] =	stream.indirect.scatter.add.f32 [tilespmem:s9], [sflag:$0x1], $0x80, s25, s13, $0xb8;
	[tilespmem:$0x18C00] =	vst v63  }
0x18c: {  	_ = 	snop  }
0x18d: {  	[spmem:s3] =	stream.indirect.scatter.add.f32 [tilespmem:s9], [sflag:$0x1], $0x80, s15, s13, $0xb8;
	[tilespmem:$0x18C00] =	vst v63  }
0x18e: {  	_ = 	snop  }
0x18f: {  	[spmem:s3] =	stream.indirect.scatter.add.f32 [tilespmem:s9], [sflag:$0x1], $0x80, s16, s13, $0xb8;
	[tilespmem:$0x18C00] =	vst v63  }
0x190: {  	_ = 	snop  }
0x191: {  	[spmem:s3] =	stream.indirect.scatter.add.f32 [tilespmem:s9], [sflag:$0x1], $0x80, s17, s13, $0xb8;
	[tilespmem:$0x18C00] =	vst v63  }
0x192: {  	_ = 	snop  }
0x193: {  	[spmem:s3] =	stream.indirect.scatter.add.f32 [tilespmem:s9], [sflag:$0x1], $0x80, s18, s13, $0xb8;
	[tilespmem:$0x18C00] =	vst v63  }
0x194: {  	_ = 	snop  }
0x195: {  	[spmem:s3] =	stream.indirect.scatter.add.f32 [tilespmem:s9], [sflag:$0x1], $0x80, s19, s13, $0xb8;
	[tilespmem:$0x18C00] =	vst v63  }
0x196: {  	_ = 	snop  }
0x197: {  	[spmem:s3] =	stream.indirect.scatter.add.f32 [tilespmem:s9], [sflag:$0x1], $0x80, s20, s13, $0xb8;
	[tilespmem:$0x18C00] =	vst v63  }
0x198: {  	_ = 	snop  }
0x199: {  	[spmem:s3] =	stream.indirect.scatter.add.f32 [tilespmem:s9], [sflag:$0x1], $0x80, s21, s13, $0xb8;
	[tilespmem:$0x18C00] =	vst v63  }
0x19a: {  	_ = 	snop  }
0x19b: {  	[spmem:s3] =	stream.indirect.scatter.add.f32 [tilespmem:s9], [sflag:$0x1], $0x80, s22, s13, $0xb8;
	[tilespmem:$0x18C00] =	vst v63  }
0x19c: {  	_ = 	snop  }
0x19d: {  	[spmem:s3] =	stream.indirect.scatter.add.f32 [tilespmem:s9], [sflag:$0x1], $0x80, s23, s13, $0xb8;
	[tilespmem:$0x18C00] =	vst v63  }
0x19e: {  	_ = 	snop  }
0x19f: {  	[spmem:s3] =	stream.indirect.scatter.add.f32 [tilespmem:s9], [sflag:$0x1], $0x80, s26, s13, $0xb8;
	[tilespmem:$0x18C00] =	vst v63  }
0x1a0: {  	_ = 	snop  }
0x1a1: {  	[spmem:s3] =	stream.indirect.scatter.add.f32 [tilespmem:s9], [sflag:$0x1], $0x80, s28, s13, $0xb8;
	[tilespmem:$0x18C00] =	vst v63  }
0x1a2: {  	_ = 	snop  }
0x1a3: {  	[spmem:s3] =	stream.indirect.scatter.add.f32 [tilespmem:s9], [sflag:$0x1], $0x80, s29, s13, $0xb8;
	[tilespmem:$0x18C00] =	vst v63  }
0x1a4: {  	_ = 	snop  }
0x1a5: {  	[spmem:s3] =	stream.indirect.scatter.add.f32 [tilespmem:s9], [sflag:$0x1], $0x80, s30, s13, $0xb8;
	[tilespmem:$0x18C00] =	vst v63  }
0x1a6: {  	_ = 	snop  }
0x1a7: {  	[spmem:s3] =	stream.indirect.scatter.add.f32 [tilespmem:s9], [sflag:$0x1], $0x80, s31, s13, $0xb8;
	[tilespmem:$0x18C00] =	vst v63  }
0x1a8: {  	_ = 	snop  }
0x1a9: {  	[spmem:s3] =	stream.indirect.scatter.add.f32 [tilespmem:s9], [sflag:$0x1], $0x80, s1, s13, $0xb8;
	[tilespmem:$0x18C00] =	vst v63  }
0x1aa: {  	_ = 	snop  }
0x1ab: {  	[spmem:s3] =	stream.indirect.scatter.add.f32 [tilespmem:s9], [sflag:$0x1], $0x80, s0, s13, $0xb8;
	[tilespmem:$0x18C00] =	vst v63  }
0x1ac: {  	_ = 	snop  }
0x1ad: {  	[spmem:s3] =	stream.indirect.scatter.add.f32 [tilespmem:s9], [sflag:$0x1], $0x80, s2, s13, $0xb8;
	[tilespmem:$0x18C00] =	vst v63  }
0x1ae: {  	_ = 	snop  }
0x1af: {  	[spmem:s3] =	stream.indirect.scatter.add.f32 [tilespmem:s9], [sflag:$0x1], $0x80, s5, s13, $0xb8;
	[tilespmem:$0x18C00] =	vst v63  }
0x1b0: {  	_ = 	snop  }
0x1b1: {  	[spmem:s3] =	stream.indirect.scatter.add.f32 [tilespmem:s9], [sflag:$0x1], $0x80, s6, s13, $0xb8;
	[tilespmem:$0x18C00] =	vst v63  }
0x1b2: {  	_ = 	snop  }
0x1b3: {  	[spmem:s3] =	stream.indirect.scatter.add.f32 [tilespmem:s9], [sflag:$0x1], $0x80, s7, s13, $0xb8;
	[tilespmem:$0x18C00] =	vst v63  }
0x1b4: {  	_ = 	snop  }
0x1b5: {  	[spmem:s3] =	stream.indirect.scatter.add.f32 [tilespmem:s9], [sflag:$0x1], $0x80, s8, s13, $0xb8;
	[tilespmem:$0x18C00] =	vst v63  }
0x1b6: {  	_ =	swait.ge [sflag:s12], $0x4000  }
0x1b7: {  	[sflag:s12] =	ssyncset.done $0x0  }
0x1b8: {  	[sflag:s12] =	ssyncadd.s32 $0xFFFFC000  }
0x1b9: {  	_ =	swait.ge [sflag:s12], $0x4000  }
0x1ba: {  	[sflag:s12] =	ssyncset.done $0x0  }
0x1bb: {  	[sflag:s12] =	ssyncadd.s32 $0xFFFFC000  }
0x1bc: {  	_ =	swait.ge [sflag:s12], $0x4000  }
0x1bd: {  	[sflag:s12] =	ssyncset.done $0x0  }
0x1be: {  	[sflag:s12] =	ssyncadd.s32 $0xFFFFC000  }
0x1bf: {  	_ =	swait.ge [sflag:s12], $0x4000  }
0x1c0: {  	[sflag:s12] =	ssyncset.done $0x0  }
0x1c1: {  	[sflag:s12] =	ssyncadd.s32 $0xFFFFC000  }
0x1c2: {  	_ =	swait.ge [sflag:s12], $0x4000  }
0x1c3: {  	[sflag:s12] =	ssyncset.done $0x0  }
0x1c4: {  	[sflag:s12] =	ssyncadd.s32 $0xFFFFC000  }
0x1c5: {  	_ =	swait.ge [sflag:s12], $0x4000  }
0x1c6: {  	[sflag:s12] =	ssyncset.done $0x0  }
0x1c7: {  	[sflag:s12] =	ssyncadd.s32 $0xFFFFC000  }
0x1c8: {  	_ =	swait.ge [sflag:s12], $0x4000  }
0x1c9: {  	[sflag:s12] =	ssyncset.done $0x0  }
0x1ca: {  	[sflag:s12] =	ssyncadd.s32 $0xFFFFC000  }
0x1cb: {  	_ =	swait.ge [sflag:s12], $0x4000  }
0x1cc: {  	[sflag:s12] =	ssyncset.done $0x0  }
0x1cd: {  	[sflag:s12] =	ssyncadd.s32 $0xFFFFC000  }
0x1ce: {  	_ =	swait.ge [sflag:s12], $0x4000  }
0x1cf: {  	[sflag:s12] =	ssyncset.done $0x0  }
0x1d0: {  	[sflag:s12] =	ssyncadd.s32 $0xFFFFC000  }
0x1d1: {  	_ =	swait.ge [sflag:s12], $0x4000  }
0x1d2: {  	[sflag:s12] =	ssyncset.done $0x0  }
0x1d3: {  	[sflag:s12] =	ssyncadd.s32 $0xFFFFC000  }
0x1d4: {  	_ =	swait.ge [sflag:s12], $0x4000  }
0x1d5: {  	[sflag:s12] =	ssyncset.done $0x0  }
0x1d6: {  	[sflag:s12] =	ssyncadd.s32 $0xFFFFC000  }
0x1d7: {  	_ =	swait.ge [sflag:s12], $0x4000  }
0x1d8: {  	[sflag:s12] =	ssyncset.done $0x0  }
0x1d9: {  	[sflag:s12] =	ssyncadd.s32 $0xFFFFC000  }
0x1da: {  	_ =	swait.ge [sflag:s12], $0x4000  }
0x1db: {  	[sflag:s12] =	ssyncset.done $0x0  }
0x1dc: {  	[sflag:s12] =	ssyncadd.s32 $0xFFFFC000  }
0x1dd: {  	_ =	swait.ge [sflag:s12], $0x4000  }
0x1de: {  	[sflag:s12] =	ssyncset.done $0x0  }
0x1df: {  	[sflag:s12] =	ssyncadd.s32 $0xFFFFC000  }
0x1e0: {  	_ =	swait.ge [sflag:s12], $0x4000  }
0x1e1: {  	[sflag:s12] =	ssyncset.done $0x0  }
0x1e2: {  	[sflag:s12] =	ssyncadd.s32 $0xFFFFC000  }
0x1e3: {  	_ =	swait.ge [sflag:s12], $0x4000  }
0x1e4: {  	[sflag:s12] =	ssyncset.done $0x0  }
0x1e5: {  	[sflag:s12] =	ssyncadd.s32 $0xFFFFC000  }
0x1e6: {  	_ =	swait.ge [sflag:s12], $0x4000  }
0x1e7: {  	[sflag:s12] =	ssyncset.done $0x0  }
0x1e8: {  	[sflag:s12] =	ssyncadd.s32 $0xFFFFC000  }
0x1e9: {  	_ =	swait.ge [sflag:s12], $0x4000  }
0x1ea: {  	[sflag:s12] =	ssyncset.done $0x0  }
0x1eb: {  	[sflag:s12] =	ssyncadd.s32 $0xFFFFC000  }
0x1ec: {  	_ =	swait.ge [sflag:s12], $0x4000  }
0x1ed: {  	[sflag:s12] =	ssyncset.done $0x0  }
0x1ee: {  	[sflag:s12] =	ssyncadd.s32 $0xFFFFC000  }
0x1ef: {  	_ =	swait.ge [sflag:s12], $0x4000  }
0x1f0: {  	[sflag:s12] =	ssyncset.done $0x0  }
0x1f1: {  	[sflag:s12] =	ssyncadd.s32 $0xFFFFC000  }
0x1f2: {  	_ =	swait.ge [sflag:s12], $0x4000  }
0x1f3: {  	[sflag:s12] =	ssyncset.done $0x0  }
0x1f4: {  	[sflag:s12] =	ssyncadd.s32 $0xFFFFC000  }
0x1f5: {  	_ =	swait.ge [sflag:s12], $0x4000  }
0x1f6: {  	[sflag:s12] =	ssyncset.done $0x0  }
0x1f7: {  	[sflag:s12] =	ssyncadd.s32 $0xFFFFC000  }
0x1f8: {  	_ =	swait.ge [sflag:s12], $0x4000  }
0x1f9: {  	[sflag:s12] =	ssyncset.done $0x0  }
0x1fa: {  	[sflag:s12] =	ssyncadd.s32 $0xFFFFC000  }
0x1fb: {  	_ =	swait.ge [sflag:s12], $0x4000  }
0x1fc: {  	[sflag:s12] =	ssyncset.done $0x0  }
0x1fd: {  	[sflag:s12] =	ssyncadd.s32 $0xFFFFC000  }
0x1fe: {  	_ =	swait.ge [sflag:s12], $0x4000  }
0x1ff: {  	[sflag:s12] =	ssyncset.done $0x0  }
0x200: {  	[sflag:s12] =	ssyncadd.s32 $0xFFFFC000  }
0x201: {  	_ =	swait.ge [sflag:s12], $0x4000  }
0x202: {  	[sflag:s12] =	ssyncset.done $0x0  }
0x203: {  	[sflag:s12] =	ssyncadd.s32 $0xFFFFC000  }
0x204: {  	_ =	swait.ge [sflag:s12], $0x4000  }
0x205: {  	[sflag:s12] =	ssyncset.done $0x0  }
0x206: {  	[sflag:s12] =	ssyncadd.s32 $0xFFFFC000  }
0x207: {  	_ =	swait.ge [sflag:s12], $0x4000  }
0x208: {  	[sflag:s12] =	ssyncset.done $0x0  }
0x209: {  	[sflag:s12] =	ssyncadd.s32 $0xFFFFC000  }
0x20a: {  	_ =	swait.ge [sflag:s12], $0x4000  }
0x20b: {  	[sflag:s12] =	ssyncset.done $0x0  }
0x20c: {  	[sflag:s12] =	ssyncadd.s32 $0xFFFFC000  }
0x20d: {  	_ =	swait.ge [sflag:s12], $0x4000  }
0x20e: {  	[sflag:s12] =	ssyncset.done $0x0  }
0x20f: {  	[sflag:s12] =	ssyncadd.s32 $0xFFFFC000  }
0x210: {  	_ =	swait.ge [sflag:s12], $0x4000  }
0x211: {  	[sflag:s12] =	ssyncset.done $0x0  }
0x212: {  	[sflag:s12] =	ssyncadd.s32 $0xFFFFC000  }
0x213: {  	_ =	swait.ge [sflag:s12], $0x4000  }
0x214: {  	[sflag:s12] =	ssyncset.done $0x0  }
0x215: {  	[sflag:s12] =	ssyncadd.s32 $0xFFFFC000  }
0x216: {  	[bflag:$0x0] =	sbarrier.arrive $0xFFFF  }
0x217: {  	s14 =	rddreg [dreg:$0xe]  }
0x218: {  	s24 =	rddreg [dreg:$0x11]  }
0x219: {  	s25 =	rddreg [dreg:$0x13]  }
0x21a: {  	[hbm:s14], [sflag:s24] =	dma.local [spmem:s25], $0x2700  }
0x21b: {  	_ =	swait.ge [sflag:s10], $0x2700  }
0x21c: {  	[sflag:s10] =	ssyncset.done $0x0;
	s11 =	rddreg [dreg:$0xf]  }
0x21d: {  	s14 =	rddreg [dreg:$0x14];
	[sflag:s10] =	ssyncadd.s32 $0xFFFFD900  }
0x21e: {  	[hbm:s11], [sflag:s24] =	dma.local @!p0 [spmem:s14], $0x100  }
0x21f: {  	s11 =	simm.s32 @!p0 $0x2  }
0x220: {  	_ =	swait.ge @!p0 [sflag:s11], $0x100  }
0x221: {  	s14 =	rddreg [dreg:$0x15]  }
0x222: {  	s25 =	sadd.s32 $0x1, s14;
	s14 =	rddreg [dreg:$0x10]  }
0x223: {  	p1 =	sne.s32 s25, s14  }
.Ltmp1:
0x224: {  	_ = 	snop;
	(pc) =	sbr.rel @p1 .LBB2_1-.Ltmp1, $3  }
0x225: {  	_ =	sdelay $0x1  }
0x226: {  	[sflag:s11] =	ssyncset.done @!p0 $0x0  }
0x227: {  	[sflag:s11] =	ssyncadd.s32 @!p0 $0xFFFFFF00  }
0x228: {  	_ =	sfence.sel $0x180000  }
0x229: {  	[bflag:$0x0] =	sbarrier.arrive $0xFFFF  }
0x22a: {  	_ =	strace $0x9000004A  }
0x22b: {  	s0 =	stileid.u32;
	[bflag:$0x2] =	sbarrier.arrive $0xFFFF  }
0x22c: {  	p0 =	sne.s32 s0, $0x0;
	s0 =	rddreg [dreg:$0x3]  }
0x22d: {  	s0 =	sadd.s32 @!p0 $0x100000, s0  }
0x22e: {  	[sflag:s0] =	ssyncadd.tile.s32 @!p0 $0x1;
	_ =	shalt  }
.Lfunc_end2:
_tile_overlayer_lowered:
.L_overlay_start_2:
0x22f: {  	(tag) =	ssettag $0x2  }
0x230: {  	s0 =	rddreg [dreg:$0x0];
	s2 =	stileid.u32  }
0x231: {  	s1 =	rddreg [dreg:$0x1];
	p0 =	sne.s32 s2, $0x0  }
0x232: {  	s3 =	rddreg [dreg:$0x2];
	[bflag:$0x3] =	sbarrier.arrive $0xFFFF;
	s2 =	simm.s32 @!p0 $0x1C02  }
0x233: {  	[timem:s3], [sflag:s2] =	dma.local @!p0 [hbm:s0], s1  }
0x234: {  	s0 =	simm.s32 @!p0 $0x2  }
0x235: {  	_ =	swait.ge @!p0 [sflag:s0], s1  }
0x236: {  	s1 =	ssub.s32 @!p0 $0x0, s1;
	[sflag:s0] =	ssyncset.done @!p0 $0x0  }
0x237: {  	[sflag:s0] =	ssyncadd.s32 @!p0 s1  }
0x238: {  	[bflag:$0x3] =	sbarrier.arrive $0xFFFF  }
0x239: {  	_ =	shalt  }

// kernel: kernel.17.cloned.1.call-start
scs
__scs_entry_jumppad:
0x0: {  	(pc) =	sbr.rel $0x88, $3  }
0x1: {  	(tag) =	ssettag $0x0;
	lr =	simm.s32 $0x1  }
0x2: {  	[smem:$0x3F81] =	sst lr;
	_ =	strace $0xD0000000  }
0x3: {  	_ = 	snop  }
0x4: {  	_ = 	snop  }
0x5: {  	_ = 	snop  }
0x6: {  	_ = 	snop  }
0x7: {  	_ = 	snop  }
__scs_overlays_trampoline_lowered:
0x8: {  	[smem:$0x3F90] =	sst s0  }
0x9: {  	[smem:$0x3F91] =	sst s1  }
0xa: {  	[smem:$0x3F92] =	sst s2  }
0xb: {  	[smem:$0x3F93] =	sst s3  }
0xc: {  	[smem:$0x3F94] =	sst s4  }
0xd: {  	[smem:$0x3F95] =	sst s5  }
0xe: {  	[smem:$0x3F96] =	sst s6  }
0xf: {  	[smem:$0x3F97] =	sst s7  }
0x10: {  	[smem:$0x3F98] =	sst s8  }
0x11: {  	[smem:$0x3F99] =	sst s9;
	s0 =	simm.s32 @!p0 $0x0  }
0x12: {  	s1 =	sld [smem:$0x3F7F];
	s0 =	simm.s32 @p0 $0x1  }
0x13: {  	[smem:$0x3F9A] =	sst s0;
	s0 =	simm.s32 @!p1 $0x0  }
0x14: {  	s2 =	sld [smem:$0x3F7E];
	s0 =	simm.s32 @p1 $0x1  }
0x15: {  	[smem:$0x3F9B] =	sst s0;
	s0 =	simm.s32 @!p2 $0x0  }
0x16: {  	s3 =	sld [smem:$0x3FDB];
	s0 =	simm.s32 @p2 $0x1  }
0x17: {  	s4 =	simm.s32 $0x1BF5;
	[smem:$0x3F9D] =	sst s0  }
0x18: {  	s0 =	sld [smem:$0x3F80];
	_ =	swait.ge [sflag:s4], $0x0  }
0x19: {  	s7 =	sld [smem:$0x3F81]  }
0x1a: {  	s8 =	sadd.s32 $0xFFFFE003, lr  }
0x1b: {  	s9 =	sadd.s32 $0xFFFFFEF7, lr;
	s5 =	simm.s32 $0xFFFFFFFF;
	p2 =	slt.u32 s8, $0xFFFFF086  }
0x1c: {  	p1 =	slt.u32 s9, $0xF7A;
	s5 =	simm.s32 @!p2 $0x0  }
0x1d: {  	s5 =	simm.s32 @p1 $0x1;
	p0 =	seq.s32 s7, s2  }
0x1e: {  	s7 =	smul.u32 @!p0 $0xF7A, s2;
	p2 =	seq.s32 @!p0 s5, $0x0  }
0x1f: {  	s9 =	smul.u32 $0xF7A, s1;
	s8 =	simm.s32 @!p0 $0x1BF5;
	p2 =	por !p2, p0  }
0x20: {  	[sflag:s8] =	ssyncset.s32 @!p0 $0xFFFFF086;
	s6 =	sadd.s32 @!p0 s3, s7;
	s7 =	simm.s32 @!p0 $0x108  }
0x21: {  	s3 =	sadd.s32 s3, s9;
	s6 =	sadd.s32 @!p0 $0x88, s6;
	s7 =	simm.s32 @p2 $0x1082  }
0x22: {  	[simem:s7], [sflag:s8] =	dma.local @!p0 [hbm:s6], $0xF7A  }
0x23: {  	s9 =	sor.u32 $0xD0000000, s2;
	s6 =	simm.s32 $0x108;
	_ =	swait.ge @!p0 [sflag:s8], $0x0  }
0x24: {  	s3 =	sadd.s32 $0x88, s3;
	s6 =	simm.s32 @!p1 $0x1082;
	[sflag:s4] =	ssyncset.s32 $0xFFFFF086  }
0x25: {  	[simem:s6], [sflag:s4] =	dma.local [hbm:s3], $0xF7A  }
0x26: {  	[smem:$0x3F81] =	sst s1;
	(tag) =	ssettag s2;
	_ =	strace s9  }
0x27: {  	s1 =	sld [smem:$0x3F91]  }
0x28: {  	s2 =	sld [smem:$0x3F92]  }
0x29: {  	s4 =	sld [smem:$0x3F94]  }
0x2a: {  	p0 =	seq.s32 s5, $0x0;
	s5 =	sld [smem:$0x3F95]  }
0x2b: {  	s6 =	sld [smem:$0x3F96]  }
0x2c: {  	s7 =	sld [smem:$0x3F97]  }
0x2d: {  	s3 =	simm.s32 $0x108;
	s8 =	sld [smem:$0x3F98]  }
0x2e: {  	s3 =	simm.s32 @!p0 $0x1082;
	s9 =	sld [smem:$0x3F99]  }
0x2f: {  	lr =	sadd.s32 s0, s3;
	s0 =	sld [smem:$0x3F90]  }
0x30: {  	s3 =	sld [smem:$0x3F93]  }
0x31: {  	[smem:$0x3F9C] =	sst s10  }
0x32: {  	s10 =	sld [smem:$0x3F9A];
	_ =	sdelay $0x3  }
0x33: {  	p0 =	seq.s32 s10, $0x1;
	s10 =	sld [smem:$0x3F9C];
	_ =	sdelay $0x3  }
0x34: {  	[smem:$0x3F9C] =	sst s10  }
0x35: {  	s10 =	sld [smem:$0x3F9B];
	_ =	sdelay $0x3  }
0x36: {  	p1 =	seq.s32 s10, $0x1;
	s10 =	sld [smem:$0x3F9C];
	_ =	sdelay $0x3  }
0x37: {  	[smem:$0x3F9C] =	sst s10  }
0x38: {  	s10 =	sld [smem:$0x3F9D]  }
0x39: {  	_ = 	snop;
	(pc) =	sbr.ind lr, $3  }
0x3a: {  	_ = 	snop  }
0x3b: {  	_ = 	snop  }
0x3c: {  	p2 =	seq.s32 s10, $0x1;
	s10 =	sld [smem:$0x3F9C]  }
0x3d: {  	_ =	shalt  }
0x3e: {  	_ =	shalt  }
0x3f: {  	_ =	shalt  }
0x40: {  	_ =	shalt  }
0x41: {  	_ =	shalt  }
0x42: {  	_ =	shalt  }
0x43: {  	_ =	shalt  }
0x44: {  	_ =	shalt  }
0x45: {  	_ =	shalt  }
0x46: {  	_ =	shalt  }
0x47: {  	_ =	shalt  }
0x48: {  	_ =	shalt  }
0x49: {  	_ =	shalt  }
0x4a: {  	_ =	shalt  }
0x4b: {  	_ =	shalt  }
0x4c: {  	_ =	shalt  }
0x4d: {  	_ =	shalt  }
0x4e: {  	_ =	shalt  }
0x4f: {  	_ =	shalt  }
0x50: {  	_ =	shalt  }
0x51: {  	_ =	shalt  }
0x52: {  	_ =	shalt  }
0x53: {  	_ =	shalt  }
0x54: {  	_ =	shalt  }
0x55: {  	_ =	shalt  }
0x56: {  	_ =	shalt  }
0x57: {  	_ =	shalt  }
0x58: {  	_ =	shalt  }
0x59: {  	_ =	shalt  }
0x5a: {  	_ =	shalt  }
0x5b: {  	_ =	shalt  }
0x5c: {  	_ =	shalt  }
0x5d: {  	_ =	shalt  }
0x5e: {  	_ =	shalt  }
0x5f: {  	_ =	shalt  }
0x60: {  	_ =	shalt  }
0x61: {  	_ =	shalt  }
0x62: {  	_ =	shalt  }
0x63: {  	_ =	shalt  }
0x64: {  	_ =	shalt  }
0x65: {  	_ =	shalt  }
0x66: {  	_ =	shalt  }
0x67: {  	_ =	shalt  }
0x68: {  	_ =	shalt  }
0x69: {  	_ =	shalt  }
0x6a: {  	_ =	shalt  }
0x6b: {  	_ =	shalt  }
0x6c: {  	_ =	shalt  }
0x6d: {  	_ =	shalt  }
0x6e: {  	_ =	shalt  }
0x6f: {  	_ =	shalt  }
0x70: {  	_ =	shalt  }
0x71: {  	_ =	shalt  }
0x72: {  	_ =	shalt  }
0x73: {  	_ =	shalt  }
0x74: {  	_ =	shalt  }
0x75: {  	_ =	shalt  }
0x76: {  	_ =	shalt  }
0x77: {  	_ =	shalt  }
0x78: {  	_ =	shalt  }
0x79: {  	_ =	shalt  }
0x7a: {  	_ =	shalt  }
0x7b: {  	_ =	shalt  }
0x7c: {  	_ =	shalt  }
0x7d: {  	_ =	shalt  }
0x7e: {  	_ =	shalt  }
0x7f: {  	_ =	shalt  }
0x80: {  	_ =	shalt  }
0x81: {  	_ =	shalt  }
0x82: {  	_ =	shalt  }
0x83: {  	_ =	shalt  }
0x84: {  	_ =	shalt  }
0x85: {  	_ =	shalt  }
0x86: {  	_ =	shalt  }
0x87: {  	_ =	shalt  }
.Lfunc_end0:
.L_simem_size_0:
called_computation.1_lowered:
.L_overlay_start_0:
0x88: {  	s2 =	sld [smem:$0x3FD9]  }
0x89: {  	s3 =	sld [smem:$0x3FFE];
	_ =	sdelay $0x1  }
0x8a: {  	s1 =	srdreg.scid  }
0x8b: {  	s0 =	sand.u32 $0x1, s1  }
0x8c: {  	s14 =	sshll.u32 s0, $0xA;
	s2 =	sadd.s32 s3, s2  }
0x8d: {  	s2 =	sadd.s32 s2, s14  }
0x8e: {  	[smem:$0x3FA8] =	sst s2  }
0x8f: {  	_ = 	snop  }
0x90: {  	s2 =	sld [smem:$0x3FD0];
	_ =	sdelay $0x2  }
0x91: {  	s15 =	simm.s32 $0xB;
	s4 =	simm.s32 $0x10  }
0x92: {  	[smem:s4], [sflag:s15] =	dma.local [hbm:s2], $0x1  }
0x93: {  	_ =	swait.eq [sflag:s15], $0x1  }
0x94: {  	[sflag:s15] =	ssyncset.done $0x0  }
0x95: {  	[sflag:s15] =	ssyncadd.s32 $0xFFFFFFFF  }
0x96: {  	s16 =	sld [smem:$0x10];
	(tm) =	ssettm $0x1  }
0x97: {  	s17 =	sld [smem:$0x3FFB];
	_ =	sdelay $0x3  }
0x98: {  	_ =	strace s17  }
0x99: {  	s3 =	sld [smem:$0x3FFC];
	_ =	sdelay $0x3  }
0x9a: {  	_ =	strace s3  }
0x9b: {  	s3 =	sld [smem:$0x3FFD];
	_ =	sdelay $0x3  }
0x9c: {  	_ =	strace s3  }
0x9d: {  	_ =	strace $0x8FFFFFFF  }
0x9e: {  	s18 =	sld [smem:$0x3FDB];
	_ =	sdelay $0x1  }
0x9f: {  	s19 =	simm.s32 $_scs_section_size  }
0xa0: {  	s5 =	simm.s32 $_size__tile_overlayer_lowered;
	s6 =	simm.s32 $_tile_overlayer_lowered  }
0xa1: {  	s22 =	simm.s32 $0x1BFF;
	s21 =	sshll.u32 s6, $0x1;
	s3 =	sadd.s32 s19, s18  }
0xa2: {  	s7 =	simm.s32 $0x0;
	s20 =	sshll.u32 s5, $0x1;
	s5 =	sadd.s32 s21, s3  }
0xa3: {  	[timem:s7], [sflag:s22] =	dma.local [hbm:s5], s20  }
0xa4: {  	_ =	swait.ge [sflag:s22], s20  }
0xa5: {  	s4 =	ssub.s32 $0x0, s20;
	[sflag:s22] =	ssyncset.done $0x0  }
0xa6: {  	[sflag:s22] =	ssyncadd.s32 s4;
	_ =	sdelay $0x1  }
0xa7: {  	s23 =	simm.s32 $0x1B8B  }
0xa8: {  	_ =	swait.ge [sflag:s23], $0x1  }
0xa9: {  	[sflag:s23] =	ssyncset.done $0x0  }
0xaa: {  	s25 =	simm.s32 $0x1B8E;
	s24 =	sld [smem:$0x3FFE];
	[sflag:s23] =	ssyncadd.s32 $0xFFFFFFFF  }
0xab: {  	s26 =	simm.s32 $execute0_lowered;
	[smem:$0x3FD2] =	sst s25  }
0xac: {  	s5 =	sshll.u32 s26, $0x1;
	_ =	strace $0x80000046;
	[dreg:$0x1] =	wrdreg $0xFFFFFFFF  }
0xad: {  	s28 =	simm.s32 $_size_execute0_lowered;
	s3 =	sadd.s32 s3, s5;
	[dreg:$0x0] =	wrdreg $0x0  }
0xae: {  	s5 =	sshll.u32 s28, $0x1;
	[dreg:$0x2] =	wrdreg s3  }
0xaf: {  	[dreg:$0x3] =	wrdreg s5  }
0xb0: {  	[dreg:$0x4] =	wrdreg $0xC0  }
0xb1: {  	_ =	task [dreg:s7], $0x5FFFF  }
0xb2: {  	[dreg:$0x1] =	wrdreg $0xFFFFFFFF  }
0xb3: {  	[dreg:$0x0] =	wrdreg $0x60  }
0xb4: {  	[dreg:$0x2] =	wrdreg s24  }
0xb5: {  	[dreg:$0x3] =	wrdreg s16  }
0xb6: {  	[dreg:$0x4] =	wrdreg $0x50000  }
0xb7: {  	[dreg:$0x5] =	wrdreg $0xA  }
0xb8: {  	_ =	task.clear_ibuf [dreg:s7], $0x6FFFF;
	_ =	strace $0x90000046  }
0xb9: {  	s29 =	simm.s32 $0xA;
	_ =	strace $0x80000048  }
0xba: {  	_ =	swait.ge [sflag:s29], $0x1  }
0xbb: {  	[sflag:s29] =	ssyncadd.s32 $0xFFFFFFFF  }
0xbc: {  	_ =	strace $0x90000048  }
0xbd: {  	_ =	sfence  }
0xbe: {  	s30 =	sld [smem:$0x0];
	_ =	sdelay $0x2  }
0xbf: {  	s31 =	sshll.u32 s1, $0xD;
	s1 =	sshrl.u32 s1, $0x2  }
0xc0: {  	s3 =	sand.u32 $0x4000, s31;
	s1 =	sadd.s32 s1, s30  }
0xc1: {  	s0 =	sor.u32 s3, s0;
	s1 =	sshll.u32 s1, $0x11  }
0xc2: {  	s0 =	sor.u32 s1, s0  }
0xc3: {  	s0 =	sadd.s32 $0x8F2B, s0  }
0xc4: {  	[sflag:s0] =	ssyncadd.remote.s32 $0x1  }
0xc5: {  	_ =	sfence.sel $0xFFFF  }
0xc6: {  	[dreg:$0x0] =	wrdreg $0xFFFFFFFF;
	(pc) =	sbr.abs _section_cstart, $3  }
0xc7: {  	[dreg:$0x1] =	wrdreg $0xFFFFFFFF  }
0xc8: {  	_ =	task.clear_ibuf [dreg:s7], $0x2FFFF;
	_ =	strace $0x9FFFFFFF  }
0xc9: {  	(tm) =	ssettm $0x7FFFFFFF  }
tec
execute0_lowered:
.L_overlay_start_1:
0x0: {  	(tag) =	ssettag $0x1  }
0x1: {  	s0 =	rddreg [dreg:$0x0];
	s1 =	srdreg.scid  }
0x2: {  	s11 =	stileid.u32;
	s3 =	rddreg [dreg:$0x2];
	s4 =	simm.s32 $0x0  }
0x3: {  	s14 =	simm.s32 $0x100;
	s15 =	simm.s32 $0x180;
	s16 =	simm.s32 $0x200  }
0x4: {  	s18 =	simm.s32 $0x280;
	s19 =	simm.s32 $0x300;
	s20 =	simm.s32 $0x380  }
0x5: {  	s22 =	simm.s32 $0x400;
	[smem:$0x7FF] =	sst s4;
	s6 =	sadd.s32 $0x1CC00, s0  }
0x6: {  	s23 =	simm.s32 $0x480;
	_ =	strace $0x80000047;
	[dreg:$0xd] =	wrdreg s6  }
0x7: {  	s28 =	simm.s32 $0xA80;
	s29 =	simm.s32 $0xB00;
	[dreg:$0x5] =	wrdreg s14  }
0x8: {  	s30 =	simm.s32 $0xB80;
	s5 =	smul.u32 $0x5000, s11;
	[dreg:$0x6] =	wrdreg s15  }
0x9: {  	s31 =	simm.s32 $0xC00;
	s12 =	smul.u32 $0x4F000, s11;
	[dreg:$0x7] =	wrdreg s16  }
0xa: {  	s1 =	sand.u32 $0x1, s1;
	s13 =	smul.u32 $0x4E000, s11;
	[dreg:$0x8] =	wrdreg s18  }
0xb: {  	s10 =	smul.u32 $0x2700, s11;
	s21 =	sshll.u32 s11, $0x6;
	[dreg:$0x9] =	wrdreg s19  }
0xc: {  	p0 =	sne.s32 s11, $0xF;
	s2 =	smul.u32 $0x50000, s1;
	[dreg:$0xa] =	wrdreg s20  }
0xd: {  	s7 =	ssub.s32 $0x2, s1;
	s8 =	smul.u32 $0x27100, s1;
	[dreg:$0xb] =	wrdreg s22  }
0xe: {  	s1 =	smul.u32 $0x138800, s1;
	s24 =	sor.u32 $0x1C02, s21;
	[dreg:$0xc] =	wrdreg s23  }
0xf: {  	s15 =	simm.s32 $0x580;
	s16 =	simm.s32 $0x600;
	s18 =	simm.s32 $0x700  }
0x10: {  	s19 =	simm.s32 $0x780;
	s20 =	simm.s32 $0x800;
	s21 =	simm.s32 $0x880  }
0x11: {  	s22 =	simm.s32 $0x900;
	s23 =	simm.s32 $0x980;
	s9 =	sshrl.u32 s7, $0x1  }
0x12: {  	s6 =	sshrl.u32 s13, $0x2;
	s13 =	simm.s32 $0x80;
	[dreg:$0x11] =	wrdreg s24  }
0x13: {  	s2 =	sadd.s32 s5, s2;
	s5 =	sshrl.u32 s12, $0x2;
	s7 =	ssub.s32 s7, s9  }
0x14: {  	s6 =	sadd.s32 s6, s3;
	s8 =	sadd.s32 s10, s8;
	s1 =	sshrl.u32 s1, $0x3  }
0x15: {  	s9 =	simm.s32 $0x1000;
	s10 =	simm.s32 $0x2;
	s12 =	simm.s32 $0x1  }
0x16: {  	s2 =	sshrl.u32 s2, $0x3;
	s5 =	sadd.s32 s5, s3;
	s17 =	smax.u32 s7, $0x1  }
0x17: {  	s26 =	sshrl.u32 s6, $0x3;
	s6 =	simm.s32 $0xE80;
	s7 =	simm.s32 $0xF00  }
0x18: {  	s2 =	sadd.s32 s2, s0;
	s0 =	sadd.s32 $0x1F400, s0;
	[dreg:$0x10] =	wrdreg s17  }
0x19: {  	s25 =	sshrl.u32 s5, $0x3;
	s17 =	simm.s32 $0x680;
	[dreg:$0x13] =	wrdreg s26  }
0x1a: {  	s26 =	simm.s32 $0xA00;
	s5 =	simm.s32 $0xE00;
	s8 =	sadd.s32 s0, s8  }
0x1b: {  	s2 =	sadd.s32 $0x8C00, s2;
	s0 =	sadd.s32 s0, s1;
	[dreg:$0x12] =	wrdreg s25  }
0x1c: {  	s1 =	simm.s32 $0xC80;
	s25 =	simm.s32 $0x0;
	[dreg:$0xe] =	wrdreg s8  }
0x1d: {  	s8 =	sadd.s32 $0x138000, s3;
	[dreg:$0x4] =	wrdreg s2;
	s0 =	sadd.s32 $0x27000, s0  }
0x1e: {  	s2 =	simm.s32 $0xD80;
	[dreg:$0xf] =	wrdreg s0;
	s0 =	sshrl.u32 @!p0 s8, $0x3  }
0x1f: {  	s8 =	simm.s32 $0xF80;
	[dreg:$0x14] =	wrdreg s0;
	s0 =	simm.s32 $0xD00  }
.LBB2_1:
0x20: {  	[dreg:$0x15] =	wrdreg s25  }
0x21: {  	s11 =	rddreg [dreg:$0x1]  }
0x22: {  	[tilespmem:s9], [sflag:$0x2] =	stream.linear.gather [hbm4b:s11+s4], $0x4000, $0x38;
	[tilespmem:$0x18C00] =	vst v63  }
0x23: {  	_ =	swait.ge [sflag:s10], $0x4000  }
0x24: {  	[sflag:s10] =	ssyncset.done $0x0;
	s25 =	rddreg [dreg:$0xd]  }
0x25: {  	s14 =	rddreg [dreg:$0x12];
	[sflag:s10] =	ssyncadd.s32 $0xFFFFC000  }
0x26: {  	[spmem:s14], [sflag:s24] =	dma.local [hbm:s25], $0x2780  }
0x27: {  	_ =	swait.ge [sflag:s10], $0x2780  }
0x28: {  	[sflag:s10] =	ssyncset.done $0x0  }
0x29: {  	[sflag:s10] =	ssyncadd.s32 $0xFFFFD880  }
0x2a: {  	[bflag:$0x0] =	sbarrier.arrive $0xFFFF  }
0x2b: {  	s24 =	rddreg [dreg:$0x4]  }
0x2c: {  	s11 =	sadd.s32 $0x0, s24  }
0x2d: {  	[tilespmem:s4], [sflag:$0x2] =	stream.linear.gather [hbm4b:s11+s4], $0x1000, $0x38;
	[tilespmem:$0x18C00] =	vst v63  }
0x2e: {  	_ =	swait.ge [sflag:s10], $0x1000  }
0x2f: {  	[sflag:s10] =	ssyncset.done $0x0  }
0x30: {  	[sflag:s10] =	ssyncadd.s32 $0xFFFFF000  }
0x31: {  	[spmem:s3] =	stream.indirect.scatter.add.f32 [tilespmem:s9], [sflag:$0x1], $0x80, s4, s13, $0xb8;
	[tilespmem:$0x18C00] =	vst v63  }
0x32: {  	_ = 	snop  }
0x33: {  	[spmem:s3] =	stream.indirect.scatter.add.f32 [tilespmem:s9], [sflag:$0x1], $0x80, s13, s13, $0xb8;
	[tilespmem:$0x18C00] =	vst v63  }
0x34: {  	s25 =	rddreg [dreg:$0x5]  }
0x35: {  	[spmem:s3] =	stream.indirect.scatter.add.f32 [tilespmem:s9], [sflag:$0x1], $0x80, s25, s13, $0xb8;
	[tilespmem:$0x18C00] =	vst v63  }
0x36: {  	s14 =	rddreg [dreg:$0x6]  }
0x37: {  	[spmem:s3] =	stream.indirect.scatter.add.f32 [tilespmem:s9], [sflag:$0x1], $0x80, s14, s13, $0xb8;
	[tilespmem:$0x18C00] =	vst v63  }
0x38: {  	s25 =	rddreg [dreg:$0x7]  }
0x39: {  	[spmem:s3] =	stream.indirect.scatter.add.f32 [tilespmem:s9], [sflag:$0x1], $0x80, s25, s13, $0xb8;
	[tilespmem:$0x18C00] =	vst v63  }
0x3a: {  	s14 =	rddreg [dreg:$0x8]  }
0x3b: {  	[spmem:s3] =	stream.indirect.scatter.add.f32 [tilespmem:s9], [sflag:$0x1], $0x80, s14, s13, $0xb8;
	[tilespmem:$0x18C00] =	vst v63  }
0x3c: {  	s25 =	rddreg [dreg:$0x9]  }
0x3d: {  	[spmem:s3] =	stream.indirect.scatter.add.f32 [tilespmem:s9], [sflag:$0x1], $0x80, s25, s13, $0xb8;
	[tilespmem:$0x18C00] =	vst v63  }
0x3e: {  	s14 =	rddreg [dreg:$0xa]  }
0x3f: {  	[spmem:s3] =	stream.indirect.scatter.add.f32 [tilespmem:s9], [sflag:$0x1], $0x80, s14, s13, $0xb8;
	[tilespmem:$0x18C00] =	vst v63  }
0x40: {  	s25 =	rddreg [dreg:$0xb]  }
0x41: {  	[spmem:s3] =	stream.indirect.scatter.add.f32 [tilespmem:s9], [sflag:$0x1], $0x80, s25, s13, $0xb8;
	[tilespmem:$0x18C00] =	vst v63  }
0x42: {  	s14 =	rddreg [dreg:$0xc]  }
0x43: {  	[spmem:s3] =	stream.indirect.scatter.add.f32 [tilespmem:s9], [sflag:$0x1], $0x80, s14, s13, $0xb8;
	[tilespmem:$0x18C00] =	vst v63  }
0x44: {  	s25 =	simm.s32 $0x500  }
0x45: {  	[spmem:s3] =	stream.indirect.scatter.add.f32 [tilespmem:s9], [sflag:$0x1], $0x80, s25, s13, $0xb8;
	[tilespmem:$0x18C00] =	vst v63  }
0x46: {  	_ = 	snop  }
0x47: {  	[spmem:s3] =	stream.indirect.scatter.add.f32 [tilespmem:s9], [sflag:$0x1], $0x80, s15, s13, $0xb8;
	[tilespmem:$0x18C00] =	vst v63  }
0x48: {  	_ = 	snop  }
0x49: {  	[spmem:s3] =	stream.indirect.scatter.add.f32 [tilespmem:s9], [sflag:$0x1], $0x80, s16, s13, $0xb8;
	[tilespmem:$0x18C00] =	vst v63  }
0x4a: {  	_ = 	snop  }
0x4b: {  	[spmem:s3] =	stream.indirect.scatter.add.f32 [tilespmem:s9], [sflag:$0x1], $0x80, s17, s13, $0xb8;
	[tilespmem:$0x18C00] =	vst v63  }
0x4c: {  	_ = 	snop  }
0x4d: {  	[spmem:s3] =	stream.indirect.scatter.add.f32 [tilespmem:s9], [sflag:$0x1], $0x80, s18, s13, $0xb8;
	[tilespmem:$0x18C00] =	vst v63  }
0x4e: {  	_ = 	snop  }
0x4f: {  	[spmem:s3] =	stream.indirect.scatter.add.f32 [tilespmem:s9], [sflag:$0x1], $0x80, s19, s13, $0xb8;
	[tilespmem:$0x18C00] =	vst v63  }
0x50: {  	_ = 	snop  }
0x51: {  	[spmem:s3] =	stream.indirect.scatter.add.f32 [tilespmem:s9], [sflag:$0x1], $0x80, s20, s13, $0xb8;
	[tilespmem:$0x18C00] =	vst v63  }
0x52: {  	_ = 	snop  }
0x53: {  	[spmem:s3] =	stream.indirect.scatter.add.f32 [tilespmem:s9], [sflag:$0x1], $0x80, s21, s13, $0xb8;
	[tilespmem:$0x18C00] =	vst v63  }
0x54: {  	_ = 	snop  }
0x55: {  	[spmem:s3] =	stream.indirect.scatter.add.f32 [tilespmem:s9], [sflag:$0x1], $0x80, s22, s13, $0xb8;
	[tilespmem:$0x18C00] =	vst v63  }
0x56: {  	_ = 	snop  }
0x57: {  	[spmem:s3] =	stream.indirect.scatter.add.f32 [tilespmem:s9], [sflag:$0x1], $0x80, s23, s13, $0xb8;
	[tilespmem:$0x18C00] =	vst v63  }
0x58: {  	_ = 	snop  }
0x59: {  	[spmem:s3] =	stream.indirect.scatter.add.f32 [tilespmem:s9], [sflag:$0x1], $0x80, s26, s13, $0xb8;
	[tilespmem:$0x18C00] =	vst v63  }
0x5a: {  	_ = 	snop  }
0x5b: {  	[spmem:s3] =	stream.indirect.scatter.add.f32 [tilespmem:s9], [sflag:$0x1], $0x80, s28, s13, $0xb8;
	[tilespmem:$0x18C00] =	vst v63  }
0x5c: {  	_ = 	snop  }
0x5d: {  	[spmem:s3] =	stream.indirect.scatter.add.f32 [tilespmem:s9], [sflag:$0x1], $0x80, s29, s13, $0xb8;
	[tilespmem:$0x18C00] =	vst v63  }
0x5e: {  	_ = 	snop  }
0x5f: {  	[spmem:s3] =	stream.indirect.scatter.add.f32 [tilespmem:s9], [sflag:$0x1], $0x80, s30, s13, $0xb8;
	[tilespmem:$0x18C00] =	vst v63  }
0x60: {  	_ = 	snop  }
0x61: {  	[spmem:s3] =	stream.indirect.scatter.add.f32 [tilespmem:s9], [sflag:$0x1], $0x80, s31, s13, $0xb8;
	[tilespmem:$0x18C00] =	vst v63  }
0x62: {  	_ = 	snop  }
0x63: {  	[spmem:s3] =	stream.indirect.scatter.add.f32 [tilespmem:s9], [sflag:$0x1], $0x80, s1, s13, $0xb8;
	[tilespmem:$0x18C00] =	vst v63  }
0x64: {  	_ = 	snop  }
0x65: {  	[spmem:s3] =	stream.indirect.scatter.add.f32 [tilespmem:s9], [sflag:$0x1], $0x80, s0, s13, $0xb8;
	[tilespmem:$0x18C00] =	vst v63  }
0x66: {  	_ = 	snop  }
0x67: {  	[spmem:s3] =	stream.indirect.scatter.add.f32 [tilespmem:s9], [sflag:$0x1], $0x80, s2, s13, $0xb8;
	[tilespmem:$0x18C00] =	vst v63  }
0x68: {  	_ = 	snop  }
0x69: {  	[spmem:s3] =	stream.indirect.scatter.add.f32 [tilespmem:s9], [sflag:$0x1], $0x80, s5, s13, $0xb8;
	[tilespmem:$0x18C00] =	vst v63  }
0x6a: {  	_ = 	snop  }
0x6b: {  	[spmem:s3] =	stream.indirect.scatter.add.f32 [tilespmem:s9], [sflag:$0x1], $0x80, s6, s13, $0xb8;
	[tilespmem:$0x18C00] =	vst v63  }
0x6c: {  	_ = 	snop  }
0x6d: {  	[spmem:s3] =	stream.indirect.scatter.add.f32 [tilespmem:s9], [sflag:$0x1], $0x80, s7, s13, $0xb8;
	[tilespmem:$0x18C00] =	vst v63  }
0x6e: {  	_ = 	snop  }
0x6f: {  	[spmem:s3] =	stream.indirect.scatter.add.f32 [tilespmem:s9], [sflag:$0x1], $0x80, s8, s13, $0xb8;
	[tilespmem:$0x18C00] =	vst v63  }
0x70: {  	_ =	swait.ge [sflag:s12], $0x4000  }
0x71: {  	[sflag:s12] =	ssyncset.done $0x0  }
0x72: {  	[sflag:s12] =	ssyncadd.s32 $0xFFFFC000  }
0x73: {  	_ =	swait.ge [sflag:s12], $0x4000  }
0x74: {  	[sflag:s12] =	ssyncset.done $0x0  }
0x75: {  	[sflag:s12] =	ssyncadd.s32 $0xFFFFC000  }
0x76: {  	_ =	swait.ge [sflag:s12], $0x4000  }
0x77: {  	[sflag:s12] =	ssyncset.done $0x0  }
0x78: {  	[sflag:s12] =	ssyncadd.s32 $0xFFFFC000  }
0x79: {  	_ =	swait.ge [sflag:s12], $0x4000  }
0x7a: {  	[sflag:s12] =	ssyncset.done $0x0  }
0x7b: {  	[sflag:s12] =	ssyncadd.s32 $0xFFFFC000  }
0x7c: {  	_ =	swait.ge [sflag:s12], $0x4000  }
0x7d: {  	[sflag:s12] =	ssyncset.done $0x0  }
0x7e: {  	[sflag:s12] =	ssyncadd.s32 $0xFFFFC000  }
0x7f: {  	_ =	swait.ge [sflag:s12], $0x4000  }
0x80: {  	[sflag:s12] =	ssyncset.done $0x0  }
0x81: {  	[sflag:s12] =	ssyncadd.s32 $0xFFFFC000  }
0x82: {  	_ =	swait.ge [sflag:s12], $0x4000  }
0x83: {  	[sflag:s12] =	ssyncset.done $0x0  }
0x84: {  	[sflag:s12] =	ssyncadd.s32 $0xFFFFC000  }
0x85: {  	_ =	swait.ge [sflag:s12], $0x4000  }
0x86: {  	[sflag:s12] =	ssyncset.done $0x0  }
0x87: {  	[sflag:s12] =	ssyncadd.s32 $0xFFFFC000  }
0x88: {  	_ =	swait.ge [sflag:s12], $0x4000  }
0x89: {  	[sflag:s12] =	ssyncset.done $0x0  }
0x8a: {  	[sflag:s12] =	ssyncadd.s32 $0xFFFFC000  }
0x8b: {  	_ =	swait.ge [sflag:s12], $0x4000  }
0x8c: {  	[sflag:s12] =	ssyncset.done $0x0  }
0x8d: {  	[sflag:s12] =	ssyncadd.s32 $0xFFFFC000  }
0x8e: {  	_ =	swait.ge [sflag:s12], $0x4000  }
0x8f: {  	[sflag:s12] =	ssyncset.done $0x0  }
0x90: {  	[sflag:s12] =	ssyncadd.s32 $0xFFFFC000  }
0x91: {  	_ =	swait.ge [sflag:s12], $0x4000  }
0x92: {  	[sflag:s12] =	ssyncset.done $0x0  }
0x93: {  	[sflag:s12] =	ssyncadd.s32 $0xFFFFC000  }
0x94: {  	_ =	swait.ge [sflag:s12], $0x4000  }
0x95: {  	[sflag:s12] =	ssyncset.done $0x0  }
0x96: {  	[sflag:s12] =	ssyncadd.s32 $0xFFFFC000  }
0x97: {  	_ =	swait.ge [sflag:s12], $0x4000  }
0x98: {  	[sflag:s12] =	ssyncset.done $0x0  }
0x99: {  	[sflag:s12] =	ssyncadd.s32 $0xFFFFC000  }
0x9a: {  	_ =	swait.ge [sflag:s12], $0x4000  }
0x9b: {  	[sflag:s12] =	ssyncset.done $0x0  }
0x9c: {  	[sflag:s12] =	ssyncadd.s32 $0xFFFFC000  }
0x9d: {  	_ =	swait.ge [sflag:s12], $0x4000  }
0x9e: {  	[sflag:s12] =	ssyncset.done $0x0  }
0x9f: {  	[sflag:s12] =	ssyncadd.s32 $0xFFFFC000  }
0xa0: {  	_ =	swait.ge [sflag:s12], $0x4000  }
0xa1: {  	[sflag:s12] =	ssyncset.done $0x0  }
0xa2: {  	[sflag:s12] =	ssyncadd.s32 $0xFFFFC000  }
0xa3: {  	_ =	swait.ge [sflag:s12], $0x4000  }
0xa4: {  	[sflag:s12] =	ssyncset.done $0x0  }
0xa5: {  	[sflag:s12] =	ssyncadd.s32 $0xFFFFC000  }
0xa6: {  	_ =	swait.ge [sflag:s12], $0x4000  }
0xa7: {  	[sflag:s12] =	ssyncset.done $0x0  }
0xa8: {  	[sflag:s12] =	ssyncadd.s32 $0xFFFFC000  }
0xa9: {  	_ =	swait.ge [sflag:s12], $0x4000  }
0xaa: {  	[sflag:s12] =	ssyncset.done $0x0  }
0xab: {  	[sflag:s12] =	ssyncadd.s32 $0xFFFFC000  }
0xac: {  	_ =	swait.ge [sflag:s12], $0x4000  }
0xad: {  	[sflag:s12] =	ssyncset.done $0x0  }
0xae: {  	[sflag:s12] =	ssyncadd.s32 $0xFFFFC000  }
0xaf: {  	_ =	swait.ge [sflag:s12], $0x4000  }
0xb0: {  	[sflag:s12] =	ssyncset.done $0x0  }
0xb1: {  	[sflag:s12] =	ssyncadd.s32 $0xFFFFC000  }
0xb2: {  	_ =	swait.ge [sflag:s12], $0x4000  }
0xb3: {  	[sflag:s12] =	ssyncset.done $0x0  }
0xb4: {  	[sflag:s12] =	ssyncadd.s32 $0xFFFFC000  }
0xb5: {  	_ =	swait.ge [sflag:s12], $0x4000  }
0xb6: {  	[sflag:s12] =	ssyncset.done $0x0  }
0xb7: {  	[sflag:s12] =	ssyncadd.s32 $0xFFFFC000  }
0xb8: {  	_ =	swait.ge [sflag:s12], $0x4000  }
0xb9: {  	[sflag:s12] =	ssyncset.done $0x0  }
0xba: {  	[sflag:s12] =	ssyncadd.s32 $0xFFFFC000  }
0xbb: {  	_ =	swait.ge [sflag:s12], $0x4000  }
0xbc: {  	[sflag:s12] =	ssyncset.done $0x0  }
0xbd: {  	[sflag:s12] =	ssyncadd.s32 $0xFFFFC000  }
0xbe: {  	_ =	swait.ge [sflag:s12], $0x4000  }
0xbf: {  	[sflag:s12] =	ssyncset.done $0x0  }
0xc0: {  	[sflag:s12] =	ssyncadd.s32 $0xFFFFC000  }
0xc1: {  	_ =	swait.ge [sflag:s12], $0x4000  }
0xc2: {  	[sflag:s12] =	ssyncset.done $0x0  }
0xc3: {  	[sflag:s12] =	ssyncadd.s32 $0xFFFFC000  }
0xc4: {  	_ =	swait.ge [sflag:s12], $0x4000  }
0xc5: {  	[sflag:s12] =	ssyncset.done $0x0  }
0xc6: {  	[sflag:s12] =	ssyncadd.s32 $0xFFFFC000  }
0xc7: {  	_ =	swait.ge [sflag:s12], $0x4000  }
0xc8: {  	[sflag:s12] =	ssyncset.done $0x0  }
0xc9: {  	[sflag:s12] =	ssyncadd.s32 $0xFFFFC000  }
0xca: {  	_ =	swait.ge [sflag:s12], $0x4000  }
0xcb: {  	[sflag:s12] =	ssyncset.done $0x0  }
0xcc: {  	[sflag:s12] =	ssyncadd.s32 $0xFFFFC000  }
0xcd: {  	s11 =	simm.s32 $0x400;
	_ =	swait.ge [sflag:s12], $0x4000  }
0xce: {  	s25 =	simm.s32 $0x200;
	s24 =	rddreg [dreg:$0x4];
	[sflag:s12] =	ssyncset.done $0x0  }
.LBB2_2:
0xcf: {  	[sflag:s12] =	ssyncadd.s32 $0xFFFFC000;
	s24 =	sadd.s32 s25, s24  }
0xd0: {  	[tilespmem:s4], [sflag:$0x2] =	stream.linear.gather [hbm4b:s24+s4], $0x1000, $0x38;
	[tilespmem:$0x18C00] =	vst v63  }
0xd1: {  	_ =	swait.ge [sflag:s10], $0x1000  }
0xd2: {  	[sflag:s10] =	ssyncset.done $0x0  }
0xd3: {  	[sflag:s10] =	ssyncadd.s32 $0xFFFFF000  }
0xd4: {  	[spmem:s3] =	stream.indirect.scatter.add.f32 [tilespmem:s9], [sflag:$0x1], $0x80, s4, s13, $0xb8;
	[tilespmem:$0x18C00] =	vst v63  }
0xd5: {  	s14 =	smov.u32 s11  }
0xd6: {  	[spmem:s3] =	stream.indirect.scatter.add.f32 [tilespmem:s9], [sflag:$0x1], $0x80, s13, s13, $0xb8;
	[tilespmem:$0x18C00] =	vst v63  }
0xd7: {  	s25 =	smov.u32 s14;
	s14 =	rddreg [dreg:$0x5]  }
0xd8: {  	[spmem:s3] =	stream.indirect.scatter.add.f32 [tilespmem:s9], [sflag:$0x1], $0x80, s14, s13, $0xb8;
	[tilespmem:$0x18C00] =	vst v63  }
0xd9: {  	s24 =	rddreg [dreg:$0x6]  }
0xda: {  	[spmem:s3] =	stream.indirect.scatter.add.f32 [tilespmem:s9], [sflag:$0x1], $0x80, s24, s13, $0xb8;
	[tilespmem:$0x18C00] =	vst v63  }
0xdb: {  	s14 =	rddreg [dreg:$0x7]  }
0xdc: {  	[spmem:s3] =	stream.indirect.scatter.add.f32 [tilespmem:s9], [sflag:$0x1], $0x80, s14, s13, $0xb8;
	[tilespmem:$0x18C00] =	vst v63  }
0xdd: {  	s24 =	rddreg [dreg:$0x8]  }
0xde: {  	[spmem:s3] =	stream.indirect.scatter.add.f32 [tilespmem:s9], [sflag:$0x1], $0x80, s24, s13, $0xb8;
	[tilespmem:$0x18C00] =	vst v63  }
0xdf: {  	s14 =	rddreg [dreg:$0x9]  }
0xe0: {  	[spmem:s3] =	stream.indirect.scatter.add.f32 [tilespmem:s9], [sflag:$0x1], $0x80, s14, s13, $0xb8;
	[tilespmem:$0x18C00] =	vst v63  }
0xe1: {  	s24 =	rddreg [dreg:$0xa]  }
0xe2: {  	[spmem:s3] =	stream.indirect.scatter.add.f32 [tilespmem:s9], [sflag:$0x1], $0x80, s24, s13, $0xb8;
	[tilespmem:$0x18C00] =	vst v63  }
0xe3: {  	s14 =	rddreg [dreg:$0xb]  }
0xe4: {  	[spmem:s3] =	stream.indirect.scatter.add.f32 [tilespmem:s9], [sflag:$0x1], $0x80, s14, s13, $0xb8;
	[tilespmem:$0x18C00] =	vst v63  }
0xe5: {  	s24 =	rddreg [dreg:$0xc]  }
0xe6: {  	[spmem:s3] =	stream.indirect.scatter.add.f32 [tilespmem:s9], [sflag:$0x1], $0x80, s24, s13, $0xb8;
	[tilespmem:$0x18C00] =	vst v63  }
0xe7: {  	s24 =	simm.s32 $0x500  }
0xe8: {  	[spmem:s3] =	stream.indirect.scatter.add.f32 [tilespmem:s9], [sflag:$0x1], $0x80, s24, s13, $0xb8;
	[tilespmem:$0x18C00] =	vst v63  }
0xe9: {  	_ = 	snop  }
0xea: {  	[spmem:s3] =	stream.indirect.scatter.add.f32 [tilespmem:s9], [sflag:$0x1], $0x80, s15, s13, $0xb8;
	[tilespmem:$0x18C00] =	vst v63  }
0xeb: {  	_ = 	snop  }
0xec: {  	[spmem:s3] =	stream.indirect.scatter.add.f32 [tilespmem:s9], [sflag:$0x1], $0x80, s16, s13, $0xb8;
	[tilespmem:$0x18C00] =	vst v63  }
0xed: {  	_ = 	snop  }
0xee: {  	[spmem:s3] =	stream.indirect.scatter.add.f32 [tilespmem:s9], [sflag:$0x1], $0x80, s17, s13, $0xb8;
	[tilespmem:$0x18C00] =	vst v63  }
0xef: {  	_ = 	snop  }
0xf0: {  	[spmem:s3] =	stream.indirect.scatter.add.f32 [tilespmem:s9], [sflag:$0x1], $0x80, s18, s13, $0xb8;
	[tilespmem:$0x18C00] =	vst v63  }
0xf1: {  	_ = 	snop  }
0xf2: {  	[spmem:s3] =	stream.indirect.scatter.add.f32 [tilespmem:s9], [sflag:$0x1], $0x80, s19, s13, $0xb8;
	[tilespmem:$0x18C00] =	vst v63  }
0xf3: {  	_ = 	snop  }
0xf4: {  	[spmem:s3] =	stream.indirect.scatter.add.f32 [tilespmem:s9], [sflag:$0x1], $0x80, s20, s13, $0xb8;
	[tilespmem:$0x18C00] =	vst v63  }
0xf5: {  	_ = 	snop  }
0xf6: {  	[spmem:s3] =	stream.indirect.scatter.add.f32 [tilespmem:s9], [sflag:$0x1], $0x80, s21, s13, $0xb8;
	[tilespmem:$0x18C00] =	vst v63  }
0xf7: {  	_ = 	snop  }
0xf8: {  	[spmem:s3] =	stream.indirect.scatter.add.f32 [tilespmem:s9], [sflag:$0x1], $0x80, s22, s13, $0xb8;
	[tilespmem:$0x18C00] =	vst v63  }
0xf9: {  	_ = 	snop  }
0xfa: {  	[spmem:s3] =	stream.indirect.scatter.add.f32 [tilespmem:s9], [sflag:$0x1], $0x80, s23, s13, $0xb8;
	[tilespmem:$0x18C00] =	vst v63  }
0xfb: {  	_ = 	snop  }
0xfc: {  	[spmem:s3] =	stream.indirect.scatter.add.f32 [tilespmem:s9], [sflag:$0x1], $0x80, s26, s13, $0xb8;
	[tilespmem:$0x18C00] =	vst v63  }
0xfd: {  	_ = 	snop  }
0xfe: {  	[spmem:s3] =	stream.indirect.scatter.add.f32 [tilespmem:s9], [sflag:$0x1], $0x80, s28, s13, $0xb8;
	[tilespmem:$0x18C00] =	vst v63  }
0xff: {  	_ = 	snop  }
0x100: {  	[spmem:s3] =	stream.indirect.scatter.add.f32 [tilespmem:s9], [sflag:$0x1], $0x80, s29, s13, $0xb8;
	[tilespmem:$0x18C00] =	vst v63  }
0x101: {  	_ = 	snop  }
0x102: {  	[spmem:s3] =	stream.indirect.scatter.add.f32 [tilespmem:s9], [sflag:$0x1], $0x80, s30, s13, $0xb8;
	[tilespmem:$0x18C00] =	vst v63  }
0x103: {  	_ = 	snop  }
0x104: {  	[spmem:s3] =	stream.indirect.scatter.add.f32 [tilespmem:s9], [sflag:$0x1], $0x80, s31, s13, $0xb8;
	[tilespmem:$0x18C00] =	vst v63  }
0x105: {  	_ = 	snop  }
0x106: {  	[spmem:s3] =	stream.indirect.scatter.add.f32 [tilespmem:s9], [sflag:$0x1], $0x80, s1, s13, $0xb8;
	[tilespmem:$0x18C00] =	vst v63  }
0x107: {  	_ = 	snop  }
0x108: {  	[spmem:s3] =	stream.indirect.scatter.add.f32 [tilespmem:s9], [sflag:$0x1], $0x80, s0, s13, $0xb8;
	[tilespmem:$0x18C00] =	vst v63  }
0x109: {  	_ = 	snop  }
0x10a: {  	[spmem:s3] =	stream.indirect.scatter.add.f32 [tilespmem:s9], [sflag:$0x1], $0x80, s2, s13, $0xb8;
	[tilespmem:$0x18C00] =	vst v63  }
0x10b: {  	_ = 	snop  }
0x10c: {  	[spmem:s3] =	stream.indirect.scatter.add.f32 [tilespmem:s9], [sflag:$0x1], $0x80, s5, s13, $0xb8;
	[tilespmem:$0x18C00] =	vst v63  }
0x10d: {  	_ = 	snop  }
0x10e: {  	[spmem:s3] =	stream.indirect.scatter.add.f32 [tilespmem:s9], [sflag:$0x1], $0x80, s6, s13, $0xb8;
	[tilespmem:$0x18C00] =	vst v63  }
0x10f: {  	_ = 	snop  }
0x110: {  	[spmem:s3] =	stream.indirect.scatter.add.f32 [tilespmem:s9], [sflag:$0x1], $0x80, s7, s13, $0xb8;
	[tilespmem:$0x18C00] =	vst v63  }
0x111: {  	_ = 	snop  }
0x112: {  	[spmem:s3] =	stream.indirect.scatter.add.f32 [tilespmem:s9], [sflag:$0x1], $0x80, s8, s13, $0xb8;
	[tilespmem:$0x18C00] =	vst v63  }
0x113: {  	_ =	swait.ge [sflag:s12], $0x4000  }
0x114: {  	[sflag:s12] =	ssyncset.done $0x0  }
0x115: {  	[sflag:s12] =	ssyncadd.s32 $0xFFFFC000  }
0x116: {  	_ =	swait.ge [sflag:s12], $0x4000  }
0x117: {  	[sflag:s12] =	ssyncset.done $0x0  }
0x118: {  	[sflag:s12] =	ssyncadd.s32 $0xFFFFC000  }
0x119: {  	_ =	swait.ge [sflag:s12], $0x4000  }
0x11a: {  	[sflag:s12] =	ssyncset.done $0x0  }
0x11b: {  	[sflag:s12] =	ssyncadd.s32 $0xFFFFC000  }
0x11c: {  	_ =	swait.ge [sflag:s12], $0x4000  }
0x11d: {  	[sflag:s12] =	ssyncset.done $0x0  }
0x11e: {  	[sflag:s12] =	ssyncadd.s32 $0xFFFFC000  }
0x11f: {  	_ =	swait.ge [sflag:s12], $0x4000  }
0x120: {  	[sflag:s12] =	ssyncset.done $0x0  }
0x121: {  	[sflag:s12] =	ssyncadd.s32 $0xFFFFC000  }
0x122: {  	_ =	swait.ge [sflag:s12], $0x4000  }
0x123: {  	[sflag:s12] =	ssyncset.done $0x0  }
0x124: {  	[sflag:s12] =	ssyncadd.s32 $0xFFFFC000  }
0x125: {  	_ =	swait.ge [sflag:s12], $0x4000  }
0x126: {  	[sflag:s12] =	ssyncset.done $0x0  }
0x127: {  	[sflag:s12] =	ssyncadd.s32 $0xFFFFC000  }
0x128: {  	_ =	swait.ge [sflag:s12], $0x4000  }
0x129: {  	[sflag:s12] =	ssyncset.done $0x0  }
0x12a: {  	[sflag:s12] =	ssyncadd.s32 $0xFFFFC000  }
0x12b: {  	_ =	swait.ge [sflag:s12], $0x4000  }
0x12c: {  	[sflag:s12] =	ssyncset.done $0x0  }
0x12d: {  	[sflag:s12] =	ssyncadd.s32 $0xFFFFC000  }
0x12e: {  	_ =	swait.ge [sflag:s12], $0x4000  }
0x12f: {  	[sflag:s12] =	ssyncset.done $0x0  }
0x130: {  	[sflag:s12] =	ssyncadd.s32 $0xFFFFC000  }
0x131: {  	_ =	swait.ge [sflag:s12], $0x4000  }
0x132: {  	[sflag:s12] =	ssyncset.done $0x0  }
0x133: {  	[sflag:s12] =	ssyncadd.s32 $0xFFFFC000  }
0x134: {  	_ =	swait.ge [sflag:s12], $0x4000  }
0x135: {  	[sflag:s12] =	ssyncset.done $0x0  }
0x136: {  	[sflag:s12] =	ssyncadd.s32 $0xFFFFC000  }
0x137: {  	_ =	swait.ge [sflag:s12], $0x4000  }
0x138: {  	[sflag:s12] =	ssyncset.done $0x0  }
0x139: {  	[sflag:s12] =	ssyncadd.s32 $0xFFFFC000  }
0x13a: {  	_ =	swait.ge [sflag:s12], $0x4000  }
0x13b: {  	[sflag:s12] =	ssyncset.done $0x0  }
0x13c: {  	[sflag:s12] =	ssyncadd.s32 $0xFFFFC000  }
0x13d: {  	_ =	swait.ge [sflag:s12], $0x4000  }
0x13e: {  	[sflag:s12] =	ssyncset.done $0x0  }
0x13f: {  	[sflag:s12] =	ssyncadd.s32 $0xFFFFC000  }
0x140: {  	_ =	swait.ge [sflag:s12], $0x4000  }
0x141: {  	[sflag:s12] =	ssyncset.done $0x0  }
0x142: {  	[sflag:s12] =	ssyncadd.s32 $0xFFFFC000  }
0x143: {  	_ =	swait.ge [sflag:s12], $0x4000  }
0x144: {  	[sflag:s12] =	ssyncset.done $0x0  }
0x145: {  	[sflag:s12] =	ssyncadd.s32 $0xFFFFC000  }
0x146: {  	_ =	swait.ge [sflag:s12], $0x4000  }
0x147: {  	[sflag:s12] =	ssyncset.done $0x0  }
0x148: {  	[sflag:s12] =	ssyncadd.s32 $0xFFFFC000  }
0x149: {  	_ =	swait.ge [sflag:s12], $0x4000  }
0x14a: {  	[sflag:s12] =	ssyncset.done $0x0  }
0x14b: {  	[sflag:s12] =	ssyncadd.s32 $0xFFFFC000  }
0x14c: {  	_ =	swait.ge [sflag:s12], $0x4000  }
0x14d: {  	[sflag:s12] =	ssyncset.done $0x0  }
0x14e: {  	[sflag:s12] =	ssyncadd.s32 $0xFFFFC000  }
0x14f: {  	_ =	swait.ge [sflag:s12], $0x4000  }
0x150: {  	[sflag:s12] =	ssyncset.done $0x0  }
0x151: {  	[sflag:s12] =	ssyncadd.s32 $0xFFFFC000  }
0x152: {  	_ =	swait.ge [sflag:s12], $0x4000  }
0x153: {  	[sflag:s12] =	ssyncset.done $0x0  }
0x154: {  	[sflag:s12] =	ssyncadd.s32 $0xFFFFC000  }
0x155: {  	_ =	swait.ge [sflag:s12], $0x4000  }
0x156: {  	[sflag:s12] =	ssyncset.done $0x0  }
0x157: {  	[sflag:s12] =	ssyncadd.s32 $0xFFFFC000  }
0x158: {  	_ =	swait.ge [sflag:s12], $0x4000  }
0x159: {  	[sflag:s12] =	ssyncset.done $0x0  }
0x15a: {  	[sflag:s12] =	ssyncadd.s32 $0xFFFFC000  }
0x15b: {  	_ =	swait.ge [sflag:s12], $0x4000  }
0x15c: {  	[sflag:s12] =	ssyncset.done $0x0  }
0x15d: {  	[sflag:s12] =	ssyncadd.s32 $0xFFFFC000  }
0x15e: {  	_ =	swait.ge [sflag:s12], $0x4000  }
0x15f: {  	[sflag:s12] =	ssyncset.done $0x0  }
0x160: {  	[sflag:s12] =	ssyncadd.s32 $0xFFFFC000  }
0x161: {  	_ =	swait.ge [sflag:s12], $0x4000  }
0x162: {  	[sflag:s12] =	ssyncset.done $0x0  }
0x163: {  	[sflag:s12] =	ssyncadd.s32 $0xFFFFC000  }
0x164: {  	_ =	swait.ge [sflag:s12], $0x4000  }
0x165: {  	[sflag:s12] =	ssyncset.done $0x0  }
0x166: {  	[sflag:s12] =	ssyncadd.s32 $0xFFFFC000  }
0x167: {  	_ =	swait.ge [sflag:s12], $0x4000  }
0x168: {  	[sflag:s12] =	ssyncset.done $0x0  }
0x169: {  	[sflag:s12] =	ssyncadd.s32 $0xFFFFC000  }
0x16a: {  	_ =	swait.ge [sflag:s12], $0x4000  }
0x16b: {  	[sflag:s12] =	ssyncset.done $0x0  }
0x16c: {  	p1 =	sne.s32 s11, $0x800;
	[sflag:s12] =	ssyncadd.s32 $0xFFFFC000  }
.Ltmp0:
0x16d: {  	_ =	swait.ge [sflag:s12], $0x4000;
	(pc) =	sbr.rel @p1 .LBB2_2-.Ltmp0, $4  }
0x16e: {  	[sflag:s12] =	ssyncset.done $0x0  }
0x16f: {  	[sflag:s12] =	ssyncadd.s32 $0xFFFFC000  }
0x170: {  	_ =	swait.ge [sflag:s12], $0x4000  }
0x171: {  	s11 =	sadd.s32 $0x200, s11;
	s24 =	rddreg [dreg:$0x4];
	[sflag:s12] =	ssyncset.done $0x0  }
0x172: {  	[sflag:s12] =	ssyncadd.s32 $0xFFFFC000;
	s11 =	sadd.s32 s25, s24  }
0x173: {  	[tilespmem:s4], [sflag:$0x2] =	stream.linear.gather [hbm4b:s11+s4], $0x1000, $0x38;
	[tilespmem:$0x18C00] =	vst v63  }
0x174: {  	_ =	swait.ge [sflag:s10], $0x1000  }
0x175: {  	[sflag:s10] =	ssyncset.done $0x0  }
0x176: {  	[sflag:s10] =	ssyncadd.s32 $0xFFFFF000  }
0x177: {  	[spmem:s3] =	stream.indirect.scatter.add.f32 [tilespmem:s9], [sflag:$0x1], $0x80, s4, s13, $0xb8;
	[tilespmem:$0x18C00] =	vst v63  }
0x178: {  	_ = 	snop  }
0x179: {  	[spmem:s3] =	stream.indirect.scatter.add.f32 [tilespmem:s9], [sflag:$0x1], $0x80, s13, s13, $0xb8;
	[tilespmem:$0x18C00] =	vst v63  }
0x17a: {  	s24 =	rddreg [dreg:$0x5]  }
0x17b: {  	[spmem:s3] =	stream.indirect.scatter.add.f32 [tilespmem:s9], [sflag:$0x1], $0x80, s24, s13, $0xb8;
	[tilespmem:$0x18C00] =	vst v63  }
0x17c: {  	s14 =	rddreg [dreg:$0x6]  }
0x17d: {  	[spmem:s3] =	stream.indirect.scatter.add.f32 [tilespmem:s9], [sflag:$0x1], $0x80, s14, s13, $0xb8;
	[tilespmem:$0x18C00] =	vst v63  }
0x17e: {  	s25 =	rddreg [dreg:$0x7]  }
0x17f: {  	[spmem:s3] =	stream.indirect.scatter.add.f32 [tilespmem:s9], [sflag:$0x1], $0x80, s25, s13, $0xb8;
	[tilespmem:$0x18C00] =	vst v63  }
0x180: {  	s24 =	rddreg [dreg:$0x8]  }
0x181: {  	[spmem:s3] =	stream.indirect.scatter.add.f32 [tilespmem:s9], [sflag:$0x1], $0x80, s24, s13, $0xb8;
	[tilespmem:$0x18C00] =	vst v63  }
0x182: {  	s25 =	rddreg [dreg:$0x9]  }
0x183: {  	[spmem:s3] =	stream.indirect.scatter.add.f32 [tilespmem:s9], [sflag:$0x1], $0x80, s25, s13, $0xb8;
	[tilespmem:$0x18C00] =	vst v63  }
0x184: {  	s24 =	rddreg [dreg:$0xa]  }
0x185: {  	[spmem:s3] =	stream.indirect.scatter.add.f32 [tilespmem:s9], [sflag:$0x1], $0x80, s24, s13, $0xb8;
	[tilespmem:$0x18C00] =	vst v63  }
0x186: {  	s25 =	rddreg [dreg:$0xb]  }
0x187: {  	[spmem:s3] =	stream.indirect.scatter.add.f32 [tilespmem:s9], [sflag:$0x1], $0x80, s25, s13, $0xb8;
	[tilespmem:$0x18C00] =	vst v63  }
0x188: {  	s24 =	rddreg [dreg:$0xc]  }
0x189: {  	[spmem:s3] =	stream.indirect.scatter.add.f32 [tilespmem:s9], [sflag:$0x1], $0x80, s24, s13, $0xb8;
	[tilespmem:$0x18C00] =	vst v63  }
0x18a: {  	s25 =	simm.s32 $0x500  }
0x18b: {  	[spmem:s3] =	stream.indirect.scatter.add.f32 [tilespmem:s9], [sflag:$0x1], $0x80, s25, s13, $0xb8;
	[tilespmem:$0x18C00] =	vst v63  }
0x18c: {  	_ = 	snop  }
0x18d: {  	[spmem:s3] =	stream.indirect.scatter.add.f32 [tilespmem:s9], [sflag:$0x1], $0x80, s15, s13, $0xb8;
	[tilespmem:$0x18C00] =	vst v63  }
0x18e: {  	_ = 	snop  }
0x18f: {  	[spmem:s3] =	stream.indirect.scatter.add.f32 [tilespmem:s9], [sflag:$0x1], $0x80, s16, s13, $0xb8;
	[tilespmem:$0x18C00] =	vst v63  }
0x190: {  	_ = 	snop  }
0x191: {  	[spmem:s3] =	stream.indirect.scatter.add.f32 [tilespmem:s9], [sflag:$0x1], $0x80, s17, s13, $0xb8;
	[tilespmem:$0x18C00] =	vst v63  }
0x192: {  	_ = 	snop  }
0x193: {  	[spmem:s3] =	stream.indirect.scatter.add.f32 [tilespmem:s9], [sflag:$0x1], $0x80, s18, s13, $0xb8;
	[tilespmem:$0x18C00] =	vst v63  }
0x194: {  	_ = 	snop  }
0x195: {  	[spmem:s3] =	stream.indirect.scatter.add.f32 [tilespmem:s9], [sflag:$0x1], $0x80, s19, s13, $0xb8;
	[tilespmem:$0x18C00] =	vst v63  }
0x196: {  	_ = 	snop  }
0x197: {  	[spmem:s3] =	stream.indirect.scatter.add.f32 [tilespmem:s9], [sflag:$0x1], $0x80, s20, s13, $0xb8;
	[tilespmem:$0x18C00] =	vst v63  }
0x198: {  	_ = 	snop  }
0x199: {  	[spmem:s3] =	stream.indirect.scatter.add.f32 [tilespmem:s9], [sflag:$0x1], $0x80, s21, s13, $0xb8;
	[tilespmem:$0x18C00] =	vst v63  }
0x19a: {  	_ = 	snop  }
0x19b: {  	[spmem:s3] =	stream.indirect.scatter.add.f32 [tilespmem:s9], [sflag:$0x1], $0x80, s22, s13, $0xb8;
	[tilespmem:$0x18C00] =	vst v63  }
0x19c: {  	_ = 	snop  }
0x19d: {  	[spmem:s3] =	stream.indirect.scatter.add.f32 [tilespmem:s9], [sflag:$0x1], $0x80, s23, s13, $0xb8;
	[tilespmem:$0x18C00] =	vst v63  }
0x19e: {  	_ = 	snop  }
0x19f: {  	[spmem:s3] =	stream.indirect.scatter.add.f32 [tilespmem:s9], [sflag:$0x1], $0x80, s26, s13, $0xb8;
	[tilespmem:$0x18C00] =	vst v63  }
0x1a0: {  	_ = 	snop  }
0x1a1: {  	[spmem:s3] =	stream.indirect.scatter.add.f32 [tilespmem:s9], [sflag:$0x1], $0x80, s28, s13, $0xb8;
	[tilespmem:$0x18C00] =	vst v63  }
0x1a2: {  	_ = 	snop  }
0x1a3: {  	[spmem:s3] =	stream.indirect.scatter.add.f32 [tilespmem:s9], [sflag:$0x1], $0x80, s29, s13, $0xb8;
	[tilespmem:$0x18C00] =	vst v63  }
0x1a4: {  	_ = 	snop  }
0x1a5: {  	[spmem:s3] =	stream.indirect.scatter.add.f32 [tilespmem:s9], [sflag:$0x1], $0x80, s30, s13, $0xb8;
	[tilespmem:$0x18C00] =	vst v63  }
0x1a6: {  	_ = 	snop  }
0x1a7: {  	[spmem:s3] =	stream.indirect.scatter.add.f32 [tilespmem:s9], [sflag:$0x1], $0x80, s31, s13, $0xb8;
	[tilespmem:$0x18C00] =	vst v63  }
0x1a8: {  	_ = 	snop  }
0x1a9: {  	[spmem:s3] =	stream.indirect.scatter.add.f32 [tilespmem:s9], [sflag:$0x1], $0x80, s1, s13, $0xb8;
	[tilespmem:$0x18C00] =	vst v63  }
0x1aa: {  	_ = 	snop  }
0x1ab: {  	[spmem:s3] =	stream.indirect.scatter.add.f32 [tilespmem:s9], [sflag:$0x1], $0x80, s0, s13, $0xb8;
	[tilespmem:$0x18C00] =	vst v63  }
0x1ac: {  	_ = 	snop  }
0x1ad: {  	[spmem:s3] =	stream.indirect.scatter.add.f32 [tilespmem:s9], [sflag:$0x1], $0x80, s2, s13, $0xb8;
	[tilespmem:$0x18C00] =	vst v63  }
0x1ae: {  	_ = 	snop  }
0x1af: {  	[spmem:s3] =	stream.indirect.scatter.add.f32 [tilespmem:s9], [sflag:$0x1], $0x80, s5, s13, $0xb8;
	[tilespmem:$0x18C00] =	vst v63  }
0x1b0: {  	_ = 	snop  }
0x1b1: {  	[spmem:s3] =	stream.indirect.scatter.add.f32 [tilespmem:s9], [sflag:$0x1], $0x80, s6, s13, $0xb8;
	[tilespmem:$0x18C00] =	vst v63  }
0x1b2: {  	_ = 	snop  }
0x1b3: {  	[spmem:s3] =	stream.indirect.scatter.add.f32 [tilespmem:s9], [sflag:$0x1], $0x80, s7, s13, $0xb8;
	[tilespmem:$0x18C00] =	vst v63  }
0x1b4: {  	_ = 	snop  }
0x1b5: {  	[spmem:s3] =	stream.indirect.scatter.add.f32 [tilespmem:s9], [sflag:$0x1], $0x80, s8, s13, $0xb8;
	[tilespmem:$0x18C00] =	vst v63  }
0x1b6: {  	_ =	swait.ge [sflag:s12], $0x4000  }
0x1b7: {  	[sflag:s12] =	ssyncset.done $0x0  }
0x1b8: {  	[sflag:s12] =	ssyncadd.s32 $0xFFFFC000  }
0x1b9: {  	_ =	swait.ge [sflag:s12], $0x4000  }
0x1ba: {  	[sflag:s12] =	ssyncset.done $0x0  }
0x1bb: {  	[sflag:s12] =	ssyncadd.s32 $0xFFFFC000  }
0x1bc: {  	_ =	swait.ge [sflag:s12], $0x4000  }
0x1bd: {  	[sflag:s12] =	ssyncset.done $0x0  }
0x1be: {  	[sflag:s12] =	ssyncadd.s32 $0xFFFFC000  }
0x1bf: {  	_ =	swait.ge [sflag:s12], $0x4000  }
0x1c0: {  	[sflag:s12] =	ssyncset.done $0x0  }
0x1c1: {  	[sflag:s12] =	ssyncadd.s32 $0xFFFFC000  }
0x1c2: {  	_ =	swait.ge [sflag:s12], $0x4000  }
0x1c3: {  	[sflag:s12] =	ssyncset.done $0x0  }
0x1c4: {  	[sflag:s12] =	ssyncadd.s32 $0xFFFFC000  }
0x1c5: {  	_ =	swait.ge [sflag:s12], $0x4000  }
0x1c6: {  	[sflag:s12] =	ssyncset.done $0x0  }
0x1c7: {  	[sflag:s12] =	ssyncadd.s32 $0xFFFFC000  }
0x1c8: {  	_ =	swait.ge [sflag:s12], $0x4000  }
0x1c9: {  	[sflag:s12] =	ssyncset.done $0x0  }
0x1ca: {  	[sflag:s12] =	ssyncadd.s32 $0xFFFFC000  }
0x1cb: {  	_ =	swait.ge [sflag:s12], $0x4000  }
0x1cc: {  	[sflag:s12] =	ssyncset.done $0x0  }
0x1cd: {  	[sflag:s12] =	ssyncadd.s32 $0xFFFFC000  }
0x1ce: {  	_ =	swait.ge [sflag:s12], $0x4000  }
0x1cf: {  	[sflag:s12] =	ssyncset.done $0x0  }
0x1d0: {  	[sflag:s12] =	ssyncadd.s32 $0xFFFFC000  }
0x1d1: {  	_ =	swait.ge [sflag:s12], $0x4000  }
0x1d2: {  	[sflag:s12] =	ssyncset.done $0x0  }
0x1d3: {  	[sflag:s12] =	ssyncadd.s32 $0xFFFFC000  }
0x1d4: {  	_ =	swait.ge [sflag:s12], $0x4000  }
0x1d5: {  	[sflag:s12] =	ssyncset.done $0x0  }
0x1d6: {  	[sflag:s12] =	ssyncadd.s32 $0xFFFFC000  }
0x1d7: {  	_ =	swait.ge [sflag:s12], $0x4000  }
0x1d8: {  	[sflag:s12] =	ssyncset.done $0x0  }
0x1d9: {  	[sflag:s12] =	ssyncadd.s32 $0xFFFFC000  }
0x1da: {  	_ =	swait.ge [sflag:s12], $0x4000  }
0x1db: {  	[sflag:s12] =	ssyncset.done $0x0  }
0x1dc: {  	[sflag:s12] =	ssyncadd.s32 $0xFFFFC000  }
0x1dd: {  	_ =	swait.ge [sflag:s12], $0x4000  }
0x1de: {  	[sflag:s12] =	ssyncset.done $0x0  }
0x1df: {  	[sflag:s12] =	ssyncadd.s32 $0xFFFFC000  }
0x1e0: {  	_ =	swait.ge [sflag:s12], $0x4000  }
0x1e1: {  	[sflag:s12] =	ssyncset.done $0x0  }
0x1e2: {  	[sflag:s12] =	ssyncadd.s32 $0xFFFFC000  }
0x1e3: {  	_ =	swait.ge [sflag:s12], $0x4000  }
0x1e4: {  	[sflag:s12] =	ssyncset.done $0x0  }
0x1e5: {  	[sflag:s12] =	ssyncadd.s32 $0xFFFFC000  }
0x1e6: {  	_ =	swait.ge [sflag:s12], $0x4000  }
0x1e7: {  	[sflag:s12] =	ssyncset.done $0x0  }
0x1e8: {  	[sflag:s12] =	ssyncadd.s32 $0xFFFFC000  }
0x1e9: {  	_ =	swait.ge [sflag:s12], $0x4000  }
0x1ea: {  	[sflag:s12] =	ssyncset.done $0x0  }
0x1eb: {  	[sflag:s12] =	ssyncadd.s32 $0xFFFFC000  }
0x1ec: {  	_ =	swait.ge [sflag:s12], $0x4000  }
0x1ed: {  	[sflag:s12] =	ssyncset.done $0x0  }
0x1ee: {  	[sflag:s12] =	ssyncadd.s32 $0xFFFFC000  }
0x1ef: {  	_ =	swait.ge [sflag:s12], $0x4000  }
0x1f0: {  	[sflag:s12] =	ssyncset.done $0x0  }
0x1f1: {  	[sflag:s12] =	ssyncadd.s32 $0xFFFFC000  }
0x1f2: {  	_ =	swait.ge [sflag:s12], $0x4000  }
0x1f3: {  	[sflag:s12] =	ssyncset.done $0x0  }
0x1f4: {  	[sflag:s12] =	ssyncadd.s32 $0xFFFFC000  }
0x1f5: {  	_ =	swait.ge [sflag:s12], $0x4000  }
0x1f6: {  	[sflag:s12] =	ssyncset.done $0x0  }
0x1f7: {  	[sflag:s12] =	ssyncadd.s32 $0xFFFFC000  }
0x1f8: {  	_ =	swait.ge [sflag:s12], $0x4000  }
0x1f9: {  	[sflag:s12] =	ssyncset.done $0x0  }
0x1fa: {  	[sflag:s12] =	ssyncadd.s32 $0xFFFFC000  }
0x1fb: {  	_ =	swait.ge [sflag:s12], $0x4000  }
0x1fc: {  	[sflag:s12] =	ssyncset.done $0x0  }
0x1fd: {  	[sflag:s12] =	ssyncadd.s32 $0xFFFFC000  }
0x1fe: {  	_ =	swait.ge [sflag:s12], $0x4000  }
0x1ff: {  	[sflag:s12] =	ssyncset.done $0x0  }
0x200: {  	[sflag:s12] =	ssyncadd.s32 $0xFFFFC000  }
0x201: {  	_ =	swait.ge [sflag:s12], $0x4000  }
0x202: {  	[sflag:s12] =	ssyncset.done $0x0  }
0x203: {  	[sflag:s12] =	ssyncadd.s32 $0xFFFFC000  }
0x204: {  	_ =	swait.ge [sflag:s12], $0x4000  }
0x205: {  	[sflag:s12] =	ssyncset.done $0x0  }
0x206: {  	[sflag:s12] =	ssyncadd.s32 $0xFFFFC000  }
0x207: {  	_ =	swait.ge [sflag:s12], $0x4000  }
0x208: {  	[sflag:s12] =	ssyncset.done $0x0  }
0x209: {  	[sflag:s12] =	ssyncadd.s32 $0xFFFFC000  }
0x20a: {  	_ =	swait.ge [sflag:s12], $0x4000  }
0x20b: {  	[sflag:s12] =	ssyncset.done $0x0  }
0x20c: {  	[sflag:s12] =	ssyncadd.s32 $0xFFFFC000  }
0x20d: {  	_ =	swait.ge [sflag:s12], $0x4000  }
0x20e: {  	[sflag:s12] =	ssyncset.done $0x0  }
0x20f: {  	[sflag:s12] =	ssyncadd.s32 $0xFFFFC000  }
0x210: {  	_ =	swait.ge [sflag:s12], $0x4000  }
0x211: {  	[sflag:s12] =	ssyncset.done $0x0  }
0x212: {  	[sflag:s12] =	ssyncadd.s32 $0xFFFFC000  }
0x213: {  	_ =	swait.ge [sflag:s12], $0x4000  }
0x214: {  	[sflag:s12] =	ssyncset.done $0x0  }
0x215: {  	[sflag:s12] =	ssyncadd.s32 $0xFFFFC000  }
0x216: {  	[bflag:$0x0] =	sbarrier.arrive $0xFFFF  }
0x217: {  	s14 =	rddreg [dreg:$0xe]  }
0x218: {  	s24 =	rddreg [dreg:$0x11]  }
0x219: {  	s25 =	rddreg [dreg:$0x13]  }
0x21a: {  	[hbm:s14], [sflag:s24] =	dma.local [spmem:s25], $0x2700  }
0x21b: {  	_ =	swait.ge [sflag:s10], $0x2700  }
0x21c: {  	[sflag:s10] =	ssyncset.done $0x0;
	s11 =	rddreg [dreg:$0xf]  }
0x21d: {  	s14 =	rddreg [dreg:$0x14];
	[sflag:s10] =	ssyncadd.s32 $0xFFFFD900  }
0x21e: {  	[hbm:s11], [sflag:s24] =	dma.local @!p0 [spmem:s14], $0x100  }
0x21f: {  	s11 =	simm.s32 @!p0 $0x2  }
0x220: {  	_ =	swait.ge @!p0 [sflag:s11], $0x100  }
0x221: {  	s14 =	rddreg [dreg:$0x15]  }
0x222: {  	s25 =	sadd.s32 $0x1, s14;
	s14 =	rddreg [dreg:$0x10]  }
0x223: {  	p1 =	sne.s32 s25, s14  }
.Ltmp1:
0x224: {  	_ = 	snop;
	(pc) =	sbr.rel @p1 .LBB2_1-.Ltmp1, $3  }
0x225: {  	_ =	sdelay $0x1  }
0x226: {  	[sflag:s11] =	ssyncset.done @!p0 $0x0  }
0x227: {  	[sflag:s11] =	ssyncadd.s32 @!p0 $0xFFFFFF00  }
0x228: {  	_ =	sfence.sel $0x180000  }
0x229: {  	[bflag:$0x0] =	sbarrier.arrive $0xFFFF  }
0x22a: {  	_ =	strace $0x90000047  }
0x22b: {  	s0 =	stileid.u32;
	[bflag:$0x2] =	sbarrier.arrive $0xFFFF  }
0x22c: {  	p0 =	sne.s32 s0, $0x0;
	s0 =	rddreg [dreg:$0x3]  }
0x22d: {  	s0 =	sadd.s32 @!p0 $0x100000, s0  }
0x22e: {  	[sflag:s0] =	ssyncadd.tile.s32 @!p0 $0x1;
	_ =	shalt  }
.Lfunc_end2:
_tile_overlayer_lowered:
.L_overlay_start_2:
0x22f: {  	(tag) =	ssettag $0x2  }
0x230: {  	s0 =	rddreg [dreg:$0x0];
	s2 =	stileid.u32  }
0x231: {  	s1 =	rddreg [dreg:$0x1];
	p0 =	sne.s32 s2, $0x0  }
0x232: {  	s3 =	rddreg [dreg:$0x2];
	[bflag:$0x3] =	sbarrier.arrive $0xFFFF;
	s2 =	simm.s32 @!p0 $0x1C02  }
0x233: {  	[timem:s3], [sflag:s2] =	dma.local @!p0 [hbm:s0], s1  }
0x234: {  	s0 =	simm.s32 @!p0 $0x2  }
0x235: {  	_ =	swait.ge @!p0 [sflag:s0], s1  }
0x236: {  	s1 =	ssub.s32 @!p0 $0x0, s1;
	[sflag:s0] =	ssyncset.done @!p0 $0x0  }
0x237: {  	[sflag:s0] =	ssyncadd.s32 @!p0 s1  }
0x238: {  	[bflag:$0x3] =	sbarrier.arrive $0xFFFF  }
0x239: {  	_ =	shalt  }

// kernel: kernel.20.cloned.1.call-start
scs
__scs_entry_jumppad:
0x0: {  	(pc) =	sbr.rel $0x88, $3  }
0x1: {  	(tag) =	ssettag $0x0;
	lr =	simm.s32 $0x1  }
0x2: {  	[smem:$0x3F81] =	sst lr;
	_ =	strace $0xD0000000  }
0x3: {  	_ = 	snop  }
0x4: {  	_ = 	snop  }
0x5: {  	_ = 	snop  }
0x6: {  	_ = 	snop  }
0x7: {  	_ = 	snop  }
__scs_overlays_trampoline_lowered:
0x8: {  	[smem:$0x3F90] =	sst s0  }
0x9: {  	[smem:$0x3F91] =	sst s1  }
0xa: {  	[smem:$0x3F92] =	sst s2  }
0xb: {  	[smem:$0x3F93] =	sst s3  }
0xc: {  	[smem:$0x3F94] =	sst s4  }
0xd: {  	[smem:$0x3F95] =	sst s5  }
0xe: {  	[smem:$0x3F96] =	sst s6  }
0xf: {  	[smem:$0x3F97] =	sst s7  }
0x10: {  	[smem:$0x3F98] =	sst s8  }
0x11: {  	[smem:$0x3F99] =	sst s9;
	s0 =	simm.s32 @!p0 $0x0  }
0x12: {  	s1 =	sld [smem:$0x3F7F];
	s0 =	simm.s32 @p0 $0x1  }
0x13: {  	[smem:$0x3F9A] =	sst s0;
	s0 =	simm.s32 @!p1 $0x0  }
0x14: {  	s2 =	sld [smem:$0x3F7E];
	s0 =	simm.s32 @p1 $0x1  }
0x15: {  	[smem:$0x3F9B] =	sst s0;
	s0 =	simm.s32 @!p2 $0x0  }
0x16: {  	s3 =	sld [smem:$0x3FDB];
	s0 =	simm.s32 @p2 $0x1  }
0x17: {  	s4 =	simm.s32 $0x1BF5;
	[smem:$0x3F9D] =	sst s0  }
0x18: {  	s0 =	sld [smem:$0x3F80];
	_ =	swait.ge [sflag:s4], $0x0  }
0x19: {  	s7 =	sld [smem:$0x3F81]  }
0x1a: {  	s8 =	sadd.s32 $0xFFFFE003, lr  }
0x1b: {  	s9 =	sadd.s32 $0xFFFFFEF7, lr;
	s5 =	simm.s32 $0xFFFFFFFF;
	p2 =	slt.u32 s8, $0xFFFFF086  }
0x1c: {  	p1 =	slt.u32 s9, $0xF7A;
	s5 =	simm.s32 @!p2 $0x0  }
0x1d: {  	s5 =	simm.s32 @p1 $0x1;
	p0 =	seq.s32 s7, s2  }
0x1e: {  	s7 =	smul.u32 @!p0 $0xF7A, s2;
	p2 =	seq.s32 @!p0 s5, $0x0  }
0x1f: {  	s9 =	smul.u32 $0xF7A, s1;
	s8 =	simm.s32 @!p0 $0x1BF5;
	p2 =	por !p2, p0  }
0x20: {  	[sflag:s8] =	ssyncset.s32 @!p0 $0xFFFFF086;
	s6 =	sadd.s32 @!p0 s3, s7;
	s7 =	simm.s32 @!p0 $0x108  }
0x21: {  	s3 =	sadd.s32 s3, s9;
	s6 =	sadd.s32 @!p0 $0x88, s6;
	s7 =	simm.s32 @p2 $0x1082  }
0x22: {  	[simem:s7], [sflag:s8] =	dma.local @!p0 [hbm:s6], $0xF7A  }
0x23: {  	s9 =	sor.u32 $0xD0000000, s2;
	s6 =	simm.s32 $0x108;
	_ =	swait.ge @!p0 [sflag:s8], $0x0  }
0x24: {  	s3 =	sadd.s32 $0x88, s3;
	s6 =	simm.s32 @!p1 $0x1082;
	[sflag:s4] =	ssyncset.s32 $0xFFFFF086  }
0x25: {  	[simem:s6], [sflag:s4] =	dma.local [hbm:s3], $0xF7A  }
0x26: {  	[smem:$0x3F81] =	sst s1;
	(tag) =	ssettag s2;
	_ =	strace s9  }
0x27: {  	s1 =	sld [smem:$0x3F91]  }
0x28: {  	s2 =	sld [smem:$0x3F92]  }
0x29: {  	s4 =	sld [smem:$0x3F94]  }
0x2a: {  	p0 =	seq.s32 s5, $0x0;
	s5 =	sld [smem:$0x3F95]  }
0x2b: {  	s6 =	sld [smem:$0x3F96]  }
0x2c: {  	s7 =	sld [smem:$0x3F97]  }
0x2d: {  	s3 =	simm.s32 $0x108;
	s8 =	sld [smem:$0x3F98]  }
0x2e: {  	s3 =	simm.s32 @!p0 $0x1082;
	s9 =	sld [smem:$0x3F99]  }
0x2f: {  	lr =	sadd.s32 s0, s3;
	s0 =	sld [smem:$0x3F90]  }
0x30: {  	s3 =	sld [smem:$0x3F93]  }
0x31: {  	[smem:$0x3F9C] =	sst s10  }
0x32: {  	s10 =	sld [smem:$0x3F9A];
	_ =	sdelay $0x3  }
0x33: {  	p0 =	seq.s32 s10, $0x1;
	s10 =	sld [smem:$0x3F9C];
	_ =	sdelay $0x3  }
0x34: {  	[smem:$0x3F9C] =	sst s10  }
0x35: {  	s10 =	sld [smem:$0x3F9B];
	_ =	sdelay $0x3  }
0x36: {  	p1 =	seq.s32 s10, $0x1;
	s10 =	sld [smem:$0x3F9C];
	_ =	sdelay $0x3  }
0x37: {  	[smem:$0x3F9C] =	sst s10  }
0x38: {  	s10 =	sld [smem:$0x3F9D]  }
0x39: {  	_ = 	snop;
	(pc) =	sbr.ind lr, $3  }
0x3a: {  	_ = 	snop  }
0x3b: {  	_ = 	snop  }
0x3c: {  	p2 =	seq.s32 s10, $0x1;
	s10 =	sld [smem:$0x3F9C]  }
0x3d: {  	_ =	shalt  }
0x3e: {  	_ =	shalt  }
0x3f: {  	_ =	shalt  }
0x40: {  	_ =	shalt  }
0x41: {  	_ =	shalt  }
0x42: {  	_ =	shalt  }
0x43: {  	_ =	shalt  }
0x44: {  	_ =	shalt  }
0x45: {  	_ =	shalt  }
0x46: {  	_ =	shalt  }
0x47: {  	_ =	shalt  }
0x48: {  	_ =	shalt  }
0x49: {  	_ =	shalt  }
0x4a: {  	_ =	shalt  }
0x4b: {  	_ =	shalt  }
0x4c: {  	_ =	shalt  }
0x4d: {  	_ =	shalt  }
0x4e: {  	_ =	shalt  }
0x4f: {  	_ =	shalt  }
0x50: {  	_ =	shalt  }
0x51: {  	_ =	shalt  }
0x52: {  	_ =	shalt  }
0x53: {  	_ =	shalt  }
0x54: {  	_ =	shalt  }
0x55: {  	_ =	shalt  }
0x56: {  	_ =	shalt  }
0x57: {  	_ =	shalt  }
0x58: {  	_ =	shalt  }
0x59: {  	_ =	shalt  }
0x5a: {  	_ =	shalt  }
0x5b: {  	_ =	shalt  }
0x5c: {  	_ =	shalt  }
0x5d: {  	_ =	shalt  }
0x5e: {  	_ =	shalt  }
0x5f: {  	_ =	shalt  }
0x60: {  	_ =	shalt  }
0x61: {  	_ =	shalt  }
0x62: {  	_ =	shalt  }
0x63: {  	_ =	shalt  }
0x64: {  	_ =	shalt  }
0x65: {  	_ =	shalt  }
0x66: {  	_ =	shalt  }
0x67: {  	_ =	shalt  }
0x68: {  	_ =	shalt  }
0x69: {  	_ =	shalt  }
0x6a: {  	_ =	shalt  }
0x6b: {  	_ =	shalt  }
0x6c: {  	_ =	shalt  }
0x6d: {  	_ =	shalt  }
0x6e: {  	_ =	shalt  }
0x6f: {  	_ =	shalt  }
0x70: {  	_ =	shalt  }
0x71: {  	_ =	shalt  }
0x72: {  	_ =	shalt  }
0x73: {  	_ =	shalt  }
0x74: {  	_ =	shalt  }
0x75: {  	_ =	shalt  }
0x76: {  	_ =	shalt  }
0x77: {  	_ =	shalt  }
0x78: {  	_ =	shalt  }
0x79: {  	_ =	shalt  }
0x7a: {  	_ =	shalt  }
0x7b: {  	_ =	shalt  }
0x7c: {  	_ =	shalt  }
0x7d: {  	_ =	shalt  }
0x7e: {  	_ =	shalt  }
0x7f: {  	_ =	shalt  }
0x80: {  	_ =	shalt  }
0x81: {  	_ =	shalt  }
0x82: {  	_ =	shalt  }
0x83: {  	_ =	shalt  }
0x84: {  	_ =	shalt  }
0x85: {  	_ =	shalt  }
0x86: {  	_ =	shalt  }
0x87: {  	_ =	shalt  }
.Lfunc_end0:
.L_simem_size_0:
called_computation.2_lowered:
.L_overlay_start_0:
0x88: {  	s2 =	sld [smem:$0x3FD9]  }
0x89: {  	s3 =	sld [smem:$0x3FFE];
	_ =	sdelay $0x1  }
0x8a: {  	s1 =	srdreg.scid  }
0x8b: {  	s0 =	sand.u32 $0x1, s1  }
0x8c: {  	s15 =	sshll.u32 s0, $0xA;
	s2 =	sadd.s32 s3, s2  }
0x8d: {  	s2 =	sadd.s32 s2, s15  }
0x8e: {  	[smem:$0x3FA8] =	sst s2  }
0x8f: {  	_ = 	snop  }
0x90: {  	s2 =	sld [smem:$0x3FD0];
	_ =	sdelay $0x2  }
0x91: {  	s16 =	simm.s32 $0xB;
	s4 =	simm.s32 $0x10  }
0x92: {  	[smem:s4], [sflag:s16] =	dma.local [hbm:s2], $0x1  }
0x93: {  	_ =	swait.eq [sflag:s16], $0x1  }
0x94: {  	[sflag:s16] =	ssyncset.done $0x0  }
0x95: {  	[sflag:s16] =	ssyncadd.s32 $0xFFFFFFFF  }
0x96: {  	s17 =	sld [smem:$0x10];
	(tm) =	ssettm $0x1  }
0x97: {  	s18 =	sld [smem:$0x3FFB];
	_ =	sdelay $0x3  }
0x98: {  	_ =	strace s18  }
0x99: {  	s2 =	sld [smem:$0x3FFC];
	_ =	sdelay $0x3  }
0x9a: {  	_ =	strace s2  }
0x9b: {  	s2 =	sld [smem:$0x3FFD];
	_ =	sdelay $0x3  }
0x9c: {  	_ =	strace s2  }
0x9d: {  	_ =	strace $0x8FFFFFFF  }
0x9e: {  	s19 =	sld [smem:$0x3FDB];
	_ =	sdelay $0x1  }
0x9f: {  	s20 =	simm.s32 $_scs_section_size  }
0xa0: {  	s5 =	simm.s32 $_size__tile_overlayer_lowered;
	s6 =	simm.s32 $_tile_overlayer_lowered  }
0xa1: {  	s7 =	simm.s32 $0x1BFF;
	s21 =	sshll.u32 s6, $0x1;
	s4 =	sadd.s32 s20, s19  }
0xa2: {  	s22 =	simm.s32 $0x0;
	s5 =	sshll.u32 s5, $0x1;
	s6 =	sadd.s32 s21, s4  }
0xa3: {  	[timem:s22], [sflag:s7] =	dma.local [hbm:s6], s5  }
0xa4: {  	_ =	swait.ge [sflag:s7], s5  }
0xa5: {  	s5 =	ssub.s32 $0x0, s5;
	[sflag:s7] =	ssyncset.done $0x0  }
0xa6: {  	[sflag:s7] =	ssyncadd.s32 s5;
	_ =	sdelay $0x1  }
0xa7: {  	s23 =	simm.s32 $0x1B8B  }
0xa8: {  	_ =	swait.ge [sflag:s23], $0x1  }
0xa9: {  	[sflag:s23] =	ssyncset.done $0x0  }
0xaa: {  	[sflag:s23] =	ssyncadd.s32 $0xFFFFFFFF  }
0xab: {  	s5 =	sld [smem:$0x0]  }
0xac: {  	s6 =	sand.u32 $0xFFFFFFFE, s1  }
0xad: {  	p0 =	sne.s32 s1, s6  }
0xae: {  	s6 =	sshll.u32 @p0 s6, $0xE  }
0xaf: {  	s6 =	sadd.s32 @p0 $0x11B8D, s6;
	s7 =	sshll.u32 @p0 s5, $0x11  }
0xb0: {  	s6 =	sor.u32 @p0 s7, s6  }
0xb1: {  	[sflag:s6] =	ssyncadd.remote.s32 @p0 $0x1;
	_ =	sdelay $0x1  }
0xb2: {  	s6 =	simm.s32 @p0 $0x1B8D  }
0xb3: {  	_ =	swait.eq @p0 [sflag:s6], $0x1  }
0xb4: {  	[sflag:s6] =	ssyncadd.s32 @p0 $0xFFFFFFFF  }
0xb5: {  	s7 =	sshll.u32 @!p0 s1, $0xE  }
0xb6: {  	s7 =	sor.u32 @!p0 $0x4000, s7;
	s6 =	simm.s32 @!p0 $0x1B8D  }
0xb7: {  	s5 =	sshll.u32 @!p0 s5, $0x11;
	s7 =	sadd.s32 @!p0 $0x11B8D, s7;
	_ =	swait.eq @!p0 [sflag:s6], $0x1  }
0xb8: {  	s5 =	sor.u32 @!p0 s5, s7;
	[sflag:s6] =	ssyncadd.s32 @!p0 $0xFFFFFFFF  }
0xb9: {  	s25 =	simm.s32 $0x1B8E;
	s24 =	sld [smem:$0x3FFE];
	[sflag:s5] =	ssyncadd.remote.s32 @!p0 $0x1  }
0xba: {  	s26 =	simm.s32 $execute0_lowered;
	[smem:$0x3FD2] =	sst s25  }
0xbb: {  	s6 =	sshll.u32 s26, $0x1;
	_ =	strace $0x8000004F;
	[dreg:$0x1] =	wrdreg $0xFFFFFFFF  }
0xbc: {  	s28 =	simm.s32 $_size_execute0_lowered;
	s4 =	sadd.s32 s4, s6;
	[dreg:$0x0] =	wrdreg $0x0  }
0xbd: {  	s6 =	sshll.u32 s28, $0x1;
	[dreg:$0x2] =	wrdreg s4  }
0xbe: {  	[dreg:$0x3] =	wrdreg s6  }
0xbf: {  	[dreg:$0x4] =	wrdreg $0xC0  }
0xc0: {  	_ =	task [dreg:s22], $0x5FFFF  }
0xc1: {  	[dreg:$0x1] =	wrdreg $0xFFFFFFFF  }
0xc2: {  	[dreg:$0x0] =	wrdreg $0x60  }
0xc3: {  	[dreg:$0x2] =	wrdreg s17  }
0xc4: {  	[dreg:$0x3] =	wrdreg s24  }
0xc5: {  	[dreg:$0x4] =	wrdreg $0xC0000  }
0xc6: {  	[dreg:$0x5] =	wrdreg $0x9  }
0xc7: {  	_ =	task.clear_ibuf [dreg:s22], $0x6FFFF;
	_ =	strace $0x9000004F  }
0xc8: {  	s29 =	simm.s32 $0x9;
	_ =	strace $0x80000051  }
0xc9: {  	_ =	swait.ge [sflag:s29], $0x1  }
0xca: {  	[sflag:s29] =	ssyncadd.s32 $0xFFFFFFFF  }
0xcb: {  	_ =	strace $0x90000051  }
0xcc: {  	_ =	sfence  }
0xcd: {  	s30 =	sld [smem:$0x0];
	_ =	sdelay $0x2  }
0xce: {  	s31 =	sshll.u32 s1, $0xD;
	s1 =	sshrl.u32 s1, $0x2  }
0xcf: {  	s4 =	sand.u32 $0x4000, s31;
	s1 =	sadd.s32 s1, s30  }
0xd0: {  	s0 =	sor.u32 s4, s0;
	s1 =	sshll.u32 s1, $0x11  }
0xd1: {  	s0 =	sor.u32 s1, s0  }
0xd2: {  	s0 =	sadd.s32 $0x8F2B, s0  }
0xd3: {  	[sflag:s0] =	ssyncadd.remote.s32 $0x1  }
0xd4: {  	_ =	sfence.sel $0xFFFF  }
0xd5: {  	[dreg:$0x0] =	wrdreg $0xFFFFFFFF;
	(pc) =	sbr.abs _section_cstart, $3  }
0xd6: {  	[dreg:$0x1] =	wrdreg $0xFFFFFFFF  }
0xd7: {  	_ =	task.clear_ibuf [dreg:s22], $0x2FFFF;
	_ =	strace $0x9FFFFFFF  }
0xd8: {  	(tm) =	ssettm $0x7FFFFFFF  }
0xd9: {  	_ =	shalt  }
tec
execute0_lowered:
.L_overlay_start_1:
0x0: {  	(tag) =	ssettag $0x1  }
0x1: {  	s1 =	rddreg [dreg:$0x0]  }
0x2: {  	s0 =	rddreg [dreg:$0x1]  }
0x3: {  	s2 =	rddreg [dreg:$0x2];
	s3 =	simm.s32 $0x0;
	s4 =	srdreg.scid  }
0x4: {  	s11 =	stileid.u32;
	s18 =	simm.s32 $0x5;
	s19 =	simm.s32 $0x80  }
0x5: {  	s20 =	simm.s32 $0x4000;
	s28 =	simm.s32 $0x3;
	s29 =	simm.s32 $0x4  }
0x6: {  	s30 =	simm.s32 $0x7;
	s31 =	simm.s32 $0x0;
	[smem:$0x7FF] =	sst s3  }
0x7: {  	s4 =	sand.u32 $0x1, s4;
	s5 =	sadd.s32 $0x1CDE00, s0;
	s9 =	smul.u32 $0x4F000, s11  }
0x8: {  	s6 =	sadd.s32 $0x6D600, s0;
	s8 =	sadd.s32 $0x1CC00, s0;
	s13 =	smul.u32 $0x4E000, s11  }
0x9: {  	s0 =	sadd.s32 $0xE3800, s0;
	s23 =	sshll.u32 s11, $0x6;
	s14 =	smul.u32 $0x2700, s11  }
0xa: {  	p0 =	sne.s32 s11, $0xF;
	_ =	strace $0x80000050;
	s7 =	sshll.u32 s4, $0x4  }
0xb: {  	[dreg:$0x4] =	wrdreg s8;
	s10 =	ssub.s32 $0x2, s4;
	s22 =	smul.u32 $0x27100, s4  }
0xc: {  	[dreg:$0x5] =	wrdreg s23;
	s4 =	smul.u32 $0x138800, s4;
	s7 =	sor.u32 s11, s7  }
0xd: {  	s21 =	sshrl.u32 s10, $0x1;
	s9 =	sshrl.u32 s9, $0x2;
	s13 =	sshrl.u32 s13, $0x2  }
0xe: {  	s8 =	smul.u32 $0x5000, s7;
	s7 =	ssub.s32 s10, s21;
	s16 =	sadd.s32 s9, s2  }
0xf: {  	s9 =	sor.u32 $0x1C06, s23;
	s17 =	sadd.s32 s13, s2;
	s10 =	sadd.s32 s14, s22  }
0x10: {  	s4 =	sshrl.u32 s4, $0x3;
	s21 =	simm.s32 $0x8000;
	s22 =	simm.s32 $0x6  }
0x11: {  	s23 =	simm.s32 $0x1;
	[dreg:$0x6] =	wrdreg s9;
	s26 =	sadd.s32 s0, s10  }
.Ltmp0:
0x12: {  	s10 =	sadd.s32 $0x138000, s2;
	s0 =	sadd.s32 s0, s4;
	(pc) =	sbr.rel .LBB2_1-.Ltmp0, $4  }
0x13: {  	s15 =	smax.u32 s7, $0x1;
	s16 =	sshrl.u32 s16, $0x3;
	s12 =	sshrl.u32 s8, $0x3  }
0x14: {  	[dreg:$0x9] =	wrdreg s26;
	s14 =	sadd.s32 $0x27000, s0;
	s24 =	sadd.s32 s5, s12  }
0x15: {  	s26 =	simm.s32 $0x2;
	s25 =	sadd.s32 s6, s12;
	[dreg:$0x7] =	wrdreg s24  }
0x16: {  	[dreg:$0x8] =	wrdreg s25;
	s24 =	sshrl.u32 s17, $0x3;
	s25 =	sshrl.u32 @!p0 s10, $0x3  }
.LBB2_7:
0x17: {  	_ =	swait.ge [sflag:s29], $0x4000  }
0x18: {  	[sflag:s29] =	ssyncset.done $0x0  }
0x19: {  	[sflag:s29] =	ssyncadd.s32 $0xFFFFC000  }
0x1a: {  	[bflag:$0x0] =	sbarrier.arrive $0xFFFF  }
0x1b: {  	s0 =	rddreg [dreg:$0x5]  }
0x1c: {  	s4 =	rddreg [dreg:$0x9];
	s0 =	sor.u32 $0x1C07, s0  }
0x1d: {  	[hbm:s4], [sflag:s0] =	dma.local [spmem:s24], $0x2700  }
0x1e: {  	_ =	swait.ge [sflag:s30], $0x2700  }
0x1f: {  	s31 =	sadd.s32 $0x1, s31;
	[sflag:s30] =	ssyncset.done $0x0  }
0x20: {  	p1 =	sne.s32 s31, s15;
	[sflag:s30] =	ssyncadd.s32 $0xFFFFD900  }
0x21: {  	[hbm:s14], [sflag:s0] =	dma.local @!p0 [spmem:s25], $0x100  }
.Ltmp1:
0x22: {  	_ = 	snop;
	(pc) =	sbr.rel @!p1 .LBB2_8-.Ltmp1, $4  }
0x23: {  	s0 =	simm.s32 @!p0 $0x7  }
0x24: {  	_ =	swait.ge @!p0 [sflag:s0], $0x100  }
0x25: {  	[sflag:s0] =	ssyncset.done @!p0 $0x0  }
0x26: {  	[sflag:s0] =	ssyncadd.s32 @!p0 $0xFFFFFF00  }
.LBB2_1:
0x27: {  	s0 =	rddreg [dreg:$0x4]  }
0x28: {  	s4 =	rddreg [dreg:$0x6]  }
0x29: {  	[spmem:s16], [sflag:s4] =	dma.local [hbm:s0], $0x2780  }
0x2a: {  	s0 =	rddreg [dreg:$0x7]  }
0x2b: {  	[tilespmem:s3], [sflag:$0x5] =	stream.linear.gather [hbm4b:s0+s3], $0x1000, $0x38;
	[tilespmem:$0x1FC00] =	vst v63  }
0x2c: {  	s17 =	simm.s32 $0x2000;
	s13 =	rddreg [dreg:$0x8]  }
0x2d: {  	[tilespmem:s17], [sflag:$0x5] =	stream.linear.gather [hbm4b:s13+s3], $0x1000, $0x38;
	[tilespmem:$0x1FC00] =	vst v63  }
0x2e: {  	_ =	swait.ge [sflag:s18], $0x1000  }
0x2f: {  	[sflag:s18] =	ssyncset.done $0x0  }
0x30: {  	[sflag:s18] =	ssyncadd.s32 $0xFFFFF000  }
0x31: {  	_ =	swait.ge [sflag:s18], $0x1000  }
0x32: {  	[sflag:s18] =	ssyncset.done $0x0  }
0x33: {  	[sflag:s18] =	ssyncadd.s32 $0xFFFFF000  }
0x34: {  	[tilespmem:s20], [sflag:$0x1] =	stream.indirect.gather [hbm4b:s1+s19], $0x80, s3, s19, $0xb8;
	[tilespmem:$0x1FC00] =	vst v63  }
0x35: {  	_ = 	snop  }
0x36: {  	[tilespmem:s21], [sflag:$0x2] =	stream.indirect.gather [hbm4b:s1+s19], $0x80, s19, s19, $0xb8;
	[tilespmem:$0x1FC00] =	vst v63  }
0x37: {  	_ =	swait.ge [sflag:s22], $0x2780  }
0x38: {  	[sflag:s22] =	ssyncset.done $0x0  }
0x39: {  	s4 =	simm.s32 $0x0;
	[sflag:s22] =	ssyncadd.s32 $0xFFFFD880  }
0x3a: {  	s0 =	simm.s32 $0x180;
	s17 =	simm.s32 $0x0;
	[bflag:$0x0] =	sbarrier.arrive $0xFFFF  }
.LBB2_2:
0x3b: {  	s7 =	sand.u32 $0x1E, s4;
	p1 =	seq.s32 s4, $0x0  }
0x3c: {  	p2 =	sne.s32 @!p1 s7, $0x0  }
0x3d: {  	p1 =	por p1, p2  }
.Ltmp2:
0x3e: {  	_ = 	snop;
	(pc) =	sbr.rel @p1 .LBB2_4-.Ltmp2, $1  }
0x3f: {  	_ =	sdelay $0x3  }
0x40: {  	_ =	swait.ge [sflag:s18], $0x1000  }
.Ltmp3:
0x41: {  	[sflag:s18] =	ssyncset.done $0x0;
	(pc) =	sbr.rel .LBB2_5-.Ltmp3, $4  }
0x42: {  	[sflag:s18] =	ssyncadd.s32 $0xFFFFF000  }
0x43: {  	_ =	swait.ge [sflag:s18], $0x1000  }
0x44: {  	[sflag:s18] =	ssyncset.done $0x0  }
0x45: {  	s10 =	sshrl.u32 s17, $0x4;
	[sflag:s18] =	ssyncadd.s32 $0xFFFFF000  }
.LBB2_4:
0x46: {  	p1 =	sgt.u32 s17, $0x3F  }
0x47: {  	p2 =	sne.s32 @!p1 s7, $0x6  }
0x48: {  	s10 =	sshrl.u32 s17, $0x4;
	p1 =	por p2, p1  }
0x49: {  	s9 =	sshll.u32 @!p1 s10, $0xC  }
0x4a: {  	s9 =	sadd.s32 @!p1 $0x1000, s9  }
0x4b: {  	s11 =	sadd.s32 @!p1 s8, s9  }
0x4c: {  	s11 =	sshrl.u32 @!p1 s11, $0x3  }
0x4d: {  	s13 =	simm.s32 @!p1 $0x0;
	s9 =	sand.u32 @!p1 $0x1000, s9;
	s12 =	sadd.s32 @!p1 s5, s11  }
0x4e: {  	[tilespmem:s9], [sflag:$0x5] =	stream.linear.gather @!p1 [hbm4b:s12+s13], $0x1000, $0x38;
	[tilespmem:$0x1FC00] =	vst v63  }
0x4f: {  	s11 =	sadd.s32 @!p1 s6, s11;
	s9 =	sor.u32 @!p1 $0x2000, s9  }
0x50: {  	[tilespmem:s9], [sflag:$0x5] =	stream.linear.gather @!p1 [hbm4b:s11+s13], $0x1000, $0x38;
	[tilespmem:$0x1FC00] =	vst v63  }
.LBB2_5:
0x51: {  	s9 =	sshll.u32 s10, $0xC  }
0x52: {  	_ =	swait.ge [sflag:s23], $0x4000;
	s7 =	sshll.u32 s7, $0x7;
	s9 =	sand.u32 $0x1000, s9  }
0x53: {  	[sflag:s23] =	ssyncset.done $0x0;
	s7 =	sor.u32 s7, s9  }
0x54: {  	[sflag:s23] =	ssyncadd.s32 $0xFFFFC000;
	s7 =	sor.u32 $0x2000, s7  }
0x55: {  	[spmem:s2] =	stream.indirect.scatter.add.f32 [tilespmem:s20], [sflag:$0x3], $0x80, s7, s19, $0xb8;
	[tilespmem:$0x1FC00] =	vst v63  }
0x56: {  	s13 =	sadd.s32 $0xFFFFFE80, s0;
	_ =	swait.ge [sflag:s26], $0x4000  }
0x57: {  	p1 =	seq.s32 s17, $0x4F;
	s7 =	sand.u32 $0x1F00, s13;
	[sflag:s26] =	ssyncset.done $0x0  }
.Ltmp4:
0x58: {  	s7 =	sor.u32 $0x2080, s7;
	[sflag:s26] =	ssyncadd.s32 $0xFFFFC000;
	(pc) =	sbr.rel @p1 .LBB2_7-.Ltmp4, $4  }
0x59: {  	[spmem:s2] =	stream.indirect.scatter.add.f32 [tilespmem:s21], [sflag:$0x4], $0x80, s7, s19, $0xb8;
	[tilespmem:$0x1FC00] =	vst v63  }
0x5a: {  	_ =	swait.ge [sflag:s28], $0x4000  }
0x5b: {  	[sflag:s28] =	ssyncset.done $0x0  }
0x5c: {  	[sflag:s28] =	ssyncadd.s32 $0xFFFFC000  }
0x5d: {  	s7 =	sadd.s32 $0xFFFFFF80, s0  }
0x5e: {  	s7 =	sand.u32 $0x1F00, s7  }
0x5f: {  	[tilespmem:s20], [sflag:$0x1] =	stream.indirect.gather [hbm4b:s1+s19], $0x80, s7, s19, $0xb8;
	[tilespmem:$0x1FC00] =	vst v63  }
.Ltmp5:
0x60: {  	_ = 	snop;
	(pc) =	sbr.rel .LBB2_2-.Ltmp5, $4  }
0x61: {  	_ =	swait.ge [sflag:s29], $0x4000  }
0x62: {  	s13 =	sand.u32 $0x1F80, s0;
	s17 =	sadd.s32 $0x1, s17;
	[sflag:s29] =	ssyncset.done $0x0  }
0x63: {  	s4 =	sadd.s32 $0x2, s4;
	s0 =	sadd.s32 $0x100, s0;
	[sflag:s29] =	ssyncadd.s32 $0xFFFFC000  }
0x64: {  	[tilespmem:s21], [sflag:$0x2] =	stream.indirect.gather [hbm4b:s1+s19], $0x80, s13, s19, $0xb8;
	[tilespmem:$0x1FC00] =	vst v63  }
.LBB2_8:
0x65: {  	_ =	sfence.sel $0x180000  }
0x66: {  	[bflag:$0x0] =	sbarrier.arrive $0xFFFF  }
0x67: {  	_ =	strace $0x90000050  }
0x68: {  	s0 =	stileid.u32;
	[bflag:$0x2] =	sbarrier.arrive $0xFFFF  }
0x69: {  	p0 =	sne.s32 s0, $0x0;
	s0 =	rddreg [dreg:$0x3]  }
0x6a: {  	s0 =	sadd.s32 @!p0 $0x100000, s0  }
0x6b: {  	[sflag:s0] =	ssyncadd.tile.s32 @!p0 $0x1;
	_ =	shalt  }
.Lfunc_end2:
_tile_overlayer_lowered:
.L_overlay_start_2:
0x6c: {  	(tag) =	ssettag $0x2  }
0x6d: {  	s0 =	rddreg [dreg:$0x0];
	s2 =	stileid.u32  }
0x6e: {  	s1 =	rddreg [dreg:$0x1];
	p0 =	sne.s32 s2, $0x0  }
0x6f: {  	s3 =	rddreg [dreg:$0x2];
	[bflag:$0x3] =	sbarrier.arrive $0xFFFF;
	s2 =	simm.s32 @!p0 $0x1C07  }
0x70: {  	[timem:s3], [sflag:s2] =	dma.local @!p0 [hbm:s0], s1  }
0x71: {  	s0 =	simm.s32 @!p0 $0x7  }
0x72: {  	_ =	swait.ge @!p0 [sflag:s0], s1  }
0x73: {  	s1 =	ssub.s32 @!p0 $0x0, s1;
	[sflag:s0] =	ssyncset.done @!p0 $0x0  }
0x74: {  	[sflag:s0] =	ssyncadd.s32 @!p0 s1  }
0x75: {  	[bflag:$0x3] =	sbarrier.arrive $0xFFFF  }
0x76: {  	_ =	shalt  }

// kernel: kernel.23.cloned.1.call-start
scs
__scs_entry_jumppad:
0x0: {  	(pc) =	sbr.rel $0x88, $3  }
0x1: {  	(tag) =	ssettag $0x0;
	lr =	simm.s32 $0x1  }
0x2: {  	[smem:$0x3F81] =	sst lr;
	_ =	strace $0xD0000000  }
0x3: {  	_ = 	snop  }
0x4: {  	_ = 	snop  }
0x5: {  	_ = 	snop  }
0x6: {  	_ = 	snop  }
0x7: {  	_ = 	snop  }
__scs_overlays_trampoline_lowered:
0x8: {  	[smem:$0x3F90] =	sst s0  }
0x9: {  	[smem:$0x3F91] =	sst s1  }
0xa: {  	[smem:$0x3F92] =	sst s2  }
0xb: {  	[smem:$0x3F93] =	sst s3  }
0xc: {  	[smem:$0x3F94] =	sst s4  }
0xd: {  	[smem:$0x3F95] =	sst s5  }
0xe: {  	[smem:$0x3F96] =	sst s6  }
0xf: {  	[smem:$0x3F97] =	sst s7  }
0x10: {  	[smem:$0x3F98] =	sst s8  }
0x11: {  	[smem:$0x3F99] =	sst s9;
	s0 =	simm.s32 @!p0 $0x0  }
0x12: {  	s1 =	sld [smem:$0x3F7F];
	s0 =	simm.s32 @p0 $0x1  }
0x13: {  	[smem:$0x3F9A] =	sst s0;
	s0 =	simm.s32 @!p1 $0x0  }
0x14: {  	s2 =	sld [smem:$0x3F7E];
	s0 =	simm.s32 @p1 $0x1  }
0x15: {  	[smem:$0x3F9B] =	sst s0;
	s0 =	simm.s32 @!p2 $0x0  }
0x16: {  	s3 =	sld [smem:$0x3FDB];
	s0 =	simm.s32 @p2 $0x1  }
0x17: {  	s4 =	simm.s32 $0x1BF5;
	[smem:$0x3F9D] =	sst s0  }
0x18: {  	s0 =	sld [smem:$0x3F80];
	_ =	swait.ge [sflag:s4], $0x0  }
0x19: {  	s7 =	sld [smem:$0x3F81]  }
0x1a: {  	s8 =	sadd.s32 $0xFFFFE003, lr  }
0x1b: {  	s9 =	sadd.s32 $0xFFFFFEF7, lr;
	s5 =	simm.s32 $0xFFFFFFFF;
	p2 =	slt.u32 s8, $0xFFFFF086  }
0x1c: {  	p1 =	slt.u32 s9, $0xF7A;
	s5 =	simm.s32 @!p2 $0x0  }
0x1d: {  	s5 =	simm.s32 @p1 $0x1;
	p0 =	seq.s32 s7, s2  }
0x1e: {  	s7 =	smul.u32 @!p0 $0xF7A, s2;
	p2 =	seq.s32 @!p0 s5, $0x0  }
0x1f: {  	s9 =	smul.u32 $0xF7A, s1;
	s8 =	simm.s32 @!p0 $0x1BF5;
	p2 =	por !p2, p0  }
0x20: {  	[sflag:s8] =	ssyncset.s32 @!p0 $0xFFFFF086;
	s6 =	sadd.s32 @!p0 s3, s7;
	s7 =	simm.s32 @!p0 $0x108  }
0x21: {  	s3 =	sadd.s32 s3, s9;
	s6 =	sadd.s32 @!p0 $0x88, s6;
	s7 =	simm.s32 @p2 $0x1082  }
0x22: {  	[simem:s7], [sflag:s8] =	dma.local @!p0 [hbm:s6], $0xF7A  }
0x23: {  	s9 =	sor.u32 $0xD0000000, s2;
	s6 =	simm.s32 $0x108;
	_ =	swait.ge @!p0 [sflag:s8], $0x0  }
0x24: {  	s3 =	sadd.s32 $0x88, s3;
	s6 =	simm.s32 @!p1 $0x1082;
	[sflag:s4] =	ssyncset.s32 $0xFFFFF086  }
0x25: {  	[simem:s6], [sflag:s4] =	dma.local [hbm:s3], $0xF7A  }
0x26: {  	[smem:$0x3F81] =	sst s1;
	(tag) =	ssettag s2;
	_ =	strace s9  }
0x27: {  	s1 =	sld [smem:$0x3F91]  }
0x28: {  	s2 =	sld [smem:$0x3F92]  }
0x29: {  	s4 =	sld [smem:$0x3F94]  }
0x2a: {  	p0 =	seq.s32 s5, $0x0;
	s5 =	sld [smem:$0x3F95]  }
0x2b: {  	s6 =	sld [smem:$0x3F96]  }
0x2c: {  	s7 =	sld [smem:$0x3F97]  }
0x2d: {  	s3 =	simm.s32 $0x108;
	s8 =	sld [smem:$0x3F98]  }
0x2e: {  	s3 =	simm.s32 @!p0 $0x1082;
	s9 =	sld [smem:$0x3F99]  }
0x2f: {  	lr =	sadd.s32 s0, s3;
	s0 =	sld [smem:$0x3F90]  }
0x30: {  	s3 =	sld [smem:$0x3F93]  }
0x31: {  	[smem:$0x3F9C] =	sst s10  }
0x32: {  	s10 =	sld [smem:$0x3F9A];
	_ =	sdelay $0x3  }
0x33: {  	p0 =	seq.s32 s10, $0x1;
	s10 =	sld [smem:$0x3F9C];
	_ =	sdelay $0x3  }
0x34: {  	[smem:$0x3F9C] =	sst s10  }
0x35: {  	s10 =	sld [smem:$0x3F9B];
	_ =	sdelay $0x3  }
0x36: {  	p1 =	seq.s32 s10, $0x1;
	s10 =	sld [smem:$0x3F9C];
	_ =	sdelay $0x3  }
0x37: {  	[smem:$0x3F9C] =	sst s10  }
0x38: {  	s10 =	sld [smem:$0x3F9D]  }
0x39: {  	_ = 	snop;
	(pc) =	sbr.ind lr, $3  }
0x3a: {  	_ = 	snop  }
0x3b: {  	_ = 	snop  }
0x3c: {  	p2 =	seq.s32 s10, $0x1;
	s10 =	sld [smem:$0x3F9C]  }
0x3d: {  	_ =	shalt  }
0x3e: {  	_ =	shalt  }
0x3f: {  	_ =	shalt  }
0x40: {  	_ =	shalt  }
0x41: {  	_ =	shalt  }
0x42: {  	_ =	shalt  }
0x43: {  	_ =	shalt  }
0x44: {  	_ =	shalt  }
0x45: {  	_ =	shalt  }
0x46: {  	_ =	shalt  }
0x47: {  	_ =	shalt  }
0x48: {  	_ =	shalt  }
0x49: {  	_ =	shalt  }
0x4a: {  	_ =	shalt  }
0x4b: {  	_ =	shalt  }
0x4c: {  	_ =	shalt  }
0x4d: {  	_ =	shalt  }
0x4e: {  	_ =	shalt  }
0x4f: {  	_ =	shalt  }
0x50: {  	_ =	shalt  }
0x51: {  	_ =	shalt  }
0x52: {  	_ =	shalt  }
0x53: {  	_ =	shalt  }
0x54: {  	_ =	shalt  }
0x55: {  	_ =	shalt  }
0x56: {  	_ =	shalt  }
0x57: {  	_ =	shalt  }
0x58: {  	_ =	shalt  }
0x59: {  	_ =	shalt  }
0x5a: {  	_ =	shalt  }
0x5b: {  	_ =	shalt  }
0x5c: {  	_ =	shalt  }
0x5d: {  	_ =	shalt  }
0x5e: {  	_ =	shalt  }
0x5f: {  	_ =	shalt  }
0x60: {  	_ =	shalt  }
0x61: {  	_ =	shalt  }
0x62: {  	_ =	shalt  }
0x63: {  	_ =	shalt  }
0x64: {  	_ =	shalt  }
0x65: {  	_ =	shalt  }
0x66: {  	_ =	shalt  }
0x67: {  	_ =	shalt  }
0x68: {  	_ =	shalt  }
0x69: {  	_ =	shalt  }
0x6a: {  	_ =	shalt  }
0x6b: {  	_ =	shalt  }
0x6c: {  	_ =	shalt  }
0x6d: {  	_ =	shalt  }
0x6e: {  	_ =	shalt  }
0x6f: {  	_ =	shalt  }
0x70: {  	_ =	shalt  }
0x71: {  	_ =	shalt  }
0x72: {  	_ =	shalt  }
0x73: {  	_ =	shalt  }
0x74: {  	_ =	shalt  }
0x75: {  	_ =	shalt  }
0x76: {  	_ =	shalt  }
0x77: {  	_ =	shalt  }
0x78: {  	_ =	shalt  }
0x79: {  	_ =	shalt  }
0x7a: {  	_ =	shalt  }
0x7b: {  	_ =	shalt  }
0x7c: {  	_ =	shalt  }
0x7d: {  	_ =	shalt  }
0x7e: {  	_ =	shalt  }
0x7f: {  	_ =	shalt  }
0x80: {  	_ =	shalt  }
0x81: {  	_ =	shalt  }
0x82: {  	_ =	shalt  }
0x83: {  	_ =	shalt  }
0x84: {  	_ =	shalt  }
0x85: {  	_ =	shalt  }
0x86: {  	_ =	shalt  }
0x87: {  	_ =	shalt  }
.Lfunc_end0:
.L_simem_size_0:
called_computation.3_lowered:
.L_overlay_start_0:
0x88: {  	s2 =	sld [smem:$0x3FD9]  }
0x89: {  	s3 =	sld [smem:$0x3FFE];
	_ =	sdelay $0x1  }
0x8a: {  	s1 =	srdreg.scid  }
0x8b: {  	s0 =	sand.u32 $0x1, s1  }
0x8c: {  	s15 =	sshll.u32 s0, $0xA;
	s2 =	sadd.s32 s3, s2  }
0x8d: {  	s2 =	sadd.s32 s2, s15  }
0x8e: {  	[smem:$0x3FA8] =	sst s2  }
0x8f: {  	_ = 	snop  }
0x90: {  	s2 =	sld [smem:$0x3FD0];
	_ =	sdelay $0x2  }
0x91: {  	s16 =	simm.s32 $0xB;
	s4 =	simm.s32 $0x10  }
0x92: {  	[smem:s4], [sflag:s16] =	dma.local [hbm:s2], $0x1  }
0x93: {  	_ =	swait.eq [sflag:s16], $0x1  }
0x94: {  	[sflag:s16] =	ssyncset.done $0x0  }
0x95: {  	[sflag:s16] =	ssyncadd.s32 $0xFFFFFFFF  }
0x96: {  	s17 =	sld [smem:$0x11];
	(tm) =	ssettm $0x1  }
0x97: {  	s18 =	sld [smem:$0x3FFB];
	_ =	sdelay $0x3  }
0x98: {  	_ =	strace s18  }
0x99: {  	s2 =	sld [smem:$0x3FFC];
	_ =	sdelay $0x3  }
0x9a: {  	_ =	strace s2  }
0x9b: {  	s2 =	sld [smem:$0x3FFD];
	_ =	sdelay $0x3  }
0x9c: {  	_ =	strace s2  }
0x9d: {  	_ =	strace $0x8FFFFFFF  }
0x9e: {  	s19 =	sld [smem:$0x3FDB];
	_ =	sdelay $0x1  }
0x9f: {  	s20 =	simm.s32 $_scs_section_size  }
0xa0: {  	s5 =	simm.s32 $_size__tile_overlayer_lowered;
	s6 =	simm.s32 $_tile_overlayer_lowered  }
0xa1: {  	s7 =	simm.s32 $0x1BFF;
	s21 =	sshll.u32 s6, $0x1;
	s4 =	sadd.s32 s20, s19  }
0xa2: {  	s22 =	simm.s32 $0x0;
	s5 =	sshll.u32 s5, $0x1;
	s6 =	sadd.s32 s21, s4  }
0xa3: {  	[timem:s22], [sflag:s7] =	dma.local [hbm:s6], s5  }
0xa4: {  	_ =	swait.ge [sflag:s7], s5  }
0xa5: {  	s5 =	ssub.s32 $0x0, s5;
	[sflag:s7] =	ssyncset.done $0x0  }
0xa6: {  	[sflag:s7] =	ssyncadd.s32 s5;
	_ =	sdelay $0x1  }
0xa7: {  	s23 =	simm.s32 $0x1B8B  }
0xa8: {  	_ =	swait.ge [sflag:s23], $0x1  }
0xa9: {  	[sflag:s23] =	ssyncset.done $0x0  }
0xaa: {  	[sflag:s23] =	ssyncadd.s32 $0xFFFFFFFF  }
0xab: {  	s5 =	sld [smem:$0x0]  }
0xac: {  	s6 =	sand.u32 $0xFFFFFFFE, s1  }
0xad: {  	p0 =	sne.s32 s1, s6  }
0xae: {  	s6 =	sshll.u32 @p0 s6, $0xE  }
0xaf: {  	s6 =	sadd.s32 @p0 $0x11B8D, s6;
	s7 =	sshll.u32 @p0 s5, $0x11  }
0xb0: {  	s6 =	sor.u32 @p0 s7, s6  }
0xb1: {  	[sflag:s6] =	ssyncadd.remote.s32 @p0 $0x1;
	_ =	sdelay $0x1  }
0xb2: {  	s6 =	simm.s32 @p0 $0x1B8D  }
0xb3: {  	_ =	swait.eq @p0 [sflag:s6], $0x1  }
0xb4: {  	[sflag:s6] =	ssyncadd.s32 @p0 $0xFFFFFFFF  }
0xb5: {  	s7 =	sshll.u32 @!p0 s1, $0xE  }
0xb6: {  	s7 =	sor.u32 @!p0 $0x4000, s7;
	s6 =	simm.s32 @!p0 $0x1B8D  }
0xb7: {  	s5 =	sshll.u32 @!p0 s5, $0x11;
	s7 =	sadd.s32 @!p0 $0x11B8D, s7;
	_ =	swait.eq @!p0 [sflag:s6], $0x1  }
0xb8: {  	s5 =	sor.u32 @!p0 s5, s7;
	[sflag:s6] =	ssyncadd.s32 @!p0 $0xFFFFFFFF  }
0xb9: {  	s25 =	simm.s32 $0x1B8E;
	s24 =	sld [smem:$0x3FFE];
	[sflag:s5] =	ssyncadd.remote.s32 @!p0 $0x1  }
0xba: {  	s26 =	simm.s32 $execute0_lowered;
	[smem:$0x3FD2] =	sst s25  }
0xbb: {  	s6 =	sshll.u32 s26, $0x1;
	_ =	strace $0x8000004C;
	[dreg:$0x1] =	wrdreg $0xFFFFFFFF  }
0xbc: {  	s28 =	simm.s32 $_size_execute0_lowered;
	s4 =	sadd.s32 s4, s6;
	[dreg:$0x0] =	wrdreg $0x0  }
0xbd: {  	s6 =	sshll.u32 s28, $0x1;
	[dreg:$0x2] =	wrdreg s4  }
0xbe: {  	[dreg:$0x3] =	wrdreg s6  }
0xbf: {  	[dreg:$0x4] =	wrdreg $0xC0  }
0xc0: {  	_ =	task [dreg:s22], $0x5FFFF  }
0xc1: {  	[dreg:$0x1] =	wrdreg $0xFFFFFFFF  }
0xc2: {  	[dreg:$0x0] =	wrdreg $0x60  }
0xc3: {  	[dreg:$0x2] =	wrdreg s17  }
0xc4: {  	[dreg:$0x3] =	wrdreg s24  }
0xc5: {  	[dreg:$0x4] =	wrdreg $0xC0000  }
0xc6: {  	[dreg:$0x5] =	wrdreg $0xA  }
0xc7: {  	_ =	task.clear_ibuf [dreg:s22], $0x6FFFF;
	_ =	strace $0x9000004C  }
0xc8: {  	s29 =	simm.s32 $0xA;
	_ =	strace $0x8000004E  }
0xc9: {  	_ =	swait.ge [sflag:s29], $0x1  }
0xca: {  	[sflag:s29] =	ssyncadd.s32 $0xFFFFFFFF  }
0xcb: {  	_ =	strace $0x9000004E  }
0xcc: {  	_ =	sfence  }
0xcd: {  	s30 =	sld [smem:$0x0];
	_ =	sdelay $0x2  }
0xce: {  	s31 =	sshll.u32 s1, $0xD;
	s1 =	sshrl.u32 s1, $0x2  }
0xcf: {  	s4 =	sand.u32 $0x4000, s31;
	s1 =	sadd.s32 s1, s30  }
0xd0: {  	s0 =	sor.u32 s4, s0;
	s1 =	sshll.u32 s1, $0x11  }
0xd1: {  	s0 =	sor.u32 s1, s0  }
0xd2: {  	s0 =	sadd.s32 $0x8F2B, s0  }
0xd3: {  	[sflag:s0] =	ssyncadd.remote.s32 $0x1  }
0xd4: {  	_ =	sfence.sel $0xFFFF  }
0xd5: {  	[dreg:$0x0] =	wrdreg $0xFFFFFFFF;
	(pc) =	sbr.abs _section_cstart, $3  }
0xd6: {  	[dreg:$0x1] =	wrdreg $0xFFFFFFFF  }
0xd7: {  	_ =	task.clear_ibuf [dreg:s22], $0x2FFFF;
	_ =	strace $0x9FFFFFFF  }
0xd8: {  	(tm) =	ssettm $0x7FFFFFFF  }
0xd9: {  	_ =	shalt  }
tec
execute0_lowered:
.L_overlay_start_1:
0x0: {  	(tag) =	ssettag $0x1  }
0x1: {  	s1 =	rddreg [dreg:$0x0]  }
0x2: {  	s0 =	rddreg [dreg:$0x1]  }
0x3: {  	s2 =	rddreg [dreg:$0x2];
	s3 =	simm.s32 $0x0;
	s4 =	srdreg.scid  }
0x4: {  	s11 =	stileid.u32;
	s18 =	simm.s32 $0x5;
	s19 =	simm.s32 $0x80  }
0x5: {  	s20 =	simm.s32 $0x4000;
	s28 =	simm.s32 $0x3;
	s29 =	simm.s32 $0x4  }
0x6: {  	s30 =	simm.s32 $0x7;
	s31 =	simm.s32 $0x0;
	[smem:$0x7FF] =	sst s3  }
0x7: {  	s4 =	sand.u32 $0x1, s4;
	s5 =	sadd.s32 $0xCF800, s0;
	s9 =	smul.u32 $0x4F000, s11  }
0x8: {  	s6 =	sadd.s32 $0x8C00, s0;
	s8 =	sadd.s32 $0x1CC00, s0;
	s13 =	smul.u32 $0x4E000, s11  }
0x9: {  	s0 =	sadd.s32 $0x17FC00, s0;
	s23 =	sshll.u32 s11, $0x6;
	s14 =	smul.u32 $0x2700, s11  }
0xa: {  	p0 =	sne.s32 s11, $0xF;
	_ =	strace $0x8000004D;
	s7 =	sshll.u32 s4, $0x4  }
0xb: {  	[dreg:$0x4] =	wrdreg s8;
	s10 =	ssub.s32 $0x2, s4;
	s22 =	smul.u32 $0x27100, s4  }
0xc: {  	[dreg:$0x5] =	wrdreg s23;
	s4 =	smul.u32 $0x138800, s4;
	s7 =	sor.u32 s11, s7  }
0xd: {  	s21 =	sshrl.u32 s10, $0x1;
	s9 =	sshrl.u32 s9, $0x2;
	s13 =	sshrl.u32 s13, $0x2  }
0xe: {  	s8 =	smul.u32 $0x5000, s7;
	s7 =	ssub.s32 s10, s21;
	s16 =	sadd.s32 s9, s2  }
0xf: {  	s9 =	sor.u32 $0x1C06, s23;
	s17 =	sadd.s32 s13, s2;
	s10 =	sadd.s32 s14, s22  }
0x10: {  	s4 =	sshrl.u32 s4, $0x3;
	s21 =	simm.s32 $0x8000;
	s22 =	simm.s32 $0x6  }
0x11: {  	s23 =	simm.s32 $0x1;
	[dreg:$0x6] =	wrdreg s9;
	s26 =	sadd.s32 s0, s10  }
.Ltmp0:
0x12: {  	s10 =	sadd.s32 $0x138000, s2;
	s0 =	sadd.s32 s0, s4;
	(pc) =	sbr.rel .LBB2_1-.Ltmp0, $4  }
0x13: {  	s15 =	smax.u32 s7, $0x1;
	s16 =	sshrl.u32 s16, $0x3;
	s12 =	sshrl.u32 s8, $0x3  }
0x14: {  	[dreg:$0x9] =	wrdreg s26;
	s14 =	sadd.s32 $0x27000, s0;
	s24 =	sadd.s32 s5, s12  }
0x15: {  	s26 =	simm.s32 $0x2;
	s25 =	sadd.s32 s6, s12;
	[dreg:$0x7] =	wrdreg s24  }
0x16: {  	[dreg:$0x8] =	wrdreg s25;
	s24 =	sshrl.u32 s17, $0x3;
	s25 =	sshrl.u32 @!p0 s10, $0x3  }
.LBB2_7:
0x17: {  	_ =	swait.ge [sflag:s29], $0x4000  }
0x18: {  	[sflag:s29] =	ssyncset.done $0x0  }
0x19: {  	[sflag:s29] =	ssyncadd.s32 $0xFFFFC000  }
0x1a: {  	[bflag:$0x0] =	sbarrier.arrive $0xFFFF  }
0x1b: {  	s0 =	rddreg [dreg:$0x5]  }
0x1c: {  	s4 =	rddreg [dreg:$0x9];
	s0 =	sor.u32 $0x1C07, s0  }
0x1d: {  	[hbm:s4], [sflag:s0] =	dma.local [spmem:s24], $0x2700  }
0x1e: {  	_ =	swait.ge [sflag:s30], $0x2700  }
0x1f: {  	s31 =	sadd.s32 $0x1, s31;
	[sflag:s30] =	ssyncset.done $0x0  }
0x20: {  	p1 =	sne.s32 s31, s15;
	[sflag:s30] =	ssyncadd.s32 $0xFFFFD900  }
0x21: {  	[hbm:s14], [sflag:s0] =	dma.local @!p0 [spmem:s25], $0x100  }
.Ltmp1:
0x22: {  	_ = 	snop;
	(pc) =	sbr.rel @!p1 .LBB2_8-.Ltmp1, $4  }
0x23: {  	s0 =	simm.s32 @!p0 $0x7  }
0x24: {  	_ =	swait.ge @!p0 [sflag:s0], $0x100  }
0x25: {  	[sflag:s0] =	ssyncset.done @!p0 $0x0  }
0x26: {  	[sflag:s0] =	ssyncadd.s32 @!p0 $0xFFFFFF00  }
.LBB2_1:
0x27: {  	s0 =	rddreg [dreg:$0x4]  }
0x28: {  	s4 =	rddreg [dreg:$0x6]  }
0x29: {  	[spmem:s16], [sflag:s4] =	dma.local [hbm:s0], $0x2780  }
0x2a: {  	s0 =	rddreg [dreg:$0x7]  }
0x2b: {  	[tilespmem:s3], [sflag:$0x5] =	stream.linear.gather [hbm4b:s0+s3], $0x1000, $0x38;
	[tilespmem:$0x1FC00] =	vst v63  }
0x2c: {  	s17 =	simm.s32 $0x2000;
	s13 =	rddreg [dreg:$0x8]  }
0x2d: {  	[tilespmem:s17], [sflag:$0x5] =	stream.linear.gather [hbm4b:s13+s3], $0x1000, $0x38;
	[tilespmem:$0x1FC00] =	vst v63  }
0x2e: {  	_ =	swait.ge [sflag:s18], $0x1000  }
0x2f: {  	[sflag:s18] =	ssyncset.done $0x0  }
0x30: {  	[sflag:s18] =	ssyncadd.s32 $0xFFFFF000  }
0x31: {  	_ =	swait.ge [sflag:s18], $0x1000  }
0x32: {  	[sflag:s18] =	ssyncset.done $0x0  }
0x33: {  	[sflag:s18] =	ssyncadd.s32 $0xFFFFF000  }
0x34: {  	[tilespmem:s20], [sflag:$0x1] =	stream.indirect.gather [hbm4b:s1+s19], $0x80, s3, s19, $0xb8;
	[tilespmem:$0x1FC00] =	vst v63  }
0x35: {  	_ = 	snop  }
0x36: {  	[tilespmem:s21], [sflag:$0x2] =	stream.indirect.gather [hbm4b:s1+s19], $0x80, s19, s19, $0xb8;
	[tilespmem:$0x1FC00] =	vst v63  }
0x37: {  	_ =	swait.ge [sflag:s22], $0x2780  }
0x38: {  	[sflag:s22] =	ssyncset.done $0x0  }
0x39: {  	s4 =	simm.s32 $0x0;
	[sflag:s22] =	ssyncadd.s32 $0xFFFFD880  }
0x3a: {  	s0 =	simm.s32 $0x180;
	s17 =	simm.s32 $0x0;
	[bflag:$0x0] =	sbarrier.arrive $0xFFFF  }
.LBB2_2:
0x3b: {  	s7 =	sand.u32 $0x1E, s4;
	p1 =	seq.s32 s4, $0x0  }
0x3c: {  	p2 =	sne.s32 @!p1 s7, $0x0  }
0x3d: {  	p1 =	por p1, p2  }
.Ltmp2:
0x3e: {  	_ = 	snop;
	(pc) =	sbr.rel @p1 .LBB2_4-.Ltmp2, $1  }
0x3f: {  	_ =	sdelay $0x3  }
0x40: {  	_ =	swait.ge [sflag:s18], $0x1000  }
.Ltmp3:
0x41: {  	[sflag:s18] =	ssyncset.done $0x0;
	(pc) =	sbr.rel .LBB2_5-.Ltmp3, $4  }
0x42: {  	[sflag:s18] =	ssyncadd.s32 $0xFFFFF000  }
0x43: {  	_ =	swait.ge [sflag:s18], $0x1000  }
0x44: {  	[sflag:s18] =	ssyncset.done $0x0  }
0x45: {  	s10 =	sshrl.u32 s17, $0x4;
	[sflag:s18] =	ssyncadd.s32 $0xFFFFF000  }
.LBB2_4:
0x46: {  	p1 =	sgt.u32 s17, $0x3F  }
0x47: {  	p2 =	sne.s32 @!p1 s7, $0x6  }
0x48: {  	s10 =	sshrl.u32 s17, $0x4;
	p1 =	por p2, p1  }
0x49: {  	s9 =	sshll.u32 @!p1 s10, $0xC  }
0x4a: {  	s9 =	sadd.s32 @!p1 $0x1000, s9  }
0x4b: {  	s11 =	sadd.s32 @!p1 s8, s9  }
0x4c: {  	s11 =	sshrl.u32 @!p1 s11, $0x3  }
0x4d: {  	s13 =	simm.s32 @!p1 $0x0;
	s9 =	sand.u32 @!p1 $0x1000, s9;
	s12 =	sadd.s32 @!p1 s5, s11  }
0x4e: {  	[tilespmem:s9], [sflag:$0x5] =	stream.linear.gather @!p1 [hbm4b:s12+s13], $0x1000, $0x38;
	[tilespmem:$0x1FC00] =	vst v63  }
0x4f: {  	s11 =	sadd.s32 @!p1 s6, s11;
	s9 =	sor.u32 @!p1 $0x2000, s9  }
0x50: {  	[tilespmem:s9], [sflag:$0x5] =	stream.linear.gather @!p1 [hbm4b:s11+s13], $0x1000, $0x38;
	[tilespmem:$0x1FC00] =	vst v63  }
.LBB2_5:
0x51: {  	s9 =	sshll.u32 s10, $0xC  }
0x52: {  	_ =	swait.ge [sflag:s23], $0x4000;
	s7 =	sshll.u32 s7, $0x7;
	s9 =	sand.u32 $0x1000, s9  }
0x53: {  	[sflag:s23] =	ssyncset.done $0x0;
	s7 =	sor.u32 s7, s9  }
0x54: {  	[sflag:s23] =	ssyncadd.s32 $0xFFFFC000;
	s7 =	sor.u32 $0x2000, s7  }
0x55: {  	[spmem:s2] =	stream.indirect.scatter.add.f32 [tilespmem:s20], [sflag:$0x3], $0x80, s7, s19, $0xb8;
	[tilespmem:$0x1FC00] =	vst v63  }
0x56: {  	s13 =	sadd.s32 $0xFFFFFE80, s0;
	_ =	swait.ge [sflag:s26], $0x4000  }
0x57: {  	p1 =	seq.s32 s17, $0x4F;
	s7 =	sand.u32 $0x1F00, s13;
	[sflag:s26] =	ssyncset.done $0x0  }
.Ltmp4:
0x58: {  	s7 =	sor.u32 $0x2080, s7;
	[sflag:s26] =	ssyncadd.s32 $0xFFFFC000;
	(pc) =	sbr.rel @p1 .LBB2_7-.Ltmp4, $4  }
0x59: {  	[spmem:s2] =	stream.indirect.scatter.add.f32 [tilespmem:s21], [sflag:$0x4], $0x80, s7, s19, $0xb8;
	[tilespmem:$0x1FC00] =	vst v63  }
0x5a: {  	_ =	swait.ge [sflag:s28], $0x4000  }
0x5b: {  	[sflag:s28] =	ssyncset.done $0x0  }
0x5c: {  	[sflag:s28] =	ssyncadd.s32 $0xFFFFC000  }
0x5d: {  	s7 =	sadd.s32 $0xFFFFFF80, s0  }
0x5e: {  	s7 =	sand.u32 $0x1F00, s7  }
0x5f: {  	[tilespmem:s20], [sflag:$0x1] =	stream.indirect.gather [hbm4b:s1+s19], $0x80, s7, s19, $0xb8;
	[tilespmem:$0x1FC00] =	vst v63  }
.Ltmp5:
0x60: {  	_ = 	snop;
	(pc) =	sbr.rel .LBB2_2-.Ltmp5, $4  }
0x61: {  	_ =	swait.ge [sflag:s29], $0x4000  }
0x62: {  	s13 =	sand.u32 $0x1F80, s0;
	s17 =	sadd.s32 $0x1, s17;
	[sflag:s29] =	ssyncset.done $0x0  }
0x63: {  	s4 =	sadd.s32 $0x2, s4;
	s0 =	sadd.s32 $0x100, s0;
	[sflag:s29] =	ssyncadd.s32 $0xFFFFC000  }
0x64: {  	[tilespmem:s21], [sflag:$0x2] =	stream.indirect.gather [hbm4b:s1+s19], $0x80, s13, s19, $0xb8;
	[tilespmem:$0x1FC00] =	vst v63  }
.LBB2_8:
0x65: {  	_ =	sfence.sel $0x180000  }
0x66: {  	[bflag:$0x0] =	sbarrier.arrive $0xFFFF  }
0x67: {  	_ =	strace $0x9000004D  }
0x68: {  	s0 =	stileid.u32;
	[bflag:$0x2] =	sbarrier.arrive $0xFFFF  }
0x69: {  	p0 =	sne.s32 s0, $0x0;
	s0 =	rddreg [dreg:$0x3]  }
0x6a: {  	s0 =	sadd.s32 @!p0 $0x100000, s0  }
0x6b: {  	[sflag:s0] =	ssyncadd.tile.s32 @!p0 $0x1;
	_ =	shalt  }
.Lfunc_end2:
_tile_overlayer_lowered:
.L_overlay_start_2:
0x6c: {  	(tag) =	ssettag $0x2  }
0x6d: {  	s0 =	rddreg [dreg:$0x0];
	s2 =	stileid.u32  }
0x6e: {  	s1 =	rddreg [dreg:$0x1];
	p0 =	sne.s32 s2, $0x0  }
0x6f: {  	s3 =	rddreg [dreg:$0x2];
	[bflag:$0x3] =	sbarrier.arrive $0xFFFF;
	s2 =	simm.s32 @!p0 $0x1C07  }
0x70: {  	[timem:s3], [sflag:s2] =	dma.local @!p0 [hbm:s0], s1  }
0x71: {  	s0 =	simm.s32 @!p0 $0x7  }
0x72: {  	_ =	swait.ge @!p0 [sflag:s0], s1  }
0x73: {  	s1 =	ssub.s32 @!p0 $0x0, s1;
	[sflag:s0] =	ssyncset.done @!p0 $0x0  }
0x74: {  	[sflag:s0] =	ssyncadd.s32 @!p0 s1  }
0x75: {  	[bflag:$0x3] =	sbarrier.arrive $0xFFFF  }
0x76: {  	_ =	shalt  }

// kernel: kernel.26.cloned.1.call-start
scs
__scs_entry_jumppad:
0x0: {  	(pc) =	sbr.rel $0x88, $3  }
0x1: {  	(tag) =	ssettag $0x0;
	lr =	simm.s32 $0x1  }
0x2: {  	[smem:$0x3F81] =	sst lr;
	_ =	strace $0xD0000000  }
0x3: {  	_ = 	snop  }
0x4: {  	_ = 	snop  }
0x5: {  	_ = 	snop  }
0x6: {  	_ = 	snop  }
0x7: {  	_ = 	snop  }
__scs_overlays_trampoline_lowered:
0x8: {  	[smem:$0x3F90] =	sst s0  }
0x9: {  	[smem:$0x3F91] =	sst s1  }
0xa: {  	[smem:$0x3F92] =	sst s2  }
0xb: {  	[smem:$0x3F93] =	sst s3  }
0xc: {  	[smem:$0x3F94] =	sst s4  }
0xd: {  	[smem:$0x3F95] =	sst s5  }
0xe: {  	[smem:$0x3F96] =	sst s6  }
0xf: {  	[smem:$0x3F97] =	sst s7  }
0x10: {  	[smem:$0x3F98] =	sst s8  }
0x11: {  	[smem:$0x3F99] =	sst s9;
	s0 =	simm.s32 @!p0 $0x0  }
0x12: {  	s1 =	sld [smem:$0x3F7F];
	s0 =	simm.s32 @p0 $0x1  }
0x13: {  	[smem:$0x3F9A] =	sst s0;
	s0 =	simm.s32 @!p1 $0x0  }
0x14: {  	s2 =	sld [smem:$0x3F7E];
	s0 =	simm.s32 @p1 $0x1  }
0x15: {  	[smem:$0x3F9B] =	sst s0;
	s0 =	simm.s32 @!p2 $0x0  }
0x16: {  	s3 =	sld [smem:$0x3FDB];
	s0 =	simm.s32 @p2 $0x1  }
0x17: {  	s4 =	simm.s32 $0x1BF5;
	[smem:$0x3F9D] =	sst s0  }
0x18: {  	s0 =	sld [smem:$0x3F80];
	_ =	swait.ge [sflag:s4], $0x0  }
0x19: {  	s7 =	sld [smem:$0x3F81]  }
0x1a: {  	s8 =	sadd.s32 $0xFFFFE003, lr  }
0x1b: {  	s9 =	sadd.s32 $0xFFFFFEF7, lr;
	s5 =	simm.s32 $0xFFFFFFFF;
	p2 =	slt.u32 s8, $0xFFFFF086  }
0x1c: {  	p1 =	slt.u32 s9, $0xF7A;
	s5 =	simm.s32 @!p2 $0x0  }
0x1d: {  	s5 =	simm.s32 @p1 $0x1;
	p0 =	seq.s32 s7, s2  }
0x1e: {  	s7 =	smul.u32 @!p0 $0xF7A, s2;
	p2 =	seq.s32 @!p0 s5, $0x0  }
0x1f: {  	s9 =	smul.u32 $0xF7A, s1;
	s8 =	simm.s32 @!p0 $0x1BF5;
	p2 =	por !p2, p0  }
0x20: {  	[sflag:s8] =	ssyncset.s32 @!p0 $0xFFFFF086;
	s6 =	sadd.s32 @!p0 s3, s7;
	s7 =	simm.s32 @!p0 $0x108  }
0x21: {  	s3 =	sadd.s32 s3, s9;
	s6 =	sadd.s32 @!p0 $0x88, s6;
	s7 =	simm.s32 @p2 $0x1082  }
0x22: {  	[simem:s7], [sflag:s8] =	dma.local @!p0 [hbm:s6], $0xF7A  }
0x23: {  	s9 =	sor.u32 $0xD0000000, s2;
	s6 =	simm.s32 $0x108;
	_ =	swait.ge @!p0 [sflag:s8], $0x0  }
0x24: {  	s3 =	sadd.s32 $0x88, s3;
	s6 =	simm.s32 @!p1 $0x1082;
	[sflag:s4] =	ssyncset.s32 $0xFFFFF086  }
0x25: {  	[simem:s6], [sflag:s4] =	dma.local [hbm:s3], $0xF7A  }
0x26: {  	[smem:$0x3F81] =	sst s1;
	(tag) =	ssettag s2;
	_ =	strace s9  }
0x27: {  	s1 =	sld [smem:$0x3F91]  }
0x28: {  	s2 =	sld [smem:$0x3F92]  }
0x29: {  	s4 =	sld [smem:$0x3F94]  }
0x2a: {  	p0 =	seq.s32 s5, $0x0;
	s5 =	sld [smem:$0x3F95]  }
0x2b: {  	s6 =	sld [smem:$0x3F96]  }
0x2c: {  	s7 =	sld [smem:$0x3F97]  }
0x2d: {  	s3 =	simm.s32 $0x108;
	s8 =	sld [smem:$0x3F98]  }
0x2e: {  	s3 =	simm.s32 @!p0 $0x1082;
	s9 =	sld [smem:$0x3F99]  }
0x2f: {  	lr =	sadd.s32 s0, s3;
	s0 =	sld [smem:$0x3F90]  }
0x30: {  	s3 =	sld [smem:$0x3F93]  }
0x31: {  	[smem:$0x3F9C] =	sst s10  }
0x32: {  	s10 =	sld [smem:$0x3F9A];
	_ =	sdelay $0x3  }
0x33: {  	p0 =	seq.s32 s10, $0x1;
	s10 =	sld [smem:$0x3F9C];
	_ =	sdelay $0x3  }
0x34: {  	[smem:$0x3F9C] =	sst s10  }
0x35: {  	s10 =	sld [smem:$0x3F9B];
	_ =	sdelay $0x3  }
0x36: {  	p1 =	seq.s32 s10, $0x1;
	s10 =	sld [smem:$0x3F9C];
	_ =	sdelay $0x3  }
0x37: {  	[smem:$0x3F9C] =	sst s10  }
0x38: {  	s10 =	sld [smem:$0x3F9D]  }
0x39: {  	_ = 	snop;
	(pc) =	sbr.ind lr, $3  }
0x3a: {  	_ = 	snop  }
0x3b: {  	_ = 	snop  }
0x3c: {  	p2 =	seq.s32 s10, $0x1;
	s10 =	sld [smem:$0x3F9C]  }
0x3d: {  	_ =	shalt  }
0x3e: {  	_ =	shalt  }
0x3f: {  	_ =	shalt  }
0x40: {  	_ =	shalt  }
0x41: {  	_ =	shalt  }
0x42: {  	_ =	shalt  }
0x43: {  	_ =	shalt  }
0x44: {  	_ =	shalt  }
0x45: {  	_ =	shalt  }
0x46: {  	_ =	shalt  }
0x47: {  	_ =	shalt  }
0x48: {  	_ =	shalt  }
0x49: {  	_ =	shalt  }
0x4a: {  	_ =	shalt  }
0x4b: {  	_ =	shalt  }
0x4c: {  	_ =	shalt  }
0x4d: {  	_ =	shalt  }
0x4e: {  	_ =	shalt  }
0x4f: {  	_ =	shalt  }
0x50: {  	_ =	shalt  }
0x51: {  	_ =	shalt  }
0x52: {  	_ =	shalt  }
0x53: {  	_ =	shalt  }
0x54: {  	_ =	shalt  }
0x55: {  	_ =	shalt  }
0x56: {  	_ =	shalt  }
0x57: {  	_ =	shalt  }
0x58: {  	_ =	shalt  }
0x59: {  	_ =	shalt  }
0x5a: {  	_ =	shalt  }
0x5b: {  	_ =	shalt  }
0x5c: {  	_ =	shalt  }
0x5d: {  	_ =	shalt  }
0x5e: {  	_ =	shalt  }
0x5f: {  	_ =	shalt  }
0x60: {  	_ =	shalt  }
0x61: {  	_ =	shalt  }
0x62: {  	_ =	shalt  }
0x63: {  	_ =	shalt  }
0x64: {  	_ =	shalt  }
0x65: {  	_ =	shalt  }
0x66: {  	_ =	shalt  }
0x67: {  	_ =	shalt  }
0x68: {  	_ =	shalt  }
0x69: {  	_ =	shalt  }
0x6a: {  	_ =	shalt  }
0x6b: {  	_ =	shalt  }
0x6c: {  	_ =	shalt  }
0x6d: {  	_ =	shalt  }
0x6e: {  	_ =	shalt  }
0x6f: {  	_ =	shalt  }
0x70: {  	_ =	shalt  }
0x71: {  	_ =	shalt  }
0x72: {  	_ =	shalt  }
0x73: {  	_ =	shalt  }
0x74: {  	_ =	shalt  }
0x75: {  	_ =	shalt  }
0x76: {  	_ =	shalt  }
0x77: {  	_ =	shalt  }
0x78: {  	_ =	shalt  }
0x79: {  	_ =	shalt  }
0x7a: {  	_ =	shalt  }
0x7b: {  	_ =	shalt  }
0x7c: {  	_ =	shalt  }
0x7d: {  	_ =	shalt  }
0x7e: {  	_ =	shalt  }
0x7f: {  	_ =	shalt  }
0x80: {  	_ =	shalt  }
0x81: {  	_ =	shalt  }
0x82: {  	_ =	shalt  }
0x83: {  	_ =	shalt  }
0x84: {  	_ =	shalt  }
0x85: {  	_ =	shalt  }
0x86: {  	_ =	shalt  }
0x87: {  	_ =	shalt  }
.Lfunc_end0:
.L_simem_size_0:
called_computation.4_lowered:
.L_overlay_start_0:
0x88: {  	s2 =	sld [smem:$0x3FD9]  }
0x89: {  	s3 =	sld [smem:$0x3FFE];
	_ =	sdelay $0x1  }
0x8a: {  	s1 =	srdreg.scid  }
0x8b: {  	s0 =	sand.u32 $0x1, s1  }
0x8c: {  	s15 =	sshll.u32 s0, $0xA;
	s2 =	sadd.s32 s3, s2  }
0x8d: {  	s2 =	sadd.s32 s2, s15  }
0x8e: {  	[smem:$0x3FA8] =	sst s2  }
0x8f: {  	_ = 	snop  }
0x90: {  	s2 =	sld [smem:$0x3FD0];
	_ =	sdelay $0x2  }
0x91: {  	s16 =	simm.s32 $0xB;
	s4 =	simm.s32 $0x10  }
0x92: {  	[smem:s4], [sflag:s16] =	dma.local [hbm:s2], $0x1  }
0x93: {  	_ =	swait.eq [sflag:s16], $0x1  }
0x94: {  	[sflag:s16] =	ssyncset.done $0x0  }
0x95: {  	[sflag:s16] =	ssyncadd.s32 $0xFFFFFFFF  }
0x96: {  	s17 =	sld [smem:$0x10];
	(tm) =	ssettm $0x1  }
0x97: {  	s18 =	sld [smem:$0x3FFB];
	_ =	sdelay $0x3  }
0x98: {  	_ =	strace s18  }
0x99: {  	s2 =	sld [smem:$0x3FFC];
	_ =	sdelay $0x3  }
0x9a: {  	_ =	strace s2  }
0x9b: {  	s2 =	sld [smem:$0x3FFD];
	_ =	sdelay $0x3  }
0x9c: {  	_ =	strace s2  }
0x9d: {  	_ =	strace $0x8FFFFFFF  }
0x9e: {  	s19 =	sld [smem:$0x3FDB];
	_ =	sdelay $0x1  }
0x9f: {  	s20 =	simm.s32 $_scs_section_size  }
0xa0: {  	s5 =	simm.s32 $_size__tile_overlayer_lowered;
	s6 =	simm.s32 $_tile_overlayer_lowered  }
0xa1: {  	s7 =	simm.s32 $0x1BFF;
	s21 =	sshll.u32 s6, $0x1;
	s4 =	sadd.s32 s20, s19  }
0xa2: {  	s22 =	simm.s32 $0x0;
	s5 =	sshll.u32 s5, $0x1;
	s6 =	sadd.s32 s21, s4  }
0xa3: {  	[timem:s22], [sflag:s7] =	dma.local [hbm:s6], s5  }
0xa4: {  	_ =	swait.ge [sflag:s7], s5  }
0xa5: {  	s5 =	ssub.s32 $0x0, s5;
	[sflag:s7] =	ssyncset.done $0x0  }
0xa6: {  	[sflag:s7] =	ssyncadd.s32 s5;
	_ =	sdelay $0x1  }
0xa7: {  	s23 =	simm.s32 $0x1B8B  }
0xa8: {  	_ =	swait.ge [sflag:s23], $0x1  }
0xa9: {  	[sflag:s23] =	ssyncset.done $0x0  }
0xaa: {  	[sflag:s23] =	ssyncadd.s32 $0xFFFFFFFF  }
0xab: {  	s5 =	sld [smem:$0x0]  }
0xac: {  	s6 =	sand.u32 $0xFFFFFFFE, s1  }
0xad: {  	p0 =	sne.s32 s1, s6  }
0xae: {  	s6 =	sshll.u32 @p0 s6, $0xE  }
0xaf: {  	s6 =	sadd.s32 @p0 $0x11B8D, s6;
	s7 =	sshll.u32 @p0 s5, $0x11  }
0xb0: {  	s6 =	sor.u32 @p0 s7, s6  }
0xb1: {  	[sflag:s6] =	ssyncadd.remote.s32 @p0 $0x1;
	_ =	sdelay $0x1  }
0xb2: {  	s6 =	simm.s32 @p0 $0x1B8D  }
0xb3: {  	_ =	swait.eq @p0 [sflag:s6], $0x1  }
0xb4: {  	[sflag:s6] =	ssyncadd.s32 @p0 $0xFFFFFFFF  }
0xb5: {  	s7 =	sshll.u32 @!p0 s1, $0xE  }
0xb6: {  	s7 =	sor.u32 @!p0 $0x4000, s7;
	s6 =	simm.s32 @!p0 $0x1B8D  }
0xb7: {  	s5 =	sshll.u32 @!p0 s5, $0x11;
	s7 =	sadd.s32 @!p0 $0x11B8D, s7;
	_ =	swait.eq @!p0 [sflag:s6], $0x1  }
0xb8: {  	s5 =	sor.u32 @!p0 s5, s7;
	[sflag:s6] =	ssyncadd.s32 @!p0 $0xFFFFFFFF  }
0xb9: {  	s25 =	simm.s32 $0x1B8E;
	s24 =	sld [smem:$0x3FFE];
	[sflag:s5] =	ssyncadd.remote.s32 @!p0 $0x1  }
0xba: {  	s26 =	simm.s32 $execute0_lowered;
	[smem:$0x3FD2] =	sst s25  }
0xbb: {  	s6 =	sshll.u32 s26, $0x1;
	_ =	strace $0x80000055;
	[dreg:$0x1] =	wrdreg $0xFFFFFFFF  }
0xbc: {  	s28 =	simm.s32 $_size_execute0_lowered;
	s4 =	sadd.s32 s4, s6;
	[dreg:$0x0] =	wrdreg $0x0  }
0xbd: {  	s6 =	sshll.u32 s28, $0x1;
	[dreg:$0x2] =	wrdreg s4  }
0xbe: {  	[dreg:$0x3] =	wrdreg s6  }
0xbf: {  	[dreg:$0x4] =	wrdreg $0xC0  }
0xc0: {  	_ =	task [dreg:s22], $0x5FFFF  }
0xc1: {  	[dreg:$0x1] =	wrdreg $0xFFFFFFFF  }
0xc2: {  	[dreg:$0x0] =	wrdreg $0x60  }
0xc3: {  	[dreg:$0x2] =	wrdreg s17  }
0xc4: {  	[dreg:$0x3] =	wrdreg s24  }
0xc5: {  	[dreg:$0x4] =	wrdreg $0xC0000  }
0xc6: {  	[dreg:$0x5] =	wrdreg $0x9  }
0xc7: {  	_ =	task.clear_ibuf [dreg:s22], $0x6FFFF;
	_ =	strace $0x90000055  }
0xc8: {  	s29 =	simm.s32 $0x9;
	_ =	strace $0x80000057  }
0xc9: {  	_ =	swait.ge [sflag:s29], $0x1  }
0xca: {  	[sflag:s29] =	ssyncadd.s32 $0xFFFFFFFF  }
0xcb: {  	_ =	strace $0x90000057  }
0xcc: {  	_ =	sfence  }
0xcd: {  	s30 =	sld [smem:$0x0];
	_ =	sdelay $0x2  }
0xce: {  	s31 =	sshll.u32 s1, $0xD;
	s1 =	sshrl.u32 s1, $0x2  }
0xcf: {  	s4 =	sand.u32 $0x4000, s31;
	s1 =	sadd.s32 s1, s30  }
0xd0: {  	s0 =	sor.u32 s4, s0;
	s1 =	sshll.u32 s1, $0x11  }
0xd1: {  	s0 =	sor.u32 s1, s0  }
0xd2: {  	s0 =	sadd.s32 $0x8F2B, s0  }
0xd3: {  	[sflag:s0] =	ssyncadd.remote.s32 $0x1  }
0xd4: {  	_ =	sfence.sel $0xFFFF  }
0xd5: {  	[dreg:$0x0] =	wrdreg $0xFFFFFFFF;
	(pc) =	sbr.abs _section_cstart, $3  }
0xd6: {  	[dreg:$0x1] =	wrdreg $0xFFFFFFFF  }
0xd7: {  	_ =	task.clear_ibuf [dreg:s22], $0x2FFFF;
	_ =	strace $0x9FFFFFFF  }
0xd8: {  	(tm) =	ssettm $0x7FFFFFFF  }
0xd9: {  	_ =	shalt  }
tec
execute0_lowered:
.L_overlay_start_1:
0x0: {  	(tag) =	ssettag $0x1  }
0x1: {  	s1 =	rddreg [dreg:$0x0]  }
0x2: {  	s0 =	rddreg [dreg:$0x1]  }
0x3: {  	s2 =	rddreg [dreg:$0x2];
	s3 =	simm.s32 $0x0;
	s4 =	srdreg.scid  }
0x4: {  	s11 =	stileid.u32;
	s18 =	simm.s32 $0x5;
	s19 =	simm.s32 $0x80  }
0x5: {  	s20 =	simm.s32 $0x4000;
	s28 =	simm.s32 $0x3;
	s29 =	simm.s32 $0x4  }
0x6: {  	s30 =	simm.s32 $0x7;
	s31 =	simm.s32 $0x0;
	[smem:$0x7FF] =	sst s3  }
0x7: {  	s4 =	sand.u32 $0x1, s4;
	s5 =	sadd.s32 $0x1CDE00, s0;
	s9 =	smul.u32 $0x4F000, s11  }
0x8: {  	s6 =	sadd.s32 $0x6D600, s0;
	s8 =	sadd.s32 $0x1CC00, s0;
	s13 =	smul.u32 $0x4E000, s11  }
0x9: {  	s0 =	sadd.s32 $0xE3800, s0;
	s23 =	sshll.u32 s11, $0x6;
	s14 =	smul.u32 $0x2700, s11  }
0xa: {  	p0 =	sne.s32 s11, $0xF;
	_ =	strace $0x80000056;
	s7 =	sshll.u32 s4, $0x4  }
0xb: {  	[dreg:$0x4] =	wrdreg s8;
	s10 =	ssub.s32 $0x2, s4;
	s22 =	smul.u32 $0x27100, s4  }
0xc: {  	[dreg:$0x5] =	wrdreg s23;
	s4 =	smul.u32 $0x138800, s4;
	s7 =	sor.u32 s11, s7  }
0xd: {  	s21 =	sshrl.u32 s10, $0x1;
	s9 =	sshrl.u32 s9, $0x2;
	s13 =	sshrl.u32 s13, $0x2  }
0xe: {  	s8 =	smul.u32 $0x5000, s7;
	s7 =	ssub.s32 s10, s21;
	s16 =	sadd.s32 s9, s2  }
0xf: {  	s9 =	sor.u32 $0x1C06, s23;
	s17 =	sadd.s32 s13, s2;
	s10 =	sadd.s32 s14, s22  }
0x10: {  	s4 =	sshrl.u32 s4, $0x3;
	s21 =	simm.s32 $0x8000;
	s22 =	simm.s32 $0x6  }
0x11: {  	s23 =	simm.s32 $0x1;
	[dreg:$0x6] =	wrdreg s9;
	s26 =	sadd.s32 s0, s10  }
.Ltmp0:
0x12: {  	s10 =	sadd.s32 $0x138000, s2;
	s0 =	sadd.s32 s0, s4;
	(pc) =	sbr.rel .LBB2_1-.Ltmp0, $4  }
0x13: {  	s15 =	smax.u32 s7, $0x1;
	s16 =	sshrl.u32 s16, $0x3;
	s12 =	sshrl.u32 s8, $0x3  }
0x14: {  	[dreg:$0x9] =	wrdreg s26;
	s14 =	sadd.s32 $0x27000, s0;
	s24 =	sadd.s32 s5, s12  }
0x15: {  	s26 =	simm.s32 $0x2;
	s25 =	sadd.s32 s6, s12;
	[dreg:$0x7] =	wrdreg s24  }
0x16: {  	[dreg:$0x8] =	wrdreg s25;
	s24 =	sshrl.u32 s17, $0x3;
	s25 =	sshrl.u32 @!p0 s10, $0x3  }
.LBB2_7:
0x17: {  	_ =	swait.ge [sflag:s29], $0x4000  }
0x18: {  	[sflag:s29] =	ssyncset.done $0x0  }
0x19: {  	[sflag:s29] =	ssyncadd.s32 $0xFFFFC000  }
0x1a: {  	[bflag:$0x0] =	sbarrier.arrive $0xFFFF  }
0x1b: {  	s0 =	rddreg [dreg:$0x5]  }
0x1c: {  	s4 =	rddreg [dreg:$0x9];
	s0 =	sor.u32 $0x1C07, s0  }
0x1d: {  	[hbm:s4], [sflag:s0] =	dma.local [spmem:s24], $0x2700  }
0x1e: {  	_ =	swait.ge [sflag:s30], $0x2700  }
0x1f: {  	s31 =	sadd.s32 $0x1, s31;
	[sflag:s30] =	ssyncset.done $0x0  }
0x20: {  	p1 =	sne.s32 s31, s15;
	[sflag:s30] =	ssyncadd.s32 $0xFFFFD900  }
0x21: {  	[hbm:s14], [sflag:s0] =	dma.local @!p0 [spmem:s25], $0x100  }
.Ltmp1:
0x22: {  	_ = 	snop;
	(pc) =	sbr.rel @!p1 .LBB2_8-.Ltmp1, $4  }
0x23: {  	s0 =	simm.s32 @!p0 $0x7  }
0x24: {  	_ =	swait.ge @!p0 [sflag:s0], $0x100  }
0x25: {  	[sflag:s0] =	ssyncset.done @!p0 $0x0  }
0x26: {  	[sflag:s0] =	ssyncadd.s32 @!p0 $0xFFFFFF00  }
.LBB2_1:
0x27: {  	s0 =	rddreg [dreg:$0x4]  }
0x28: {  	s4 =	rddreg [dreg:$0x6]  }
0x29: {  	[spmem:s16], [sflag:s4] =	dma.local [hbm:s0], $0x2780  }
0x2a: {  	s0 =	rddreg [dreg:$0x7]  }
0x2b: {  	[tilespmem:s3], [sflag:$0x5] =	stream.linear.gather [hbm4b:s0+s3], $0x1000, $0x38;
	[tilespmem:$0x1FC00] =	vst v63  }
0x2c: {  	s17 =	simm.s32 $0x2000;
	s13 =	rddreg [dreg:$0x8]  }
0x2d: {  	[tilespmem:s17], [sflag:$0x5] =	stream.linear.gather [hbm4b:s13+s3], $0x1000, $0x38;
	[tilespmem:$0x1FC00] =	vst v63  }
0x2e: {  	_ =	swait.ge [sflag:s18], $0x1000  }
0x2f: {  	[sflag:s18] =	ssyncset.done $0x0  }
0x30: {  	[sflag:s18] =	ssyncadd.s32 $0xFFFFF000  }
0x31: {  	_ =	swait.ge [sflag:s18], $0x1000  }
0x32: {  	[sflag:s18] =	ssyncset.done $0x0  }
0x33: {  	[sflag:s18] =	ssyncadd.s32 $0xFFFFF000  }
0x34: {  	[tilespmem:s20], [sflag:$0x1] =	stream.indirect.gather [hbm4b:s1+s19], $0x80, s3, s19, $0xb8;
	[tilespmem:$0x1FC00] =	vst v63  }
0x35: {  	_ = 	snop  }
0x36: {  	[tilespmem:s21], [sflag:$0x2] =	stream.indirect.gather [hbm4b:s1+s19], $0x80, s19, s19, $0xb8;
	[tilespmem:$0x1FC00] =	vst v63  }
0x37: {  	_ =	swait.ge [sflag:s22], $0x2780  }
0x38: {  	[sflag:s22] =	ssyncset.done $0x0  }
0x39: {  	s4 =	simm.s32 $0x0;
	[sflag:s22] =	ssyncadd.s32 $0xFFFFD880  }
0x3a: {  	s0 =	simm.s32 $0x180;
	s17 =	simm.s32 $0x0;
	[bflag:$0x0] =	sbarrier.arrive $0xFFFF  }
.LBB2_2:
0x3b: {  	s7 =	sand.u32 $0x1E, s4;
	p1 =	seq.s32 s4, $0x0  }
0x3c: {  	p2 =	sne.s32 @!p1 s7, $0x0  }
0x3d: {  	p1 =	por p1, p2  }
.Ltmp2:
0x3e: {  	_ = 	snop;
	(pc) =	sbr.rel @p1 .LBB2_4-.Ltmp2, $1  }
0x3f: {  	_ =	sdelay $0x3  }
0x40: {  	_ =	swait.ge [sflag:s18], $0x1000  }
.Ltmp3:
0x41: {  	[sflag:s18] =	ssyncset.done $0x0;
	(pc) =	sbr.rel .LBB2_5-.Ltmp3, $4  }
0x42: {  	[sflag:s18] =	ssyncadd.s32 $0xFFFFF000  }
0x43: {  	_ =	swait.ge [sflag:s18], $0x1000  }
0x44: {  	[sflag:s18] =	ssyncset.done $0x0  }
0x45: {  	s10 =	sshrl.u32 s17, $0x4;
	[sflag:s18] =	ssyncadd.s32 $0xFFFFF000  }
.LBB2_4:
0x46: {  	p1 =	sgt.u32 s17, $0x3F  }
0x47: {  	p2 =	sne.s32 @!p1 s7, $0x6  }
0x48: {  	s10 =	sshrl.u32 s17, $0x4;
	p1 =	por p2, p1  }
0x49: {  	s9 =	sshll.u32 @!p1 s10, $0xC  }
0x4a: {  	s9 =	sadd.s32 @!p1 $0x1000, s9  }
0x4b: {  	s11 =	sadd.s32 @!p1 s8, s9  }
0x4c: {  	s11 =	sshrl.u32 @!p1 s11, $0x3  }
0x4d: {  	s13 =	simm.s32 @!p1 $0x0;
	s9 =	sand.u32 @!p1 $0x1000, s9;
	s12 =	sadd.s32 @!p1 s5, s11  }
0x4e: {  	[tilespmem:s9], [sflag:$0x5] =	stream.linear.gather @!p1 [hbm4b:s12+s13], $0x1000, $0x38;
	[tilespmem:$0x1FC00] =	vst v63  }
0x4f: {  	s11 =	sadd.s32 @!p1 s6, s11;
	s9 =	sor.u32 @!p1 $0x2000, s9  }
0x50: {  	[tilespmem:s9], [sflag:$0x5] =	stream.linear.gather @!p1 [hbm4b:s11+s13], $0x1000, $0x38;
	[tilespmem:$0x1FC00] =	vst v63  }
.LBB2_5:
0x51: {  	s9 =	sshll.u32 s10, $0xC  }
0x52: {  	_ =	swait.ge [sflag:s23], $0x4000;
	s7 =	sshll.u32 s7, $0x7;
	s9 =	sand.u32 $0x1000, s9  }
0x53: {  	[sflag:s23] =	ssyncset.done $0x0;
	s7 =	sor.u32 s7, s9  }
0x54: {  	[sflag:s23] =	ssyncadd.s32 $0xFFFFC000;
	s7 =	sor.u32 $0x2000, s7  }
0x55: {  	[spmem:s2] =	stream.indirect.scatter.add.f32 [tilespmem:s20], [sflag:$0x3], $0x80, s7, s19, $0xb8;
	[tilespmem:$0x1FC00] =	vst v63  }
0x56: {  	s13 =	sadd.s32 $0xFFFFFE80, s0;
	_ =	swait.ge [sflag:s26], $0x4000  }
0x57: {  	p1 =	seq.s32 s17, $0x4F;
	s7 =	sand.u32 $0x1F00, s13;
	[sflag:s26] =	ssyncset.done $0x0  }
.Ltmp4:
0x58: {  	s7 =	sor.u32 $0x2080, s7;
	[sflag:s26] =	ssyncadd.s32 $0xFFFFC000;
	(pc) =	sbr.rel @p1 .LBB2_7-.Ltmp4, $4  }
0x59: {  	[spmem:s2] =	stream.indirect.scatter.add.f32 [tilespmem:s21], [sflag:$0x4], $0x80, s7, s19, $0xb8;
	[tilespmem:$0x1FC00] =	vst v63  }
0x5a: {  	_ =	swait.ge [sflag:s28], $0x4000  }
0x5b: {  	[sflag:s28] =	ssyncset.done $0x0  }
0x5c: {  	[sflag:s28] =	ssyncadd.s32 $0xFFFFC000  }
0x5d: {  	s7 =	sadd.s32 $0xFFFFFF80, s0  }
0x5e: {  	s7 =	sand.u32 $0x1F00, s7  }
0x5f: {  	[tilespmem:s20], [sflag:$0x1] =	stream.indirect.gather [hbm4b:s1+s19], $0x80, s7, s19, $0xb8;
	[tilespmem:$0x1FC00] =	vst v63  }
.Ltmp5:
0x60: {  	_ = 	snop;
	(pc) =	sbr.rel .LBB2_2-.Ltmp5, $4  }
0x61: {  	_ =	swait.ge [sflag:s29], $0x4000  }
0x62: {  	s13 =	sand.u32 $0x1F80, s0;
	s17 =	sadd.s32 $0x1, s17;
	[sflag:s29] =	ssyncset.done $0x0  }
0x63: {  	s4 =	sadd.s32 $0x2, s4;
	s0 =	sadd.s32 $0x100, s0;
	[sflag:s29] =	ssyncadd.s32 $0xFFFFC000  }
0x64: {  	[tilespmem:s21], [sflag:$0x2] =	stream.indirect.gather [hbm4b:s1+s19], $0x80, s13, s19, $0xb8;
	[tilespmem:$0x1FC00] =	vst v63  }
.LBB2_8:
0x65: {  	_ =	sfence.sel $0x180000  }
0x66: {  	[bflag:$0x0] =	sbarrier.arrive $0xFFFF  }
0x67: {  	_ =	strace $0x90000056  }
0x68: {  	s0 =	stileid.u32;
	[bflag:$0x2] =	sbarrier.arrive $0xFFFF  }
0x69: {  	p0 =	sne.s32 s0, $0x0;
	s0 =	rddreg [dreg:$0x3]  }
0x6a: {  	s0 =	sadd.s32 @!p0 $0x100000, s0  }
0x6b: {  	[sflag:s0] =	ssyncadd.tile.s32 @!p0 $0x1;
	_ =	shalt  }
.Lfunc_end2:
_tile_overlayer_lowered:
.L_overlay_start_2:
0x6c: {  	(tag) =	ssettag $0x2  }
0x6d: {  	s0 =	rddreg [dreg:$0x0];
	s2 =	stileid.u32  }
0x6e: {  	s1 =	rddreg [dreg:$0x1];
	p0 =	sne.s32 s2, $0x0  }
0x6f: {  	s3 =	rddreg [dreg:$0x2];
	[bflag:$0x3] =	sbarrier.arrive $0xFFFF;
	s2 =	simm.s32 @!p0 $0x1C07  }
0x70: {  	[timem:s3], [sflag:s2] =	dma.local @!p0 [hbm:s0], s1  }
0x71: {  	s0 =	simm.s32 @!p0 $0x7  }
0x72: {  	_ =	swait.ge @!p0 [sflag:s0], s1  }
0x73: {  	s1 =	ssub.s32 @!p0 $0x0, s1;
	[sflag:s0] =	ssyncset.done @!p0 $0x0  }
0x74: {  	[sflag:s0] =	ssyncadd.s32 @!p0 s1  }
0x75: {  	[bflag:$0x3] =	sbarrier.arrive $0xFFFF  }
0x76: {  	_ =	shalt  }

// kernel: kernel.29.cloned.1.call-start
scs
__scs_entry_jumppad:
0x0: {  	(pc) =	sbr.rel $0x88, $3  }
0x1: {  	(tag) =	ssettag $0x0;
	lr =	simm.s32 $0x1  }
0x2: {  	[smem:$0x3F81] =	sst lr;
	_ =	strace $0xD0000000  }
0x3: {  	_ = 	snop  }
0x4: {  	_ = 	snop  }
0x5: {  	_ = 	snop  }
0x6: {  	_ = 	snop  }
0x7: {  	_ = 	snop  }
__scs_overlays_trampoline_lowered:
0x8: {  	[smem:$0x3F90] =	sst s0  }
0x9: {  	[smem:$0x3F91] =	sst s1  }
0xa: {  	[smem:$0x3F92] =	sst s2  }
0xb: {  	[smem:$0x3F93] =	sst s3  }
0xc: {  	[smem:$0x3F94] =	sst s4  }
0xd: {  	[smem:$0x3F95] =	sst s5  }
0xe: {  	[smem:$0x3F96] =	sst s6  }
0xf: {  	[smem:$0x3F97] =	sst s7  }
0x10: {  	[smem:$0x3F98] =	sst s8  }
0x11: {  	[smem:$0x3F99] =	sst s9;
	s0 =	simm.s32 @!p0 $0x0  }
0x12: {  	s1 =	sld [smem:$0x3F7F];
	s0 =	simm.s32 @p0 $0x1  }
0x13: {  	[smem:$0x3F9A] =	sst s0;
	s0 =	simm.s32 @!p1 $0x0  }
0x14: {  	s2 =	sld [smem:$0x3F7E];
	s0 =	simm.s32 @p1 $0x1  }
0x15: {  	[smem:$0x3F9B] =	sst s0;
	s0 =	simm.s32 @!p2 $0x0  }
0x16: {  	s3 =	sld [smem:$0x3FDB];
	s0 =	simm.s32 @p2 $0x1  }
0x17: {  	s4 =	simm.s32 $0x1BF5;
	[smem:$0x3F9D] =	sst s0  }
0x18: {  	s0 =	sld [smem:$0x3F80];
	_ =	swait.ge [sflag:s4], $0x0  }
0x19: {  	s7 =	sld [smem:$0x3F81]  }
0x1a: {  	s8 =	sadd.s32 $0xFFFFE003, lr  }
0x1b: {  	s9 =	sadd.s32 $0xFFFFFEF7, lr;
	s5 =	simm.s32 $0xFFFFFFFF;
	p2 =	slt.u32 s8, $0xFFFFF086  }
0x1c: {  	p1 =	slt.u32 s9, $0xF7A;
	s5 =	simm.s32 @!p2 $0x0  }
0x1d: {  	s5 =	simm.s32 @p1 $0x1;
	p0 =	seq.s32 s7, s2  }
0x1e: {  	s7 =	smul.u32 @!p0 $0xF7A, s2;
	p2 =	seq.s32 @!p0 s5, $0x0  }
0x1f: {  	s9 =	smul.u32 $0xF7A, s1;
	s8 =	simm.s32 @!p0 $0x1BF5;
	p2 =	por !p2, p0  }
0x20: {  	[sflag:s8] =	ssyncset.s32 @!p0 $0xFFFFF086;
	s6 =	sadd.s32 @!p0 s3, s7;
	s7 =	simm.s32 @!p0 $0x108  }
0x21: {  	s3 =	sadd.s32 s3, s9;
	s6 =	sadd.s32 @!p0 $0x88, s6;
	s7 =	simm.s32 @p2 $0x1082  }
0x22: {  	[simem:s7], [sflag:s8] =	dma.local @!p0 [hbm:s6], $0xF7A  }
0x23: {  	s9 =	sor.u32 $0xD0000000, s2;
	s6 =	simm.s32 $0x108;
	_ =	swait.ge @!p0 [sflag:s8], $0x0  }
0x24: {  	s3 =	sadd.s32 $0x88, s3;
	s6 =	simm.s32 @!p1 $0x1082;
	[sflag:s4] =	ssyncset.s32 $0xFFFFF086  }
0x25: {  	[simem:s6], [sflag:s4] =	dma.local [hbm:s3], $0xF7A  }
0x26: {  	[smem:$0x3F81] =	sst s1;
	(tag) =	ssettag s2;
	_ =	strace s9  }
0x27: {  	s1 =	sld [smem:$0x3F91]  }
0x28: {  	s2 =	sld [smem:$0x3F92]  }
0x29: {  	s4 =	sld [smem:$0x3F94]  }
0x2a: {  	p0 =	seq.s32 s5, $0x0;
	s5 =	sld [smem:$0x3F95]  }
0x2b: {  	s6 =	sld [smem:$0x3F96]  }
0x2c: {  	s7 =	sld [smem:$0x3F97]  }
0x2d: {  	s3 =	simm.s32 $0x108;
	s8 =	sld [smem:$0x3F98]  }
0x2e: {  	s3 =	simm.s32 @!p0 $0x1082;
	s9 =	sld [smem:$0x3F99]  }
0x2f: {  	lr =	sadd.s32 s0, s3;
	s0 =	sld [smem:$0x3F90]  }
0x30: {  	s3 =	sld [smem:$0x3F93]  }
0x31: {  	[smem:$0x3F9C] =	sst s10  }
0x32: {  	s10 =	sld [smem:$0x3F9A];
	_ =	sdelay $0x3  }
0x33: {  	p0 =	seq.s32 s10, $0x1;
	s10 =	sld [smem:$0x3F9C];
	_ =	sdelay $0x3  }
0x34: {  	[smem:$0x3F9C] =	sst s10  }
0x35: {  	s10 =	sld [smem:$0x3F9B];
	_ =	sdelay $0x3  }
0x36: {  	p1 =	seq.s32 s10, $0x1;
	s10 =	sld [smem:$0x3F9C];
	_ =	sdelay $0x3  }
0x37: {  	[smem:$0x3F9C] =	sst s10  }
0x38: {  	s10 =	sld [smem:$0x3F9D]  }
0x39: {  	_ = 	snop;
	(pc) =	sbr.ind lr, $3  }
0x3a: {  	_ = 	snop  }
0x3b: {  	_ = 	snop  }
0x3c: {  	p2 =	seq.s32 s10, $0x1;
	s10 =	sld [smem:$0x3F9C]  }
0x3d: {  	_ =	shalt  }
0x3e: {  	_ =	shalt  }
0x3f: {  	_ =	shalt  }
0x40: {  	_ =	shalt  }
0x41: {  	_ =	shalt  }
0x42: {  	_ =	shalt  }
0x43: {  	_ =	shalt  }
0x44: {  	_ =	shalt  }
0x45: {  	_ =	shalt  }
0x46: {  	_ =	shalt  }
0x47: {  	_ =	shalt  }
0x48: {  	_ =	shalt  }
0x49: {  	_ =	shalt  }
0x4a: {  	_ =	shalt  }
0x4b: {  	_ =	shalt  }
0x4c: {  	_ =	shalt  }
0x4d: {  	_ =	shalt  }
0x4e: {  	_ =	shalt  }
0x4f: {  	_ =	shalt  }
0x50: {  	_ =	shalt  }
0x51: {  	_ =	shalt  }
0x52: {  	_ =	shalt  }
0x53: {  	_ =	shalt  }
0x54: {  	_ =	shalt  }
0x55: {  	_ =	shalt  }
0x56: {  	_ =	shalt  }
0x57: {  	_ =	shalt  }
0x58: {  	_ =	shalt  }
0x59: {  	_ =	shalt  }
0x5a: {  	_ =	shalt  }
0x5b: {  	_ =	shalt  }
0x5c: {  	_ =	shalt  }
0x5d: {  	_ =	shalt  }
0x5e: {  	_ =	shalt  }
0x5f: {  	_ =	shalt  }
0x60: {  	_ =	shalt  }
0x61: {  	_ =	shalt  }
0x62: {  	_ =	shalt  }
0x63: {  	_ =	shalt  }
0x64: {  	_ =	shalt  }
0x65: {  	_ =	shalt  }
0x66: {  	_ =	shalt  }
0x67: {  	_ =	shalt  }
0x68: {  	_ =	shalt  }
0x69: {  	_ =	shalt  }
0x6a: {  	_ =	shalt  }
0x6b: {  	_ =	shalt  }
0x6c: {  	_ =	shalt  }
0x6d: {  	_ =	shalt  }
0x6e: {  	_ =	shalt  }
0x6f: {  	_ =	shalt  }
0x70: {  	_ =	shalt  }
0x71: {  	_ =	shalt  }
0x72: {  	_ =	shalt  }
0x73: {  	_ =	shalt  }
0x74: {  	_ =	shalt  }
0x75: {  	_ =	shalt  }
0x76: {  	_ =	shalt  }
0x77: {  	_ =	shalt  }
0x78: {  	_ =	shalt  }
0x79: {  	_ =	shalt  }
0x7a: {  	_ =	shalt  }
0x7b: {  	_ =	shalt  }
0x7c: {  	_ =	shalt  }
0x7d: {  	_ =	shalt  }
0x7e: {  	_ =	shalt  }
0x7f: {  	_ =	shalt  }
0x80: {  	_ =	shalt  }
0x81: {  	_ =	shalt  }
0x82: {  	_ =	shalt  }
0x83: {  	_ =	shalt  }
0x84: {  	_ =	shalt  }
0x85: {  	_ =	shalt  }
0x86: {  	_ =	shalt  }
0x87: {  	_ =	shalt  }
.Lfunc_end0:
.L_simem_size_0:
called_computation.5_lowered:
.L_overlay_start_0:
0x88: {  	s2 =	sld [smem:$0x3FD9]  }
0x89: {  	s3 =	sld [smem:$0x3FFE];
	_ =	sdelay $0x1  }
0x8a: {  	s1 =	srdreg.scid  }
0x8b: {  	s0 =	sand.u32 $0x1, s1  }
0x8c: {  	s15 =	sshll.u32 s0, $0xA;
	s2 =	sadd.s32 s3, s2  }
0x8d: {  	s2 =	sadd.s32 s2, s15  }
0x8e: {  	[smem:$0x3FA8] =	sst s2  }
0x8f: {  	_ = 	snop  }
0x90: {  	s2 =	sld [smem:$0x3FD0];
	_ =	sdelay $0x2  }
0x91: {  	s16 =	simm.s32 $0xB;
	s4 =	simm.s32 $0x10  }
0x92: {  	[smem:s4], [sflag:s16] =	dma.local [hbm:s2], $0x1  }
0x93: {  	_ =	swait.eq [sflag:s16], $0x1  }
0x94: {  	[sflag:s16] =	ssyncset.done $0x0  }
0x95: {  	[sflag:s16] =	ssyncadd.s32 $0xFFFFFFFF  }
0x96: {  	s17 =	sld [smem:$0x11];
	(tm) =	ssettm $0x1  }
0x97: {  	s18 =	sld [smem:$0x3FFB];
	_ =	sdelay $0x3  }
0x98: {  	_ =	strace s18  }
0x99: {  	s2 =	sld [smem:$0x3FFC];
	_ =	sdelay $0x3  }
0x9a: {  	_ =	strace s2  }
0x9b: {  	s2 =	sld [smem:$0x3FFD];
	_ =	sdelay $0x3  }
0x9c: {  	_ =	strace s2  }
0x9d: {  	_ =	strace $0x8FFFFFFF  }
0x9e: {  	s19 =	sld [smem:$0x3FDB];
	_ =	sdelay $0x1  }
0x9f: {  	s20 =	simm.s32 $_scs_section_size  }
0xa0: {  	s5 =	simm.s32 $_size__tile_overlayer_lowered;
	s6 =	simm.s32 $_tile_overlayer_lowered  }
0xa1: {  	s7 =	simm.s32 $0x1BFF;
	s21 =	sshll.u32 s6, $0x1;
	s4 =	sadd.s32 s20, s19  }
0xa2: {  	s22 =	simm.s32 $0x0;
	s5 =	sshll.u32 s5, $0x1;
	s6 =	sadd.s32 s21, s4  }
0xa3: {  	[timem:s22], [sflag:s7] =	dma.local [hbm:s6], s5  }
0xa4: {  	_ =	swait.ge [sflag:s7], s5  }
0xa5: {  	s5 =	ssub.s32 $0x0, s5;
	[sflag:s7] =	ssyncset.done $0x0  }
0xa6: {  	[sflag:s7] =	ssyncadd.s32 s5;
	_ =	sdelay $0x1  }
0xa7: {  	s23 =	simm.s32 $0x1B8B  }
0xa8: {  	_ =	swait.ge [sflag:s23], $0x1  }
0xa9: {  	[sflag:s23] =	ssyncset.done $0x0  }
0xaa: {  	[sflag:s23] =	ssyncadd.s32 $0xFFFFFFFF  }
0xab: {  	s5 =	sld [smem:$0x0]  }
0xac: {  	s6 =	sand.u32 $0xFFFFFFFE, s1  }
0xad: {  	p0 =	sne.s32 s1, s6  }
0xae: {  	s6 =	sshll.u32 @p0 s6, $0xE  }
0xaf: {  	s6 =	sadd.s32 @p0 $0x11B8D, s6;
	s7 =	sshll.u32 @p0 s5, $0x11  }
0xb0: {  	s6 =	sor.u32 @p0 s7, s6  }
0xb1: {  	[sflag:s6] =	ssyncadd.remote.s32 @p0 $0x1;
	_ =	sdelay $0x1  }
0xb2: {  	s6 =	simm.s32 @p0 $0x1B8D  }
0xb3: {  	_ =	swait.eq @p0 [sflag:s6], $0x1  }
0xb4: {  	[sflag:s6] =	ssyncadd.s32 @p0 $0xFFFFFFFF  }
0xb5: {  	s7 =	sshll.u32 @!p0 s1, $0xE  }
0xb6: {  	s7 =	sor.u32 @!p0 $0x4000, s7;
	s6 =	simm.s32 @!p0 $0x1B8D  }
0xb7: {  	s5 =	sshll.u32 @!p0 s5, $0x11;
	s7 =	sadd.s32 @!p0 $0x11B8D, s7;
	_ =	swait.eq @!p0 [sflag:s6], $0x1  }
0xb8: {  	s5 =	sor.u32 @!p0 s5, s7;
	[sflag:s6] =	ssyncadd.s32 @!p0 $0xFFFFFFFF  }
0xb9: {  	s25 =	simm.s32 $0x1B8E;
	s24 =	sld [smem:$0x3FFE];
	[sflag:s5] =	ssyncadd.remote.s32 @!p0 $0x1  }
0xba: {  	s26 =	simm.s32 $execute0_lowered;
	[smem:$0x3FD2] =	sst s25  }
0xbb: {  	s6 =	sshll.u32 s26, $0x1;
	_ =	strace $0x80000052;
	[dreg:$0x1] =	wrdreg $0xFFFFFFFF  }
0xbc: {  	s28 =	simm.s32 $_size_execute0_lowered;
	s4 =	sadd.s32 s4, s6;
	[dreg:$0x0] =	wrdreg $0x0  }
0xbd: {  	s6 =	sshll.u32 s28, $0x1;
	[dreg:$0x2] =	wrdreg s4  }
0xbe: {  	[dreg:$0x3] =	wrdreg s6  }
0xbf: {  	[dreg:$0x4] =	wrdreg $0xC0  }
0xc0: {  	_ =	task [dreg:s22], $0x5FFFF  }
0xc1: {  	[dreg:$0x1] =	wrdreg $0xFFFFFFFF  }
0xc2: {  	[dreg:$0x0] =	wrdreg $0x60  }
0xc3: {  	[dreg:$0x2] =	wrdreg s17  }
0xc4: {  	[dreg:$0x3] =	wrdreg s24  }
0xc5: {  	[dreg:$0x4] =	wrdreg $0xC0000  }
0xc6: {  	[dreg:$0x5] =	wrdreg $0xA  }
0xc7: {  	_ =	task.clear_ibuf [dreg:s22], $0x6FFFF;
	_ =	strace $0x90000052  }
0xc8: {  	s29 =	simm.s32 $0xA;
	_ =	strace $0x80000054  }
0xc9: {  	_ =	swait.ge [sflag:s29], $0x1  }
0xca: {  	[sflag:s29] =	ssyncadd.s32 $0xFFFFFFFF  }
0xcb: {  	_ =	strace $0x90000054  }
0xcc: {  	_ =	sfence  }
0xcd: {  	s30 =	sld [smem:$0x0];
	_ =	sdelay $0x2  }
0xce: {  	s31 =	sshll.u32 s1, $0xD;
	s1 =	sshrl.u32 s1, $0x2  }
0xcf: {  	s4 =	sand.u32 $0x4000, s31;
	s1 =	sadd.s32 s1, s30  }
0xd0: {  	s0 =	sor.u32 s4, s0;
	s1 =	sshll.u32 s1, $0x11  }
0xd1: {  	s0 =	sor.u32 s1, s0  }
0xd2: {  	s0 =	sadd.s32 $0x8F2B, s0  }
0xd3: {  	[sflag:s0] =	ssyncadd.remote.s32 $0x1  }
0xd4: {  	_ =	sfence.sel $0xFFFF  }
0xd5: {  	[dreg:$0x0] =	wrdreg $0xFFFFFFFF;
	(pc) =	sbr.abs _section_cstart, $3  }
0xd6: {  	[dreg:$0x1] =	wrdreg $0xFFFFFFFF  }
0xd7: {  	_ =	task.clear_ibuf [dreg:s22], $0x2FFFF;
	_ =	strace $0x9FFFFFFF  }
0xd8: {  	(tm) =	ssettm $0x7FFFFFFF  }
0xd9: {  	_ =	shalt  }
tec
execute0_lowered:
.L_overlay_start_1:
0x0: {  	(tag) =	ssettag $0x1  }
0x1: {  	s1 =	rddreg [dreg:$0x0]  }
0x2: {  	s0 =	rddreg [dreg:$0x1]  }
0x3: {  	s2 =	rddreg [dreg:$0x2];
	s3 =	simm.s32 $0x0;
	s4 =	srdreg.scid  }
0x4: {  	s11 =	stileid.u32;
	s18 =	simm.s32 $0x5;
	s19 =	simm.s32 $0x80  }
0x5: {  	s20 =	simm.s32 $0x4000;
	s28 =	simm.s32 $0x3;
	s29 =	simm.s32 $0x4  }
0x6: {  	s30 =	simm.s32 $0x7;
	s31 =	simm.s32 $0x0;
	[smem:$0x7FF] =	sst s3  }
0x7: {  	s4 =	sand.u32 $0x1, s4;
	s5 =	sadd.s32 $0xCF800, s0;
	s9 =	smul.u32 $0x4F000, s11  }
0x8: {  	s6 =	sadd.s32 $0x8C00, s0;
	s8 =	sadd.s32 $0x1CC00, s0;
	s13 =	smul.u32 $0x4E000, s11  }
0x9: {  	s0 =	sadd.s32 $0x131A00, s0;
	s23 =	sshll.u32 s11, $0x6;
	s14 =	smul.u32 $0x2700, s11  }
0xa: {  	p0 =	sne.s32 s11, $0xF;
	_ =	strace $0x80000053;
	s7 =	sshll.u32 s4, $0x4  }
0xb: {  	[dreg:$0x4] =	wrdreg s8;
	s10 =	ssub.s32 $0x2, s4;
	s22 =	smul.u32 $0x27100, s4  }
0xc: {  	[dreg:$0x5] =	wrdreg s23;
	s4 =	smul.u32 $0x138800, s4;
	s7 =	sor.u32 s11, s7  }
0xd: {  	s21 =	sshrl.u32 s10, $0x1;
	s9 =	sshrl.u32 s9, $0x2;
	s13 =	sshrl.u32 s13, $0x2  }
0xe: {  	s8 =	smul.u32 $0x5000, s7;
	s7 =	ssub.s32 s10, s21;
	s16 =	sadd.s32 s9, s2  }
0xf: {  	s9 =	sor.u32 $0x1C06, s23;
	s17 =	sadd.s32 s13, s2;
	s10 =	sadd.s32 s14, s22  }
0x10: {  	s4 =	sshrl.u32 s4, $0x3;
	s21 =	simm.s32 $0x8000;
	s22 =	simm.s32 $0x6  }
0x11: {  	s23 =	simm.s32 $0x1;
	[dreg:$0x6] =	wrdreg s9;
	s26 =	sadd.s32 s0, s10  }
.Ltmp0:
0x12: {  	s10 =	sadd.s32 $0x138000, s2;
	s0 =	sadd.s32 s0, s4;
	(pc) =	sbr.rel .LBB2_1-.Ltmp0, $4  }
0x13: {  	s15 =	smax.u32 s7, $0x1;
	s16 =	sshrl.u32 s16, $0x3;
	s12 =	sshrl.u32 s8, $0x3  }
0x14: {  	[dreg:$0x9] =	wrdreg s26;
	s14 =	sadd.s32 $0x27000, s0;
	s24 =	sadd.s32 s5, s12  }
0x15: {  	s26 =	simm.s32 $0x2;
	s25 =	sadd.s32 s6, s12;
	[dreg:$0x7] =	wrdreg s24  }
0x16: {  	[dreg:$0x8] =	wrdreg s25;
	s24 =	sshrl.u32 s17, $0x3;
	s25 =	sshrl.u32 @!p0 s10, $0x3  }
.LBB2_7:
0x17: {  	_ =	swait.ge [sflag:s29], $0x4000  }
0x18: {  	[sflag:s29] =	ssyncset.done $0x0  }
0x19: {  	[sflag:s29] =	ssyncadd.s32 $0xFFFFC000  }
0x1a: {  	[bflag:$0x0] =	sbarrier.arrive $0xFFFF  }
0x1b: {  	s0 =	rddreg [dreg:$0x5]  }
0x1c: {  	s4 =	rddreg [dreg:$0x9];
	s0 =	sor.u32 $0x1C07, s0  }
0x1d: {  	[hbm:s4], [sflag:s0] =	dma.local [spmem:s24], $0x2700  }
0x1e: {  	_ =	swait.ge [sflag:s30], $0x2700  }
0x1f: {  	s31 =	sadd.s32 $0x1, s31;
	[sflag:s30] =	ssyncset.done $0x0  }
0x20: {  	p1 =	sne.s32 s31, s15;
	[sflag:s30] =	ssyncadd.s32 $0xFFFFD900  }
0x21: {  	[hbm:s14], [sflag:s0] =	dma.local @!p0 [spmem:s25], $0x100  }
.Ltmp1:
0x22: {  	_ = 	snop;
	(pc) =	sbr.rel @!p1 .LBB2_8-.Ltmp1, $4  }
0x23: {  	s0 =	simm.s32 @!p0 $0x7  }
0x24: {  	_ =	swait.ge @!p0 [sflag:s0], $0x100  }
0x25: {  	[sflag:s0] =	ssyncset.done @!p0 $0x0  }
0x26: {  	[sflag:s0] =	ssyncadd.s32 @!p0 $0xFFFFFF00  }
.LBB2_1:
0x27: {  	s0 =	rddreg [dreg:$0x4]  }
0x28: {  	s4 =	rddreg [dreg:$0x6]  }
0x29: {  	[spmem:s16], [sflag:s4] =	dma.local [hbm:s0], $0x2780  }
0x2a: {  	s0 =	rddreg [dreg:$0x7]  }
0x2b: {  	[tilespmem:s3], [sflag:$0x5] =	stream.linear.gather [hbm4b:s0+s3], $0x1000, $0x38;
	[tilespmem:$0x1FC00] =	vst v63  }
0x2c: {  	s17 =	simm.s32 $0x2000;
	s13 =	rddreg [dreg:$0x8]  }
0x2d: {  	[tilespmem:s17], [sflag:$0x5] =	stream.linear.gather [hbm4b:s13+s3], $0x1000, $0x38;
	[tilespmem:$0x1FC00] =	vst v63  }
0x2e: {  	_ =	swait.ge [sflag:s18], $0x1000  }
0x2f: {  	[sflag:s18] =	ssyncset.done $0x0  }
0x30: {  	[sflag:s18] =	ssyncadd.s32 $0xFFFFF000  }
0x31: {  	_ =	swait.ge [sflag:s18], $0x1000  }
0x32: {  	[sflag:s18] =	ssyncset.done $0x0  }
0x33: {  	[sflag:s18] =	ssyncadd.s32 $0xFFFFF000  }
0x34: {  	[tilespmem:s20], [sflag:$0x1] =	stream.indirect.gather [hbm4b:s1+s19], $0x80, s3, s19, $0xb8;
	[tilespmem:$0x1FC00] =	vst v63  }
0x35: {  	_ = 	snop  }
0x36: {  	[tilespmem:s21], [sflag:$0x2] =	stream.indirect.gather [hbm4b:s1+s19], $0x80, s19, s19, $0xb8;
	[tilespmem:$0x1FC00] =	vst v63  }
0x37: {  	_ =	swait.ge [sflag:s22], $0x2780  }
0x38: {  	[sflag:s22] =	ssyncset.done $0x0  }
0x39: {  	s4 =	simm.s32 $0x0;
	[sflag:s22] =	ssyncadd.s32 $0xFFFFD880  }
0x3a: {  	s0 =	simm.s32 $0x180;
	s17 =	simm.s32 $0x0;
	[bflag:$0x0] =	sbarrier.arrive $0xFFFF  }
.LBB2_2:
0x3b: {  	s7 =	sand.u32 $0x1E, s4;
	p1 =	seq.s32 s4, $0x0  }
0x3c: {  	p2 =	sne.s32 @!p1 s7, $0x0  }
0x3d: {  	p1 =	por p1, p2  }
.Ltmp2:
0x3e: {  	_ = 	snop;
	(pc) =	sbr.rel @p1 .LBB2_4-.Ltmp2, $1  }
0x3f: {  	_ =	sdelay $0x3  }
0x40: {  	_ =	swait.ge [sflag:s18], $0x1000  }
.Ltmp3:
0x41: {  	[sflag:s18] =	ssyncset.done $0x0;
	(pc) =	sbr.rel .LBB2_5-.Ltmp3, $4  }
0x42: {  	[sflag:s18] =	ssyncadd.s32 $0xFFFFF000  }
0x43: {  	_ =	swait.ge [sflag:s18], $0x1000  }
0x44: {  	[sflag:s18] =	ssyncset.done $0x0  }
0x45: {  	s10 =	sshrl.u32 s17, $0x4;
	[sflag:s18] =	ssyncadd.s32 $0xFFFFF000  }
.LBB2_4:
0x46: {  	p1 =	sgt.u32 s17, $0x3F  }
0x47: {  	p2 =	sne.s32 @!p1 s7, $0x6  }
0x48: {  	s10 =	sshrl.u32 s17, $0x4;
	p1 =	por p2, p1  }
0x49: {  	s9 =	sshll.u32 @!p1 s10, $0xC  }
0x4a: {  	s9 =	sadd.s32 @!p1 $0x1000, s9  }
0x4b: {  	s11 =	sadd.s32 @!p1 s8, s9  }
0x4c: {  	s11 =	sshrl.u32 @!p1 s11, $0x3  }
0x4d: {  	s13 =	simm.s32 @!p1 $0x0;
	s9 =	sand.u32 @!p1 $0x1000, s9;
	s12 =	sadd.s32 @!p1 s5, s11  }
0x4e: {  	[tilespmem:s9], [sflag:$0x5] =	stream.linear.gather @!p1 [hbm4b:s12+s13], $0x1000, $0x38;
	[tilespmem:$0x1FC00] =	vst v63  }
0x4f: {  	s11 =	sadd.s32 @!p1 s6, s11;
	s9 =	sor.u32 @!p1 $0x2000, s9  }
0x50: {  	[tilespmem:s9], [sflag:$0x5] =	stream.linear.gather @!p1 [hbm4b:s11+s13], $0x1000, $0x38;
	[tilespmem:$0x1FC00] =	vst v63  }
.LBB2_5:
0x51: {  	s9 =	sshll.u32 s10, $0xC  }
0x52: {  	_ =	swait.ge [sflag:s23], $0x4000;
	s7 =	sshll.u32 s7, $0x7;
	s9 =	sand.u32 $0x1000, s9  }
0x53: {  	[sflag:s23] =	ssyncset.done $0x0;
	s7 =	sor.u32 s7, s9  }
0x54: {  	[sflag:s23] =	ssyncadd.s32 $0xFFFFC000;
	s7 =	sor.u32 $0x2000, s7  }
0x55: {  	[spmem:s2] =	stream.indirect.scatter.add.f32 [tilespmem:s20], [sflag:$0x3], $0x80, s7, s19, $0xb8;
	[tilespmem:$0x1FC00] =	vst v63  }
0x56: {  	s13 =	sadd.s32 $0xFFFFFE80, s0;
	_ =	swait.ge [sflag:s26], $0x4000  }
0x57: {  	p1 =	seq.s32 s17, $0x4F;
	s7 =	sand.u32 $0x1F00, s13;
	[sflag:s26] =	ssyncset.done $0x0  }
.Ltmp4:
0x58: {  	s7 =	sor.u32 $0x2080, s7;
	[sflag:s26] =	ssyncadd.s32 $0xFFFFC000;
	(pc) =	sbr.rel @p1 .LBB2_7-.Ltmp4, $4  }
0x59: {  	[spmem:s2] =	stream.indirect.scatter.add.f32 [tilespmem:s21], [sflag:$0x4], $0x80, s7, s19, $0xb8;
	[tilespmem:$0x1FC00] =	vst v63  }
0x5a: {  	_ =	swait.ge [sflag:s28], $0x4000  }
0x5b: {  	[sflag:s28] =	ssyncset.done $0x0  }
0x5c: {  	[sflag:s28] =	ssyncadd.s32 $0xFFFFC000  }
0x5d: {  	s7 =	sadd.s32 $0xFFFFFF80, s0  }
0x5e: {  	s7 =	sand.u32 $0x1F00, s7  }
0x5f: {  	[tilespmem:s20], [sflag:$0x1] =	stream.indirect.gather [hbm4b:s1+s19], $0x80, s7, s19, $0xb8;
	[tilespmem:$0x1FC00] =	vst v63  }
.Ltmp5:
0x60: {  	_ = 	snop;
	(pc) =	sbr.rel .LBB2_2-.Ltmp5, $4  }
0x61: {  	_ =	swait.ge [sflag:s29], $0x4000  }
0x62: {  	s13 =	sand.u32 $0x1F80, s0;
	s17 =	sadd.s32 $0x1, s17;
	[sflag:s29] =	ssyncset.done $0x0  }
0x63: {  	s4 =	sadd.s32 $0x2, s4;
	s0 =	sadd.s32 $0x100, s0;
	[sflag:s29] =	ssyncadd.s32 $0xFFFFC000  }
0x64: {  	[tilespmem:s21], [sflag:$0x2] =	stream.indirect.gather [hbm4b:s1+s19], $0x80, s13, s19, $0xb8;
	[tilespmem:$0x1FC00] =	vst v63  }
.LBB2_8:
0x65: {  	_ =	sfence.sel $0x180000  }
0x66: {  	[bflag:$0x0] =	sbarrier.arrive $0xFFFF  }
0x67: {  	_ =	strace $0x90000053  }
0x68: {  	s0 =	stileid.u32;
	[bflag:$0x2] =	sbarrier.arrive $0xFFFF  }
0x69: {  	p0 =	sne.s32 s0, $0x0;
	s0 =	rddreg [dreg:$0x3]  }
0x6a: {  	s0 =	sadd.s32 @!p0 $0x100000, s0  }
0x6b: {  	[sflag:s0] =	ssyncadd.tile.s32 @!p0 $0x1;
	_ =	shalt  }
.Lfunc_end2:
_tile_overlayer_lowered:
.L_overlay_start_2:
0x6c: {  	(tag) =	ssettag $0x2  }
0x6d: {  	s0 =	rddreg [dreg:$0x0];
	s2 =	stileid.u32  }
0x6e: {  	s1 =	rddreg [dreg:$0x1];
	p0 =	sne.s32 s2, $0x0  }
0x6f: {  	s3 =	rddreg [dreg:$0x2];
	[bflag:$0x3] =	sbarrier.arrive $0xFFFF;
	s2 =	simm.s32 @!p0 $0x1C07  }
0x70: {  	[timem:s3], [sflag:s2] =	dma.local @!p0 [hbm:s0], s1  }
0x71: {  	s0 =	simm.s32 @!p0 $0x7  }
0x72: {  	_ =	swait.ge @!p0 [sflag:s0], s1  }
0x73: {  	s1 =	ssub.s32 @!p0 $0x0, s1;
	[sflag:s0] =	ssyncset.done @!p0 $0x0  }
0x74: {  	[sflag:s0] =	ssyncadd.s32 @!p0 s1  }
0x75: {  	[bflag:$0x3] =	sbarrier.arrive $0xFFFF  }
0x76: {  	_ =	shalt  }

</sc_bundles>
